<compile_context>
chip_gen: v7x
topology: tpu7x:2x2x1
jax: 0.10.2.dev20260603
libtpu: 0.0.44.dev20260713+nightly
codegen_flags: <defaults>
</compile_context>

<pallas_src>
import jax
import jax.numpy as jnp
from jax import lax
from jax.experimental import pallas as pl
from jax.experimental.pallas import tpu as pltpu

_B = 8; _C = 512; _L = 4; _E = 8; _K = 2; _H = 2048; _NH = 8
_P = 16; _NCLS = 100; _GRID = 13; _NTOK = _GRID * _GRID + 1
_T = _B * _NTOK
_A = _T * _K
_DH = _C // _NH
_BLK = 512
_G = _A // _BLK + _E
_PAD = _G * _BLK
_BLKLOG = 9
_EPS = 1e-6


def _rms(x, w):
    return x * lax.rsqrt(jnp.mean(x * x, axis=-1, keepdims=True) + _EPS) * w


def _gelu(x):
    return 0.5 * x * (1.0 + lax.erf(x * 0.7071067811865476))


def _bf(a):
    return a.astype(jnp.bfloat16)


def _dotb(a, b):
    return jnp.dot(_bf(a), _bf(b), preferred_element_type=jnp.float32)


def _embed_body(xp_ref, w_ref, b_ref, nw_ref, pos_ref, out_ref):
    y = _dotb(xp_ref[...], w_ref[...]) + b_ref[...]
    out_ref[...] = _rms(y, nw_ref[...]) + pos_ref[...]


def _attn_body(y_ref, n1_ref, qkvw_ref, qkvb_ref, pw_ref, pb_ref,
               n2_ref, gw_ref, gb_ref,
               ymid_ref, h2_ref, wts_ref, idx_ref, dest_ref, meta_ref):
    y = y_ref[...]
    h = _rms(y, n1_ref[...])
    qkv = _dotb(h, qkvw_ref[...]) + qkvb_ref[...]
    scale = _DH ** -0.5
    rows = []
    for b in range(_B):
        lo = b * _NTOK
        outs = []
        for hh in range(_NH):
            q = qkv[lo:lo + _NTOK, hh * _DH:(hh + 1) * _DH]
            k = qkv[lo:lo + _NTOK, _C + hh * _DH:_C + (hh + 1) * _DH]
            v = qkv[lo:lo + _NTOK, 2 * _C + hh * _DH:2 * _C + (hh + 1) * _DH]
            s = lax.dot_general(_bf(q), _bf(k), (((1,), (1,)), ((), ())),
                                preferred_element_type=jnp.float32) * scale
            s = s - jnp.max(s, axis=-1, keepdims=True)
            e = jnp.exp(s)
            p = e / jnp.sum(e, axis=-1, keepdims=True)
            outs.append(_dotb(p, v))
        rows.append(jnp.concatenate(outs, axis=-1))
    o = jnp.concatenate(rows, axis=0)
    ymid = y + _dotb(o, pw_ref[...]) + pb_ref[...]
    ymid_ref[...] = ymid
    h2 = _rms(ymid, n2_ref[...])
    h2_ref[...] = h2
    logits = _dotb(h2, gw_ref[...]) + gb_ref[...]
    eidx = lax.broadcasted_iota(jnp.int32, logits.shape, 1)
    m1 = jnp.max(logits, axis=-1, keepdims=True)
    i1 = jnp.min(jnp.where(logits == m1, eidx, _E), axis=-1, keepdims=True)
    masked = jnp.where(eidx == i1, jnp.float32(-1e30), logits)
    m2 = jnp.max(masked, axis=-1, keepdims=True)
    i2 = jnp.min(jnp.where(masked == m2, eidx, _E), axis=-1, keepdims=True)
    wa = 1.0 / (1.0 + jnp.exp(m2 - m1))
    wts_ref[...] = jnp.concatenate([wa, 1.0 - wa], axis=-1)
    idx_ref[...] = jnp.concatenate([i1, i2], axis=-1)
    o0 = (eidx == i1).astype(jnp.float32)
    o1 = (eidx == i2).astype(jnp.float32)
    tri = (lax.broadcasted_iota(jnp.int32, (_T, _T), 0)
           > lax.broadcasted_iota(jnp.int32, (_T, _T), 1)).astype(jnp.float32)
    cum01 = _dotb(tri, o0 + o1)
    r0 = jnp.sum(cum01 * o0, axis=1, keepdims=True)
    r1 = jnp.sum(cum01 * o1, axis=1, keepdims=True)
    counts = jnp.sum(o0 + o1, axis=0, keepdims=True)
    bpe = (counts.astype(jnp.int32) + (_BLK - 1)) >> _BLKLOG
    triu = (lax.broadcasted_iota(jnp.int32, (_E, _E), 0)
            <= lax.broadcasted_iota(jnp.int32, (_E, _E), 1)).astype(jnp.float32)
    cumb = _dotb(bpe.astype(jnp.float32), triu)
    padded_off = (cumb - bpe.astype(jnp.float32)) * _BLK
    d0 = r0 + jnp.sum(padded_off * o0, axis=1, keepdims=True)
    d1 = r1 + jnp.sum(padded_off * o1, axis=1, keepdims=True)
    dest_ref[...] = jnp.concatenate([d0, d1], axis=-1).astype(jnp.int32)
    gvec = lax.broadcasted_iota(jnp.int32, (1, _G), 1)
    cumbi = cumb.astype(jnp.int32)
    acc = jnp.zeros((1, _G), jnp.int32)
    for e in range(_E):
        acc = acc + (gvec >= cumbi[:, e:e + 1]).astype(jnp.int32)
    expert_of_g = jnp.minimum(acc, _E - 1)
    valid_g = (gvec < cumbi[:, _E - 1:_E]).astype(jnp.int32)
    meta_ref[...] = jnp.concatenate([expert_of_g, valid_g], axis=0)


def _moe_body(meta_ref, x_ref, w1_ref, b1_ref, w2_ref, b2_ref, o_ref):
    g = pl.program_id(0)

    @pl.when(meta_ref[1, g] == 1)
    def _():
        hmid = _gelu(_dotb(x_ref[...], w1_ref[0]) + b1_ref[0])
        o_ref[...] = _dotb(hmid, w2_ref[0]) + b2_ref[0]


def _head_body(yc_ref, nw_ref, hw_ref, hb_ref, o_ref):
    yn = _rms(yc_ref[...], nw_ref[...])
    o_ref[...] = _dotb(yn, hw_ref[...]) + hb_ref[...]


def kernel(x, conv_w, conv_b, patch_norm_w, cls_token, pos_embed, norm1_w,
           qkv_w, qkv_b, proj_w, proj_b, norm2_w, gate_w, gate_b,
           w1, b1, w2, b2, final_norm_w, head_w, head_b):
    f32 = jnp.float32
    xp = jnp.pad(x, ((0, 0), (0, 0), (7, 7), (7, 7)))
    r = (16 * jnp.arange(_GRID))[:, None] + 2 * jnp.arange(_P)[None, :]
    rf = r.reshape(-1)
    g1 = xp[:, :, rf, :][:, :, :, rf]
    g1 = g1.reshape(_B, 3, _GRID, _P, _GRID, _P).transpose(0, 2, 4, 1, 3, 5)
    patches = g1.reshape(_B * _GRID * _GRID, 3 * _P * _P)
    wmat = conv_w.reshape(_C, 3 * _P * _P).T
    pos_p = jnp.tile(pos_embed[0, 1:, :], (_B, 1))

    npatch = _B * _GRID * _GRID
    y_p = pl.pallas_call(
        _embed_body,
        out_shape=jax.ShapeDtypeStruct((npatch, _C), f32),
    )(patches, wmat, conv_b[None, :], patch_norm_w[None, :], pos_p)
    y0_cls = cls_token + pos_embed[:, 0:1]
    y = jnp.concatenate([jnp.broadcast_to(y0_cls, (_B, 1, _C)),
                         y_p.reshape(_B, _GRID * _GRID, _C)], axis=1)
    y = y.reshape(_T, _C)

    attn_call = pl.pallas_call(
        _attn_body,
        out_shape=[
            jax.ShapeDtypeStruct((_T, _C), f32),
            jax.ShapeDtypeStruct((_T, _C), f32),
            jax.ShapeDtypeStruct((_T, _K), f32),
            jax.ShapeDtypeStruct((_T, _K), jnp.int32),
            jax.ShapeDtypeStruct((_T, _K), jnp.int32),
            jax.ShapeDtypeStruct((2, _G), jnp.int32),
        ],
    )

    moe_call = pl.pallas_call(
        _moe_body,
        grid_spec=pltpu.PrefetchScalarGridSpec(
            num_scalar_prefetch=1,
            grid=(_G,),
            in_specs=[
                pl.BlockSpec((_BLK, _C), lambda g, m: (g, 0)),
                pl.BlockSpec((1, _C, _H), lambda g, m: (m[0, g], 0, 0)),
                pl.BlockSpec((1, 1, _H), lambda g, m: (m[0, g], 0, 0)),
                pl.BlockSpec((1, _H, _C), lambda g, m: (m[0, g], 0, 0)),
                pl.BlockSpec((1, 1, _C), lambda g, m: (m[0, g], 0, 0)),
            ],
            out_specs=pl.BlockSpec((_BLK, _C), lambda g, m: (g, 0)),
        ),
        out_shape=jax.ShapeDtypeStruct((_PAD, _C), f32),
    )

    arangeA = jnp.arange(_A, dtype=jnp.int32)
    for l in range(_L):
        ymid, h2, wts, idx, dest2, meta = attn_call(
            y, norm1_w[l][None], qkv_w[l], qkv_b[l][None],
            proj_w[l], proj_b[l][None], norm2_w[l][None],
            gate_w[l], gate_b[l][None])
        dest = dest2.reshape(_A)
        src = jnp.zeros((_PAD,), jnp.int32).at[dest].set(arangeA // _K)
        x_pad = h2[src]
        eo = moe_call(meta, x_pad, w1[l], b1[l][:, None, :], w2[l], b2[l][:, None, :])
        d2 = dest.reshape(_T, _K)
        g2 = wts.reshape(_T, _K)
        y = ymid + g2[:, 0:1] * eo[d2[:, 0]] + g2[:, 1:2] * eo[d2[:, 1]]

    out = pl.pallas_call(
        _head_body,
        out_shape=jax.ShapeDtypeStruct((_B, _NCLS), f32),
    )(y.reshape(_B, _NTOK, _C)[:, 0, :], final_norm_w[None, :], head_w, head_b[None, :])
    return out

# --- scband reference (transcript-rebuilt; emitter-appended) ---
"""Pipeline reference for scband-vision-transformer-37641093382346 (READ-ONLY COPY).

The authoritative reference and input builder live on the scoring server;
editing this copy changes nothing except your own understanding.
"""

import jax, jax.numpy as jnp
import numpy as np

B = 8; C = 512; L = 4; E = 8; K = 2; H = 2048; NH = 8
IMG = 224; P = 16; NCLS = 100; GRID = 13; NTOK = GRID * GRID + 1


def setup_inputs(seed: int = 0) -> dict:
    key = jax.random.key(seed)
    ks = jax.random.split(key, 16)
    def n(k, shape, s=0.02):
        return jax.random.normal(k, shape, dtype=jnp.float32) * s
    inp = {}
    inp['x'] = jax.random.normal(ks[0], (B, 3, IMG, IMG), dtype=jnp.float32)
    inp['conv_w'] = n(ks[1], (C, 3, P, P))
    inp['conv_b'] = jnp.zeros((C,), jnp.float32)
    inp['patch_norm_w'] = jnp.ones((C,), jnp.float32)
    inp['cls_token'] = n(ks[2], (1, 1, C))
    inp['pos_embed'] = n(ks[3], (1, NTOK, C))
    inp['norm1_w'] = jnp.ones((L, C), jnp.float32)
    inp['qkv_w'] = n(ks[4], (L, C, 3 * C))
    inp['qkv_b'] = jnp.zeros((L, 3 * C), jnp.float32)
    inp['proj_w'] = n(ks[5], (L, C, C))
    inp['proj_b'] = jnp.zeros((L, C), jnp.float32)
    inp['norm2_w'] = jnp.ones((L, C), jnp.float32)
    inp['gate_w'] = n(ks[6], (L, C, E), 0.01)
    inp['gate_b'] = jnp.zeros((L, E), jnp.float32)
    inp['w1'] = n(ks[7], (L, E, C, H))
    inp['b1'] = jnp.zeros((L, E, H), jnp.float32)
    inp['w2'] = n(ks[8], (L, E, H, C))
    inp['b2'] = jnp.zeros((L, E, C), jnp.float32)
    inp['final_norm_w'] = jnp.ones((C,), jnp.float32)
    inp['head_w'] = n(ks[9], (C, NCLS))
    inp['head_b'] = jnp.zeros((NCLS,), jnp.float32)
    return inp


def _rms(x, w, eps=1e-6):
    return x * jax.lax.rsqrt(jnp.mean(x * x, axis=-1, keepdims=True) + eps) * w


def reference(x, conv_w, conv_b, patch_norm_w, cls_token, pos_embed, norm1_w,
              qkv_w, qkv_b, proj_w, proj_b, norm2_w, gate_w, gate_b,
              w1, b1, w2, b2, final_norm_w, head_w, head_b):
    # dilated patch embedding: kernel 16, stride 16, dilation 2, padding 7
    y = jax.lax.conv_general_dilated(
        x, conv_w, window_strides=(P, P), padding=((7, 7), (7, 7)),
        rhs_dilation=(2, 2), dimension_numbers=('NCHW', 'OIHW', 'NCHW'))
    y = y + conv_b[None, :, None, None]
    Bq, Cc, Gh, Gw = y.shape
    y = y.reshape(Bq, Cc, Gh * Gw).transpose(0, 2, 1)
    y = _rms(y, patch_norm_w)
    cls = jnp.broadcast_to(cls_token, (Bq, 1, Cc))
    y = jnp.concatenate([cls, y], axis=1) + pos_embed
    scale = (C // NH) ** (-0.5)
    for l in range(L):
        # attention block
        h = _rms(y, norm1_w[l])
        qkv = h @ qkv_w[l] + qkv_b[l]
        qkv = qkv.reshape(Bq, NTOK, 3, NH, C // NH).transpose(2, 0, 3, 1, 4)
        q, k, v = qkv[0], qkv[1], qkv[2]
        attn = jax.nn.softmax((q @ k.transpose(0, 1, 3, 2)) * scale, axis=-1)
        o = (attn @ v).transpose(0, 2, 1, 3).reshape(Bq, NTOK, C)
        y = y + (o @ proj_w[l] + proj_b[l])
        # MoE MLP block (top-2 routing; dense dispatch, faithful math)
        h2 = _rms(y, norm2_w[l]).reshape(Bq * NTOK, C)
        logits = h2 @ gate_w[l] + gate_b[l]
        tk_w, tk_i = jax.lax.top_k(logits, K)
        tk_w = jax.nn.softmax(tk_w, axis=-1)
        combine = jnp.sum(jax.nn.one_hot(tk_i, E, dtype=h2.dtype) * tk_w[..., None], axis=1)  # [T, E]
        hid = jax.nn.gelu(jnp.einsum('tc,ech->teh', h2, w1[l]) + b1[l], approximate=False)
        eo = jnp.einsum('teh,ehc->tec', hid, w2[l]) + b2[l]
        moe = jnp.einsum('te,tec->tc', combine, eo)
        y = y + moe.reshape(Bq, NTOK, C)
    y = _rms(y, final_norm_w)
    cls_out = y[:, 0]
    return cls_out @ head_w + head_b

if __name__ == "__main__":
    import jax
    _d = setup_inputs()
    print(jax.jit(kernel)(*tuple(_d.values())))

</pallas_src>

<mosaic_0001>
module attributes {stable_mosaic.version = 14 : i64} {
  func.func @_embed_body(%arg0: memref<1352x768xf32, #tpu.memory_space<vmem>>, %arg1: memref<768x512xf32, #tpu.memory_space<vmem>>, %arg2: memref<1x512xf32, #tpu.memory_space<vmem>>, %arg3: memref<1x512xf32, #tpu.memory_space<vmem>>, %arg4: memref<1352x512xf32, #tpu.memory_space<vmem>>, %arg5: memref<1352x512xf32, #tpu.memory_space<vmem>>) attributes {dimension_semantics = [], scalar_prefetch = 0 : i64, scratch_operands = 0 : i64, tpu.core_type = #tpu.core_type<tc>} {
    %get3A = arith.constant 0 : index
    %get3A_0 = arith.constant 0 : index
    %get3A_1 = vector.load %arg0[%get3A, %get3A_0] : memref<1352x768xf32, #tpu.memory_space<vmem>>, vector<1352x768xf32>
    %get3A_2 = arith.constant 0 : index
    %get3A_3 = arith.constant 0 : index
    %get3A_4 = vector.load %arg1[%get3A_2, %get3A_3] : memref<768x512xf32, #tpu.memory_space<vmem>>, vector<768x512xf32>
    %convert_element_type3A = arith.truncf %get3A_1 : vector<1352x768xf32> to vector<1352x768xbf16>
    %convert_element_type3A_5 = arith.truncf %get3A_4 : vector<768x512xf32> to vector<768x512xbf16>
    %dot_general3A = arith.constant dense<0.000000e+00> : vector<1352x512xf32>
    %dot_general3A_6 = tpu.matmul %convert_element_type3A, %convert_element_type3A_5, %dot_general3A {dimension_numbers = #tpu.dot_dimension_numbers<[1], [0], [0], [1], [0, 0, 1, 1], [], []>, transpose_lhs_hint = false} : vector<1352x768xbf16>, vector<768x512xbf16>, vector<1352x512xf32> -> vector<1352x512xf32>
    %get3A_7 = arith.constant 0 : index
    %get3A_8 = arith.constant 0 : index
    %get3A_9 = vector.load %arg2[%get3A_7, %get3A_8] : memref<1x512xf32, #tpu.memory_space<vmem>>, vector<1x512xf32>
    %add3A = vector.broadcast %get3A_9 : vector<1x512xf32> to vector<1352x512xf32>
    %add3A_10 = arith.addf %dot_general3A_6, %add3A : vector<1352x512xf32>
    %get3A_11 = arith.constant 0 : index
    %get3A_12 = arith.constant 0 : index
    %get3A_13 = vector.load %arg3[%get3A_11, %get3A_12] : memref<1x512xf32, #tpu.memory_space<vmem>>, vector<1x512xf32>
    %mul3A = arith.mulf %add3A_10, %add3A_10 : vector<1352x512xf32>
    %reduce_sum3A = arith.constant dense<0.000000e+00> : vector<1352xf32>
    %reduce_sum3A_14 = vector.multi_reduction <add>, %mul3A, %reduce_sum3A [1] : vector<1352x512xf32> to vector<1352xf32>
    %broadcast_in_dim3A = vector.shape_cast %reduce_sum3A_14 : vector<1352xf32> to vector<1352x1xf32>
    %div3A = arith.constant 5.120000e+02 : f32
    %div3A_15 = vector.broadcast %div3A : f32 to vector<1352x1xf32>
    %div3A_16 = arith.divf %broadcast_in_dim3A, %div3A_15 : vector<1352x1xf32>
    %add3A_17 = arith.constant 9.99999997E-7 : f32
    %add3A_18 = vector.broadcast %add3A_17 : f32 to vector<1352x1xf32>
    %add3A_19 = arith.addf %div3A_16, %add3A_18 : vector<1352x1xf32>
    %rsqrt3A = math.rsqrt %add3A_19 : vector<1352x1xf32>
    %mul3A_20 = vector.broadcast %rsqrt3A : vector<1352x1xf32> to vector<1352x512xf32>
    %mul3A_21 = arith.mulf %add3A_10, %mul3A_20 : vector<1352x512xf32>
    %mul3A_22 = vector.broadcast %get3A_13 : vector<1x512xf32> to vector<1352x512xf32>
    %mul3A_23 = arith.mulf %mul3A_21, %mul3A_22 : vector<1352x512xf32>
    %get3A_24 = arith.constant 0 : index
    %get3A_25 = arith.constant 0 : index
    %get3A_26 = vector.load %arg4[%get3A_24, %get3A_25] : memref<1352x512xf32, #tpu.memory_space<vmem>>, vector<1352x512xf32>
    %add3A_27 = arith.addf %mul3A_23, %get3A_26 : vector<1352x512xf32>
    %swap3A = arith.constant 0 : index
    %swap3A_28 = arith.constant 0 : index
    %swap3A_29 = vector.load %arg5[%swap3A, %swap3A_28] : memref<1352x512xf32, #tpu.memory_space<vmem>>, vector<1352x512xf32>
    tpu.vector_store %arg5[%swap3A, %swap3A_28], %add3A_27 {strides = array<i32>} : memref<1352x512xf32, #tpu.memory_space<vmem>>, vector<1352x512xf32>,
    return
  }
}

module attributes {stable_mosaic.version = 14 : i64} {
  func.func @_attn_body(%arg0: memref<1360x512xf32, #tpu.memory_space<vmem>>, %arg1: memref<1x512xf32, #tpu.memory_space<vmem>>, %arg2: memref<512x1536xf32, #tpu.memory_space<vmem>>, %arg3: memref<1x1536xf32, #tpu.memory_space<vmem>>, %arg4: memref<512x512xf32, #tpu.memory_space<vmem>>, %arg5: memref<1x512xf32, #tpu.memory_space<vmem>>, %arg6: memref<1x512xf32, #tpu.memory_space<vmem>>, %arg7: memref<512x8xf32, #tpu.memory_space<vmem>>, %arg8: memref<1x8xf32, #tpu.memory_space<vmem>>, %arg9: memref<1360x512xf32, #tpu.memory_space<vmem>>, %arg10: memref<1360x512xf32, #tpu.memory_space<vmem>>, %arg11: memref<1360x2xf32, #tpu.memory_space<vmem>>, %arg12: memref<1360x2xi32, #tpu.memory_space<vmem>>, %arg13: memref<1360x2xi32, #tpu.memory_space<vmem>>, %arg14: memref<2x13xi32, #tpu.memory_space<vmem>>) attributes {dimension_semantics = [], scalar_prefetch = 0 : i64, scratch_operands = 0 : i64, tpu.core_type = #tpu.core_type<tc>} {
    %get3A = arith.constant 0 : index
    %get3A_0 = arith.constant 0 : index
    %get3A_1 = vector.load %arg0[%get3A, %get3A_0] : memref<1360x512xf32, #tpu.memory_space<vmem>>, vector<1360x512xf32>
    %get3A_2 = arith.constant 0 : index
    %get3A_3 = arith.constant 0 : index
    %get3A_4 = vector.load %arg1[%get3A_2, %get3A_3] : memref<1x512xf32, #tpu.memory_space<vmem>>, vector<1x512xf32>
    %mul3A = arith.mulf %get3A_1, %get3A_1 : vector<1360x512xf32>
    %reduce_sum3A = arith.constant dense<0.000000e+00> : vector<1360xf32>
    %reduce_sum3A_5 = vector.multi_reduction <add>, %mul3A, %reduce_sum3A [1] : vector<1360x512xf32> to vector<1360xf32>
    %broadcast_in_dim3A = vector.shape_cast %reduce_sum3A_5 : vector<1360xf32> to vector<1360x1xf32>
    %div3A = arith.constant 5.120000e+02 : f32
    %div3A_6 = vector.broadcast %div3A : f32 to vector<1360x1xf32>
    %div3A_7 = arith.divf %broadcast_in_dim3A, %div3A_6 : vector<1360x1xf32>
    %add3A = arith.constant 9.99999997E-7 : f32
    %add3A_8 = vector.broadcast %add3A : f32 to vector<1360x1xf32>
    %add3A_9 = arith.addf %div3A_7, %add3A_8 : vector<1360x1xf32>
    %rsqrt3A = math.rsqrt %add3A_9 : vector<1360x1xf32>
    %mul3A_10 = vector.broadcast %rsqrt3A : vector<1360x1xf32> to vector<1360x512xf32>
    %mul3A_11 = arith.mulf %get3A_1, %mul3A_10 : vector<1360x512xf32>
    %mul3A_12 = vector.broadcast %get3A_4 : vector<1x512xf32> to vector<1360x512xf32>
    %mul3A_13 = arith.mulf %mul3A_11, %mul3A_12 : vector<1360x512xf32>
    %get3A_14 = arith.constant 0 : index
    %get3A_15 = arith.constant 0 : index
    %get3A_16 = vector.load %arg2[%get3A_14, %get3A_15] : memref<512x1536xf32, #tpu.memory_space<vmem>>, vector<512x1536xf32>
    %convert_element_type3A = arith.truncf %mul3A_13 : vector<1360x512xf32> to vector<1360x512xbf16>
    %convert_element_type3A_17 = arith.truncf %get3A_16 : vector<512x1536xf32> to vector<512x1536xbf16>
    %dot_general3A = arith.constant dense<0.000000e+00> : vector<1360x1536xf32>
    %dot_general3A_18 = tpu.matmul %convert_element_type3A, %convert_element_type3A_17, %dot_general3A {dimension_numbers = #tpu.dot_dimension_numbers<[1], [0], [0], [1], [0, 0, 1, 1], [], []>, transpose_lhs_hint = false} : vector<1360x512xbf16>, vector<512x1536xbf16>, vector<1360x1536xf32> -> vector<1360x1536xf32>
    %get3A_19 = arith.constant 0 : index
    %get3A_20 = arith.constant 0 : index
    %get3A_21 = vector.load %arg3[%get3A_19, %get3A_20] : memref<1x1536xf32, #tpu.memory_space<vmem>>, vector<1x1536xf32>
    %add3A_22 = vector.broadcast %get3A_21 : vector<1x1536xf32> to vector<1360x1536xf32>
    %add3A_23 = arith.addf %dot_general3A_18, %add3A_22 : vector<1360x1536xf32>
    %slice3A = vector.extract_strided_slice %add3A_23 {offsets = [0, 0], sizes = [170, 64], strides = [1, 1]} : vector<1360x1536xf32> to vector<170x64xf32>
    %slice3A_24 = vector.extract_strided_slice %add3A_23 {offsets = [0, 512], sizes = [170, 64], strides = [1, 1]} : vector<1360x1536xf32> to vector<170x64xf32>
    %slice3A_25 = vector.extract_strided_slice %add3A_23 {offsets = [0, 1024], sizes = [170, 64], strides = [1, 1]} : vector<1360x1536xf32> to vector<170x64xf32>
    %convert_element_type3A_26 = arith.truncf %slice3A : vector<170x64xf32> to vector<170x64xbf16>
    %convert_element_type3A_27 = arith.truncf %slice3A_24 : vector<170x64xf32> to vector<170x64xbf16>
    %dot_general3A_28 = arith.constant dense<0.000000e+00> : vector<170x170xf32>
    %dot_general3A_29 = tpu.matmul %convert_element_type3A_26, %convert_element_type3A_27, %dot_general3A_28 {dimension_numbers = #tpu.dot_dimension_numbers<[1], [1], [0], [0], [0, 0, 1, 0], [], []>, transpose_lhs_hint = false} : vector<170x64xbf16>, vector<170x64xbf16>, vector<170x170xf32> -> vector<170x170xf32>
    %mul3A_30 = arith.constant 1.250000e-01 : f32
    %mul3A_31 = vector.broadcast %mul3A_30 : f32 to vector<170x170xf32>
    %mul3A_32 = arith.mulf %dot_general3A_29, %mul3A_31 : vector<170x170xf32>
    %reduce_max3A = arith.constant dense<0xFF800000> : vector<170xf32>
    %reduce_max3A_33 = vector.multi_reduction <maximumf>, %mul3A_32, %reduce_max3A [1] : vector<170x170xf32> to vector<170xf32>
    %broadcast_in_dim3A_34 = vector.shape_cast %reduce_max3A_33 : vector<170xf32> to vector<170x1xf32>
    %sub3A = vector.broadcast %broadcast_in_dim3A_34 : vector<170x1xf32> to vector<170x170xf32>
    %sub3A_35 = arith.subf %mul3A_32, %sub3A : vector<170x170xf32>
    %exp3A = math.exp %sub3A_35 : vector<170x170xf32>
    %reduce_sum3A_36 = arith.constant dense<0.000000e+00> : vector<170xf32>
    %reduce_sum3A_37 = vector.multi_reduction <add>, %exp3A, %reduce_sum3A_36 [1] : vector<170x170xf32> to vector<170xf32>
    %broadcast_in_dim3A_38 = vector.shape_cast %reduce_sum3A_37 : vector<170xf32> to vector<170x1xf32>
    %div3A_39 = vector.broadcast %broadcast_in_dim3A_38 : vector<170x1xf32> to vector<170x170xf32>
    %div3A_40 = arith.divf %exp3A, %div3A_39 : vector<170x170xf32>
    %convert_element_type3A_41 = arith.truncf %div3A_40 : vector<170x170xf32> to vector<170x170xbf16>
    %convert_element_type3A_42 = arith.truncf %slice3A_25 : vector<170x64xf32> to vector<170x64xbf16>
    %dot_general3A_43 = arith.constant dense<0.000000e+00> : vector<170x64xf32>
    %dot_general3A_44 = tpu.matmul %convert_element_type3A_41, %convert_element_type3A_42, %dot_general3A_43 {dimension_numbers = #tpu.dot_dimension_numbers<[1], [0], [0], [1], [0, 0, 1, 1], [], []>, transpose_lhs_hint = false} : vector<170x170xbf16>, vector<170x64xbf16>, vector<170x64xf32> -> vector<170x64xf32>
    %slice3A_45 = vector.extract_strided_slice %add3A_23 {offsets = [0, 64], sizes = [170, 64], strides = [1, 1]} : vector<1360x1536xf32> to vector<170x64xf32>
    %slice3A_46 = vector.extract_strided_slice %add3A_23 {offsets = [0, 576], sizes = [170, 64], strides = [1, 1]} : vector<1360x1536xf32> to vector<170x64xf32>
    %slice3A_47 = vector.extract_strided_slice %add3A_23 {offsets = [0, 1088], sizes = [170, 64], strides = [1, 1]} : vector<1360x1536xf32> to vector<170x64xf32>
    %convert_element_type3A_48 = arith.truncf %slice3A_45 : vector<170x64xf32> to vector<170x64xbf16>
    %convert_element_type3A_49 = arith.truncf %slice3A_46 : vector<170x64xf32> to vector<170x64xbf16>
    %dot_general3A_50 = arith.constant dense<0.000000e+00> : vector<170x170xf32>
    %dot_general3A_51 = tpu.matmul %convert_element_type3A_48, %convert_element_type3A_49, %dot_general3A_50 {dimension_numbers = #tpu.dot_dimension_numbers<[1], [1], [0], [0], [0, 0, 1, 0], [], []>, transpose_lhs_hint = false} : vector<170x64xbf16>, vector<170x64xbf16>, vector<170x170xf32> -> vector<170x170xf32>
    %mul3A_52 = arith.constant 1.250000e-01 : f32
    %mul3A_53 = vector.broadcast %mul3A_52 : f32 to vector<170x170xf32>
    %mul3A_54 = arith.mulf %dot_general3A_51, %mul3A_53 : vector<170x170xf32>
    %reduce_max3A_55 = arith.constant dense<0xFF800000> : vector<170xf32>
    %reduce_max3A_56 = vector.multi_reduction <maximumf>, %mul3A_54, %reduce_max3A_55 [1] : vector<170x170xf32> to vector<170xf32>
    %broadcast_in_dim3A_57 = vector.shape_cast %reduce_max3A_56 : vector<170xf32> to vector<170x1xf32>
    %sub3A_58 = vector.broadcast %broadcast_in_dim3A_57 : vector<170x1xf32> to vector<170x170xf32>
    %sub3A_59 = arith.subf %mul3A_54, %sub3A_58 : vector<170x170xf32>
    %exp3A_60 = math.exp %sub3A_59 : vector<170x170xf32>
    %reduce_sum3A_61 = arith.constant dense<0.000000e+00> : vector<170xf32>
    %reduce_sum3A_62 = vector.multi_reduction <add>, %exp3A_60, %reduce_sum3A_61 [1] : vector<170x170xf32> to vector<170xf32>
    %broadcast_in_dim3A_63 = vector.shape_cast %reduce_sum3A_62 : vector<170xf32> to vector<170x1xf32>
    %div3A_64 = vector.broadcast %broadcast_in_dim3A_63 : vector<170x1xf32> to vector<170x170xf32>
    %div3A_65 = arith.divf %exp3A_60, %div3A_64 : vector<170x170xf32>
    %convert_element_type3A_66 = arith.truncf %div3A_65 : vector<170x170xf32> to vector<170x170xbf16>
    %convert_element_type3A_67 = arith.truncf %slice3A_47 : vector<170x64xf32> to vector<170x64xbf16>
    %dot_general3A_68 = arith.constant dense<0.000000e+00> : vector<170x64xf32>
    %dot_general3A_69 = tpu.matmul %convert_element_type3A_66, %convert_element_type3A_67, %dot_general3A_68 {dimension_numbers = #tpu.dot_dimension_numbers<[1], [0], [0], [1], [0, 0, 1, 1], [], []>, transpose_lhs_hint = false} : vector<170x170xbf16>, vector<170x64xbf16>, vector<170x64xf32> -> vector<170x64xf32>
    %slice3A_70 = vector.extract_strided_slice %add3A_23 {offsets = [0, 128], sizes = [170, 64], strides = [1, 1]} : vector<1360x1536xf32> to vector<170x64xf32>
    %slice3A_71 = vector.extract_strided_slice %add3A_23 {offsets = [0, 640], sizes = [170, 64], strides = [1, 1]} : vector<1360x1536xf32> to vector<170x64xf32>
    %slice3A_72 = vector.extract_strided_slice %add3A_23 {offsets = [0, 1152], sizes = [170, 64], strides = [1, 1]} : vector<1360x1536xf32> to vector<170x64xf32>
    %convert_element_type3A_73 = arith.truncf %slice3A_70 : vector<170x64xf32> to vector<170x64xbf16>
    %convert_element_type3A_74 = arith.truncf %slice3A_71 : vector<170x64xf32> to vector<170x64xbf16>
    %dot_general3A_75 = arith.constant dense<0.000000e+00> : vector<170x170xf32>
    %dot_general3A_76 = tpu.matmul %convert_element_type3A_73, %convert_element_type3A_74, %dot_general3A_75 {dimension_numbers = #tpu.dot_dimension_numbers<[1], [1], [0], [0], [0, 0, 1, 0], [], []>, transpose_lhs_hint = false} : vector<170x64xbf16>, vector<170x64xbf16>, vector<170x170xf32> -> vector<170x170xf32>
    %mul3A_77 = arith.constant 1.250000e-01 : f32
    %mul3A_78 = vector.broadcast %mul3A_77 : f32 to vector<170x170xf32>
    %mul3A_79 = arith.mulf %dot_general3A_76, %mul3A_78 : vector<170x170xf32>
    %reduce_max3A_80 = arith.constant dense<0xFF800000> : vector<170xf32>
    %reduce_max3A_81 = vector.multi_reduction <maximumf>, %mul3A_79, %reduce_max3A_80 [1] : vector<170x170xf32> to vector<170xf32>
    %broadcast_in_dim3A_82 = vector.shape_cast %reduce_max3A_81 : vector<170xf32> to vector<170x1xf32>
    %sub3A_83 = vector.broadcast %broadcast_in_dim3A_82 : vector<170x1xf32> to vector<170x170xf32>
    %sub3A_84 = arith.subf %mul3A_79, %sub3A_83 : vector<170x170xf32>
    %exp3A_85 = math.exp %sub3A_84 : vector<170x170xf32>
    %reduce_sum3A_86 = arith.constant dense<0.000000e+00> : vector<170xf32>
    %reduce_sum3A_87 = vector.multi_reduction <add>, %exp3A_85, %reduce_sum3A_86 [1] : vector<170x170xf32> to vector<170xf32>
    %broadcast_in_dim3A_88 = vector.shape_cast %reduce_sum3A_87 : vector<170xf32> to vector<170x1xf32>
    %div3A_89 = vector.broadcast %broadcast_in_dim3A_88 : vector<170x1xf32> to vector<170x170xf32>
    %div3A_90 = arith.divf %exp3A_85, %div3A_89 : vector<170x170xf32>
    %convert_element_type3A_91 = arith.truncf %div3A_90 : vector<170x170xf32> to vector<170x170xbf16>
    %convert_element_type3A_92 = arith.truncf %slice3A_72 : vector<170x64xf32> to vector<170x64xbf16>
    %dot_general3A_93 = arith.constant dense<0.000000e+00> : vector<170x64xf32>
    %dot_general3A_94 = tpu.matmul %convert_element_type3A_91, %convert_element_type3A_92, %dot_general3A_93 {dimension_numbers = #tpu.dot_dimension_numbers<[1], [0], [0], [1], [0, 0, 1, 1], [], []>, transpose_lhs_hint = false} : vector<170x170xbf16>, vector<170x64xbf16>, vector<170x64xf32> -> vector<170x64xf32>
    %slice3A_95 = vector.extract_strided_slice %add3A_23 {offsets = [0, 192], sizes = [170, 64], strides = [1, 1]} : vector<1360x1536xf32> to vector<170x64xf32>
    %slice3A_96 = vector.extract_strided_slice %add3A_23 {offsets = [0, 704], sizes = [170, 64], strides = [1, 1]} : vector<1360x1536xf32> to vector<170x64xf32>
    %slice3A_97 = vector.extract_strided_slice %add3A_23 {offsets = [0, 1216], sizes = [170, 64], strides = [1, 1]} : vector<1360x1536xf32> to vector<170x64xf32>
    %convert_element_type3A_98 = arith.truncf %slice3A_95 : vector<170x64xf32> to vector<170x64xbf16>
    %convert_element_type3A_99 = arith.truncf %slice3A_96 : vector<170x64xf32> to vector<170x64xbf16>
    %dot_general3A_100 = arith.constant dense<0.000000e+00> : vector<170x170xf32>
    %dot_general3A_101 = tpu.matmul %convert_element_type3A_98, %convert_element_type3A_99, %dot_general3A_100 {dimension_numbers = #tpu.dot_dimension_numbers<[1], [1], [0], [0], [0, 0, 1, 0], [], []>, transpose_lhs_hint = false} : vector<170x64xbf16>, vector<170x64xbf16>, vector<170x170xf32> -> vector<170x170xf32>
    %mul3A_102 = arith.constant 1.250000e-01 : f32
    %mul3A_103 = vector.broadcast %mul3A_102 : f32 to vector<170x170xf32>
    %mul3A_104 = arith.mulf %dot_general3A_101, %mul3A_103 : vector<170x170xf32>
    %reduce_max3A_105 = arith.constant dense<0xFF800000> : vector<170xf32>
    %reduce_max3A_106 = vector.multi_reduction <maximumf>, %mul3A_104, %reduce_max3A_105 [1] : vector<170x170xf32> to vector<170xf32>
    %broadcast_in_dim3A_107 = vector.shape_cast %reduce_max3A_106 : vector<170xf32> to vector<170x1xf32>
    %sub3A_108 = vector.broadcast %broadcast_in_dim3A_107 : vector<170x1xf32> to vector<170x170xf32>
    %sub3A_109 = arith.subf %mul3A_104, %sub3A_108 : vector<170x170xf32>
    %exp3A_110 = math.exp %sub3A_109 : vector<170x170xf32>
    %reduce_sum3A_111 = arith.constant dense<0.000000e+00> : vector<170xf32>
    %reduce_sum3A_112 = vector.multi_reduction <add>, %exp3A_110, %reduce_sum3A_111 [1] : vector<170x170xf32> to vector<170xf32>
    %broadcast_in_dim3A_113 = vector.shape_cast %reduce_sum3A_112 : vector<170xf32> to vector<170x1xf32>
    %div3A_114 = vector.broadcast %broadcast_in_dim3A_113 : vector<170x1xf32> to vector<170x170xf32>
    %div3A_115 = arith.divf %exp3A_110, %div3A_114 : vector<170x170xf32>
    %convert_element_type3A_116 = arith.truncf %div3A_115 : vector<170x170xf32> to vector<170x170xbf16>
    %convert_element_type3A_117 = arith.truncf %slice3A_97 : vector<170x64xf32> to vector<170x64xbf16>
    %dot_general3A_118 = arith.constant dense<0.000000e+00> : vector<170x64xf32>
    %dot_general3A_119 = tpu.matmul %convert_element_type3A_116, %convert_element_type3A_117, %dot_general3A_118 {dimension_numbers = #tpu.dot_dimension_numbers<[1], [0], [0], [1], [0, 0, 1, 1], [], []>, transpose_lhs_hint = false} : vector<170x170xbf16>, vector<170x64xbf16>, vector<170x64xf32> -> vector<170x64xf32>
    %slice3A_120 = vector.extract_strided_slice %add3A_23 {offsets = [0, 256], sizes = [170, 64], strides = [1, 1]} : vector<1360x1536xf32> to vector<170x64xf32>
    %slice3A_121 = vector.extract_strided_slice %add3A_23 {offsets = [0, 768], sizes = [170, 64], strides = [1, 1]} : vector<1360x1536xf32> to vector<170x64xf32>
    %slice3A_122 = vector.extract_strided_slice %add3A_23 {offsets = [0, 1280], sizes = [170, 64], strides = [1, 1]} : vector<1360x1536xf32> to vector<170x64xf32>
    %convert_element_type3A_123 = arith.truncf %slice3A_120 : vector<170x64xf32> to vector<170x64xbf16>
    %convert_element_type3A_124 = arith.truncf %slice3A_121 : vector<170x64xf32> to vector<170x64xbf16>
    %dot_general3A_125 = arith.constant dense<0.000000e+00> : vector<170x170xf32>
    %dot_general3A_126 = tpu.matmul %convert_element_type3A_123, %convert_element_type3A_124, %dot_general3A_125 {dimension_numbers = #tpu.dot_dimension_numbers<[1], [1], [0], [0], [0, 0, 1, 0], [], []>, transpose_lhs_hint = false} : vector<170x64xbf16>, vector<170x64xbf16>, vector<170x170xf32> -> vector<170x170xf32>
    %mul3A_127 = arith.constant 1.250000e-01 : f32
    %mul3A_128 = vector.broadcast %mul3A_127 : f32 to vector<170x170xf32>
    %mul3A_129 = arith.mulf %dot_general3A_126, %mul3A_128 : vector<170x170xf32>
    %reduce_max3A_130 = arith.constant dense<0xFF800000> : vector<170xf32>
    %reduce_max3A_131 = vector.multi_reduction <maximumf>, %mul3A_129, %reduce_max3A_130 [1] : vector<170x170xf32> to vector<170xf32>
    %broadcast_in_dim3A_132 = vector.shape_cast %reduce_max3A_131 : vector<170xf32> to vector<170x1xf32>
    %sub3A_133 = vector.broadcast %broadcast_in_dim3A_132 : vector<170x1xf32> to vector<170x170xf32>
    %sub3A_134 = arith.subf %mul3A_129, %sub3A_133 : vector<170x170xf32>
    %exp3A_135 = math.exp %sub3A_134 : vector<170x170xf32>
    %reduce_sum3A_136 = arith.constant dense<0.000000e+00> : vector<170xf32>
    %reduce_sum3A_137 = vector.multi_reduction <add>, %exp3A_135, %reduce_sum3A_136 [1] : vector<170x170xf32> to vector<170xf32>
    %broadcast_in_dim3A_138 = vector.shape_cast %reduce_sum3A_137 : vector<170xf32> to vector<170x1xf32>
    %div3A_139 = vector.broadcast %broadcast_in_dim3A_138 : vector<170x1xf32> to vector<170x170xf32>
    %div3A_140 = arith.divf %exp3A_135, %div3A_139 : vector<170x170xf32>
    %convert_element_type3A_141 = arith.truncf %div3A_140 : vector<170x170xf32> to vector<170x170xbf16>
    %convert_element_type3A_142 = arith.truncf %slice3A_122 : vector<170x64xf32> to vector<170x64xbf16>
    %dot_general3A_143 = arith.constant dense<0.000000e+00> : vector<170x64xf32>
    %dot_general3A_144 = tpu.matmul %convert_element_type3A_141, %convert_element_type3A_142, %dot_general3A_143 {dimension_numbers = #tpu.dot_dimension_numbers<[1], [0], [0], [1], [0, 0, 1, 1], [], []>, transpose_lhs_hint = false} : vector<170x170xbf16>, vector<170x64xbf16>, vector<170x64xf32> -> vector<170x64xf32>
    %slice3A_145 = vector.extract_strided_slice %add3A_23 {offsets = [0, 320], sizes = [170, 64], strides = [1, 1]} : vector<1360x1536xf32> to vector<170x64xf32>
    %slice3A_146 = vector.extract_strided_slice %add3A_23 {offsets = [0, 832], sizes = [170, 64], strides = [1, 1]} : vector<1360x1536xf32> to vector<170x64xf32>
    %slice3A_147 = vector.extract_strided_slice %add3A_23 {offsets = [0, 1344], sizes = [170, 64], strides = [1, 1]} : vector<1360x1536xf32> to vector<170x64xf32>
    %convert_element_type3A_148 = arith.truncf %slice3A_145 : vector<170x64xf32> to vector<170x64xbf16>
    %convert_element_type3A_149 = arith.truncf %slice3A_146 : vector<170x64xf32> to vector<170x64xbf16>
    %dot_general3A_150 = arith.constant dense<0.000000e+00> : vector<170x170xf32>
    %dot_general3A_151 = tpu.matmul %convert_element_type3A_148, %convert_element_type3A_149, %dot_general3A_150 {dimension_numbers = #tpu.dot_dimension_numbers<[1], [1], [0], [0], [0, 0, 1, 0], [], []>, transpose_lhs_hint = false} : vector<170x64xbf16>, vector<170x64xbf16>, vector<170x170xf32> -> vector<170x170xf32>
    %mul3A_152 = arith.constant 1.250000e-01 : f32
    %mul3A_153 = vector.broadcast %mul3A_152 : f32 to vector<170x170xf32>
    %mul3A_154 = arith.mulf %dot_general3A_151, %mul3A_153 : vector<170x170xf32>
    %reduce_max3A_155 = arith.constant dense<0xFF800000> : vector<170xf32>
    %reduce_max3A_156 = vector.multi_reduction <maximumf>, %mul3A_154, %reduce_max3A_155 [1] : vector<170x170xf32> to vector<170xf32>
    %broadcast_in_dim3A_157 = vector.shape_cast %reduce_max3A_156 : vector<170xf32> to vector<170x1xf32>
    %sub3A_158 = vector.broadcast %broadcast_in_dim3A_157 : vector<170x1xf32> to vector<170x170xf32>
    %sub3A_159 = arith.subf %mul3A_154, %sub3A_158 : vector<170x170xf32>
    %exp3A_160 = math.exp %sub3A_159 : vector<170x170xf32>
    %reduce_sum3A_161 = arith.constant dense<0.000000e+00> : vector<170xf32>
    %reduce_sum3A_162 = vector.multi_reduction <add>, %exp3A_160, %reduce_sum3A_161 [1] : vector<170x170xf32> to vector<170xf32>
    %broadcast_in_dim3A_163 = vector.shape_cast %reduce_sum3A_162 : vector<170xf32> to vector<170x1xf32>
    %div3A_164 = vector.broadcast %broadcast_in_dim3A_163 : vector<170x1xf32> to vector<170x170xf32>
    %div3A_165 = arith.divf %exp3A_160, %div3A_164 : vector<170x170xf32>
    %convert_element_type3A_166 = arith.truncf %div3A_165 : vector<170x170xf32> to vector<170x170xbf16>
    %convert_element_type3A_167 = arith.truncf %slice3A_147 : vector<170x64xf32> to vector<170x64xbf16>
    %dot_general3A_168 = arith.constant dense<0.000000e+00> : vector<170x64xf32>
    %dot_general3A_169 = tpu.matmul %convert_element_type3A_166, %convert_element_type3A_167, %dot_general3A_168 {dimension_numbers = #tpu.dot_dimension_numbers<[1], [0], [0], [1], [0, 0, 1, 1], [], []>, transpose_lhs_hint = false} : vector<170x170xbf16>, vector<170x64xbf16>, vector<170x64xf32> -> vector<170x64xf32>
    %slice3A_170 = vector.extract_strided_slice %add3A_23 {offsets = [0, 384], sizes = [170, 64], strides = [1, 1]} : vector<1360x1536xf32> to vector<170x64xf32>
    %slice3A_171 = vector.extract_strided_slice %add3A_23 {offsets = [0, 896], sizes = [170, 64], strides = [1, 1]} : vector<1360x1536xf32> to vector<170x64xf32>
    %slice3A_172 = vector.extract_strided_slice %add3A_23 {offsets = [0, 1408], sizes = [170, 64], strides = [1, 1]} : vector<1360x1536xf32> to vector<170x64xf32>
    %convert_element_type3A_173 = arith.truncf %slice3A_170 : vector<170x64xf32> to vector<170x64xbf16>
    %convert_element_type3A_174 = arith.truncf %slice3A_171 : vector<170x64xf32> to vector<170x64xbf16>
    %dot_general3A_175 = arith.constant dense<0.000000e+00> : vector<170x170xf32>
    %dot_general3A_176 = tpu.matmul %convert_element_type3A_173, %convert_element_type3A_174, %dot_general3A_175 {dimension_numbers = #tpu.dot_dimension_numbers<[1], [1], [0], [0], [0, 0, 1, 0], [], []>, transpose_lhs_hint = false} : vector<170x64xbf16>, vector<170x64xbf16>, vector<170x170xf32> -> vector<170x170xf32>
    %mul3A_177 = arith.constant 1.250000e-01 : f32
    %mul3A_178 = vector.broadcast %mul3A_177 : f32 to vector<170x170xf32>
    %mul3A_179 = arith.mulf %dot_general3A_176, %mul3A_178 : vector<170x170xf32>
    %reduce_max3A_180 = arith.constant dense<0xFF800000> : vector<170xf32>
    %reduce_max3A_181 = vector.multi_reduction <maximumf>, %mul3A_179, %reduce_max3A_180 [1] : vector<170x170xf32> to vector<170xf32>
    %broadcast_in_dim3A_182 = vector.shape_cast %reduce_max3A_181 : vector<170xf32> to vector<170x1xf32>
    %sub3A_183 = vector.broadcast %broadcast_in_dim3A_182 : vector<170x1xf32> to vector<170x170xf32>
    %sub3A_184 = arith.subf %mul3A_179, %sub3A_183 : vector<170x170xf32>
    %exp3A_185 = math.exp %sub3A_184 : vector<170x170xf32>
    %reduce_sum3A_186 = arith.constant dense<0.000000e+00> : vector<170xf32>
    %reduce_sum3A_187 = vector.multi_reduction <add>, %exp3A_185, %reduce_sum3A_186 [1] : vector<170x170xf32> to vector<170xf32>
    %broadcast_in_dim3A_188 = vector.shape_cast %reduce_sum3A_187 : vector<170xf32> to vector<170x1xf32>
    %div3A_189 = vector.broadcast %broadcast_in_dim3A_188 : vector<170x1xf32> to vector<170x170xf32>
    %div3A_190 = arith.divf %exp3A_185, %div3A_189 : vector<170x170xf32>
    %convert_element_type3A_191 = arith.truncf %div3A_190 : vector<170x170xf32> to vector<170x170xbf16>
    %convert_element_type3A_192 = arith.truncf %slice3A_172 : vector<170x64xf32> to vector<170x64xbf16>
    %dot_general3A_193 = arith.constant dense<0.000000e+00> : vector<170x64xf32>
    %dot_general3A_194 = tpu.matmul %convert_element_type3A_191, %convert_element_type3A_192, %dot_general3A_193 {dimension_numbers = #tpu.dot_dimension_numbers<[1], [0], [0], [1], [0, 0, 1, 1], [], []>, transpose_lhs_hint = false} : vector<170x170xbf16>, vector<170x64xbf16>, vector<170x64xf32> -> vector<170x64xf32>
    %slice3A_195 = vector.extract_strided_slice %add3A_23 {offsets = [0, 448], sizes = [170, 64], strides = [1, 1]} : vector<1360x1536xf32> to vector<170x64xf32>
    %slice3A_196 = vector.extract_strided_slice %add3A_23 {offsets = [0, 960], sizes = [170, 64], strides = [1, 1]} : vector<1360x1536xf32> to vector<170x64xf32>
    %slice3A_197 = vector.extract_strided_slice %add3A_23 {offsets = [0, 1472], sizes = [170, 64], strides = [1, 1]} : vector<1360x1536xf32> to vector<170x64xf32>
    %convert_element_type3A_198 = arith.truncf %slice3A_195 : vector<170x64xf32> to vector<170x64xbf16>
    %convert_element_type3A_199 = arith.truncf %slice3A_196 : vector<170x64xf32> to vector<170x64xbf16>
    %dot_general3A_200 = arith.constant dense<0.000000e+00> : vector<170x170xf32>
    %dot_general3A_201 = tpu.matmul %convert_element_type3A_198, %convert_element_type3A_199, %dot_general3A_200 {dimension_numbers = #tpu.dot_dimension_numbers<[1], [1], [0], [0], [0, 0, 1, 0], [], []>, transpose_lhs_hint = false} : vector<170x64xbf16>, vector<170x64xbf16>, vector<170x170xf32> -> vector<170x170xf32>
    %mul3A_202 = arith.constant 1.250000e-01 : f32
    %mul3A_203 = vector.broadcast %mul3A_202 : f32 to vector<170x170xf32>
    %mul3A_204 = arith.mulf %dot_general3A_201, %mul3A_203 : vector<170x170xf32>
    %reduce_max3A_205 = arith.constant dense<0xFF800000> : vector<170xf32>
    %reduce_max3A_206 = vector.multi_reduction <maximumf>, %mul3A_204, %reduce_max3A_205 [1] : vector<170x170xf32> to vector<170xf32>
    %broadcast_in_dim3A_207 = vector.shape_cast %reduce_max3A_206 : vector<170xf32> to vector<170x1xf32>
    %sub3A_208 = vector.broadcast %broadcast_in_dim3A_207 : vector<170x1xf32> to vector<170x170xf32>
    %sub3A_209 = arith.subf %mul3A_204, %sub3A_208 : vector<170x170xf32>
    %exp3A_210 = math.exp %sub3A_209 : vector<170x170xf32>
    %reduce_sum3A_211 = arith.constant dense<0.000000e+00> : vector<170xf32>
    %reduce_sum3A_212 = vector.multi_reduction <add>, %exp3A_210, %reduce_sum3A_211 [1] : vector<170x170xf32> to vector<170xf32>
    %broadcast_in_dim3A_213 = vector.shape_cast %reduce_sum3A_212 : vector<170xf32> to vector<170x1xf32>
    %div3A_214 = vector.broadcast %broadcast_in_dim3A_213 : vector<170x1xf32> to vector<170x170xf32>
    %div3A_215 = arith.divf %exp3A_210, %div3A_214 : vector<170x170xf32>
    %convert_element_type3A_216 = arith.truncf %div3A_215 : vector<170x170xf32> to vector<170x170xbf16>
    %convert_element_type3A_217 = arith.truncf %slice3A_197 : vector<170x64xf32> to vector<170x64xbf16>
    %dot_general3A_218 = arith.constant dense<0.000000e+00> : vector<170x64xf32>
    %dot_general3A_219 = tpu.matmul %convert_element_type3A_216, %convert_element_type3A_217, %dot_general3A_218 {dimension_numbers = #tpu.dot_dimension_numbers<[1], [0], [0], [1], [0, 0, 1, 1], [], []>, transpose_lhs_hint = false} : vector<170x170xbf16>, vector<170x64xbf16>, vector<170x64xf32> -> vector<170x64xf32>
    %concatenate3A = tpu.concatenate %dot_general3A_44, %dot_general3A_69, %dot_general3A_94, %dot_general3A_119, %dot_general3A_144, %dot_general3A_169, %dot_general3A_194, %dot_general3A_219 in 1 : vector<170x64xf32>, vector<170x64xf32>, vector<170x64xf32>, vector<170x64xf32>, vector<170x64xf32>, vector<170x64xf32>, vector<170x64xf32>, vector<170x64xf32> -> vector<170x512xf32>
    %slice3A_220 = vector.extract_strided_slice %add3A_23 {offsets = [170, 0], sizes = [170, 64], strides = [1, 1]} : vector<1360x1536xf32> to vector<170x64xf32>
    %slice3A_221 = vector.extract_strided_slice %add3A_23 {offsets = [170, 512], sizes = [170, 64], strides = [1, 1]} : vector<1360x1536xf32> to vector<170x64xf32>
    %slice3A_222 = vector.extract_strided_slice %add3A_23 {offsets = [170, 1024], sizes = [170, 64], strides = [1, 1]} : vector<1360x1536xf32> to vector<170x64xf32>
    %convert_element_type3A_223 = arith.truncf %slice3A_220 : vector<170x64xf32> to vector<170x64xbf16>
    %convert_element_type3A_224 = arith.truncf %slice3A_221 : vector<170x64xf32> to vector<170x64xbf16>
    %dot_general3A_225 = arith.constant dense<0.000000e+00> : vector<170x170xf32>
    %dot_general3A_226 = tpu.matmul %convert_element_type3A_223, %convert_element_type3A_224, %dot_general3A_225 {dimension_numbers = #tpu.dot_dimension_numbers<[1], [1], [0], [0], [0, 0, 1, 0], [], []>, transpose_lhs_hint = false} : vector<170x64xbf16>, vector<170x64xbf16>, vector<170x170xf32> -> vector<170x170xf32>
    %mul3A_227 = arith.constant 1.250000e-01 : f32
    %mul3A_228 = vector.broadcast %mul3A_227 : f32 to vector<170x170xf32>
    %mul3A_229 = arith.mulf %dot_general3A_226, %mul3A_228 : vector<170x170xf32>
    %reduce_max3A_230 = arith.constant dense<0xFF800000> : vector<170xf32>
    %reduce_max3A_231 = vector.multi_reduction <maximumf>, %mul3A_229, %reduce_max3A_230 [1] : vector<170x170xf32> to vector<170xf32>
    %broadcast_in_dim3A_232 = vector.shape_cast %reduce_max3A_231 : vector<170xf32> to vector<170x1xf32>
    %sub3A_233 = vector.broadcast %broadcast_in_dim3A_232 : vector<170x1xf32> to vector<170x170xf32>
    %sub3A_234 = arith.subf %mul3A_229, %sub3A_233 : vector<170x170xf32>
    %exp3A_235 = math.exp %sub3A_234 : vector<170x170xf32>
    %reduce_sum3A_236 = arith.constant dense<0.000000e+00> : vector<170xf32>
    %reduce_sum3A_237 = vector.multi_reduction <add>, %exp3A_235, %reduce_sum3A_236 [1] : vector<170x170xf32> to vector<170xf32>
    %broadcast_in_dim3A_238 = vector.shape_cast %reduce_sum3A_237 : vector<170xf32> to vector<170x1xf32>
    %div3A_239 = vector.broadcast %broadcast_in_dim3A_238 : vector<170x1xf32> to vector<170x170xf32>
    %div3A_240 = arith.divf %exp3A_235, %div3A_239 : vector<170x170xf32>
    %convert_element_type3A_241 = arith.truncf %div3A_240 : vector<170x170xf32> to vector<170x170xbf16>
    %convert_element_type3A_242 = arith.truncf %slice3A_222 : vector<170x64xf32> to vector<170x64xbf16>
    %dot_general3A_243 = arith.constant dense<0.000000e+00> : vector<170x64xf32>
    %dot_general3A_244 = tpu.matmul %convert_element_type3A_241, %convert_element_type3A_242, %dot_general3A_243 {dimension_numbers = #tpu.dot_dimension_numbers<[1], [0], [0], [1], [0, 0, 1, 1], [], []>, transpose_lhs_hint = false} : vector<170x170xbf16>, vector<170x64xbf16>, vector<170x64xf32> -> vector<170x64xf32>
    %slice3A_245 = vector.extract_strided_slice %add3A_23 {offsets = [170, 64], sizes = [170, 64], strides = [1, 1]} : vector<1360x1536xf32> to vector<170x64xf32>
    %slice3A_246 = vector.extract_strided_slice %add3A_23 {offsets = [170, 576], sizes = [170, 64], strides = [1, 1]} : vector<1360x1536xf32> to vector<170x64xf32>
    %slice3A_247 = vector.extract_strided_slice %add3A_23 {offsets = [170, 1088], sizes = [170, 64], strides = [1, 1]} : vector<1360x1536xf32> to vector<170x64xf32>
    %convert_element_type3A_248 = arith.truncf %slice3A_245 : vector<170x64xf32> to vector<170x64xbf16>
    %convert_element_type3A_249 = arith.truncf %slice3A_246 : vector<170x64xf32> to vector<170x64xbf16>
    %dot_general3A_250 = arith.constant dense<0.000000e+00> : vector<170x170xf32>
    %dot_general3A_251 = tpu.matmul %convert_element_type3A_248, %convert_element_type3A_249, %dot_general3A_250 {dimension_numbers = #tpu.dot_dimension_numbers<[1], [1], [0], [0], [0, 0, 1, 0], [], []>, transpose_lhs_hint = false} : vector<170x64xbf16>, vector<170x64xbf16>, vector<170x170xf32> -> vector<170x170xf32>
    %mul3A_252 = arith.constant 1.250000e-01 : f32
    %mul3A_253 = vector.broadcast %mul3A_252 : f32 to vector<170x170xf32>
    %mul3A_254 = arith.mulf %dot_general3A_251, %mul3A_253 : vector<170x170xf32>
    %reduce_max3A_255 = arith.constant dense<0xFF800000> : vector<170xf32>
    %reduce_max3A_256 = vector.multi_reduction <maximumf>, %mul3A_254, %reduce_max3A_255 [1] : vector<170x170xf32> to vector<170xf32>
    %broadcast_in_dim3A_257 = vector.shape_cast %reduce_max3A_256 : vector<170xf32> to vector<170x1xf32>
    %sub3A_258 = vector.broadcast %broadcast_in_dim3A_257 : vector<170x1xf32> to vector<170x170xf32>
    %sub3A_259 = arith.subf %mul3A_254, %sub3A_258 : vector<170x170xf32>
    %exp3A_260 = math.exp %sub3A_259 : vector<170x170xf32>
    %reduce_sum3A_261 = arith.constant dense<0.000000e+00> : vector<170xf32>
    %reduce_sum3A_262 = vector.multi_reduction <add>, %exp3A_260, %reduce_sum3A_261 [1] : vector<170x170xf32> to vector<170xf32>
    %broadcast_in_dim3A_263 = vector.shape_cast %reduce_sum3A_262 : vector<170xf32> to vector<170x1xf32>
    %div3A_264 = vector.broadcast %broadcast_in_dim3A_263 : vector<170x1xf32> to vector<170x170xf32>
    %div3A_265 = arith.divf %exp3A_260, %div3A_264 : vector<170x170xf32>
    %convert_element_type3A_266 = arith.truncf %div3A_265 : vector<170x170xf32> to vector<170x170xbf16>
    %convert_element_type3A_267 = arith.truncf %slice3A_247 : vector<170x64xf32> to vector<170x64xbf16>
    %dot_general3A_268 = arith.constant dense<0.000000e+00> : vector<170x64xf32>
    %dot_general3A_269 = tpu.matmul %convert_element_type3A_266, %convert_element_type3A_267, %dot_general3A_268 {dimension_numbers = #tpu.dot_dimension_numbers<[1], [0], [0], [1], [0, 0, 1, 1], [], []>, transpose_lhs_hint = false} : vector<170x170xbf16>, vector<170x64xbf16>, vector<170x64xf32> -> vector<170x64xf32>
    %slice3A_270 = vector.extract_strided_slice %add3A_23 {offsets = [170, 128], sizes = [170, 64], strides = [1, 1]} : vector<1360x1536xf32> to vector<170x64xf32>
    %slice3A_271 = vector.extract_strided_slice %add3A_23 {offsets = [170, 640], sizes = [170, 64], strides = [1, 1]} : vector<1360x1536xf32> to vector<170x64xf32>
    %slice3A_272 = vector.extract_strided_slice %add3A_23 {offsets = [170, 1152], sizes = [170, 64], strides = [1, 1]} : vector<1360x1536xf32> to vector<170x64xf32>
    %convert_element_type3A_273 = arith.truncf %slice3A_270 : vector<170x64xf32> to vector<170x64xbf16>
    %convert_element_type3A_274 = arith.truncf %slice3A_271 : vector<170x64xf32> to vector<170x64xbf16>
    %dot_general3A_275 = arith.constant dense<0.000000e+00> : vector<170x170xf32>
    %dot_general3A_276 = tpu.matmul %convert_element_type3A_273, %convert_element_type3A_274, %dot_general3A_275 {dimension_numbers = #tpu.dot_dimension_numbers<[1], [1], [0], [0], [0, 0, 1, 0], [], []>, transpose_lhs_hint = false} : vector<170x64xbf16>, vector<170x64xbf16>, vector<170x170xf32> -> vector<170x170xf32>
    %mul3A_277 = arith.constant 1.250000e-01 : f32
    %mul3A_278 = vector.broadcast %mul3A_277 : f32 to vector<170x170xf32>
    %mul3A_279 = arith.mulf %dot_general3A_276, %mul3A_278 : vector<170x170xf32>
    %reduce_max3A_280 = arith.constant dense<0xFF800000> : vector<170xf32>
    %reduce_max3A_281 = vector.multi_reduction <maximumf>, %mul3A_279, %reduce_max3A_280 [1] : vector<170x170xf32> to vector<170xf32>
    %broadcast_in_dim3A_282 = vector.shape_cast %reduce_max3A_281 : vector<170xf32> to vector<170x1xf32>
    %sub3A_283 = vector.broadcast %broadcast_in_dim3A_282 : vector<170x1xf32> to vector<170x170xf32>
    %sub3A_284 = arith.subf %mul3A_279, %sub3A_283 : vector<170x170xf32>
    %exp3A_285 = math.exp %sub3A_284 : vector<170x170xf32>
    %reduce_sum3A_286 = arith.constant dense<0.000000e+00> : vector<170xf32>
    %reduce_sum3A_287 = vector.multi_reduction <add>, %exp3A_285, %reduce_sum3A_286 [1] : vector<170x170xf32> to vector<170xf32>
    %broadcast_in_dim3A_288 = vector.shape_cast %reduce_sum3A_287 : vector<170xf32> to vector<170x1xf32>
    %div3A_289 = vector.broadcast %broadcast_in_dim3A_288 : vector<170x1xf32> to vector<170x170xf32>
    %div3A_290 = arith.divf %exp3A_285, %div3A_289 : vector<170x170xf32>
    %convert_element_type3A_291 = arith.truncf %div3A_290 : vector<170x170xf32> to vector<170x170xbf16>
    %convert_element_type3A_292 = arith.truncf %slice3A_272 : vector<170x64xf32> to vector<170x64xbf16>
    %dot_general3A_293 = arith.constant dense<0.000000e+00> : vector<170x64xf32>
    %dot_general3A_294 = tpu.matmul %convert_element_type3A_291, %convert_element_type3A_292, %dot_general3A_293 {dimension_numbers = #tpu.dot_dimension_numbers<[1], [0], [0], [1], [0, 0, 1, 1], [], []>, transpose_lhs_hint = false} : vector<170x170xbf16>, vector<170x64xbf16>, vector<170x64xf32> -> vector<170x64xf32>
    %slice3A_295 = vector.extract_strided_slice %add3A_23 {offsets = [170, 192], sizes = [170, 64], strides = [1, 1]} : vector<1360x1536xf32> to vector<170x64xf32>
    %slice3A_296 = vector.extract_strided_slice %add3A_23 {offsets = [170, 704], sizes = [170, 64], strides = [1, 1]} : vector<1360x1536xf32> to vector<170x64xf32>
    %slice3A_297 = vector.extract_strided_slice %add3A_23 {offsets = [170, 1216], sizes = [170, 64], strides = [1, 1]} : vector<1360x1536xf32> to vector<170x64xf32>
    %convert_element_type3A_298 = arith.truncf %slice3A_295 : vector<170x64xf32> to vector<170x64xbf16>
    %convert_element_type3A_299 = arith.truncf %slice3A_296 : vector<170x64xf32> to vector<170x64xbf16>
    %dot_general3A_300 = arith.constant dense<0.000000e+00> : vector<170x170xf32>
    %dot_general3A_301 = tpu.matmul %convert_element_type3A_298, %convert_element_type3A_299, %dot_general3A_300 {dimension_numbers = #tpu.dot_dimension_numbers<[1], [1], [0], [0], [0, 0, 1, 0], [], []>, transpose_lhs_hint = false} : vector<170x64xbf16>, vector<170x64xbf16>, vector<170x170xf32> -> vector<170x170xf32>
    %mul3A_302 = arith.constant 1.250000e-01 : f32
    %mul3A_303 = vector.broadcast %mul3A_302 : f32 to vector<170x170xf32>
    %mul3A_304 = arith.mulf %dot_general3A_301, %mul3A_303 : vector<170x170xf32>
    %reduce_max3A_305 = arith.constant dense<0xFF800000> : vector<170xf32>
    %reduce_max3A_306 = vector.multi_reduction <maximumf>, %mul3A_304, %reduce_max3A_305 [1] : vector<170x170xf32> to vector<170xf32>
    %broadcast_in_dim3A_307 = vector.shape_cast %reduce_max3A_306 : vector<170xf32> to vector<170x1xf32>
    %sub3A_308 = vector.broadcast %broadcast_in_dim3A_307 : vector<170x1xf32> to vector<170x170xf32>
    %sub3A_309 = arith.subf %mul3A_304, %sub3A_308 : vector<170x170xf32>
    %exp3A_310 = math.exp %sub3A_309 : vector<170x170xf32>
    %reduce_sum3A_311 = arith.constant dense<0.000000e+00> : vector<170xf32>
    %reduce_sum3A_312 = vector.multi_reduction <add>, %exp3A_310, %reduce_sum3A_311 [1] : vector<170x170xf32> to vector<170xf32>
    %broadcast_in_dim3A_313 = vector.shape_cast %reduce_sum3A_312 : vector<170xf32> to vector<170x1xf32>
    %div3A_314 = vector.broadcast %broadcast_in_dim3A_313 : vector<170x1xf32> to vector<170x170xf32>
    %div3A_315 = arith.divf %exp3A_310, %div3A_314 : vector<170x170xf32>
    %convert_element_type3A_316 = arith.truncf %div3A_315 : vector<170x170xf32> to vector<170x170xbf16>
    %convert_element_type3A_317 = arith.truncf %slice3A_297 : vector<170x64xf32> to vector<170x64xbf16>
    %dot_general3A_318 = arith.constant dense<0.000000e+00> : vector<170x64xf32>
    %dot_general3A_319 = tpu.matmul %convert_element_type3A_316, %convert_element_type3A_317, %dot_general3A_318 {dimension_numbers = #tpu.dot_dimension_numbers<[1], [0], [0], [1], [0, 0, 1, 1], [], []>, transpose_lhs_hint = false} : vector<170x170xbf16>, vector<170x64xbf16>, vector<170x64xf32> -> vector<170x64xf32>
    %slice3A_320 = vector.extract_strided_slice %add3A_23 {offsets = [170, 256], sizes = [170, 64], strides = [1, 1]} : vector<1360x1536xf32> to vector<170x64xf32>
    %slice3A_321 = vector.extract_strided_slice %add3A_23 {offsets = [170, 768], sizes = [170, 64], strides = [1, 1]} : vector<1360x1536xf32> to vector<170x64xf32>
    %slice3A_322 = vector.extract_strided_slice %add3A_23 {offsets = [170, 1280], sizes = [170, 64], strides = [1, 1]} : vector<1360x1536xf32> to vector<170x64xf32>
    %convert_element_type3A_323 = arith.truncf %slice3A_320 : vector<170x64xf32> to vector<170x64xbf16>
    %convert_element_type3A_324 = arith.truncf %slice3A_321 : vector<170x64xf32> to vector<170x64xbf16>
    %dot_general3A_325 = arith.constant dense<0.000000e+00> : vector<170x170xf32>
    %dot_general3A_326 = tpu.matmul %convert_element_type3A_323, %convert_element_type3A_324, %dot_general3A_325 {dimension_numbers = #tpu.dot_dimension_numbers<[1], [1], [0], [0], [0, 0, 1, 0], [], []>, transpose_lhs_hint = false} : vector<170x64xbf16>, vector<170x64xbf16>, vector<170x170xf32> -> vector<170x170xf32>
    %mul3A_327 = arith.constant 1.250000e-01 : f32
    %mul3A_328 = vector.broadcast %mul3A_327 : f32 to vector<170x170xf32>
    %mul3A_329 = arith.mulf %dot_general3A_326, %mul3A_328 : vector<170x170xf32>
    %reduce_max3A_330 = arith.constant dense<0xFF800000> : vector<170xf32>
    %reduce_max3A_331 = vector.multi_reduction <maximumf>, %mul3A_329, %reduce_max3A_330 [1] : vector<170x170xf32> to vector<170xf32>
    %broadcast_in_dim3A_332 = vector.shape_cast %reduce_max3A_331 : vector<170xf32> to vector<170x1xf32>
    %sub3A_333 = vector.broadcast %broadcast_in_dim3A_332 : vector<170x1xf32> to vector<170x170xf32>
    %sub3A_334 = arith.subf %mul3A_329, %sub3A_333 : vector<170x170xf32>
    %exp3A_335 = math.exp %sub3A_334 : vector<170x170xf32>
    %reduce_sum3A_336 = arith.constant dense<0.000000e+00> : vector<170xf32>
    %reduce_sum3A_337 = vector.multi_reduction <add>, %exp3A_335, %reduce_sum3A_336 [1] : vector<170x170xf32> to vector<170xf32>
    %broadcast_in_dim3A_338 = vector.shape_cast %reduce_sum3A_337 : vector<170xf32> to vector<170x1xf32>
    %div3A_339 = vector.broadcast %broadcast_in_dim3A_338 : vector<170x1xf32> to vector<170x170xf32>
    %div3A_340 = arith.divf %exp3A_335, %div3A_339 : vector<170x170xf32>
    %convert_element_type3A_341 = arith.truncf %div3A_340 : vector<170x170xf32> to vector<170x170xbf16>
    %convert_element_type3A_342 = arith.truncf %slice3A_322 : vector<170x64xf32> to vector<170x64xbf16>
    %dot_general3A_343 = arith.constant dense<0.000000e+00> : vector<170x64xf32>
    %dot_general3A_344 = tpu.matmul %convert_element_type3A_341, %convert_element_type3A_342, %dot_general3A_343 {dimension_numbers = #tpu.dot_dimension_numbers<[1], [0], [0], [1], [0, 0, 1, 1], [], []>, transpose_lhs_hint = false} : vector<170x170xbf16>, vector<170x64xbf16>, vector<170x64xf32> -> vector<170x64xf32>
    %slice3A_345 = vector.extract_strided_slice %add3A_23 {offsets = [170, 320], sizes = [170, 64], strides = [1, 1]} : vector<1360x1536xf32> to vector<170x64xf32>
    %slice3A_346 = vector.extract_strided_slice %add3A_23 {offsets = [170, 832], sizes = [170, 64], strides = [1, 1]} : vector<1360x1536xf32> to vector<170x64xf32>
    %slice3A_347 = vector.extract_strided_slice %add3A_23 {offsets = [170, 1344], sizes = [170, 64], strides = [1, 1]} : vector<1360x1536xf32> to vector<170x64xf32>
    %convert_element_type3A_348 = arith.truncf %slice3A_345 : vector<170x64xf32> to vector<170x64xbf16>
    %convert_element_type3A_349 = arith.truncf %slice3A_346 : vector<170x64xf32> to vector<170x64xbf16>
    %dot_general3A_350 = arith.constant dense<0.000000e+00> : vector<170x170xf32>
    %dot_general3A_351 = tpu.matmul %convert_element_type3A_348, %convert_element_type3A_349, %dot_general3A_350 {dimension_numbers = #tpu.dot_dimension_numbers<[1], [1], [0], [0], [0, 0, 1, 0], [], []>, transpose_lhs_hint = false} : vector<170x64xbf16>, vector<170x64xbf16>, vector<170x170xf32> -> vector<170x170xf32>
    %mul3A_352 = arith.constant 1.250000e-01 : f32
    %mul3A_353 = vector.broadcast %mul3A_352 : f32 to vector<170x170xf32>
    %mul3A_354 = arith.mulf %dot_general3A_351, %mul3A_353 : vector<170x170xf32>
    %reduce_max3A_355 = arith.constant dense<0xFF800000> : vector<170xf32>
    %reduce_max3A_356 = vector.multi_reduction <maximumf>, %mul3A_354, %reduce_max3A_355 [1] : vector<170x170xf32> to vector<170xf32>
    %broadcast_in_dim3A_357 = vector.shape_cast %reduce_max3A_356 : vector<170xf32> to vector<170x1xf32>
    %sub3A_358 = vector.broadcast %broadcast_in_dim3A_357 : vector<170x1xf32> to vector<170x170xf32>
    %sub3A_359 = arith.subf %mul3A_354, %sub3A_358 : vector<170x170xf32>
    %exp3A_360 = math.exp %sub3A_359 : vector<170x170xf32>
    %reduce_sum3A_361 = arith.constant dense<0.000000e+00> : vector<170xf32>
    %reduce_sum3A_362 = vector.multi_reduction <add>, %exp3A_360, %reduce_sum3A_361 [1] : vector<170x170xf32> to vector<170xf32>
    %broadcast_in_dim3A_363 = vector.shape_cast %reduce_sum3A_362 : vector<170xf32> to vector<170x1xf32>
    %div3A_364 = vector.broadcast %broadcast_in_dim3A_363 : vector<170x1xf32> to vector<170x170xf32>
    %div3A_365 = arith.divf %exp3A_360, %div3A_364 : vector<170x170xf32>
    %convert_element_type3A_366 = arith.truncf %div3A_365 : vector<170x170xf32> to vector<170x170xbf16>
    %convert_element_type3A_367 = arith.truncf %slice3A_347 : vector<170x64xf32> to vector<170x64xbf16>
    %dot_general3A_368 = arith.constant dense<0.000000e+00> : vector<170x64xf32>
    %dot_general3A_369 = tpu.matmul %convert_element_type3A_366, %convert_element_type3A_367, %dot_general3A_368 {dimension_numbers = #tpu.dot_dimension_numbers<[1], [0], [0], [1], [0, 0, 1, 1], [], []>, transpose_lhs_hint = false} : vector<170x170xbf16>, vector<170x64xbf16>, vector<170x64xf32> -> vector<170x64xf32>
    %slice3A_370 = vector.extract_strided_slice %add3A_23 {offsets = [170, 384], sizes = [170, 64], strides = [1, 1]} : vector<1360x1536xf32> to vector<170x64xf32>
    %slice3A_371 = vector.extract_strided_slice %add3A_23 {offsets = [170, 896], sizes = [170, 64], strides = [1, 1]} : vector<1360x1536xf32> to vector<170x64xf32>
    %slice3A_372 = vector.extract_strided_slice %add3A_23 {offsets = [170, 1408], sizes = [170, 64], strides = [1, 1]} : vector<1360x1536xf32> to vector<170x64xf32>
    %convert_element_type3A_373 = arith.truncf %slice3A_370 : vector<170x64xf32> to vector<170x64xbf16>
    %convert_element_type3A_374 = arith.truncf %slice3A_371 : vector<170x64xf32> to vector<170x64xbf16>
    %dot_general3A_375 = arith.constant dense<0.000000e+00> : vector<170x170xf32>
    %dot_general3A_376 = tpu.matmul %convert_element_type3A_373, %convert_element_type3A_374, %dot_general3A_375 {dimension_numbers = #tpu.dot_dimension_numbers<[1], [1], [0], [0], [0, 0, 1, 0], [], []>, transpose_lhs_hint = false} : vector<170x64xbf16>, vector<170x64xbf16>, vector<170x170xf32> -> vector<170x170xf32>
    %mul3A_377 = arith.constant 1.250000e-01 : f32
    %mul3A_378 = vector.broadcast %mul3A_377 : f32 to vector<170x170xf32>
    %mul3A_379 = arith.mulf %dot_general3A_376, %mul3A_378 : vector<170x170xf32>
    %reduce_max3A_380 = arith.constant dense<0xFF800000> : vector<170xf32>
    %reduce_max3A_381 = vector.multi_reduction <maximumf>, %mul3A_379, %reduce_max3A_380 [1] : vector<170x170xf32> to vector<170xf32>
    %broadcast_in_dim3A_382 = vector.shape_cast %reduce_max3A_381 : vector<170xf32> to vector<170x1xf32>
    %sub3A_383 = vector.broadcast %broadcast_in_dim3A_382 : vector<170x1xf32> to vector<170x170xf32>
    %sub3A_384 = arith.subf %mul3A_379, %sub3A_383 : vector<170x170xf32>
    %exp3A_385 = math.exp %sub3A_384 : vector<170x170xf32>
    %reduce_sum3A_386 = arith.constant dense<0.000000e+00> : vector<170xf32>
    %reduce_sum3A_387 = vector.multi_reduction <add>, %exp3A_385, %reduce_sum3A_386 [1] : vector<170x170xf32> to vector<170xf32>
    %broadcast_in_dim3A_388 = vector.shape_cast %reduce_sum3A_387 : vector<170xf32> to vector<170x1xf32>
    %div3A_389 = vector.broadcast %broadcast_in_dim3A_388 : vector<170x1xf32> to vector<170x170xf32>
    %div3A_390 = arith.divf %exp3A_385, %div3A_389 : vector<170x170xf32>
    %convert_element_type3A_391 = arith.truncf %div3A_390 : vector<170x170xf32> to vector<170x170xbf16>
    %convert_element_type3A_392 = arith.truncf %slice3A_372 : vector<170x64xf32> to vector<170x64xbf16>
    %dot_general3A_393 = arith.constant dense<0.000000e+00> : vector<170x64xf32>
    %dot_general3A_394 = tpu.matmul %convert_element_type3A_391, %convert_element_type3A_392, %dot_general3A_393 {dimension_numbers = #tpu.dot_dimension_numbers<[1], [0], [0], [1], [0, 0, 1, 1], [], []>, transpose_lhs_hint = false} : vector<170x170xbf16>, vector<170x64xbf16>, vector<170x64xf32> -> vector<170x64xf32>
    %slice3A_395 = vector.extract_strided_slice %add3A_23 {offsets = [170, 448], sizes = [170, 64], strides = [1, 1]} : vector<1360x1536xf32> to vector<170x64xf32>
    %slice3A_396 = vector.extract_strided_slice %add3A_23 {offsets = [170, 960], sizes = [170, 64], strides = [1, 1]} : vector<1360x1536xf32> to vector<170x64xf32>
    %slice3A_397 = vector.extract_strided_slice %add3A_23 {offsets = [170, 1472], sizes = [170, 64], strides = [1, 1]} : vector<1360x1536xf32> to vector<170x64xf32>
    %convert_element_type3A_398 = arith.truncf %slice3A_395 : vector<170x64xf32> to vector<170x64xbf16>
    %convert_element_type3A_399 = arith.truncf %slice3A_396 : vector<170x64xf32> to vector<170x64xbf16>
    %dot_general3A_400 = arith.constant dense<0.000000e+00> : vector<170x170xf32>
    %dot_general3A_401 = tpu.matmul %convert_element_type3A_398, %convert_element_type3A_399, %dot_general3A_400 {dimension_numbers = #tpu.dot_dimension_numbers<[1], [1], [0], [0], [0, 0, 1, 0], [], []>, transpose_lhs_hint = false} : vector<170x64xbf16>, vector<170x64xbf16>, vector<170x170xf32> -> vector<170x170xf32>
    %mul3A_402 = arith.constant 1.250000e-01 : f32
    %mul3A_403 = vector.broadcast %mul3A_402 : f32 to vector<170x170xf32>
    %mul3A_404 = arith.mulf %dot_general3A_401, %mul3A_403 : vector<170x170xf32>
    %reduce_max3A_405 = arith.constant dense<0xFF800000> : vector<170xf32>
    %reduce_max3A_406 = vector.multi_reduction <maximumf>, %mul3A_404, %reduce_max3A_405 [1] : vector<170x170xf32> to vector<170xf32>
    %broadcast_in_dim3A_407 = vector.shape_cast %reduce_max3A_406 : vector<170xf32> to vector<170x1xf32>
    %sub3A_408 = vector.broadcast %broadcast_in_dim3A_407 : vector<170x1xf32> to vector<170x170xf32>
    %sub3A_409 = arith.subf %mul3A_404, %sub3A_408 : vector<170x170xf32>
    %exp3A_410 = math.exp %sub3A_409 : vector<170x170xf32>
    %reduce_sum3A_411 = arith.constant dense<0.000000e+00> : vector<170xf32>
    %reduce_sum3A_412 = vector.multi_reduction <add>, %exp3A_410, %reduce_sum3A_411 [1] : vector<170x170xf32> to vector<170xf32>
    %broadcast_in_dim3A_413 = vector.shape_cast %reduce_sum3A_412 : vector<170xf32> to vector<170x1xf32>
    %div3A_414 = vector.broadcast %broadcast_in_dim3A_413 : vector<170x1xf32> to vector<170x170xf32>
    %div3A_415 = arith.divf %exp3A_410, %div3A_414 : vector<170x170xf32>
    %convert_element_type3A_416 = arith.truncf %div3A_415 : vector<170x170xf32> to vector<170x170xbf16>
    %convert_element_type3A_417 = arith.truncf %slice3A_397 : vector<170x64xf32> to vector<170x64xbf16>
    %dot_general3A_418 = arith.constant dense<0.000000e+00> : vector<170x64xf32>
    %dot_general3A_419 = tpu.matmul %convert_element_type3A_416, %convert_element_type3A_417, %dot_general3A_418 {dimension_numbers = #tpu.dot_dimension_numbers<[1], [0], [0], [1], [0, 0, 1, 1], [], []>, transpose_lhs_hint = false} : vector<170x170xbf16>, vector<170x64xbf16>, vector<170x64xf32> -> vector<170x64xf32>
    %concatenate3A_420 = tpu.concatenate %dot_general3A_244, %dot_general3A_269, %dot_general3A_294, %dot_general3A_319, %dot_general3A_344, %dot_general3A_369, %dot_general3A_394, %dot_general3A_419 in 1 : vector<170x64xf32>, vector<170x64xf32>, vector<170x64xf32>, vector<170x64xf32>, vector<170x64xf32>, vector<170x64xf32>, vector<170x64xf32>, vector<170x64xf32> -> vector<170x512xf32>
    %slice3A_421 = vector.extract_strided_slice %add3A_23 {offsets = [340, 0], sizes = [170, 64], strides = [1, 1]} : vector<1360x1536xf32> to vector<170x64xf32>
    %slice3A_422 = vector.extract_strided_slice %add3A_23 {offsets = [340, 512], sizes = [170, 64], strides = [1, 1]} : vector<1360x1536xf32> to vector<170x64xf32>
    %slice3A_423 = vector.extract_strided_slice %add3A_23 {offsets = [340, 1024], sizes = [170, 64], strides = [1, 1]} : vector<1360x1536xf32> to vector<170x64xf32>
    %convert_element_type3A_424 = arith.truncf %slice3A_421 : vector<170x64xf32> to vector<170x64xbf16>
    %convert_element_type3A_425 = arith.truncf %slice3A_422 : vector<170x64xf32> to vector<170x64xbf16>
    %dot_general3A_426 = arith.constant dense<0.000000e+00> : vector<170x170xf32>
    %dot_general3A_427 = tpu.matmul %convert_element_type3A_424, %convert_element_type3A_425, %dot_general3A_426 {dimension_numbers = #tpu.dot_dimension_numbers<[1], [1], [0], [0], [0, 0, 1, 0], [], []>, transpose_lhs_hint = false} : vector<170x64xbf16>, vector<170x64xbf16>, vector<170x170xf32> -> vector<170x170xf32>
    %mul3A_428 = arith.constant 1.250000e-01 : f32
    %mul3A_429 = vector.broadcast %mul3A_428 : f32 to vector<170x170xf32>
    %mul3A_430 = arith.mulf %dot_general3A_427, %mul3A_429 : vector<170x170xf32>
    %reduce_max3A_431 = arith.constant dense<0xFF800000> : vector<170xf32>
    %reduce_max3A_432 = vector.multi_reduction <maximumf>, %mul3A_430, %reduce_max3A_431 [1] : vector<170x170xf32> to vector<170xf32>
    %broadcast_in_dim3A_433 = vector.shape_cast %reduce_max3A_432 : vector<170xf32> to vector<170x1xf32>
    %sub3A_434 = vector.broadcast %broadcast_in_dim3A_433 : vector<170x1xf32> to vector<170x170xf32>
    %sub3A_435 = arith.subf %mul3A_430, %sub3A_434 : vector<170x170xf32>
    %exp3A_436 = math.exp %sub3A_435 : vector<170x170xf32>
    %reduce_sum3A_437 = arith.constant dense<0.000000e+00> : vector<170xf32>
    %reduce_sum3A_438 = vector.multi_reduction <add>, %exp3A_436, %reduce_sum3A_437 [1] : vector<170x170xf32> to vector<170xf32>
    %broadcast_in_dim3A_439 = vector.shape_cast %reduce_sum3A_438 : vector<170xf32> to vector<170x1xf32>
    %div3A_440 = vector.broadcast %broadcast_in_dim3A_439 : vector<170x1xf32> to vector<170x170xf32>
    %div3A_441 = arith.divf %exp3A_436, %div3A_440 : vector<170x170xf32>
    %convert_element_type3A_442 = arith.truncf %div3A_441 : vector<170x170xf32> to vector<170x170xbf16>
    %convert_element_type3A_443 = arith.truncf %slice3A_423 : vector<170x64xf32> to vector<170x64xbf16>
    %dot_general3A_444 = arith.constant dense<0.000000e+00> : vector<170x64xf32>
    %dot_general3A_445 = tpu.matmul %convert_element_type3A_442, %convert_element_type3A_443, %dot_general3A_444 {dimension_numbers = #tpu.dot_dimension_numbers<[1], [0], [0], [1], [0, 0, 1, 1], [], []>, transpose_lhs_hint = false} : vector<170x170xbf16>, vector<170x64xbf16>, vector<170x64xf32> -> vector<170x64xf32>
    %slice3A_446 = vector.extract_strided_slice %add3A_23 {offsets = [340, 64], sizes = [170, 64], strides = [1, 1]} : vector<1360x1536xf32> to vector<170x64xf32>
    %slice3A_447 = vector.extract_strided_slice %add3A_23 {offsets = [340, 576], sizes = [170, 64], strides = [1, 1]} : vector<1360x1536xf32> to vector<170x64xf32>
    %slice3A_448 = vector.extract_strided_slice %add3A_23 {offsets = [340, 1088], sizes = [170, 64], strides = [1, 1]} : vector<1360x1536xf32> to vector<170x64xf32>
    %convert_element_type3A_449 = arith.truncf %slice3A_446 : vector<170x64xf32> to vector<170x64xbf16>
    %convert_element_type3A_450 = arith.truncf %slice3A_447 : vector<170x64xf32> to vector<170x64xbf16>
    %dot_general3A_451 = arith.constant dense<0.000000e+00> : vector<170x170xf32>
    %dot_general3A_452 = tpu.matmul %convert_element_type3A_449, %convert_element_type3A_450, %dot_general3A_451 {dimension_numbers = #tpu.dot_dimension_numbers<[1], [1], [0], [0], [0, 0, 1, 0], [], []>, transpose_lhs_hint = false} : vector<170x64xbf16>, vector<170x64xbf16>, vector<170x170xf32> -> vector<170x170xf32>
    %mul3A_453 = arith.constant 1.250000e-01 : f32
    %mul3A_454 = vector.broadcast %mul3A_453 : f32 to vector<170x170xf32>
    %mul3A_455 = arith.mulf %dot_general3A_452, %mul3A_454 : vector<170x170xf32>
    %reduce_max3A_456 = arith.constant dense<0xFF800000> : vector<170xf32>
    %reduce_max3A_457 = vector.multi_reduction <maximumf>, %mul3A_455, %reduce_max3A_456 [1] : vector<170x170xf32> to vector<170xf32>
    %broadcast_in_dim3A_458 = vector.shape_cast %reduce_max3A_457 : vector<170xf32> to vector<170x1xf32>
    %sub3A_459 = vector.broadcast %broadcast_in_dim3A_458 : vector<170x1xf32> to vector<170x170xf32>
    %sub3A_460 = arith.subf %mul3A_455, %sub3A_459 : vector<170x170xf32>
    %exp3A_461 = math.exp %sub3A_460 : vector<170x170xf32>
    %reduce_sum3A_462 = arith.constant dense<0.000000e+00> : vector<170xf32>
    %reduce_sum3A_463 = vector.multi_reduction <add>, %exp3A_461, %reduce_sum3A_462 [1] : vector<170x170xf32> to vector<170xf32>
    %broadcast_in_dim3A_464 = vector.shape_cast %reduce_sum3A_463 : vector<170xf32> to vector<170x1xf32>
    %div3A_465 = vector.broadcast %broadcast_in_dim3A_464 : vector<170x1xf32> to vector<170x170xf32>
    %div3A_466 = arith.divf %exp3A_461, %div3A_465 : vector<170x170xf32>
    %convert_element_type3A_467 = arith.truncf %div3A_466 : vector<170x170xf32> to vector<170x170xbf16>
    %convert_element_type3A_468 = arith.truncf %slice3A_448 : vector<170x64xf32> to vector<170x64xbf16>
    %dot_general3A_469 = arith.constant dense<0.000000e+00> : vector<170x64xf32>
    %dot_general3A_470 = tpu.matmul %convert_element_type3A_467, %convert_element_type3A_468, %dot_general3A_469 {dimension_numbers = #tpu.dot_dimension_numbers<[1], [0], [0], [1], [0, 0, 1, 1], [], []>, transpose_lhs_hint = false} : vector<170x170xbf16>, vector<170x64xbf16>, vector<170x64xf32> -> vector<170x64xf32>
    %slice3A_471 = vector.extract_strided_slice %add3A_23 {offsets = [340, 128], sizes = [170, 64], strides = [1, 1]} : vector<1360x1536xf32> to vector<170x64xf32>
    %slice3A_472 = vector.extract_strided_slice %add3A_23 {offsets = [340, 640], sizes = [170, 64], strides = [1, 1]} : vector<1360x1536xf32> to vector<170x64xf32>
    %slice3A_473 = vector.extract_strided_slice %add3A_23 {offsets = [340, 1152], sizes = [170, 64], strides = [1, 1]} : vector<1360x1536xf32> to vector<170x64xf32>
    %convert_element_type3A_474 = arith.truncf %slice3A_471 : vector<170x64xf32> to vector<170x64xbf16>
    %convert_element_type3A_475 = arith.truncf %slice3A_472 : vector<170x64xf32> to vector<170x64xbf16>
    %dot_general3A_476 = arith.constant dense<0.000000e+00> : vector<170x170xf32>
    %dot_general3A_477 = tpu.matmul %convert_element_type3A_474, %convert_element_type3A_475, %dot_general3A_476 {dimension_numbers = #tpu.dot_dimension_numbers<[1], [1], [0], [0], [0, 0, 1, 0], [], []>, transpose_lhs_hint = false} : vector<170x64xbf16>, vector<170x64xbf16>, vector<170x170xf32> -> vector<170x170xf32>
    %mul3A_478 = arith.constant 1.250000e-01 : f32
    %mul3A_479 = vector.broadcast %mul3A_478 : f32 to vector<170x170xf32>
    %mul3A_480 = arith.mulf %dot_general3A_477, %mul3A_479 : vector<170x170xf32>
    %reduce_max3A_481 = arith.constant dense<0xFF800000> : vector<170xf32>
    %reduce_max3A_482 = vector.multi_reduction <maximumf>, %mul3A_480, %reduce_max3A_481 [1] : vector<170x170xf32> to vector<170xf32>
    %broadcast_in_dim3A_483 = vector.shape_cast %reduce_max3A_482 : vector<170xf32> to vector<170x1xf32>
    %sub3A_484 = vector.broadcast %broadcast_in_dim3A_483 : vector<170x1xf32> to vector<170x170xf32>
    %sub3A_485 = arith.subf %mul3A_480, %sub3A_484 : vector<170x170xf32>
    %exp3A_486 = math.exp %sub3A_485 : vector<170x170xf32>
    %reduce_sum3A_487 = arith.constant dense<0.000000e+00> : vector<170xf32>
    %reduce_sum3A_488 = vector.multi_reduction <add>, %exp3A_486, %reduce_sum3A_487 [1] : vector<170x170xf32> to vector<170xf32>
    %broadcast_in_dim3A_489 = vector.shape_cast %reduce_sum3A_488 : vector<170xf32> to vector<170x1xf32>
    %div3A_490 = vector.broadcast %broadcast_in_dim3A_489 : vector<170x1xf32> to vector<170x170xf32>
    %div3A_491 = arith.divf %exp3A_486, %div3A_490 : vector<170x170xf32>
    %convert_element_type3A_492 = arith.truncf %div3A_491 : vector<170x170xf32> to vector<170x170xbf16>
    %convert_element_type3A_493 = arith.truncf %slice3A_473 : vector<170x64xf32> to vector<170x64xbf16>
    %dot_general3A_494 = arith.constant dense<0.000000e+00> : vector<170x64xf32>
    %dot_general3A_495 = tpu.matmul %convert_element_type3A_492, %convert_element_type3A_493, %dot_general3A_494 {dimension_numbers = #tpu.dot_dimension_numbers<[1], [0], [0], [1], [0, 0, 1, 1], [], []>, transpose_lhs_hint = false} : vector<170x170xbf16>, vector<170x64xbf16>, vector<170x64xf32> -> vector<170x64xf32>
    %slice3A_496 = vector.extract_strided_slice %add3A_23 {offsets = [340, 192], sizes = [170, 64], strides = [1, 1]} : vector<1360x1536xf32> to vector<170x64xf32>
    %slice3A_497 = vector.extract_strided_slice %add3A_23 {offsets = [340, 704], sizes = [170, 64], strides = [1, 1]} : vector<1360x1536xf32> to vector<170x64xf32>
    %slice3A_498 = vector.extract_strided_slice %add3A_23 {offsets = [340, 1216], sizes = [170, 64], strides = [1, 1]} : vector<1360x1536xf32> to vector<170x64xf32>
    %convert_element_type3A_499 = arith.truncf %slice3A_496 : vector<170x64xf32> to vector<170x64xbf16>
    %convert_element_type3A_500 = arith.truncf %slice3A_497 : vector<170x64xf32> to vector<170x64xbf16>
    %dot_general3A_501 = arith.constant dense<0.000000e+00> : vector<170x170xf32>
    %dot_general3A_502 = tpu.matmul %convert_element_type3A_499, %convert_element_type3A_500, %dot_general3A_501 {dimension_numbers = #tpu.dot_dimension_numbers<[1], [1], [0], [0], [0, 0, 1, 0], [], []>, transpose_lhs_hint = false} : vector<170x64xbf16>, vector<170x64xbf16>, vector<170x170xf32> -> vector<170x170xf32>
    %mul3A_503 = arith.constant 1.250000e-01 : f32
    %mul3A_504 = vector.broadcast %mul3A_503 : f32 to vector<170x170xf32>
    %mul3A_505 = arith.mulf %dot_general3A_502, %mul3A_504 : vector<170x170xf32>
    %reduce_max3A_506 = arith.constant dense<0xFF800000> : vector<170xf32>
    %reduce_max3A_507 = vector.multi_reduction <maximumf>, %mul3A_505, %reduce_max3A_506 [1] : vector<170x170xf32> to vector<170xf32>
    %broadcast_in_dim3A_508 = vector.shape_cast %reduce_max3A_507 : vector<170xf32> to vector<170x1xf32>
    %sub3A_509 = vector.broadcast %broadcast_in_dim3A_508 : vector<170x1xf32> to vector<170x170xf32>
    %sub3A_510 = arith.subf %mul3A_505, %sub3A_509 : vector<170x170xf32>
    %exp3A_511 = math.exp %sub3A_510 : vector<170x170xf32>
    %reduce_sum3A_512 = arith.constant dense<0.000000e+00> : vector<170xf32>
    %reduce_sum3A_513 = vector.multi_reduction <add>, %exp3A_511, %reduce_sum3A_512 [1] : vector<170x170xf32> to vector<170xf32>
    %broadcast_in_dim3A_514 = vector.shape_cast %reduce_sum3A_513 : vector<170xf32> to vector<170x1xf32>
    %div3A_515 = vector.broadcast %broadcast_in_dim3A_514 : vector<170x1xf32> to vector<170x170xf32>
    %div3A_516 = arith.divf %exp3A_511, %div3A_515 : vector<170x170xf32>
    %convert_element_type3A_517 = arith.truncf %div3A_516 : vector<170x170xf32> to vector<170x170xbf16>
    %convert_element_type3A_518 = arith.truncf %slice3A_498 : vector<170x64xf32> to vector<170x64xbf16>
    %dot_general3A_519 = arith.constant dense<0.000000e+00> : vector<170x64xf32>
    %dot_general3A_520 = tpu.matmul %convert_element_type3A_517, %convert_element_type3A_518, %dot_general3A_519 {dimension_numbers = #tpu.dot_dimension_numbers<[1], [0], [0], [1], [0, 0, 1, 1], [], []>, transpose_lhs_hint = false} : vector<170x170xbf16>, vector<170x64xbf16>, vector<170x64xf32> -> vector<170x64xf32>
    %slice3A_521 = vector.extract_strided_slice %add3A_23 {offsets = [340, 256], sizes = [170, 64], strides = [1, 1]} : vector<1360x1536xf32> to vector<170x64xf32>
    %slice3A_522 = vector.extract_strided_slice %add3A_23 {offsets = [340, 768], sizes = [170, 64], strides = [1, 1]} : vector<1360x1536xf32> to vector<170x64xf32>
    %slice3A_523 = vector.extract_strided_slice %add3A_23 {offsets = [340, 1280], sizes = [170, 64], strides = [1, 1]} : vector<1360x1536xf32> to vector<170x64xf32>
    %convert_element_type3A_524 = arith.truncf %slice3A_521 : vector<170x64xf32> to vector<170x64xbf16>
    %convert_element_type3A_525 = arith.truncf %slice3A_522 : vector<170x64xf32> to vector<170x64xbf16>
    %dot_general3A_526 = arith.constant dense<0.000000e+00> : vector<170x170xf32>
    %dot_general3A_527 = tpu.matmul %convert_element_type3A_524, %convert_element_type3A_525, %dot_general3A_526 {dimension_numbers = #tpu.dot_dimension_numbers<[1], [1], [0], [0], [0, 0, 1, 0], [], []>, transpose_lhs_hint = false} : vector<170x64xbf16>, vector<170x64xbf16>, vector<170x170xf32> -> vector<170x170xf32>
    %mul3A_528 = arith.constant 1.250000e-01 : f32
    %mul3A_529 = vector.broadcast %mul3A_528 : f32 to vector<170x170xf32>
    %mul3A_530 = arith.mulf %dot_general3A_527, %mul3A_529 : vector<170x170xf32>
    %reduce_max3A_531 = arith.constant dense<0xFF800000> : vector<170xf32>
    %reduce_max3A_532 = vector.multi_reduction <maximumf>, %mul3A_530, %reduce_max3A_531 [1] : vector<170x170xf32> to vector<170xf32>
    %broadcast_in_dim3A_533 = vector.shape_cast %reduce_max3A_532 : vector<170xf32> to vector<170x1xf32>
    %sub3A_534 = vector.broadcast %broadcast_in_dim3A_533 : vector<170x1xf32> to vector<170x170xf32>
    %sub3A_535 = arith.subf %mul3A_530, %sub3A_534 : vector<170x170xf32>
    %exp3A_536 = math.exp %sub3A_535 : vector<170x170xf32>
    %reduce_sum3A_537 = arith.constant dense<0.000000e+00> : vector<170xf32>
    %reduce_sum3A_538 = vector.multi_reduction <add>, %exp3A_536, %reduce_sum3A_537 [1] : vector<170x170xf32> to vector<170xf32>
    %broadcast_in_dim3A_539 = vector.shape_cast %reduce_sum3A_538 : vector<170xf32> to vector<170x1xf32>
    %div3A_540 = vector.broadcast %broadcast_in_dim3A_539 : vector<170x1xf32> to vector<170x170xf32>
    %div3A_541 = arith.divf %exp3A_536, %div3A_540 : vector<170x170xf32>
    %convert_element_type3A_542 = arith.truncf %div3A_541 : vector<170x170xf32> to vector<170x170xbf16>
    %convert_element_type3A_543 = arith.truncf %slice3A_523 : vector<170x64xf32> to vector<170x64xbf16>
    %dot_general3A_544 = arith.constant dense<0.000000e+00> : vector<170x64xf32>
    %dot_general3A_545 = tpu.matmul %convert_element_type3A_542, %convert_element_type3A_543, %dot_general3A_544 {dimension_numbers = #tpu.dot_dimension_numbers<[1], [0], [0], [1], [0, 0, 1, 1], [], []>, transpose_lhs_hint = false} : vector<170x170xbf16>, vector<170x64xbf16>, vector<170x64xf32> -> vector<170x64xf32>
    %slice3A_546 = vector.extract_strided_slice %add3A_23 {offsets = [340, 320], sizes = [170, 64], strides = [1, 1]} : vector<1360x1536xf32> to vector<170x64xf32>
    %slice3A_547 = vector.extract_strided_slice %add3A_23 {offsets = [340, 832], sizes = [170, 64], strides = [1, 1]} : vector<1360x1536xf32> to vector<170x64xf32>
    %slice3A_548 = vector.extract_strided_slice %add3A_23 {offsets = [340, 1344], sizes = [170, 64], strides = [1, 1]} : vector<1360x1536xf32> to vector<170x64xf32>
    %convert_element_type3A_549 = arith.truncf %slice3A_546 : vector<170x64xf32> to vector<170x64xbf16>
    %convert_element_type3A_550 = arith.truncf %slice3A_547 : vector<170x64xf32> to vector<170x64xbf16>
    %dot_general3A_551 = arith.constant dense<0.000000e+00> : vector<170x170xf32>
    %dot_general3A_552 = tpu.matmul %convert_element_type3A_549, %convert_element_type3A_550, %dot_general3A_551 {dimension_numbers = #tpu.dot_dimension_numbers<[1], [1], [0], [0], [0, 0, 1, 0], [], []>, transpose_lhs_hint = false} : vector<170x64xbf16>, vector<170x64xbf16>, vector<170x170xf32> -> vector<170x170xf32>
    %mul3A_553 = arith.constant 1.250000e-01 : f32
    %mul3A_554 = vector.broadcast %mul3A_553 : f32 to vector<170x170xf32>
    %mul3A_555 = arith.mulf %dot_general3A_552, %mul3A_554 : vector<170x170xf32>
    %reduce_max3A_556 = arith.constant dense<0xFF800000> : vector<170xf32>
    %reduce_max3A_557 = vector.multi_reduction <maximumf>, %mul3A_555, %reduce_max3A_556 [1] : vector<170x170xf32> to vector<170xf32>
    %broadcast_in_dim3A_558 = vector.shape_cast %reduce_max3A_557 : vector<170xf32> to vector<170x1xf32>
    %sub3A_559 = vector.broadcast %broadcast_in_dim3A_558 : vector<170x1xf32> to vector<170x170xf32>
    %sub3A_560 = arith.subf %mul3A_555, %sub3A_559 : vector<170x170xf32>
    %exp3A_561 = math.exp %sub3A_560 : vector<170x170xf32>
    %reduce_sum3A_562 = arith.constant dense<0.000000e+00> : vector<170xf32>
    %reduce_sum3A_563 = vector.multi_reduction <add>, %exp3A_561, %reduce_sum3A_562 [1] : vector<170x170xf32> to vector<170xf32>
    %broadcast_in_dim3A_564 = vector.shape_cast %reduce_sum3A_563 : vector<170xf32> to vector<170x1xf32>
    %div3A_565 = vector.broadcast %broadcast_in_dim3A_564 : vector<170x1xf32> to vector<170x170xf32>
    %div3A_566 = arith.divf %exp3A_561, %div3A_565 : vector<170x170xf32>
    %convert_element_type3A_567 = arith.truncf %div3A_566 : vector<170x170xf32> to vector<170x170xbf16>
    %convert_element_type3A_568 = arith.truncf %slice3A_548 : vector<170x64xf32> to vector<170x64xbf16>
    %dot_general3A_569 = arith.constant dense<0.000000e+00> : vector<170x64xf32>
    %dot_general3A_570 = tpu.matmul %convert_element_type3A_567, %convert_element_type3A_568, %dot_general3A_569 {dimension_numbers = #tpu.dot_dimension_numbers<[1], [0], [0], [1], [0, 0, 1, 1], [], []>, transpose_lhs_hint = false} : vector<170x170xbf16>, vector<170x64xbf16>, vector<170x64xf32> -> vector<170x64xf32>
    %slice3A_571 = vector.extract_strided_slice %add3A_23 {offsets = [340, 384], sizes = [170, 64], strides = [1, 1]} : vector<1360x1536xf32> to vector<170x64xf32>
    %slice3A_572 = vector.extract_strided_slice %add3A_23 {offsets = [340, 896], sizes = [170, 64], strides = [1, 1]} : vector<1360x1536xf32> to vector<170x64xf32>
    %slice3A_573 = vector.extract_strided_slice %add3A_23 {offsets = [340, 1408], sizes = [170, 64], strides = [1, 1]} : vector<1360x1536xf32> to vector<170x64xf32>
    %convert_element_type3A_574 = arith.truncf %slice3A_571 : vector<170x64xf32> to vector<170x64xbf16>
    %convert_element_type3A_575 = arith.truncf %slice3A_572 : vector<170x64xf32> to vector<170x64xbf16>
    %dot_general3A_576 = arith.constant dense<0.000000e+00> : vector<170x170xf32>
    %dot_general3A_577 = tpu.matmul %convert_element_type3A_574, %convert_element_type3A_575, %dot_general3A_576 {dimension_numbers = #tpu.dot_dimension_numbers<[1], [1], [0], [0], [0, 0, 1, 0], [], []>, transpose_lhs_hint = false} : vector<170x64xbf16>, vector<170x64xbf16>, vector<170x170xf32> -> vector<170x170xf32>
    %mul3A_578 = arith.constant 1.250000e-01 : f32
    %mul3A_579 = vector.broadcast %mul3A_578 : f32 to vector<170x170xf32>
    %mul3A_580 = arith.mulf %dot_general3A_577, %mul3A_579 : vector<170x170xf32>
    %reduce_max3A_581 = arith.constant dense<0xFF800000> : vector<170xf32>
    %reduce_max3A_582 = vector.multi_reduction <maximumf>, %mul3A_580, %reduce_max3A_581 [1] : vector<170x170xf32> to vector<170xf32>
    %broadcast_in_dim3A_583 = vector.shape_cast %reduce_max3A_582 : vector<170xf32> to vector<170x1xf32>
    %sub3A_584 = vector.broadcast %broadcast_in_dim3A_583 : vector<170x1xf32> to vector<170x170xf32>
    %sub3A_585 = arith.subf %mul3A_580, %sub3A_584 : vector<170x170xf32>
    %exp3A_586 = math.exp %sub3A_585 : vector<170x170xf32>
    %reduce_sum3A_587 = arith.constant dense<0.000000e+00> : vector<170xf32>
    %reduce_sum3A_588 = vector.multi_reduction <add>, %exp3A_586, %reduce_sum3A_587 [1] : vector<170x170xf32> to vector<170xf32>
    %broadcast_in_dim3A_589 = vector.shape_cast %reduce_sum3A_588 : vector<170xf32> to vector<170x1xf32>
    %div3A_590 = vector.broadcast %broadcast_in_dim3A_589 : vector<170x1xf32> to vector<170x170xf32>
    %div3A_591 = arith.divf %exp3A_586, %div3A_590 : vector<170x170xf32>
    %convert_element_type3A_592 = arith.truncf %div3A_591 : vector<170x170xf32> to vector<170x170xbf16>
    %convert_element_type3A_593 = arith.truncf %slice3A_573 : vector<170x64xf32> to vector<170x64xbf16>
    %dot_general3A_594 = arith.constant dense<0.000000e+00> : vector<170x64xf32>
    %dot_general3A_595 = tpu.matmul %convert_element_type3A_592, %convert_element_type3A_593, %dot_general3A_594 {dimension_numbers = #tpu.dot_dimension_numbers<[1], [0], [0], [1], [0, 0, 1, 1], [], []>, transpose_lhs_hint = false} : vector<170x170xbf16>, vector<170x64xbf16>, vector<170x64xf32> -> vector<170x64xf32>
    %slice3A_596 = vector.extract_strided_slice %add3A_23 {offsets = [340, 448], sizes = [170, 64], strides = [1, 1]} : vector<1360x1536xf32> to vector<170x64xf32>
    %slice3A_597 = vector.extract_strided_slice %add3A_23 {offsets = [340, 960], sizes = [170, 64], strides = [1, 1]} : vector<1360x1536xf32> to vector<170x64xf32>
    %slice3A_598 = vector.extract_strided_slice %add3A_23 {offsets = [340, 1472], sizes = [170, 64], strides = [1, 1]} : vector<1360x1536xf32> to vector<170x64xf32>
    %convert_element_type3A_599 = arith.truncf %slice3A_596 : vector<170x64xf32> to vector<170x64xbf16>
    %convert_element_type3A_600 = arith.truncf %slice3A_597 : vector<170x64xf32> to vector<170x64xbf16>
    %dot_general3A_601 = arith.constant dense<0.000000e+00> : vector<170x170xf32>
    %dot_general3A_602 = tpu.matmul %convert_element_type3A_599, %convert_element_type3A_600, %dot_general3A_601 {dimension_numbers = #tpu.dot_dimension_numbers<[1], [1], [0], [0], [0, 0, 1, 0], [], []>, transpose_lhs_hint = false} : vector<170x64xbf16>, vector<170x64xbf16>, vector<170x170xf32> -> vector<170x170xf32>
    %mul3A_603 = arith.constant 1.250000e-01 : f32
    %mul3A_604 = vector.broadcast %mul3A_603 : f32 to vector<170x170xf32>
    %mul3A_605 = arith.mulf %dot_general3A_602, %mul3A_604 : vector<170x170xf32>
    %reduce_max3A_606 = arith.constant dense<0xFF800000> : vector<170xf32>
    %reduce_max3A_607 = vector.multi_reduction <maximumf>, %mul3A_605, %reduce_max3A_606 [1] : vector<170x170xf32> to vector<170xf32>
    %broadcast_in_dim3A_608 = vector.shape_cast %reduce_max3A_607 : vector<170xf32> to vector<170x1xf32>
    %sub3A_609 = vector.broadcast %broadcast_in_dim3A_608 : vector<170x1xf32> to vector<170x170xf32>
    %sub3A_610 = arith.subf %mul3A_605, %sub3A_609 : vector<170x170xf32>
    %exp3A_611 = math.exp %sub3A_610 : vector<170x170xf32>
    %reduce_sum3A_612 = arith.constant dense<0.000000e+00> : vector<170xf32>
    %reduce_sum3A_613 = vector.multi_reduction <add>, %exp3A_611, %reduce_sum3A_612 [1] : vector<170x170xf32> to vector<170xf32>
    %broadcast_in_dim3A_614 = vector.shape_cast %reduce_sum3A_613 : vector<170xf32> to vector<170x1xf32>
    %div3A_615 = vector.broadcast %broadcast_in_dim3A_614 : vector<170x1xf32> to vector<170x170xf32>
    %div3A_616 = arith.divf %exp3A_611, %div3A_615 : vector<170x170xf32>
    %convert_element_type3A_617 = arith.truncf %div3A_616 : vector<170x170xf32> to vector<170x170xbf16>
    %convert_element_type3A_618 = arith.truncf %slice3A_598 : vector<170x64xf32> to vector<170x64xbf16>
    %dot_general3A_619 = arith.constant dense<0.000000e+00> : vector<170x64xf32>
    %dot_general3A_620 = tpu.matmul %convert_element_type3A_617, %convert_element_type3A_618, %dot_general3A_619 {dimension_numbers = #tpu.dot_dimension_numbers<[1], [0], [0], [1], [0, 0, 1, 1], [], []>, transpose_lhs_hint = false} : vector<170x170xbf16>, vector<170x64xbf16>, vector<170x64xf32> -> vector<170x64xf32>
    %concatenate3A_621 = tpu.concatenate %dot_general3A_445, %dot_general3A_470, %dot_general3A_495, %dot_general3A_520, %dot_general3A_545, %dot_general3A_570, %dot_general3A_595, %dot_general3A_620 in 1 : vector<170x64xf32>, vector<170x64xf32>, vector<170x64xf32>, vector<170x64xf32>, vector<170x64xf32>, vector<170x64xf32>, vector<170x64xf32>, vector<170x64xf32> -> vector<170x512xf32>
    %slice3A_622 = vector.extract_strided_slice %add3A_23 {offsets = [510, 0], sizes = [170, 64], strides = [1, 1]} : vector<1360x1536xf32> to vector<170x64xf32>
    %slice3A_623 = vector.extract_strided_slice %add3A_23 {offsets = [510, 512], sizes = [170, 64], strides = [1, 1]} : vector<1360x1536xf32> to vector<170x64xf32>
    %slice3A_624 = vector.extract_strided_slice %add3A_23 {offsets = [510, 1024], sizes = [170, 64], strides = [1, 1]} : vector<1360x1536xf32> to vector<170x64xf32>
    %convert_element_type3A_625 = arith.truncf %slice3A_622 : vector<170x64xf32> to vector<170x64xbf16>
    %convert_element_type3A_626 = arith.truncf %slice3A_623 : vector<170x64xf32> to vector<170x64xbf16>
    %dot_general3A_627 = arith.constant dense<0.000000e+00> : vector<170x170xf32>
    %dot_general3A_628 = tpu.matmul %convert_element_type3A_625, %convert_element_type3A_626, %dot_general3A_627 {dimension_numbers = #tpu.dot_dimension_numbers<[1], [1], [0], [0], [0, 0, 1, 0], [], []>, transpose_lhs_hint = false} : vector<170x64xbf16>, vector<170x64xbf16>, vector<170x170xf32> -> vector<170x170xf32>
    %mul3A_629 = arith.constant 1.250000e-01 : f32
    %mul3A_630 = vector.broadcast %mul3A_629 : f32 to vector<170x170xf32>
    %mul3A_631 = arith.mulf %dot_general3A_628, %mul3A_630 : vector<170x170xf32>
    %reduce_max3A_632 = arith.constant dense<0xFF800000> : vector<170xf32>
    %reduce_max3A_633 = vector.multi_reduction <maximumf>, %mul3A_631, %reduce_max3A_632 [1] : vector<170x170xf32> to vector<170xf32>
    %broadcast_in_dim3A_634 = vector.shape_cast %reduce_max3A_633 : vector<170xf32> to vector<170x1xf32>
    %sub3A_635 = vector.broadcast %broadcast_in_dim3A_634 : vector<170x1xf32> to vector<170x170xf32>
    %sub3A_636 = arith.subf %mul3A_631, %sub3A_635 : vector<170x170xf32>
    %exp3A_637 = math.exp %sub3A_636 : vector<170x170xf32>
    %reduce_sum3A_638 = arith.constant dense<0.000000e+00> : vector<170xf32>
    %reduce_sum3A_639 = vector.multi_reduction <add>, %exp3A_637, %reduce_sum3A_638 [1] : vector<170x170xf32> to vector<170xf32>
    %broadcast_in_dim3A_640 = vector.shape_cast %reduce_sum3A_639 : vector<170xf32> to vector<170x1xf32>
    %div3A_641 = vector.broadcast %broadcast_in_dim3A_640 : vector<170x1xf32> to vector<170x170xf32>
    %div3A_642 = arith.divf %exp3A_637, %div3A_641 : vector<170x170xf32>
    %convert_element_type3A_643 = arith.truncf %div3A_642 : vector<170x170xf32> to vector<170x170xbf16>
    %convert_element_type3A_644 = arith.truncf %slice3A_624 : vector<170x64xf32> to vector<170x64xbf16>
    %dot_general3A_645 = arith.constant dense<0.000000e+00> : vector<170x64xf32>
    %dot_general3A_646 = tpu.matmul %convert_element_type3A_643, %convert_element_type3A_644, %dot_general3A_645 {dimension_numbers = #tpu.dot_dimension_numbers<[1], [0], [0], [1], [0, 0, 1, 1], [], []>, transpose_lhs_hint = false} : vector<170x170xbf16>, vector<170x64xbf16>, vector<170x64xf32> -> vector<170x64xf32>
    %slice3A_647 = vector.extract_strided_slice %add3A_23 {offsets = [510, 64], sizes = [170, 64], strides = [1, 1]} : vector<1360x1536xf32> to vector<170x64xf32>
    %slice3A_648 = vector.extract_strided_slice %add3A_23 {offsets = [510, 576], sizes = [170, 64], strides = [1, 1]} : vector<1360x1536xf32> to vector<170x64xf32>
    %slice3A_649 = vector.extract_strided_slice %add3A_23 {offsets = [510, 1088], sizes = [170, 64], strides = [1, 1]} : vector<1360x1536xf32> to vector<170x64xf32>
    %convert_element_type3A_650 = arith.truncf %slice3A_647 : vector<170x64xf32> to vector<170x64xbf16>
    %convert_element_type3A_651 = arith.truncf %slice3A_648 : vector<170x64xf32> to vector<170x64xbf16>
    %dot_general3A_652 = arith.constant dense<0.000000e+00> : vector<170x170xf32>
    %dot_general3A_653 = tpu.matmul %convert_element_type3A_650, %convert_element_type3A_651, %dot_general3A_652 {dimension_numbers = #tpu.dot_dimension_numbers<[1], [1], [0], [0], [0, 0, 1, 0], [], []>, transpose_lhs_hint = false} : vector<170x64xbf16>, vector<170x64xbf16>, vector<170x170xf32> -> vector<170x170xf32>
    %mul3A_654 = arith.constant 1.250000e-01 : f32
    %mul3A_655 = vector.broadcast %mul3A_654 : f32 to vector<170x170xf32>
    %mul3A_656 = arith.mulf %dot_general3A_653, %mul3A_655 : vector<170x170xf32>
    %reduce_max3A_657 = arith.constant dense<0xFF800000> : vector<170xf32>
    %reduce_max3A_658 = vector.multi_reduction <maximumf>, %mul3A_656, %reduce_max3A_657 [1] : vector<170x170xf32> to vector<170xf32>
    %broadcast_in_dim3A_659 = vector.shape_cast %reduce_max3A_658 : vector<170xf32> to vector<170x1xf32>
    %sub3A_660 = vector.broadcast %broadcast_in_dim3A_659 : vector<170x1xf32> to vector<170x170xf32>
    %sub3A_661 = arith.subf %mul3A_656, %sub3A_660 : vector<170x170xf32>
    %exp3A_662 = math.exp %sub3A_661 : vector<170x170xf32>
    %reduce_sum3A_663 = arith.constant dense<0.000000e+00> : vector<170xf32>
    %reduce_sum3A_664 = vector.multi_reduction <add>, %exp3A_662, %reduce_sum3A_663 [1] : vector<170x170xf32> to vector<170xf32>
    %broadcast_in_dim3A_665 = vector.shape_cast %reduce_sum3A_664 : vector<170xf32> to vector<170x1xf32>
    %div3A_666 = vector.broadcast %broadcast_in_dim3A_665 : vector<170x1xf32> to vector<170x170xf32>
    %div3A_667 = arith.divf %exp3A_662, %div3A_666 : vector<170x170xf32>
    %convert_element_type3A_668 = arith.truncf %div3A_667 : vector<170x170xf32> to vector<170x170xbf16>
    %convert_element_type3A_669 = arith.truncf %slice3A_649 : vector<170x64xf32> to vector<170x64xbf16>
    %dot_general3A_670 = arith.constant dense<0.000000e+00> : vector<170x64xf32>
    %dot_general3A_671 = tpu.matmul %convert_element_type3A_668, %convert_element_type3A_669, %dot_general3A_670 {dimension_numbers = #tpu.dot_dimension_numbers<[1], [0], [0], [1], [0, 0, 1, 1], [], []>, transpose_lhs_hint = false} : vector<170x170xbf16>, vector<170x64xbf16>, vector<170x64xf32> -> vector<170x64xf32>
    %slice3A_672 = vector.extract_strided_slice %add3A_23 {offsets = [510, 128], sizes = [170, 64], strides = [1, 1]} : vector<1360x1536xf32> to vector<170x64xf32>
    %slice3A_673 = vector.extract_strided_slice %add3A_23 {offsets = [510, 640], sizes = [170, 64], strides = [1, 1]} : vector<1360x1536xf32> to vector<170x64xf32>
    %slice3A_674 = vector.extract_strided_slice %add3A_23 {offsets = [510, 1152], sizes = [170, 64], strides = [1, 1]} : vector<1360x1536xf32> to vector<170x64xf32>
    %convert_element_type3A_675 = arith.truncf %slice3A_672 : vector<170x64xf32> to vector<170x64xbf16>
    %convert_element_type3A_676 = arith.truncf %slice3A_673 : vector<170x64xf32> to vector<170x64xbf16>
    %dot_general3A_677 = arith.constant dense<0.000000e+00> : vector<170x170xf32>
    %dot_general3A_678 = tpu.matmul %convert_element_type3A_675, %convert_element_type3A_676, %dot_general3A_677 {dimension_numbers = #tpu.dot_dimension_numbers<[1], [1], [0], [0], [0, 0, 1, 0], [], []>, transpose_lhs_hint = false} : vector<170x64xbf16>, vector<170x64xbf16>, vector<170x170xf32> -> vector<170x170xf32>
    %mul3A_679 = arith.constant 1.250000e-01 : f32
    %mul3A_680 = vector.broadcast %mul3A_679 : f32 to vector<170x170xf32>
    %mul3A_681 = arith.mulf %dot_general3A_678, %mul3A_680 : vector<170x170xf32>
    %reduce_max3A_682 = arith.constant dense<0xFF800000> : vector<170xf32>
    %reduce_max3A_683 = vector.multi_reduction <maximumf>, %mul3A_681, %reduce_max3A_682 [1] : vector<170x170xf32> to vector<170xf32>
    %broadcast_in_dim3A_684 = vector.shape_cast %reduce_max3A_683 : vector<170xf32> to vector<170x1xf32>
    %sub3A_685 = vector.broadcast %broadcast_in_dim3A_684 : vector<170x1xf32> to vector<170x170xf32>
    %sub3A_686 = arith.subf %mul3A_681, %sub3A_685 : vector<170x170xf32>
    %exp3A_687 = math.exp %sub3A_686 : vector<170x170xf32>
    %reduce_sum3A_688 = arith.constant dense<0.000000e+00> : vector<170xf32>
    %reduce_sum3A_689 = vector.multi_reduction <add>, %exp3A_687, %reduce_sum3A_688 [1] : vector<170x170xf32> to vector<170xf32>
    %broadcast_in_dim3A_690 = vector.shape_cast %reduce_sum3A_689 : vector<170xf32> to vector<170x1xf32>
    %div3A_691 = vector.broadcast %broadcast_in_dim3A_690 : vector<170x1xf32> to vector<170x170xf32>
    %div3A_692 = arith.divf %exp3A_687, %div3A_691 : vector<170x170xf32>
    %convert_element_type3A_693 = arith.truncf %div3A_692 : vector<170x170xf32> to vector<170x170xbf16>
    %convert_element_type3A_694 = arith.truncf %slice3A_674 : vector<170x64xf32> to vector<170x64xbf16>
    %dot_general3A_695 = arith.constant dense<0.000000e+00> : vector<170x64xf32>
    %dot_general3A_696 = tpu.matmul %convert_element_type3A_693, %convert_element_type3A_694, %dot_general3A_695 {dimension_numbers = #tpu.dot_dimension_numbers<[1], [0], [0], [1], [0, 0, 1, 1], [], []>, transpose_lhs_hint = false} : vector<170x170xbf16>, vector<170x64xbf16>, vector<170x64xf32> -> vector<170x64xf32>
    %slice3A_697 = vector.extract_strided_slice %add3A_23 {offsets = [510, 192], sizes = [170, 64], strides = [1, 1]} : vector<1360x1536xf32> to vector<170x64xf32>
    %slice3A_698 = vector.extract_strided_slice %add3A_23 {offsets = [510, 704], sizes = [170, 64], strides = [1, 1]} : vector<1360x1536xf32> to vector<170x64xf32>
    %slice3A_699 = vector.extract_strided_slice %add3A_23 {offsets = [510, 1216], sizes = [170, 64], strides = [1, 1]} : vector<1360x1536xf32> to vector<170x64xf32>
    %convert_element_type3A_700 = arith.truncf %slice3A_697 : vector<170x64xf32> to vector<170x64xbf16>
    %convert_element_type3A_701 = arith.truncf %slice3A_698 : vector<170x64xf32> to vector<170x64xbf16>
    %dot_general3A_702 = arith.constant dense<0.000000e+00> : vector<170x170xf32>
    %dot_general3A_703 = tpu.matmul %convert_element_type3A_700, %convert_element_type3A_701, %dot_general3A_702 {dimension_numbers = #tpu.dot_dimension_numbers<[1], [1], [0], [0], [0, 0, 1, 0], [], []>, transpose_lhs_hint = false} : vector<170x64xbf16>, vector<170x64xbf16>, vector<170x170xf32> -> vector<170x170xf32>
    %mul3A_704 = arith.constant 1.250000e-01 : f32
    %mul3A_705 = vector.broadcast %mul3A_704 : f32 to vector<170x170xf32>
    %mul3A_706 = arith.mulf %dot_general3A_703, %mul3A_705 : vector<170x170xf32>
    %reduce_max3A_707 = arith.constant dense<0xFF800000> : vector<170xf32>
    %reduce_max3A_708 = vector.multi_reduction <maximumf>, %mul3A_706, %reduce_max3A_707 [1] : vector<170x170xf32> to vector<170xf32>
    %broadcast_in_dim3A_709 = vector.shape_cast %reduce_max3A_708 : vector<170xf32> to vector<170x1xf32>
    %sub3A_710 = vector.broadcast %broadcast_in_dim3A_709 : vector<170x1xf32> to vector<170x170xf32>
    %sub3A_711 = arith.subf %mul3A_706, %sub3A_710 : vector<170x170xf32>
    %exp3A_712 = math.exp %sub3A_711 : vector<170x170xf32>
    %reduce_sum3A_713 = arith.constant dense<0.000000e+00> : vector<170xf32>
    %reduce_sum3A_714 = vector.multi_reduction <add>, %exp3A_712, %reduce_sum3A_713 [1] : vector<170x170xf32> to vector<170xf32>
    %broadcast_in_dim3A_715 = vector.shape_cast %reduce_sum3A_714 : vector<170xf32> to vector<170x1xf32>
    %div3A_716 = vector.broadcast %broadcast_in_dim3A_715 : vector<170x1xf32> to vector<170x170xf32>
    %div3A_717 = arith.divf %exp3A_712, %div3A_716 : vector<170x170xf32>
    %convert_element_type3A_718 = arith.truncf %div3A_717 : vector<170x170xf32> to vector<170x170xbf16>
    %convert_element_type3A_719 = arith.truncf %slice3A_699 : vector<170x64xf32> to vector<170x64xbf16>
    %dot_general3A_720 = arith.constant dense<0.000000e+00> : vector<170x64xf32>
    %dot_general3A_721 = tpu.matmul %convert_element_type3A_718, %convert_element_type3A_719, %dot_general3A_720 {dimension_numbers = #tpu.dot_dimension_numbers<[1], [0], [0], [1], [0, 0, 1, 1], [], []>, transpose_lhs_hint = false} : vector<170x170xbf16>, vector<170x64xbf16>, vector<170x64xf32> -> vector<170x64xf32>
    %slice3A_722 = vector.extract_strided_slice %add3A_23 {offsets = [510, 256], sizes = [170, 64], strides = [1, 1]} : vector<1360x1536xf32> to vector<170x64xf32>
    %slice3A_723 = vector.extract_strided_slice %add3A_23 {offsets = [510, 768], sizes = [170, 64], strides = [1, 1]} : vector<1360x1536xf32> to vector<170x64xf32>
    %slice3A_724 = vector.extract_strided_slice %add3A_23 {offsets = [510, 1280], sizes = [170, 64], strides = [1, 1]} : vector<1360x1536xf32> to vector<170x64xf32>
    %convert_element_type3A_725 = arith.truncf %slice3A_722 : vector<170x64xf32> to vector<170x64xbf16>
    %convert_element_type3A_726 = arith.truncf %slice3A_723 : vector<170x64xf32> to vector<170x64xbf16>
    %dot_general3A_727 = arith.constant dense<0.000000e+00> : vector<170x170xf32>
    %dot_general3A_728 = tpu.matmul %convert_element_type3A_725, %convert_element_type3A_726, %dot_general3A_727 {dimension_numbers = #tpu.dot_dimension_numbers<[1], [1], [0], [0], [0, 0, 1, 0], [], []>, transpose_lhs_hint = false} : vector<170x64xbf16>, vector<170x64xbf16>, vector<170x170xf32> -> vector<170x170xf32>
    %mul3A_729 = arith.constant 1.250000e-01 : f32
    %mul3A_730 = vector.broadcast %mul3A_729 : f32 to vector<170x170xf32>
    %mul3A_731 = arith.mulf %dot_general3A_728, %mul3A_730 : vector<170x170xf32>
    %reduce_max3A_732 = arith.constant dense<0xFF800000> : vector<170xf32>
    %reduce_max3A_733 = vector.multi_reduction <maximumf>, %mul3A_731, %reduce_max3A_732 [1] : vector<170x170xf32> to vector<170xf32>
    %broadcast_in_dim3A_734 = vector.shape_cast %reduce_max3A_733 : vector<170xf32> to vector<170x1xf32>
    %sub3A_735 = vector.broadcast %broadcast_in_dim3A_734 : vector<170x1xf32> to vector<170x170xf32>
    %sub3A_736 = arith.subf %mul3A_731, %sub3A_735 : vector<170x170xf32>
    %exp3A_737 = math.exp %sub3A_736 : vector<170x170xf32>
    %reduce_sum3A_738 = arith.constant dense<0.000000e+00> : vector<170xf32>
    %reduce_sum3A_739 = vector.multi_reduction <add>, %exp3A_737, %reduce_sum3A_738 [1] : vector<170x170xf32> to vector<170xf32>
    %broadcast_in_dim3A_740 = vector.shape_cast %reduce_sum3A_739 : vector<170xf32> to vector<170x1xf32>
    %div3A_741 = vector.broadcast %broadcast_in_dim3A_740 : vector<170x1xf32> to vector<170x170xf32>
    %div3A_742 = arith.divf %exp3A_737, %div3A_741 : vector<170x170xf32>
    %convert_element_type3A_743 = arith.truncf %div3A_742 : vector<170x170xf32> to vector<170x170xbf16>
    %convert_element_type3A_744 = arith.truncf %slice3A_724 : vector<170x64xf32> to vector<170x64xbf16>
    %dot_general3A_745 = arith.constant dense<0.000000e+00> : vector<170x64xf32>
    %dot_general3A_746 = tpu.matmul %convert_element_type3A_743, %convert_element_type3A_744, %dot_general3A_745 {dimension_numbers = #tpu.dot_dimension_numbers<[1], [0], [0], [1], [0, 0, 1, 1], [], []>, transpose_lhs_hint = false} : vector<170x170xbf16>, vector<170x64xbf16>, vector<170x64xf32> -> vector<170x64xf32>
    %slice3A_747 = vector.extract_strided_slice %add3A_23 {offsets = [510, 320], sizes = [170, 64], strides = [1, 1]} : vector<1360x1536xf32> to vector<170x64xf32>
    %slice3A_748 = vector.extract_strided_slice %add3A_23 {offsets = [510, 832], sizes = [170, 64], strides = [1, 1]} : vector<1360x1536xf32> to vector<170x64xf32>
    %slice3A_749 = vector.extract_strided_slice %add3A_23 {offsets = [510, 1344], sizes = [170, 64], strides = [1, 1]} : vector<1360x1536xf32> to vector<170x64xf32>
    %convert_element_type3A_750 = arith.truncf %slice3A_747 : vector<170x64xf32> to vector<170x64xbf16>
    %convert_element_type3A_751 = arith.truncf %slice3A_748 : vector<170x64xf32> to vector<170x64xbf16>
    %dot_general3A_752 = arith.constant dense<0.000000e+00> : vector<170x170xf32>
    %dot_general3A_753 = tpu.matmul %convert_element_type3A_750, %convert_element_type3A_751, %dot_general3A_752 {dimension_numbers = #tpu.dot_dimension_numbers<[1], [1], [0], [0], [0, 0, 1, 0], [], []>, transpose_lhs_hint = false} : vector<170x64xbf16>, vector<170x64xbf16>, vector<170x170xf32> -> vector<170x170xf32>
    %mul3A_754 = arith.constant 1.250000e-01 : f32
    %mul3A_755 = vector.broadcast %mul3A_754 : f32 to vector<170x170xf32>
    %mul3A_756 = arith.mulf %dot_general3A_753, %mul3A_755 : vector<170x170xf32>
    %reduce_max3A_757 = arith.constant dense<0xFF800000> : vector<170xf32>
    %reduce_max3A_758 = vector.multi_reduction <maximumf>, %mul3A_756, %reduce_max3A_757 [1] : vector<170x170xf32> to vector<170xf32>
    %broadcast_in_dim3A_759 = vector.shape_cast %reduce_max3A_758 : vector<170xf32> to vector<170x1xf32>
    %sub3A_760 = vector.broadcast %broadcast_in_dim3A_759 : vector<170x1xf32> to vector<170x170xf32>
    %sub3A_761 = arith.subf %mul3A_756, %sub3A_760 : vector<170x170xf32>
    %exp3A_762 = math.exp %sub3A_761 : vector<170x170xf32>
    %reduce_sum3A_763 = arith.constant dense<0.000000e+00> : vector<170xf32>
    %reduce_sum3A_764 = vector.multi_reduction <add>, %exp3A_762, %reduce_sum3A_763 [1] : vector<170x170xf32> to vector<170xf32>
    %broadcast_in_dim3A_765 = vector.shape_cast %reduce_sum3A_764 : vector<170xf32> to vector<170x1xf32>
    %div3A_766 = vector.broadcast %broadcast_in_dim3A_765 : vector<170x1xf32> to vector<170x170xf32>
    %div3A_767 = arith.divf %exp3A_762, %div3A_766 : vector<170x170xf32>
    %convert_element_type3A_768 = arith.truncf %div3A_767 : vector<170x170xf32> to vector<170x170xbf16>
    %convert_element_type3A_769 = arith.truncf %slice3A_749 : vector<170x64xf32> to vector<170x64xbf16>
    %dot_general3A_770 = arith.constant dense<0.000000e+00> : vector<170x64xf32>
    %dot_general3A_771 = tpu.matmul %convert_element_type3A_768, %convert_element_type3A_769, %dot_general3A_770 {dimension_numbers = #tpu.dot_dimension_numbers<[1], [0], [0], [1], [0, 0, 1, 1], [], []>, transpose_lhs_hint = false} : vector<170x170xbf16>, vector<170x64xbf16>, vector<170x64xf32> -> vector<170x64xf32>
    %slice3A_772 = vector.extract_strided_slice %add3A_23 {offsets = [510, 384], sizes = [170, 64], strides = [1, 1]} : vector<1360x1536xf32> to vector<170x64xf32>
    %slice3A_773 = vector.extract_strided_slice %add3A_23 {offsets = [510, 896], sizes = [170, 64], strides = [1, 1]} : vector<1360x1536xf32> to vector<170x64xf32>
    %slice3A_774 = vector.extract_strided_slice %add3A_23 {offsets = [510, 1408], sizes = [170, 64], strides = [1, 1]} : vector<1360x1536xf32> to vector<170x64xf32>
    %convert_element_type3A_775 = arith.truncf %slice3A_772 : vector<170x64xf32> to vector<170x64xbf16>
    %convert_element_type3A_776 = arith.truncf %slice3A_773 : vector<170x64xf32> to vector<170x64xbf16>
    %dot_general3A_777 = arith.constant dense<0.000000e+00> : vector<170x170xf32>
    %dot_general3A_778 = tpu.matmul %convert_element_type3A_775, %convert_element_type3A_776, %dot_general3A_777 {dimension_numbers = #tpu.dot_dimension_numbers<[1], [1], [0], [0], [0, 0, 1, 0], [], []>, transpose_lhs_hint = false} : vector<170x64xbf16>, vector<170x64xbf16>, vector<170x170xf32> -> vector<170x170xf32>
    %mul3A_779 = arith.constant 1.250000e-01 : f32
    %mul3A_780 = vector.broadcast %mul3A_779 : f32 to vector<170x170xf32>
    %mul3A_781 = arith.mulf %dot_general3A_778, %mul3A_780 : vector<170x170xf32>
    %reduce_max3A_782 = arith.constant dense<0xFF800000> : vector<170xf32>
    %reduce_max3A_783 = vector.multi_reduction <maximumf>, %mul3A_781, %reduce_max3A_782 [1] : vector<170x170xf32> to vector<170xf32>
    %broadcast_in_dim3A_784 = vector.shape_cast %reduce_max3A_783 : vector<170xf32> to vector<170x1xf32>
    %sub3A_785 = vector.broadcast %broadcast_in_dim3A_784 : vector<170x1xf32> to vector<170x170xf32>
    %sub3A_786 = arith.subf %mul3A_781, %sub3A_785 : vector<170x170xf32>
    %exp3A_787 = math.exp %sub3A_786 : vector<170x170xf32>
    %reduce_sum3A_788 = arith.constant dense<0.000000e+00> : vector<170xf32>
    %reduce_sum3A_789 = vector.multi_reduction <add>, %exp3A_787, %reduce_sum3A_788 [1] : vector<170x170xf32> to vector<170xf32>
    %broadcast_in_dim3A_790 = vector.shape_cast %reduce_sum3A_789 : vector<170xf32> to vector<170x1xf32>
    %div3A_791 = vector.broadcast %broadcast_in_dim3A_790 : vector<170x1xf32> to vector<170x170xf32>
    %div3A_792 = arith.divf %exp3A_787, %div3A_791 : vector<170x170xf32>
    %convert_element_type3A_793 = arith.truncf %div3A_792 : vector<170x170xf32> to vector<170x170xbf16>
    %convert_element_type3A_794 = arith.truncf %slice3A_774 : vector<170x64xf32> to vector<170x64xbf16>
    %dot_general3A_795 = arith.constant dense<0.000000e+00> : vector<170x64xf32>
    %dot_general3A_796 = tpu.matmul %convert_element_type3A_793, %convert_element_type3A_794, %dot_general3A_795 {dimension_numbers = #tpu.dot_dimension_numbers<[1], [0], [0], [1], [0, 0, 1, 1], [], []>, transpose_lhs_hint = false} : vector<170x170xbf16>, vector<170x64xbf16>, vector<170x64xf32> -> vector<170x64xf32>
    %slice3A_797 = vector.extract_strided_slice %add3A_23 {offsets = [510, 448], sizes = [170, 64], strides = [1, 1]} : vector<1360x1536xf32> to vector<170x64xf32>
    %slice3A_798 = vector.extract_strided_slice %add3A_23 {offsets = [510, 960], sizes = [170, 64], strides = [1, 1]} : vector<1360x1536xf32> to vector<170x64xf32>
    %slice3A_799 = vector.extract_strided_slice %add3A_23 {offsets = [510, 1472], sizes = [170, 64], strides = [1, 1]} : vector<1360x1536xf32> to vector<170x64xf32>
    %convert_element_type3A_800 = arith.truncf %slice3A_797 : vector<170x64xf32> to vector<170x64xbf16>
    %convert_element_type3A_801 = arith.truncf %slice3A_798 : vector<170x64xf32> to vector<170x64xbf16>
    %dot_general3A_802 = arith.constant dense<0.000000e+00> : vector<170x170xf32>
    %dot_general3A_803 = tpu.matmul %convert_element_type3A_800, %convert_element_type3A_801, %dot_general3A_802 {dimension_numbers = #tpu.dot_dimension_numbers<[1], [1], [0], [0], [0, 0, 1, 0], [], []>, transpose_lhs_hint = false} : vector<170x64xbf16>, vector<170x64xbf16>, vector<170x170xf32> -> vector<170x170xf32>
    %mul3A_804 = arith.constant 1.250000e-01 : f32
    %mul3A_805 = vector.broadcast %mul3A_804 : f32 to vector<170x170xf32>
    %mul3A_806 = arith.mulf %dot_general3A_803, %mul3A_805 : vector<170x170xf32>
    %reduce_max3A_807 = arith.constant dense<0xFF800000> : vector<170xf32>
    %reduce_max3A_808 = vector.multi_reduction <maximumf>, %mul3A_806, %reduce_max3A_807 [1] : vector<170x170xf32> to vector<170xf32>
    %broadcast_in_dim3A_809 = vector.shape_cast %reduce_max3A_808 : vector<170xf32> to vector<170x1xf32>
    %sub3A_810 = vector.broadcast %broadcast_in_dim3A_809 : vector<170x1xf32> to vector<170x170xf32>
    %sub3A_811 = arith.subf %mul3A_806, %sub3A_810 : vector<170x170xf32>
    %exp3A_812 = math.exp %sub3A_811 : vector<170x170xf32>
    %reduce_sum3A_813 = arith.constant dense<0.000000e+00> : vector<170xf32>
    %reduce_sum3A_814 = vector.multi_reduction <add>, %exp3A_812, %reduce_sum3A_813 [1] : vector<170x170xf32> to vector<170xf32>
    %broadcast_in_dim3A_815 = vector.shape_cast %reduce_sum3A_814 : vector<170xf32> to vector<170x1xf32>
    %div3A_816 = vector.broadcast %broadcast_in_dim3A_815 : vector<170x1xf32> to vector<170x170xf32>
    %div3A_817 = arith.divf %exp3A_812, %div3A_816 : vector<170x170xf32>
    %convert_element_type3A_818 = arith.truncf %div3A_817 : vector<170x170xf32> to vector<170x170xbf16>
    %convert_element_type3A_819 = arith.truncf %slice3A_799 : vector<170x64xf32> to vector<170x64xbf16>
    %dot_general3A_820 = arith.constant dense<0.000000e+00> : vector<170x64xf32>
    %dot_general3A_821 = tpu.matmul %convert_element_type3A_818, %convert_element_type3A_819, %dot_general3A_820 {dimension_numbers = #tpu.dot_dimension_numbers<[1], [0], [0], [1], [0, 0, 1, 1], [], []>, transpose_lhs_hint = false} : vector<170x170xbf16>, vector<170x64xbf16>, vector<170x64xf32> -> vector<170x64xf32>
    %concatenate3A_822 = tpu.concatenate %dot_general3A_646, %dot_general3A_671, %dot_general3A_696, %dot_general3A_721, %dot_general3A_746, %dot_general3A_771, %dot_general3A_796, %dot_general3A_821 in 1 : vector<170x64xf32>, vector<170x64xf32>, vector<170x64xf32>, vector<170x64xf32>, vector<170x64xf32>, vector<170x64xf32>, vector<170x64xf32>, vector<170x64xf32> -> vector<170x512xf32>
    %slice3A_823 = vector.extract_strided_slice %add3A_23 {offsets = [680, 0], sizes = [170, 64], strides = [1, 1]} : vector<1360x1536xf32> to vector<170x64xf32>
    %slice3A_824 = vector.extract_strided_slice %add3A_23 {offsets = [680, 512], sizes = [170, 64], strides = [1, 1]} : vector<1360x1536xf32> to vector<170x64xf32>
    %slice3A_825 = vector.extract_strided_slice %add3A_23 {offsets = [680, 1024], sizes = [170, 64], strides = [1, 1]} : vector<1360x1536xf32> to vector<170x64xf32>
    %convert_element_type3A_826 = arith.truncf %slice3A_823 : vector<170x64xf32> to vector<170x64xbf16>
    %convert_element_type3A_827 = arith.truncf %slice3A_824 : vector<170x64xf32> to vector<170x64xbf16>
    %dot_general3A_828 = arith.constant dense<0.000000e+00> : vector<170x170xf32>
    %dot_general3A_829 = tpu.matmul %convert_element_type3A_826, %convert_element_type3A_827, %dot_general3A_828 {dimension_numbers = #tpu.dot_dimension_numbers<[1], [1], [0], [0], [0, 0, 1, 0], [], []>, transpose_lhs_hint = false} : vector<170x64xbf16>, vector<170x64xbf16>, vector<170x170xf32> -> vector<170x170xf32>
    %mul3A_830 = arith.constant 1.250000e-01 : f32
    %mul3A_831 = vector.broadcast %mul3A_830 : f32 to vector<170x170xf32>
    %mul3A_832 = arith.mulf %dot_general3A_829, %mul3A_831 : vector<170x170xf32>
    %reduce_max3A_833 = arith.constant dense<0xFF800000> : vector<170xf32>
    %reduce_max3A_834 = vector.multi_reduction <maximumf>, %mul3A_832, %reduce_max3A_833 [1] : vector<170x170xf32> to vector<170xf32>
    %broadcast_in_dim3A_835 = vector.shape_cast %reduce_max3A_834 : vector<170xf32> to vector<170x1xf32>
    %sub3A_836 = vector.broadcast %broadcast_in_dim3A_835 : vector<170x1xf32> to vector<170x170xf32>
    %sub3A_837 = arith.subf %mul3A_832, %sub3A_836 : vector<170x170xf32>
    %exp3A_838 = math.exp %sub3A_837 : vector<170x170xf32>
    %reduce_sum3A_839 = arith.constant dense<0.000000e+00> : vector<170xf32>
    %reduce_sum3A_840 = vector.multi_reduction <add>, %exp3A_838, %reduce_sum3A_839 [1] : vector<170x170xf32> to vector<170xf32>
    %broadcast_in_dim3A_841 = vector.shape_cast %reduce_sum3A_840 : vector<170xf32> to vector<170x1xf32>
    %div3A_842 = vector.broadcast %broadcast_in_dim3A_841 : vector<170x1xf32> to vector<170x170xf32>
    %div3A_843 = arith.divf %exp3A_838, %div3A_842 : vector<170x170xf32>
    %convert_element_type3A_844 = arith.truncf %div3A_843 : vector<170x170xf32> to vector<170x170xbf16>
    %convert_element_type3A_845 = arith.truncf %slice3A_825 : vector<170x64xf32> to vector<170x64xbf16>
    %dot_general3A_846 = arith.constant dense<0.000000e+00> : vector<170x64xf32>
    %dot_general3A_847 = tpu.matmul %convert_element_type3A_844, %convert_element_type3A_845, %dot_general3A_846 {dimension_numbers = #tpu.dot_dimension_numbers<[1], [0], [0], [1], [0, 0, 1, 1], [], []>, transpose_lhs_hint = false} : vector<170x170xbf16>, vector<170x64xbf16>, vector<170x64xf32> -> vector<170x64xf32>
    %slice3A_848 = vector.extract_strided_slice %add3A_23 {offsets = [680, 64], sizes = [170, 64], strides = [1, 1]} : vector<1360x1536xf32> to vector<170x64xf32>
    %slice3A_849 = vector.extract_strided_slice %add3A_23 {offsets = [680, 576], sizes = [170, 64], strides = [1, 1]} : vector<1360x1536xf32> to vector<170x64xf32>
    %slice3A_850 = vector.extract_strided_slice %add3A_23 {offsets = [680, 1088], sizes = [170, 64], strides = [1, 1]} : vector<1360x1536xf32> to vector<170x64xf32>
    %convert_element_type3A_851 = arith.truncf %slice3A_848 : vector<170x64xf32> to vector<170x64xbf16>
    %convert_element_type3A_852 = arith.truncf %slice3A_849 : vector<170x64xf32> to vector<170x64xbf16>
    %dot_general3A_853 = arith.constant dense<0.000000e+00> : vector<170x170xf32>
    %dot_general3A_854 = tpu.matmul %convert_element_type3A_851, %convert_element_type3A_852, %dot_general3A_853 {dimension_numbers = #tpu.dot_dimension_numbers<[1], [1], [0], [0], [0, 0, 1, 0], [], []>, transpose_lhs_hint = false} : vector<170x64xbf16>, vector<170x64xbf16>, vector<170x170xf32> -> vector<170x170xf32>
    %mul3A_855 = arith.constant 1.250000e-01 : f32
    %mul3A_856 = vector.broadcast %mul3A_855 : f32 to vector<170x170xf32>
    %mul3A_857 = arith.mulf %dot_general3A_854, %mul3A_856 : vector<170x170xf32>
    %reduce_max3A_858 = arith.constant dense<0xFF800000> : vector<170xf32>
    %reduce_max3A_859 = vector.multi_reduction <maximumf>, %mul3A_857, %reduce_max3A_858 [1] : vector<170x170xf32> to vector<170xf32>
    %broadcast_in_dim3A_860 = vector.shape_cast %reduce_max3A_859 : vector<170xf32> to vector<170x1xf32>
    %sub3A_861 = vector.broadcast %broadcast_in_dim3A_860 : vector<170x1xf32> to vector<170x170xf32>
    %sub3A_862 = arith.subf %mul3A_857, %sub3A_861 : vector<170x170xf32>
    %exp3A_863 = math.exp %sub3A_862 : vector<170x170xf32>
    %reduce_sum3A_864 = arith.constant dense<0.000000e+00> : vector<170xf32>
    %reduce_sum3A_865 = vector.multi_reduction <add>, %exp3A_863, %reduce_sum3A_864 [1] : vector<170x170xf32> to vector<170xf32>
    %broadcast_in_dim3A_866 = vector.shape_cast %reduce_sum3A_865 : vector<170xf32> to vector<170x1xf32>
    %div3A_867 = vector.broadcast %broadcast_in_dim3A_866 : vector<170x1xf32> to vector<170x170xf32>
    %div3A_868 = arith.divf %exp3A_863, %div3A_867 : vector<170x170xf32>
    %convert_element_type3A_869 = arith.truncf %div3A_868 : vector<170x170xf32> to vector<170x170xbf16>
    %convert_element_type3A_870 = arith.truncf %slice3A_850 : vector<170x64xf32> to vector<170x64xbf16>
    %dot_general3A_871 = arith.constant dense<0.000000e+00> : vector<170x64xf32>
    %dot_general3A_872 = tpu.matmul %convert_element_type3A_869, %convert_element_type3A_870, %dot_general3A_871 {dimension_numbers = #tpu.dot_dimension_numbers<[1], [0], [0], [1], [0, 0, 1, 1], [], []>, transpose_lhs_hint = false} : vector<170x170xbf16>, vector<170x64xbf16>, vector<170x64xf32> -> vector<170x64xf32>
    %slice3A_873 = vector.extract_strided_slice %add3A_23 {offsets = [680, 128], sizes = [170, 64], strides = [1, 1]} : vector<1360x1536xf32> to vector<170x64xf32>
    %slice3A_874 = vector.extract_strided_slice %add3A_23 {offsets = [680, 640], sizes = [170, 64], strides = [1, 1]} : vector<1360x1536xf32> to vector<170x64xf32>
    %slice3A_875 = vector.extract_strided_slice %add3A_23 {offsets = [680, 1152], sizes = [170, 64], strides = [1, 1]} : vector<1360x1536xf32> to vector<170x64xf32>
    %convert_element_type3A_876 = arith.truncf %slice3A_873 : vector<170x64xf32> to vector<170x64xbf16>
    %convert_element_type3A_877 = arith.truncf %slice3A_874 : vector<170x64xf32> to vector<170x64xbf16>
    %dot_general3A_878 = arith.constant dense<0.000000e+00> : vector<170x170xf32>
    %dot_general3A_879 = tpu.matmul %convert_element_type3A_876, %convert_element_type3A_877, %dot_general3A_878 {dimension_numbers = #tpu.dot_dimension_numbers<[1], [1], [0], [0], [0, 0, 1, 0], [], []>, transpose_lhs_hint = false} : vector<170x64xbf16>, vector<170x64xbf16>, vector<170x170xf32> -> vector<170x170xf32>
    %mul3A_880 = arith.constant 1.250000e-01 : f32
    %mul3A_881 = vector.broadcast %mul3A_880 : f32 to vector<170x170xf32>
    %mul3A_882 = arith.mulf %dot_general3A_879, %mul3A_881 : vector<170x170xf32>
    %reduce_max3A_883 = arith.constant dense<0xFF800000> : vector<170xf32>
    %reduce_max3A_884 = vector.multi_reduction <maximumf>, %mul3A_882, %reduce_max3A_883 [1] : vector<170x170xf32> to vector<170xf32>
    %broadcast_in_dim3A_885 = vector.shape_cast %reduce_max3A_884 : vector<170xf32> to vector<170x1xf32>
    %sub3A_886 = vector.broadcast %broadcast_in_dim3A_885 : vector<170x1xf32> to vector<170x170xf32>
    %sub3A_887 = arith.subf %mul3A_882, %sub3A_886 : vector<170x170xf32>
    %exp3A_888 = math.exp %sub3A_887 : vector<170x170xf32>
    %reduce_sum3A_889 = arith.constant dense<0.000000e+00> : vector<170xf32>
    %reduce_sum3A_890 = vector.multi_reduction <add>, %exp3A_888, %reduce_sum3A_889 [1] : vector<170x170xf32> to vector<170xf32>
    %broadcast_in_dim3A_891 = vector.shape_cast %reduce_sum3A_890 : vector<170xf32> to vector<170x1xf32>
    %div3A_892 = vector.broadcast %broadcast_in_dim3A_891 : vector<170x1xf32> to vector<170x170xf32>
    %div3A_893 = arith.divf %exp3A_888, %div3A_892 : vector<170x170xf32>
    %convert_element_type3A_894 = arith.truncf %div3A_893 : vector<170x170xf32> to vector<170x170xbf16>
    %convert_element_type3A_895 = arith.truncf %slice3A_875 : vector<170x64xf32> to vector<170x64xbf16>
    %dot_general3A_896 = arith.constant dense<0.000000e+00> : vector<170x64xf32>
    %dot_general3A_897 = tpu.matmul %convert_element_type3A_894, %convert_element_type3A_895, %dot_general3A_896 {dimension_numbers = #tpu.dot_dimension_numbers<[1], [0], [0], [1], [0, 0, 1, 1], [], []>, transpose_lhs_hint = false} : vector<170x170xbf16>, vector<170x64xbf16>, vector<170x64xf32> -> vector<170x64xf32>
    %slice3A_898 = vector.extract_strided_slice %add3A_23 {offsets = [680, 192], sizes = [170, 64], strides = [1, 1]} : vector<1360x1536xf32> to vector<170x64xf32>
    %slice3A_899 = vector.extract_strided_slice %add3A_23 {offsets = [680, 704], sizes = [170, 64], strides = [1, 1]} : vector<1360x1536xf32> to vector<170x64xf32>
    %slice3A_900 = vector.extract_strided_slice %add3A_23 {offsets = [680, 1216], sizes = [170, 64], strides = [1, 1]} : vector<1360x1536xf32> to vector<170x64xf32>
    %convert_element_type3A_901 = arith.truncf %slice3A_898 : vector<170x64xf32> to vector<170x64xbf16>
    %convert_element_type3A_902 = arith.truncf %slice3A_899 : vector<170x64xf32> to vector<170x64xbf16>
    %dot_general3A_903 = arith.constant dense<0.000000e+00> : vector<170x170xf32>
    %dot_general3A_904 = tpu.matmul %convert_element_type3A_901, %convert_element_type3A_902, %dot_general3A_903 {dimension_numbers = #tpu.dot_dimension_numbers<[1], [1], [0], [0], [0, 0, 1, 0], [], []>, transpose_lhs_hint = false} : vector<170x64xbf16>, vector<170x64xbf16>, vector<170x170xf32> -> vector<170x170xf32>
    %mul3A_905 = arith.constant 1.250000e-01 : f32
    %mul3A_906 = vector.broadcast %mul3A_905 : f32 to vector<170x170xf32>
    %mul3A_907 = arith.mulf %dot_general3A_904, %mul3A_906 : vector<170x170xf32>
    %reduce_max3A_908 = arith.constant dense<0xFF800000> : vector<170xf32>
    %reduce_max3A_909 = vector.multi_reduction <maximumf>, %mul3A_907, %reduce_max3A_908 [1] : vector<170x170xf32> to vector<170xf32>
    %broadcast_in_dim3A_910 = vector.shape_cast %reduce_max3A_909 : vector<170xf32> to vector<170x1xf32>
    %sub3A_911 = vector.broadcast %broadcast_in_dim3A_910 : vector<170x1xf32> to vector<170x170xf32>
    %sub3A_912 = arith.subf %mul3A_907, %sub3A_911 : vector<170x170xf32>
    %exp3A_913 = math.exp %sub3A_912 : vector<170x170xf32>
    %reduce_sum3A_914 = arith.constant dense<0.000000e+00> : vector<170xf32>
    %reduce_sum3A_915 = vector.multi_reduction <add>, %exp3A_913, %reduce_sum3A_914 [1] : vector<170x170xf32> to vector<170xf32>
    %broadcast_in_dim3A_916 = vector.shape_cast %reduce_sum3A_915 : vector<170xf32> to vector<170x1xf32>
    %div3A_917 = vector.broadcast %broadcast_in_dim3A_916 : vector<170x1xf32> to vector<170x170xf32>
    %div3A_918 = arith.divf %exp3A_913, %div3A_917 : vector<170x170xf32>
    %convert_element_type3A_919 = arith.truncf %div3A_918 : vector<170x170xf32> to vector<170x170xbf16>
    %convert_element_type3A_920 = arith.truncf %slice3A_900 : vector<170x64xf32> to vector<170x64xbf16>
    %dot_general3A_921 = arith.constant dense<0.000000e+00> : vector<170x64xf32>
    %dot_general3A_922 = tpu.matmul %convert_element_type3A_919, %convert_element_type3A_920, %dot_general3A_921 {dimension_numbers = #tpu.dot_dimension_numbers<[1], [0], [0], [1], [0, 0, 1, 1], [], []>, transpose_lhs_hint = false} : vector<170x170xbf16>, vector<170x64xbf16>, vector<170x64xf32> -> vector<170x64xf32>
    %slice3A_923 = vector.extract_strided_slice %add3A_23 {offsets = [680, 256], sizes = [170, 64], strides = [1, 1]} : vector<1360x1536xf32> to vector<170x64xf32>
    %slice3A_924 = vector.extract_strided_slice %add3A_23 {offsets = [680, 768], sizes = [170, 64], strides = [1, 1]} : vector<1360x1536xf32> to vector<170x64xf32>
    %slice3A_925 = vector.extract_strided_slice %add3A_23 {offsets = [680, 1280], sizes = [170, 64], strides = [1, 1]} : vector<1360x1536xf32> to vector<170x64xf32>
    %convert_element_type3A_926 = arith.truncf %slice3A_923 : vector<170x64xf32> to vector<170x64xbf16>
    %convert_element_type3A_927 = arith.truncf %slice3A_924 : vector<170x64xf32> to vector<170x64xbf16>
    %dot_general3A_928 = arith.constant dense<0.000000e+00> : vector<170x170xf32>
    %dot_general3A_929 = tpu.matmul %convert_element_type3A_926, %convert_element_type3A_927, %dot_general3A_928 {dimension_numbers = #tpu.dot_dimension_numbers<[1], [1], [0], [0], [0, 0, 1, 0], [], []>, transpose_lhs_hint = false} : vector<170x64xbf16>, vector<170x64xbf16>, vector<170x170xf32> -> vector<170x170xf32>
    %mul3A_930 = arith.constant 1.250000e-01 : f32
    %mul3A_931 = vector.broadcast %mul3A_930 : f32 to vector<170x170xf32>
    %mul3A_932 = arith.mulf %dot_general3A_929, %mul3A_931 : vector<170x170xf32>
    %reduce_max3A_933 = arith.constant dense<0xFF800000> : vector<170xf32>
    %reduce_max3A_934 = vector.multi_reduction <maximumf>, %mul3A_932, %reduce_max3A_933 [1] : vector<170x170xf32> to vector<170xf32>
    %broadcast_in_dim3A_935 = vector.shape_cast %reduce_max3A_934 : vector<170xf32> to vector<170x1xf32>
    %sub3A_936 = vector.broadcast %broadcast_in_dim3A_935 : vector<170x1xf32> to vector<170x170xf32>
    %sub3A_937 = arith.subf %mul3A_932, %sub3A_936 : vector<170x170xf32>
    %exp3A_938 = math.exp %sub3A_937 : vector<170x170xf32>
    %reduce_sum3A_939 = arith.constant dense<0.000000e+00> : vector<170xf32>
    %reduce_sum3A_940 = vector.multi_reduction <add>, %exp3A_938, %reduce_sum3A_939 [1] : vector<170x170xf32> to vector<170xf32>
    %broadcast_in_dim3A_941 = vector.shape_cast %reduce_sum3A_940 : vector<170xf32> to vector<170x1xf32>
    %div3A_942 = vector.broadcast %broadcast_in_dim3A_941 : vector<170x1xf32> to vector<170x170xf32>
    %div3A_943 = arith.divf %exp3A_938, %div3A_942 : vector<170x170xf32>
    %convert_element_type3A_944 = arith.truncf %div3A_943 : vector<170x170xf32> to vector<170x170xbf16>
    %convert_element_type3A_945 = arith.truncf %slice3A_925 : vector<170x64xf32> to vector<170x64xbf16>
    %dot_general3A_946 = arith.constant dense<0.000000e+00> : vector<170x64xf32>
    %dot_general3A_947 = tpu.matmul %convert_element_type3A_944, %convert_element_type3A_945, %dot_general3A_946 {dimension_numbers = #tpu.dot_dimension_numbers<[1], [0], [0], [1], [0, 0, 1, 1], [], []>, transpose_lhs_hint = false} : vector<170x170xbf16>, vector<170x64xbf16>, vector<170x64xf32> -> vector<170x64xf32>
    %slice3A_948 = vector.extract_strided_slice %add3A_23 {offsets = [680, 320], sizes = [170, 64], strides = [1, 1]} : vector<1360x1536xf32> to vector<170x64xf32>
    %slice3A_949 = vector.extract_strided_slice %add3A_23 {offsets = [680, 832], sizes = [170, 64], strides = [1, 1]} : vector<1360x1536xf32> to vector<170x64xf32>
    %slice3A_950 = vector.extract_strided_slice %add3A_23 {offsets = [680, 1344], sizes = [170, 64], strides = [1, 1]} : vector<1360x1536xf32> to vector<170x64xf32>
    %convert_element_type3A_951 = arith.truncf %slice3A_948 : vector<170x64xf32> to vector<170x64xbf16>
    %convert_element_type3A_952 = arith.truncf %slice3A_949 : vector<170x64xf32> to vector<170x64xbf16>
    %dot_general3A_953 = arith.constant dense<0.000000e+00> : vector<170x170xf32>
    %dot_general3A_954 = tpu.matmul %convert_element_type3A_951, %convert_element_type3A_952, %dot_general3A_953 {dimension_numbers = #tpu.dot_dimension_numbers<[1], [1], [0], [0], [0, 0, 1, 0], [], []>, transpose_lhs_hint = false} : vector<170x64xbf16>, vector<170x64xbf16>, vector<170x170xf32> -> vector<170x170xf32>
    %mul3A_955 = arith.constant 1.250000e-01 : f32
    %mul3A_956 = vector.broadcast %mul3A_955 : f32 to vector<170x170xf32>
    %mul3A_957 = arith.mulf %dot_general3A_954, %mul3A_956 : vector<170x170xf32>
    %reduce_max3A_958 = arith.constant dense<0xFF800000> : vector<170xf32>
    %reduce_max3A_959 = vector.multi_reduction <maximumf>, %mul3A_957, %reduce_max3A_958 [1] : vector<170x170xf32> to vector<170xf32>
    %broadcast_in_dim3A_960 = vector.shape_cast %reduce_max3A_959 : vector<170xf32> to vector<170x1xf32>
    %sub3A_961 = vector.broadcast %broadcast_in_dim3A_960 : vector<170x1xf32> to vector<170x170xf32>
    %sub3A_962 = arith.subf %mul3A_957, %sub3A_961 : vector<170x170xf32>
    %exp3A_963 = math.exp %sub3A_962 : vector<170x170xf32>
    %reduce_sum3A_964 = arith.constant dense<0.000000e+00> : vector<170xf32>
    %reduce_sum3A_965 = vector.multi_reduction <add>, %exp3A_963, %reduce_sum3A_964 [1] : vector<170x170xf32> to vector<170xf32>
    %broadcast_in_dim3A_966 = vector.shape_cast %reduce_sum3A_965 : vector<170xf32> to vector<170x1xf32>
    %div3A_967 = vector.broadcast %broadcast_in_dim3A_966 : vector<170x1xf32> to vector<170x170xf32>
    %div3A_968 = arith.divf %exp3A_963, %div3A_967 : vector<170x170xf32>
    %convert_element_type3A_969 = arith.truncf %div3A_968 : vector<170x170xf32> to vector<170x170xbf16>
    %convert_element_type3A_970 = arith.truncf %slice3A_950 : vector<170x64xf32> to vector<170x64xbf16>
    %dot_general3A_971 = arith.constant dense<0.000000e+00> : vector<170x64xf32>
    %dot_general3A_972 = tpu.matmul %convert_element_type3A_969, %convert_element_type3A_970, %dot_general3A_971 {dimension_numbers = #tpu.dot_dimension_numbers<[1], [0], [0], [1], [0, 0, 1, 1], [], []>, transpose_lhs_hint = false} : vector<170x170xbf16>, vector<170x64xbf16>, vector<170x64xf32> -> vector<170x64xf32>
    %slice3A_973 = vector.extract_strided_slice %add3A_23 {offsets = [680, 384], sizes = [170, 64], strides = [1, 1]} : vector<1360x1536xf32> to vector<170x64xf32>
    %slice3A_974 = vector.extract_strided_slice %add3A_23 {offsets = [680, 896], sizes = [170, 64], strides = [1, 1]} : vector<1360x1536xf32> to vector<170x64xf32>
    %slice3A_975 = vector.extract_strided_slice %add3A_23 {offsets = [680, 1408], sizes = [170, 64], strides = [1, 1]} : vector<1360x1536xf32> to vector<170x64xf32>
    %convert_element_type3A_976 = arith.truncf %slice3A_973 : vector<170x64xf32> to vector<170x64xbf16>
    %convert_element_type3A_977 = arith.truncf %slice3A_974 : vector<170x64xf32> to vector<170x64xbf16>
    %dot_general3A_978 = arith.constant dense<0.000000e+00> : vector<170x170xf32>
    %dot_general3A_979 = tpu.matmul %convert_element_type3A_976, %convert_element_type3A_977, %dot_general3A_978 {dimension_numbers = #tpu.dot_dimension_numbers<[1], [1], [0], [0], [0, 0, 1, 0], [], []>, transpose_lhs_hint = false} : vector<170x64xbf16>, vector<170x64xbf16>, vector<170x170xf32> -> vector<170x170xf32>
    %mul3A_980 = arith.constant 1.250000e-01 : f32
    %mul3A_981 = vector.broadcast %mul3A_980 : f32 to vector<170x170xf32>
    %mul3A_982 = arith.mulf %dot_general3A_979, %mul3A_981 : vector<170x170xf32>
    %reduce_max3A_983 = arith.constant dense<0xFF800000> : vector<170xf32>
    %reduce_max3A_984 = vector.multi_reduction <maximumf>, %mul3A_982, %reduce_max3A_983 [1] : vector<170x170xf32> to vector<170xf32>
    %broadcast_in_dim3A_985 = vector.shape_cast %reduce_max3A_984 : vector<170xf32> to vector<170x1xf32>
    %sub3A_986 = vector.broadcast %broadcast_in_dim3A_985 : vector<170x1xf32> to vector<170x170xf32>
    %sub3A_987 = arith.subf %mul3A_982, %sub3A_986 : vector<170x170xf32>
    %exp3A_988 = math.exp %sub3A_987 : vector<170x170xf32>
    %reduce_sum3A_989 = arith.constant dense<0.000000e+00> : vector<170xf32>
    %reduce_sum3A_990 = vector.multi_reduction <add>, %exp3A_988, %reduce_sum3A_989 [1] : vector<170x170xf32> to vector<170xf32>
    %broadcast_in_dim3A_991 = vector.shape_cast %reduce_sum3A_990 : vector<170xf32> to vector<170x1xf32>
    %div3A_992 = vector.broadcast %broadcast_in_dim3A_991 : vector<170x1xf32> to vector<170x170xf32>
    %div3A_993 = arith.divf %exp3A_988, %div3A_992 : vector<170x170xf32>
    %convert_element_type3A_994 = arith.truncf %div3A_993 : vector<170x170xf32> to vector<170x170xbf16>
    %convert_element_type3A_995 = arith.truncf %slice3A_975 : vector<170x64xf32> to vector<170x64xbf16>
    %dot_general3A_996 = arith.constant dense<0.000000e+00> : vector<170x64xf32>
    %dot_general3A_997 = tpu.matmul %convert_element_type3A_994, %convert_element_type3A_995, %dot_general3A_996 {dimension_numbers = #tpu.dot_dimension_numbers<[1], [0], [0], [1], [0, 0, 1, 1], [], []>, transpose_lhs_hint = false} : vector<170x170xbf16>, vector<170x64xbf16>, vector<170x64xf32> -> vector<170x64xf32>
    %slice3A_998 = vector.extract_strided_slice %add3A_23 {offsets = [680, 448], sizes = [170, 64], strides = [1, 1]} : vector<1360x1536xf32> to vector<170x64xf32>
    %slice3A_999 = vector.extract_strided_slice %add3A_23 {offsets = [680, 960], sizes = [170, 64], strides = [1, 1]} : vector<1360x1536xf32> to vector<170x64xf32>
    %slice3A_1000 = vector.extract_strided_slice %add3A_23 {offsets = [680, 1472], sizes = [170, 64], strides = [1, 1]} : vector<1360x1536xf32> to vector<170x64xf32>
    %convert_element_type3A_1001 = arith.truncf %slice3A_998 : vector<170x64xf32> to vector<170x64xbf16>
    %convert_element_type3A_1002 = arith.truncf %slice3A_999 : vector<170x64xf32> to vector<170x64xbf16>
    %dot_general3A_1003 = arith.constant dense<0.000000e+00> : vector<170x170xf32>
    %dot_general3A_1004 = tpu.matmul %convert_element_type3A_1001, %convert_element_type3A_1002, %dot_general3A_1003 {dimension_numbers = #tpu.dot_dimension_numbers<[1], [1], [0], [0], [0, 0, 1, 0], [], []>, transpose_lhs_hint = false} : vector<170x64xbf16>, vector<170x64xbf16>, vector<170x170xf32> -> vector<170x170xf32>
    %mul3A_1005 = arith.constant 1.250000e-01 : f32
    %mul3A_1006 = vector.broadcast %mul3A_1005 : f32 to vector<170x170xf32>
    %mul3A_1007 = arith.mulf %dot_general3A_1004, %mul3A_1006 : vector<170x170xf32>
    %reduce_max3A_1008 = arith.constant dense<0xFF800000> : vector<170xf32>
    %reduce_max3A_1009 = vector.multi_reduction <maximumf>, %mul3A_1007, %reduce_max3A_1008 [1] : vector<170x170xf32> to vector<170xf32>
    %broadcast_in_dim3A_1010 = vector.shape_cast %reduce_max3A_1009 : vector<170xf32> to vector<170x1xf32>
    %sub3A_1011 = vector.broadcast %broadcast_in_dim3A_1010 : vector<170x1xf32> to vector<170x170xf32>
    %sub3A_1012 = arith.subf %mul3A_1007, %sub3A_1011 : vector<170x170xf32>
    %exp3A_1013 = math.exp %sub3A_1012 : vector<170x170xf32>
    %reduce_sum3A_1014 = arith.constant dense<0.000000e+00> : vector<170xf32>
    %reduce_sum3A_1015 = vector.multi_reduction <add>, %exp3A_1013, %reduce_sum3A_1014 [1] : vector<170x170xf32> to vector<170xf32>
    %broadcast_in_dim3A_1016 = vector.shape_cast %reduce_sum3A_1015 : vector<170xf32> to vector<170x1xf32>
    %div3A_1017 = vector.broadcast %broadcast_in_dim3A_1016 : vector<170x1xf32> to vector<170x170xf32>
    %div3A_1018 = arith.divf %exp3A_1013, %div3A_1017 : vector<170x170xf32>
    %convert_element_type3A_1019 = arith.truncf %div3A_1018 : vector<170x170xf32> to vector<170x170xbf16>
    %convert_element_type3A_1020 = arith.truncf %slice3A_1000 : vector<170x64xf32> to vector<170x64xbf16>
    %dot_general3A_1021 = arith.constant dense<0.000000e+00> : vector<170x64xf32>
    %dot_general3A_1022 = tpu.matmul %convert_element_type3A_1019, %convert_element_type3A_1020, %dot_general3A_1021 {dimension_numbers = #tpu.dot_dimension_numbers<[1], [0], [0], [1], [0, 0, 1, 1], [], []>, transpose_lhs_hint = false} : vector<170x170xbf16>, vector<170x64xbf16>, vector<170x64xf32> -> vector<170x64xf32>
    %concatenate3A_1023 = tpu.concatenate %dot_general3A_847, %dot_general3A_872, %dot_general3A_897, %dot_general3A_922, %dot_general3A_947, %dot_general3A_972, %dot_general3A_997, %dot_general3A_1022 in 1 : vector<170x64xf32>, vector<170x64xf32>, vector<170x64xf32>, vector<170x64xf32>, vector<170x64xf32>, vector<170x64xf32>, vector<170x64xf32>, vector<170x64xf32> -> vector<170x512xf32>
    %slice3A_1024 = vector.extract_strided_slice %add3A_23 {offsets = [850, 0], sizes = [170, 64], strides = [1, 1]} : vector<1360x1536xf32> to vector<170x64xf32>
    %slice3A_1025 = vector.extract_strided_slice %add3A_23 {offsets = [850, 512], sizes = [170, 64], strides = [1, 1]} : vector<1360x1536xf32> to vector<170x64xf32>
    %slice3A_1026 = vector.extract_strided_slice %add3A_23 {offsets = [850, 1024], sizes = [170, 64], strides = [1, 1]} : vector<1360x1536xf32> to vector<170x64xf32>
    %convert_element_type3A_1027 = arith.truncf %slice3A_1024 : vector<170x64xf32> to vector<170x64xbf16>
    %convert_element_type3A_1028 = arith.truncf %slice3A_1025 : vector<170x64xf32> to vector<170x64xbf16>
    %dot_general3A_1029 = arith.constant dense<0.000000e+00> : vector<170x170xf32>
    %dot_general3A_1030 = tpu.matmul %convert_element_type3A_1027, %convert_element_type3A_1028, %dot_general3A_1029 {dimension_numbers = #tpu.dot_dimension_numbers<[1], [1], [0], [0], [0, 0, 1, 0], [], []>, transpose_lhs_hint = false} : vector<170x64xbf16>, vector<170x64xbf16>, vector<170x170xf32> -> vector<170x170xf32>
    %mul3A_1031 = arith.constant 1.250000e-01 : f32
    %mul3A_1032 = vector.broadcast %mul3A_1031 : f32 to vector<170x170xf32>
    %mul3A_1033 = arith.mulf %dot_general3A_1030, %mul3A_1032 : vector<170x170xf32>
    %reduce_max3A_1034 = arith.constant dense<0xFF800000> : vector<170xf32>
    %reduce_max3A_1035 = vector.multi_reduction <maximumf>, %mul3A_1033, %reduce_max3A_1034 [1] : vector<170x170xf32> to vector<170xf32>
    %broadcast_in_dim3A_1036 = vector.shape_cast %reduce_max3A_1035 : vector<170xf32> to vector<170x1xf32>
    %sub3A_1037 = vector.broadcast %broadcast_in_dim3A_1036 : vector<170x1xf32> to vector<170x170xf32>
    %sub3A_1038 = arith.subf %mul3A_1033, %sub3A_1037 : vector<170x170xf32>
    %exp3A_1039 = math.exp %sub3A_1038 : vector<170x170xf32>
    %reduce_sum3A_1040 = arith.constant dense<0.000000e+00> : vector<170xf32>
    %reduce_sum3A_1041 = vector.multi_reduction <add>, %exp3A_1039, %reduce_sum3A_1040 [1] : vector<170x170xf32> to vector<170xf32>
    %broadcast_in_dim3A_1042 = vector.shape_cast %reduce_sum3A_1041 : vector<170xf32> to vector<170x1xf32>
    %div3A_1043 = vector.broadcast %broadcast_in_dim3A_1042 : vector<170x1xf32> to vector<170x170xf32>
    %div3A_1044 = arith.divf %exp3A_1039, %div3A_1043 : vector<170x170xf32>
    %convert_element_type3A_1045 = arith.truncf %div3A_1044 : vector<170x170xf32> to vector<170x170xbf16>
    %convert_element_type3A_1046 = arith.truncf %slice3A_1026 : vector<170x64xf32> to vector<170x64xbf16>
    %dot_general3A_1047 = arith.constant dense<0.000000e+00> : vector<170x64xf32>
    %dot_general3A_1048 = tpu.matmul %convert_element_type3A_1045, %convert_element_type3A_1046, %dot_general3A_1047 {dimension_numbers = #tpu.dot_dimension_numbers<[1], [0], [0], [1], [0, 0, 1, 1], [], []>, transpose_lhs_hint = false} : vector<170x170xbf16>, vector<170x64xbf16>, vector<170x64xf32> -> vector<170x64xf32>
    %slice3A_1049 = vector.extract_strided_slice %add3A_23 {offsets = [850, 64], sizes = [170, 64], strides = [1, 1]} : vector<1360x1536xf32> to vector<170x64xf32>
    %slice3A_1050 = vector.extract_strided_slice %add3A_23 {offsets = [850, 576], sizes = [170, 64], strides = [1, 1]} : vector<1360x1536xf32> to vector<170x64xf32>
    %slice3A_1051 = vector.extract_strided_slice %add3A_23 {offsets = [850, 1088], sizes = [170, 64], strides = [1, 1]} : vector<1360x1536xf32> to vector<170x64xf32>
    %convert_element_type3A_1052 = arith.truncf %slice3A_1049 : vector<170x64xf32> to vector<170x64xbf16>
    %convert_element_type3A_1053 = arith.truncf %slice3A_1050 : vector<170x64xf32> to vector<170x64xbf16>
    %dot_general3A_1054 = arith.constant dense<0.000000e+00> : vector<170x170xf32>
    %dot_general3A_1055 = tpu.matmul %convert_element_type3A_1052, %convert_element_type3A_1053, %dot_general3A_1054 {dimension_numbers = #tpu.dot_dimension_numbers<[1], [1], [0], [0], [0, 0, 1, 0], [], []>, transpose_lhs_hint = false} : vector<170x64xbf16>, vector<170x64xbf16>, vector<170x170xf32> -> vector<170x170xf32>
    %mul3A_1056 = arith.constant 1.250000e-01 : f32
    %mul3A_1057 = vector.broadcast %mul3A_1056 : f32 to vector<170x170xf32>
    %mul3A_1058 = arith.mulf %dot_general3A_1055, %mul3A_1057 : vector<170x170xf32>
    %reduce_max3A_1059 = arith.constant dense<0xFF800000> : vector<170xf32>
    %reduce_max3A_1060 = vector.multi_reduction <maximumf>, %mul3A_1058, %reduce_max3A_1059 [1] : vector<170x170xf32> to vector<170xf32>
    %broadcast_in_dim3A_1061 = vector.shape_cast %reduce_max3A_1060 : vector<170xf32> to vector<170x1xf32>
    %sub3A_1062 = vector.broadcast %broadcast_in_dim3A_1061 : vector<170x1xf32> to vector<170x170xf32>
    %sub3A_1063 = arith.subf %mul3A_1058, %sub3A_1062 : vector<170x170xf32>
    %exp3A_1064 = math.exp %sub3A_1063 : vector<170x170xf32>
    %reduce_sum3A_1065 = arith.constant dense<0.000000e+00> : vector<170xf32>
    %reduce_sum3A_1066 = vector.multi_reduction <add>, %exp3A_1064, %reduce_sum3A_1065 [1] : vector<170x170xf32> to vector<170xf32>
    %broadcast_in_dim3A_1067 = vector.shape_cast %reduce_sum3A_1066 : vector<170xf32> to vector<170x1xf32>
    %div3A_1068 = vector.broadcast %broadcast_in_dim3A_1067 : vector<170x1xf32> to vector<170x170xf32>
    %div3A_1069 = arith.divf %exp3A_1064, %div3A_1068 : vector<170x170xf32>
    %convert_element_type3A_1070 = arith.truncf %div3A_1069 : vector<170x170xf32> to vector<170x170xbf16>
    %convert_element_type3A_1071 = arith.truncf %slice3A_1051 : vector<170x64xf32> to vector<170x64xbf16>
    %dot_general3A_1072 = arith.constant dense<0.000000e+00> : vector<170x64xf32>
    %dot_general3A_1073 = tpu.matmul %convert_element_type3A_1070, %convert_element_type3A_1071, %dot_general3A_1072 {dimension_numbers = #tpu.dot_dimension_numbers<[1], [0], [0], [1], [0, 0, 1, 1], [], []>, transpose_lhs_hint = false} : vector<170x170xbf16>, vector<170x64xbf16>, vector<170x64xf32> -> vector<170x64xf32>
    %slice3A_1074 = vector.extract_strided_slice %add3A_23 {offsets = [850, 128], sizes = [170, 64], strides = [1, 1]} : vector<1360x1536xf32> to vector<170x64xf32>
    %slice3A_1075 = vector.extract_strided_slice %add3A_23 {offsets = [850, 640], sizes = [170, 64], strides = [1, 1]} : vector<1360x1536xf32> to vector<170x64xf32>
    %slice3A_1076 = vector.extract_strided_slice %add3A_23 {offsets = [850, 1152], sizes = [170, 64], strides = [1, 1]} : vector<1360x1536xf32> to vector<170x64xf32>
    %convert_element_type3A_1077 = arith.truncf %slice3A_1074 : vector<170x64xf32> to vector<170x64xbf16>
    %convert_element_type3A_1078 = arith.truncf %slice3A_1075 : vector<170x64xf32> to vector<170x64xbf16>
    %dot_general3A_1079 = arith.constant dense<0.000000e+00> : vector<170x170xf32>
    %dot_general3A_1080 = tpu.matmul %convert_element_type3A_1077, %convert_element_type3A_1078, %dot_general3A_1079 {dimension_numbers = #tpu.dot_dimension_numbers<[1], [1], [0], [0], [0, 0, 1, 0], [], []>, transpose_lhs_hint = false} : vector<170x64xbf16>, vector<170x64xbf16>, vector<170x170xf32> -> vector<170x170xf32>
    %mul3A_1081 = arith.constant 1.250000e-01 : f32
    %mul3A_1082 = vector.broadcast %mul3A_1081 : f32 to vector<170x170xf32>
    %mul3A_1083 = arith.mulf %dot_general3A_1080, %mul3A_1082 : vector<170x170xf32>
    %reduce_max3A_1084 = arith.constant dense<0xFF800000> : vector<170xf32>
    %reduce_max3A_1085 = vector.multi_reduction <maximumf>, %mul3A_1083, %reduce_max3A_1084 [1] : vector<170x170xf32> to vector<170xf32>
    %broadcast_in_dim3A_1086 = vector.shape_cast %reduce_max3A_1085 : vector<170xf32> to vector<170x1xf32>
    %sub3A_1087 = vector.broadcast %broadcast_in_dim3A_1086 : vector<170x1xf32> to vector<170x170xf32>
    %sub3A_1088 = arith.subf %mul3A_1083, %sub3A_1087 : vector<170x170xf32>
    %exp3A_1089 = math.exp %sub3A_1088 : vector<170x170xf32>
    %reduce_sum3A_1090 = arith.constant dense<0.000000e+00> : vector<170xf32>
    %reduce_sum3A_1091 = vector.multi_reduction <add>, %exp3A_1089, %reduce_sum3A_1090 [1] : vector<170x170xf32> to vector<170xf32>
    %broadcast_in_dim3A_1092 = vector.shape_cast %reduce_sum3A_1091 : vector<170xf32> to vector<170x1xf32>
    %div3A_1093 = vector.broadcast %broadcast_in_dim3A_1092 : vector<170x1xf32> to vector<170x170xf32>
    %div3A_1094 = arith.divf %exp3A_1089, %div3A_1093 : vector<170x170xf32>
    %convert_element_type3A_1095 = arith.truncf %div3A_1094 : vector<170x170xf32> to vector<170x170xbf16>
    %convert_element_type3A_1096 = arith.truncf %slice3A_1076 : vector<170x64xf32> to vector<170x64xbf16>
    %dot_general3A_1097 = arith.constant dense<0.000000e+00> : vector<170x64xf32>
    %dot_general3A_1098 = tpu.matmul %convert_element_type3A_1095, %convert_element_type3A_1096, %dot_general3A_1097 {dimension_numbers = #tpu.dot_dimension_numbers<[1], [0], [0], [1], [0, 0, 1, 1], [], []>, transpose_lhs_hint = false} : vector<170x170xbf16>, vector<170x64xbf16>, vector<170x64xf32> -> vector<170x64xf32>
    %slice3A_1099 = vector.extract_strided_slice %add3A_23 {offsets = [850, 192], sizes = [170, 64], strides = [1, 1]} : vector<1360x1536xf32> to vector<170x64xf32>
    %slice3A_1100 = vector.extract_strided_slice %add3A_23 {offsets = [850, 704], sizes = [170, 64], strides = [1, 1]} : vector<1360x1536xf32> to vector<170x64xf32>
    %slice3A_1101 = vector.extract_strided_slice %add3A_23 {offsets = [850, 1216], sizes = [170, 64], strides = [1, 1]} : vector<1360x1536xf32> to vector<170x64xf32>
    %convert_element_type3A_1102 = arith.truncf %slice3A_1099 : vector<170x64xf32> to vector<170x64xbf16>
    %convert_element_type3A_1103 = arith.truncf %slice3A_1100 : vector<170x64xf32> to vector<170x64xbf16>
    %dot_general3A_1104 = arith.constant dense<0.000000e+00> : vector<170x170xf32>
    %dot_general3A_1105 = tpu.matmul %convert_element_type3A_1102, %convert_element_type3A_1103, %dot_general3A_1104 {dimension_numbers = #tpu.dot_dimension_numbers<[1], [1], [0], [0], [0, 0, 1, 0], [], []>, transpose_lhs_hint = false} : vector<170x64xbf16>, vector<170x64xbf16>, vector<170x170xf32> -> vector<170x170xf32>
    %mul3A_1106 = arith.constant 1.250000e-01 : f32
    %mul3A_1107 = vector.broadcast %mul3A_1106 : f32 to vector<170x170xf32>
    %mul3A_1108 = arith.mulf %dot_general3A_1105, %mul3A_1107 : vector<170x170xf32>
    %reduce_max3A_1109 = arith.constant dense<0xFF800000> : vector<170xf32>
    %reduce_max3A_1110 = vector.multi_reduction <maximumf>, %mul3A_1108, %reduce_max3A_1109 [1] : vector<170x170xf32> to vector<170xf32>
    %broadcast_in_dim3A_1111 = vector.shape_cast %reduce_max3A_1110 : vector<170xf32> to vector<170x1xf32>
    %sub3A_1112 = vector.broadcast %broadcast_in_dim3A_1111 : vector<170x1xf32> to vector<170x170xf32>
    %sub3A_1113 = arith.subf %mul3A_1108, %sub3A_1112 : vector<170x170xf32>
    %exp3A_1114 = math.exp %sub3A_1113 : vector<170x170xf32>
    %reduce_sum3A_1115 = arith.constant dense<0.000000e+00> : vector<170xf32>
    %reduce_sum3A_1116 = vector.multi_reduction <add>, %exp3A_1114, %reduce_sum3A_1115 [1] : vector<170x170xf32> to vector<170xf32>
    %broadcast_in_dim3A_1117 = vector.shape_cast %reduce_sum3A_1116 : vector<170xf32> to vector<170x1xf32>
    %div3A_1118 = vector.broadcast %broadcast_in_dim3A_1117 : vector<170x1xf32> to vector<170x170xf32>
    %div3A_1119 = arith.divf %exp3A_1114, %div3A_1118 : vector<170x170xf32>
    %convert_element_type3A_1120 = arith.truncf %div3A_1119 : vector<170x170xf32> to vector<170x170xbf16>
    %convert_element_type3A_1121 = arith.truncf %slice3A_1101 : vector<170x64xf32> to vector<170x64xbf16>
    %dot_general3A_1122 = arith.constant dense<0.000000e+00> : vector<170x64xf32>
    %dot_general3A_1123 = tpu.matmul %convert_element_type3A_1120, %convert_element_type3A_1121, %dot_general3A_1122 {dimension_numbers = #tpu.dot_dimension_numbers<[1], [0], [0], [1], [0, 0, 1, 1], [], []>, transpose_lhs_hint = false} : vector<170x170xbf16>, vector<170x64xbf16>, vector<170x64xf32> -> vector<170x64xf32>
    %slice3A_1124 = vector.extract_strided_slice %add3A_23 {offsets = [850, 256], sizes = [170, 64], strides = [1, 1]} : vector<1360x1536xf32> to vector<170x64xf32>
    %slice3A_1125 = vector.extract_strided_slice %add3A_23 {offsets = [850, 768], sizes = [170, 64], strides = [1, 1]} : vector<1360x1536xf32> to vector<170x64xf32>
    %slice3A_1126 = vector.extract_strided_slice %add3A_23 {offsets = [850, 1280], sizes = [170, 64], strides = [1, 1]} : vector<1360x1536xf32> to vector<170x64xf32>
    %convert_element_type3A_1127 = arith.truncf %slice3A_1124 : vector<170x64xf32> to vector<170x64xbf16>
    %convert_element_type3A_1128 = arith.truncf %slice3A_1125 : vector<170x64xf32> to vector<170x64xbf16>
    %dot_general3A_1129 = arith.constant dense<0.000000e+00> : vector<170x170xf32>
    %dot_general3A_1130 = tpu.matmul %convert_element_type3A_1127, %convert_element_type3A_1128, %dot_general3A_1129 {dimension_numbers = #tpu.dot_dimension_numbers<[1], [1], [0], [0], [0, 0, 1, 0], [], []>, transpose_lhs_hint = false} : vector<170x64xbf16>, vector<170x64xbf16>, vector<170x170xf32> -> vector<170x170xf32>
    %mul3A_1131 = arith.constant 1.250000e-01 : f32
    %mul3A_1132 = vector.broadcast %mul3A_1131 : f32 to vector<170x170xf32>
    %mul3A_1133 = arith.mulf %dot_general3A_1130, %mul3A_1132 : vector<170x170xf32>
    %reduce_max3A_1134 = arith.constant dense<0xFF800000> : vector<170xf32>
    %reduce_max3A_1135 = vector.multi_reduction <maximumf>, %mul3A_1133, %reduce_max3A_1134 [1] : vector<170x170xf32> to vector<170xf32>
    %broadcast_in_dim3A_1136 = vector.shape_cast %reduce_max3A_1135 : vector<170xf32> to vector<170x1xf32>
    %sub3A_1137 = vector.broadcast %broadcast_in_dim3A_1136 : vector<170x1xf32> to vector<170x170xf32>
    %sub3A_1138 = arith.subf %mul3A_1133, %sub3A_1137 : vector<170x170xf32>
    %exp3A_1139 = math.exp %sub3A_1138 : vector<170x170xf32>
    %reduce_sum3A_1140 = arith.constant dense<0.000000e+00> : vector<170xf32>
    %reduce_sum3A_1141 = vector.multi_reduction <add>, %exp3A_1139, %reduce_sum3A_1140 [1] : vector<170x170xf32> to vector<170xf32>
    %broadcast_in_dim3A_1142 = vector.shape_cast %reduce_sum3A_1141 : vector<170xf32> to vector<170x1xf32>
    %div3A_1143 = vector.broadcast %broadcast_in_dim3A_1142 : vector<170x1xf32> to vector<170x170xf32>
    %div3A_1144 = arith.divf %exp3A_1139, %div3A_1143 : vector<170x170xf32>
    %convert_element_type3A_1145 = arith.truncf %div3A_1144 : vector<170x170xf32> to vector<170x170xbf16>
    %convert_element_type3A_1146 = arith.truncf %slice3A_1126 : vector<170x64xf32> to vector<170x64xbf16>
    %dot_general3A_1147 = arith.constant dense<0.000000e+00> : vector<170x64xf32>
    %dot_general3A_1148 = tpu.matmul %convert_element_type3A_1145, %convert_element_type3A_1146, %dot_general3A_1147 {dimension_numbers = #tpu.dot_dimension_numbers<[1], [0], [0], [1], [0, 0, 1, 1], [], []>, transpose_lhs_hint = false} : vector<170x170xbf16>, vector<170x64xbf16>, vector<170x64xf32> -> vector<170x64xf32>
    %slice3A_1149 = vector.extract_strided_slice %add3A_23 {offsets = [850, 320], sizes = [170, 64], strides = [1, 1]} : vector<1360x1536xf32> to vector<170x64xf32>
    %slice3A_1150 = vector.extract_strided_slice %add3A_23 {offsets = [850, 832], sizes = [170, 64], strides = [1, 1]} : vector<1360x1536xf32> to vector<170x64xf32>
    %slice3A_1151 = vector.extract_strided_slice %add3A_23 {offsets = [850, 1344], sizes = [170, 64], strides = [1, 1]} : vector<1360x1536xf32> to vector<170x64xf32>
    %convert_element_type3A_1152 = arith.truncf %slice3A_1149 : vector<170x64xf32> to vector<170x64xbf16>
    %convert_element_type3A_1153 = arith.truncf %slice3A_1150 : vector<170x64xf32> to vector<170x64xbf16>
    %dot_general3A_1154 = arith.constant dense<0.000000e+00> : vector<170x170xf32>
    %dot_general3A_1155 = tpu.matmul %convert_element_type3A_1152, %convert_element_type3A_1153, %dot_general3A_1154 {dimension_numbers = #tpu.dot_dimension_numbers<[1], [1], [0], [0], [0, 0, 1, 0], [], []>, transpose_lhs_hint = false} : vector<170x64xbf16>, vector<170x64xbf16>, vector<170x170xf32> -> vector<170x170xf32>
    %mul3A_1156 = arith.constant 1.250000e-01 : f32
    %mul3A_1157 = vector.broadcast %mul3A_1156 : f32 to vector<170x170xf32>
    %mul3A_1158 = arith.mulf %dot_general3A_1155, %mul3A_1157 : vector<170x170xf32>
    %reduce_max3A_1159 = arith.constant dense<0xFF800000> : vector<170xf32>
    %reduce_max3A_1160 = vector.multi_reduction <maximumf>, %mul3A_1158, %reduce_max3A_1159 [1] : vector<170x170xf32> to vector<170xf32>
    %broadcast_in_dim3A_1161 = vector.shape_cast %reduce_max3A_1160 : vector<170xf32> to vector<170x1xf32>
    %sub3A_1162 = vector.broadcast %broadcast_in_dim3A_1161 : vector<170x1xf32> to vector<170x170xf32>
    %sub3A_1163 = arith.subf %mul3A_1158, %sub3A_1162 : vector<170x170xf32>
    %exp3A_1164 = math.exp %sub3A_1163 : vector<170x170xf32>
    %reduce_sum3A_1165 = arith.constant dense<0.000000e+00> : vector<170xf32>
    %reduce_sum3A_1166 = vector.multi_reduction <add>, %exp3A_1164, %reduce_sum3A_1165 [1] : vector<170x170xf32> to vector<170xf32>
    %broadcast_in_dim3A_1167 = vector.shape_cast %reduce_sum3A_1166 : vector<170xf32> to vector<170x1xf32>
    %div3A_1168 = vector.broadcast %broadcast_in_dim3A_1167 : vector<170x1xf32> to vector<170x170xf32>
    %div3A_1169 = arith.divf %exp3A_1164, %div3A_1168 : vector<170x170xf32>
    %convert_element_type3A_1170 = arith.truncf %div3A_1169 : vector<170x170xf32> to vector<170x170xbf16>
    %convert_element_type3A_1171 = arith.truncf %slice3A_1151 : vector<170x64xf32> to vector<170x64xbf16>
    %dot_general3A_1172 = arith.constant dense<0.000000e+00> : vector<170x64xf32>
    %dot_general3A_1173 = tpu.matmul %convert_element_type3A_1170, %convert_element_type3A_1171, %dot_general3A_1172 {dimension_numbers = #tpu.dot_dimension_numbers<[1], [0], [0], [1], [0, 0, 1, 1], [], []>, transpose_lhs_hint = false} : vector<170x170xbf16>, vector<170x64xbf16>, vector<170x64xf32> -> vector<170x64xf32>
    %slice3A_1174 = vector.extract_strided_slice %add3A_23 {offsets = [850, 384], sizes = [170, 64], strides = [1, 1]} : vector<1360x1536xf32> to vector<170x64xf32>
    %slice3A_1175 = vector.extract_strided_slice %add3A_23 {offsets = [850, 896], sizes = [170, 64], strides = [1, 1]} : vector<1360x1536xf32> to vector<170x64xf32>
    %slice3A_1176 = vector.extract_strided_slice %add3A_23 {offsets = [850, 1408], sizes = [170, 64], strides = [1, 1]} : vector<1360x1536xf32> to vector<170x64xf32>
    %convert_element_type3A_1177 = arith.truncf %slice3A_1174 : vector<170x64xf32> to vector<170x64xbf16>
    %convert_element_type3A_1178 = arith.truncf %slice3A_1175 : vector<170x64xf32> to vector<170x64xbf16>
    %dot_general3A_1179 = arith.constant dense<0.000000e+00> : vector<170x170xf32>
    %dot_general3A_1180 = tpu.matmul %convert_element_type3A_1177, %convert_element_type3A_1178, %dot_general3A_1179 {dimension_numbers = #tpu.dot_dimension_numbers<[1], [1], [0], [0], [0, 0, 1, 0], [], []>, transpose_lhs_hint = false} : vector<170x64xbf16>, vector<170x64xbf16>, vector<170x170xf32> -> vector<170x170xf32>
    %mul3A_1181 = arith.constant 1.250000e-01 : f32
    %mul3A_1182 = vector.broadcast %mul3A_1181 : f32 to vector<170x170xf32>
    %mul3A_1183 = arith.mulf %dot_general3A_1180, %mul3A_1182 : vector<170x170xf32>
    %reduce_max3A_1184 = arith.constant dense<0xFF800000> : vector<170xf32>
    %reduce_max3A_1185 = vector.multi_reduction <maximumf>, %mul3A_1183, %reduce_max3A_1184 [1] : vector<170x170xf32> to vector<170xf32>
    %broadcast_in_dim3A_1186 = vector.shape_cast %reduce_max3A_1185 : vector<170xf32> to vector<170x1xf32>
    %sub3A_1187 = vector.broadcast %broadcast_in_dim3A_1186 : vector<170x1xf32> to vector<170x170xf32>
    %sub3A_1188 = arith.subf %mul3A_1183, %sub3A_1187 : vector<170x170xf32>
    %exp3A_1189 = math.exp %sub3A_1188 : vector<170x170xf32>
    %reduce_sum3A_1190 = arith.constant dense<0.000000e+00> : vector<170xf32>
    %reduce_sum3A_1191 = vector.multi_reduction <add>, %exp3A_1189, %reduce_sum3A_1190 [1] : vector<170x170xf32> to vector<170xf32>
    %broadcast_in_dim3A_1192 = vector.shape_cast %reduce_sum3A_1191 : vector<170xf32> to vector<170x1xf32>
    %div3A_1193 = vector.broadcast %broadcast_in_dim3A_1192 : vector<170x1xf32> to vector<170x170xf32>
    %div3A_1194 = arith.divf %exp3A_1189, %div3A_1193 : vector<170x170xf32>
    %convert_element_type3A_1195 = arith.truncf %div3A_1194 : vector<170x170xf32> to vector<170x170xbf16>
    %convert_element_type3A_1196 = arith.truncf %slice3A_1176 : vector<170x64xf32> to vector<170x64xbf16>
    %dot_general3A_1197 = arith.constant dense<0.000000e+00> : vector<170x64xf32>
    %dot_general3A_1198 = tpu.matmul %convert_element_type3A_1195, %convert_element_type3A_1196, %dot_general3A_1197 {dimension_numbers = #tpu.dot_dimension_numbers<[1], [0], [0], [1], [0, 0, 1, 1], [], []>, transpose_lhs_hint = false} : vector<170x170xbf16>, vector<170x64xbf16>, vector<170x64xf32> -> vector<170x64xf32>
    %slice3A_1199 = vector.extract_strided_slice %add3A_23 {offsets = [850, 448], sizes = [170, 64], strides = [1, 1]} : vector<1360x1536xf32> to vector<170x64xf32>
    %slice3A_1200 = vector.extract_strided_slice %add3A_23 {offsets = [850, 960], sizes = [170, 64], strides = [1, 1]} : vector<1360x1536xf32> to vector<170x64xf32>
    %slice3A_1201 = vector.extract_strided_slice %add3A_23 {offsets = [850, 1472], sizes = [170, 64], strides = [1, 1]} : vector<1360x1536xf32> to vector<170x64xf32>
    %convert_element_type3A_1202 = arith.truncf %slice3A_1199 : vector<170x64xf32> to vector<170x64xbf16>
    %convert_element_type3A_1203 = arith.truncf %slice3A_1200 : vector<170x64xf32> to vector<170x64xbf16>
    %dot_general3A_1204 = arith.constant dense<0.000000e+00> : vector<170x170xf32>
    %dot_general3A_1205 = tpu.matmul %convert_element_type3A_1202, %convert_element_type3A_1203, %dot_general3A_1204 {dimension_numbers = #tpu.dot_dimension_numbers<[1], [1], [0], [0], [0, 0, 1, 0], [], []>, transpose_lhs_hint = false} : vector<170x64xbf16>, vector<170x64xbf16>, vector<170x170xf32> -> vector<170x170xf32>
    %mul3A_1206 = arith.constant 1.250000e-01 : f32
    %mul3A_1207 = vector.broadcast %mul3A_1206 : f32 to vector<170x170xf32>
    %mul3A_1208 = arith.mulf %dot_general3A_1205, %mul3A_1207 : vector<170x170xf32>
    %reduce_max3A_1209 = arith.constant dense<0xFF800000> : vector<170xf32>
    %reduce_max3A_1210 = vector.multi_reduction <maximumf>, %mul3A_1208, %reduce_max3A_1209 [1] : vector<170x170xf32> to vector<170xf32>
    %broadcast_in_dim3A_1211 = vector.shape_cast %reduce_max3A_1210 : vector<170xf32> to vector<170x1xf32>
    %sub3A_1212 = vector.broadcast %broadcast_in_dim3A_1211 : vector<170x1xf32> to vector<170x170xf32>
    %sub3A_1213 = arith.subf %mul3A_1208, %sub3A_1212 : vector<170x170xf32>
    %exp3A_1214 = math.exp %sub3A_1213 : vector<170x170xf32>
    %reduce_sum3A_1215 = arith.constant dense<0.000000e+00> : vector<170xf32>
    %reduce_sum3A_1216 = vector.multi_reduction <add>, %exp3A_1214, %reduce_sum3A_1215 [1] : vector<170x170xf32> to vector<170xf32>
    %broadcast_in_dim3A_1217 = vector.shape_cast %reduce_sum3A_1216 : vector<170xf32> to vector<170x1xf32>
    %div3A_1218 = vector.broadcast %broadcast_in_dim3A_1217 : vector<170x1xf32> to vector<170x170xf32>
    %div3A_1219 = arith.divf %exp3A_1214, %div3A_1218 : vector<170x170xf32>
    %convert_element_type3A_1220 = arith.truncf %div3A_1219 : vector<170x170xf32> to vector<170x170xbf16>
    %convert_element_type3A_1221 = arith.truncf %slice3A_1201 : vector<170x64xf32> to vector<170x64xbf16>
    %dot_general3A_1222 = arith.constant dense<0.000000e+00> : vector<170x64xf32>
    %dot_general3A_1223 = tpu.matmul %convert_element_type3A_1220, %convert_element_type3A_1221, %dot_general3A_1222 {dimension_numbers = #tpu.dot_dimension_numbers<[1], [0], [0], [1], [0, 0, 1, 1], [], []>, transpose_lhs_hint = false} : vector<170x170xbf16>, vector<170x64xbf16>, vector<170x64xf32> -> vector<170x64xf32>
    %concatenate3A_1224 = tpu.concatenate %dot_general3A_1048, %dot_general3A_1073, %dot_general3A_1098, %dot_general3A_1123, %dot_general3A_1148, %dot_general3A_1173, %dot_general3A_1198, %dot_general3A_1223 in 1 : vector<170x64xf32>, vector<170x64xf32>, vector<170x64xf32>, vector<170x64xf32>, vector<170x64xf32>, vector<170x64xf32>, vector<170x64xf32>, vector<170x64xf32> -> vector<170x512xf32>
    %slice3A_1225 = vector.extract_strided_slice %add3A_23 {offsets = [1020, 0], sizes = [170, 64], strides = [1, 1]} : vector<1360x1536xf32> to vector<170x64xf32>
    %slice3A_1226 = vector.extract_strided_slice %add3A_23 {offsets = [1020, 512], sizes = [170, 64], strides = [1, 1]} : vector<1360x1536xf32> to vector<170x64xf32>
    %slice3A_1227 = vector.extract_strided_slice %add3A_23 {offsets = [1020, 1024], sizes = [170, 64], strides = [1, 1]} : vector<1360x1536xf32> to vector<170x64xf32>
    %convert_element_type3A_1228 = arith.truncf %slice3A_1225 : vector<170x64xf32> to vector<170x64xbf16>
    %convert_element_type3A_1229 = arith.truncf %slice3A_1226 : vector<170x64xf32> to vector<170x64xbf16>
    %dot_general3A_1230 = arith.constant dense<0.000000e+00> : vector<170x170xf32>
    %dot_general3A_1231 = tpu.matmul %convert_element_type3A_1228, %convert_element_type3A_1229, %dot_general3A_1230 {dimension_numbers = #tpu.dot_dimension_numbers<[1], [1], [0], [0], [0, 0, 1, 0], [], []>, transpose_lhs_hint = false} : vector<170x64xbf16>, vector<170x64xbf16>, vector<170x170xf32> -> vector<170x170xf32>
    %mul3A_1232 = arith.constant 1.250000e-01 : f32
    %mul3A_1233 = vector.broadcast %mul3A_1232 : f32 to vector<170x170xf32>
    %mul3A_1234 = arith.mulf %dot_general3A_1231, %mul3A_1233 : vector<170x170xf32>
    %reduce_max3A_1235 = arith.constant dense<0xFF800000> : vector<170xf32>
    %reduce_max3A_1236 = vector.multi_reduction <maximumf>, %mul3A_1234, %reduce_max3A_1235 [1] : vector<170x170xf32> to vector<170xf32>
    %broadcast_in_dim3A_1237 = vector.shape_cast %reduce_max3A_1236 : vector<170xf32> to vector<170x1xf32>
    %sub3A_1238 = vector.broadcast %broadcast_in_dim3A_1237 : vector<170x1xf32> to vector<170x170xf32>
    %sub3A_1239 = arith.subf %mul3A_1234, %sub3A_1238 : vector<170x170xf32>
    %exp3A_1240 = math.exp %sub3A_1239 : vector<170x170xf32>
    %reduce_sum3A_1241 = arith.constant dense<0.000000e+00> : vector<170xf32>
    %reduce_sum3A_1242 = vector.multi_reduction <add>, %exp3A_1240, %reduce_sum3A_1241 [1] : vector<170x170xf32> to vector<170xf32>
    %broadcast_in_dim3A_1243 = vector.shape_cast %reduce_sum3A_1242 : vector<170xf32> to vector<170x1xf32>
    %div3A_1244 = vector.broadcast %broadcast_in_dim3A_1243 : vector<170x1xf32> to vector<170x170xf32>
    %div3A_1245 = arith.divf %exp3A_1240, %div3A_1244 : vector<170x170xf32>
    %convert_element_type3A_1246 = arith.truncf %div3A_1245 : vector<170x170xf32> to vector<170x170xbf16>
    %convert_element_type3A_1247 = arith.truncf %slice3A_1227 : vector<170x64xf32> to vector<170x64xbf16>
    %dot_general3A_1248 = arith.constant dense<0.000000e+00> : vector<170x64xf32>
    %dot_general3A_1249 = tpu.matmul %convert_element_type3A_1246, %convert_element_type3A_1247, %dot_general3A_1248 {dimension_numbers = #tpu.dot_dimension_numbers<[1], [0], [0], [1], [0, 0, 1, 1], [], []>, transpose_lhs_hint = false} : vector<170x170xbf16>, vector<170x64xbf16>, vector<170x64xf32> -> vector<170x64xf32>
    %slice3A_1250 = vector.extract_strided_slice %add3A_23 {offsets = [1020, 64], sizes = [170, 64], strides = [1, 1]} : vector<1360x1536xf32> to vector<170x64xf32>
    %slice3A_1251 = vector.extract_strided_slice %add3A_23 {offsets = [1020, 576], sizes = [170, 64], strides = [1, 1]} : vector<1360x1536xf32> to vector<170x64xf32>
    %slice3A_1252 = vector.extract_strided_slice %add3A_23 {offsets = [1020, 1088], sizes = [170, 64], strides = [1, 1]} : vector<1360x1536xf32> to vector<170x64xf32>
    %convert_element_type3A_1253 = arith.truncf %slice3A_1250 : vector<170x64xf32> to vector<170x64xbf16>
    %convert_element_type3A_1254 = arith.truncf %slice3A_1251 : vector<170x64xf32> to vector<170x64xbf16>
    %dot_general3A_1255 = arith.constant dense<0.000000e+00> : vector<170x170xf32>
    %dot_general3A_1256 = tpu.matmul %convert_element_type3A_1253, %convert_element_type3A_1254, %dot_general3A_1255 {dimension_numbers = #tpu.dot_dimension_numbers<[1], [1], [0], [0], [0, 0, 1, 0], [], []>, transpose_lhs_hint = false} : vector<170x64xbf16>, vector<170x64xbf16>, vector<170x170xf32> -> vector<170x170xf32>
    %mul3A_1257 = arith.constant 1.250000e-01 : f32
    %mul3A_1258 = vector.broadcast %mul3A_1257 : f32 to vector<170x170xf32>
    %mul3A_1259 = arith.mulf %dot_general3A_1256, %mul3A_1258 : vector<170x170xf32>
    %reduce_max3A_1260 = arith.constant dense<0xFF800000> : vector<170xf32>
    %reduce_max3A_1261 = vector.multi_reduction <maximumf>, %mul3A_1259, %reduce_max3A_1260 [1] : vector<170x170xf32> to vector<170xf32>
    %broadcast_in_dim3A_1262 = vector.shape_cast %reduce_max3A_1261 : vector<170xf32> to vector<170x1xf32>
    %sub3A_1263 = vector.broadcast %broadcast_in_dim3A_1262 : vector<170x1xf32> to vector<170x170xf32>
    %sub3A_1264 = arith.subf %mul3A_1259, %sub3A_1263 : vector<170x170xf32>
    %exp3A_1265 = math.exp %sub3A_1264 : vector<170x170xf32>
    %reduce_sum3A_1266 = arith.constant dense<0.000000e+00> : vector<170xf32>
    %reduce_sum3A_1267 = vector.multi_reduction <add>, %exp3A_1265, %reduce_sum3A_1266 [1] : vector<170x170xf32> to vector<170xf32>
    %broadcast_in_dim3A_1268 = vector.shape_cast %reduce_sum3A_1267 : vector<170xf32> to vector<170x1xf32>
    %div3A_1269 = vector.broadcast %broadcast_in_dim3A_1268 : vector<170x1xf32> to vector<170x170xf32>
    %div3A_1270 = arith.divf %exp3A_1265, %div3A_1269 : vector<170x170xf32>
    %convert_element_type3A_1271 = arith.truncf %div3A_1270 : vector<170x170xf32> to vector<170x170xbf16>
    %convert_element_type3A_1272 = arith.truncf %slice3A_1252 : vector<170x64xf32> to vector<170x64xbf16>
    %dot_general3A_1273 = arith.constant dense<0.000000e+00> : vector<170x64xf32>
    %dot_general3A_1274 = tpu.matmul %convert_element_type3A_1271, %convert_element_type3A_1272, %dot_general3A_1273 {dimension_numbers = #tpu.dot_dimension_numbers<[1], [0], [0], [1], [0, 0, 1, 1], [], []>, transpose_lhs_hint = false} : vector<170x170xbf16>, vector<170x64xbf16>, vector<170x64xf32> -> vector<170x64xf32>
    %slice3A_1275 = vector.extract_strided_slice %add3A_23 {offsets = [1020, 128], sizes = [170, 64], strides = [1, 1]} : vector<1360x1536xf32> to vector<170x64xf32>
    %slice3A_1276 = vector.extract_strided_slice %add3A_23 {offsets = [1020, 640], sizes = [170, 64], strides = [1, 1]} : vector<1360x1536xf32> to vector<170x64xf32>
    %slice3A_1277 = vector.extract_strided_slice %add3A_23 {offsets = [1020, 1152], sizes = [170, 64], strides = [1, 1]} : vector<1360x1536xf32> to vector<170x64xf32>
    %convert_element_type3A_1278 = arith.truncf %slice3A_1275 : vector<170x64xf32> to vector<170x64xbf16>
    %convert_element_type3A_1279 = arith.truncf %slice3A_1276 : vector<170x64xf32> to vector<170x64xbf16>
    %dot_general3A_1280 = arith.constant dense<0.000000e+00> : vector<170x170xf32>
    %dot_general3A_1281 = tpu.matmul %convert_element_type3A_1278, %convert_element_type3A_1279, %dot_general3A_1280 {dimension_numbers = #tpu.dot_dimension_numbers<[1], [1], [0], [0], [0, 0, 1, 0], [], []>, transpose_lhs_hint = false} : vector<170x64xbf16>, vector<170x64xbf16>, vector<170x170xf32> -> vector<170x170xf32>
    %mul3A_1282 = arith.constant 1.250000e-01 : f32
    %mul3A_1283 = vector.broadcast %mul3A_1282 : f32 to vector<170x170xf32>
    %mul3A_1284 = arith.mulf %dot_general3A_1281, %mul3A_1283 : vector<170x170xf32>
    %reduce_max3A_1285 = arith.constant dense<0xFF800000> : vector<170xf32>
    %reduce_max3A_1286 = vector.multi_reduction <maximumf>, %mul3A_1284, %reduce_max3A_1285 [1] : vector<170x170xf32> to vector<170xf32>
    %broadcast_in_dim3A_1287 = vector.shape_cast %reduce_max3A_1286 : vector<170xf32> to vector<170x1xf32>
    %sub3A_1288 = vector.broadcast %broadcast_in_dim3A_1287 : vector<170x1xf32> to vector<170x170xf32>
    %sub3A_1289 = arith.subf %mul3A_1284, %sub3A_1288 : vector<170x170xf32>
    %exp3A_1290 = math.exp %sub3A_1289 : vector<170x170xf32>
    %reduce_sum3A_1291 = arith.constant dense<0.000000e+00> : vector<170xf32>
    %reduce_sum3A_1292 = vector.multi_reduction <add>, %exp3A_1290, %reduce_sum3A_1291 [1] : vector<170x170xf32> to vector<170xf32>
    %broadcast_in_dim3A_1293 = vector.shape_cast %reduce_sum3A_1292 : vector<170xf32> to vector<170x1xf32>
    %div3A_1294 = vector.broadcast %broadcast_in_dim3A_1293 : vector<170x1xf32> to vector<170x170xf32>
    %div3A_1295 = arith.divf %exp3A_1290, %div3A_1294 : vector<170x170xf32>
    %convert_element_type3A_1296 = arith.truncf %div3A_1295 : vector<170x170xf32> to vector<170x170xbf16>
    %convert_element_type3A_1297 = arith.truncf %slice3A_1277 : vector<170x64xf32> to vector<170x64xbf16>
    %dot_general3A_1298 = arith.constant dense<0.000000e+00> : vector<170x64xf32>
    %dot_general3A_1299 = tpu.matmul %convert_element_type3A_1296, %convert_element_type3A_1297, %dot_general3A_1298 {dimension_numbers = #tpu.dot_dimension_numbers<[1], [0], [0], [1], [0, 0, 1, 1], [], []>, transpose_lhs_hint = false} : vector<170x170xbf16>, vector<170x64xbf16>, vector<170x64xf32> -> vector<170x64xf32>
    %slice3A_1300 = vector.extract_strided_slice %add3A_23 {offsets = [1020, 192], sizes = [170, 64], strides = [1, 1]} : vector<1360x1536xf32> to vector<170x64xf32>
    %slice3A_1301 = vector.extract_strided_slice %add3A_23 {offsets = [1020, 704], sizes = [170, 64], strides = [1, 1]} : vector<1360x1536xf32> to vector<170x64xf32>
    %slice3A_1302 = vector.extract_strided_slice %add3A_23 {offsets = [1020, 1216], sizes = [170, 64], strides = [1, 1]} : vector<1360x1536xf32> to vector<170x64xf32>
    %convert_element_type3A_1303 = arith.truncf %slice3A_1300 : vector<170x64xf32> to vector<170x64xbf16>
    %convert_element_type3A_1304 = arith.truncf %slice3A_1301 : vector<170x64xf32> to vector<170x64xbf16>
    %dot_general3A_1305 = arith.constant dense<0.000000e+00> : vector<170x170xf32>
    %dot_general3A_1306 = tpu.matmul %convert_element_type3A_1303, %convert_element_type3A_1304, %dot_general3A_1305 {dimension_numbers = #tpu.dot_dimension_numbers<[1], [1], [0], [0], [0, 0, 1, 0], [], []>, transpose_lhs_hint = false} : vector<170x64xbf16>, vector<170x64xbf16>, vector<170x170xf32> -> vector<170x170xf32>
    %mul3A_1307 = arith.constant 1.250000e-01 : f32
    %mul3A_1308 = vector.broadcast %mul3A_1307 : f32 to vector<170x170xf32>
    %mul3A_1309 = arith.mulf %dot_general3A_1306, %mul3A_1308 : vector<170x170xf32>
    %reduce_max3A_1310 = arith.constant dense<0xFF800000> : vector<170xf32>
    %reduce_max3A_1311 = vector.multi_reduction <maximumf>, %mul3A_1309, %reduce_max3A_1310 [1] : vector<170x170xf32> to vector<170xf32>
    %broadcast_in_dim3A_1312 = vector.shape_cast %reduce_max3A_1311 : vector<170xf32> to vector<170x1xf32>
    %sub3A_1313 = vector.broadcast %broadcast_in_dim3A_1312 : vector<170x1xf32> to vector<170x170xf32>
    %sub3A_1314 = arith.subf %mul3A_1309, %sub3A_1313 : vector<170x170xf32>
    %exp3A_1315 = math.exp %sub3A_1314 : vector<170x170xf32>
    %reduce_sum3A_1316 = arith.constant dense<0.000000e+00> : vector<170xf32>
    %reduce_sum3A_1317 = vector.multi_reduction <add>, %exp3A_1315, %reduce_sum3A_1316 [1] : vector<170x170xf32> to vector<170xf32>
    %broadcast_in_dim3A_1318 = vector.shape_cast %reduce_sum3A_1317 : vector<170xf32> to vector<170x1xf32>
    %div3A_1319 = vector.broadcast %broadcast_in_dim3A_1318 : vector<170x1xf32> to vector<170x170xf32>
    %div3A_1320 = arith.divf %exp3A_1315, %div3A_1319 : vector<170x170xf32>
    %convert_element_type3A_1321 = arith.truncf %div3A_1320 : vector<170x170xf32> to vector<170x170xbf16>
    %convert_element_type3A_1322 = arith.truncf %slice3A_1302 : vector<170x64xf32> to vector<170x64xbf16>
    %dot_general3A_1323 = arith.constant dense<0.000000e+00> : vector<170x64xf32>
    %dot_general3A_1324 = tpu.matmul %convert_element_type3A_1321, %convert_element_type3A_1322, %dot_general3A_1323 {dimension_numbers = #tpu.dot_dimension_numbers<[1], [0], [0], [1], [0, 0, 1, 1], [], []>, transpose_lhs_hint = false} : vector<170x170xbf16>, vector<170x64xbf16>, vector<170x64xf32> -> vector<170x64xf32>
    %slice3A_1325 = vector.extract_strided_slice %add3A_23 {offsets = [1020, 256], sizes = [170, 64], strides = [1, 1]} : vector<1360x1536xf32> to vector<170x64xf32>
    %slice3A_1326 = vector.extract_strided_slice %add3A_23 {offsets = [1020, 768], sizes = [170, 64], strides = [1, 1]} : vector<1360x1536xf32> to vector<170x64xf32>
    %slice3A_1327 = vector.extract_strided_slice %add3A_23 {offsets = [1020, 1280], sizes = [170, 64], strides = [1, 1]} : vector<1360x1536xf32> to vector<170x64xf32>
    %convert_element_type3A_1328 = arith.truncf %slice3A_1325 : vector<170x64xf32> to vector<170x64xbf16>
    %convert_element_type3A_1329 = arith.truncf %slice3A_1326 : vector<170x64xf32> to vector<170x64xbf16>
    %dot_general3A_1330 = arith.constant dense<0.000000e+00> : vector<170x170xf32>
    %dot_general3A_1331 = tpu.matmul %convert_element_type3A_1328, %convert_element_type3A_1329, %dot_general3A_1330 {dimension_numbers = #tpu.dot_dimension_numbers<[1], [1], [0], [0], [0, 0, 1, 0], [], []>, transpose_lhs_hint = false} : vector<170x64xbf16>, vector<170x64xbf16>, vector<170x170xf32> -> vector<170x170xf32>
    %mul3A_1332 = arith.constant 1.250000e-01 : f32
    %mul3A_1333 = vector.broadcast %mul3A_1332 : f32 to vector<170x170xf32>
    %mul3A_1334 = arith.mulf %dot_general3A_1331, %mul3A_1333 : vector<170x170xf32>
    %reduce_max3A_1335 = arith.constant dense<0xFF800000> : vector<170xf32>
    %reduce_max3A_1336 = vector.multi_reduction <maximumf>, %mul3A_1334, %reduce_max3A_1335 [1] : vector<170x170xf32> to vector<170xf32>
    %broadcast_in_dim3A_1337 = vector.shape_cast %reduce_max3A_1336 : vector<170xf32> to vector<170x1xf32>
    %sub3A_1338 = vector.broadcast %broadcast_in_dim3A_1337 : vector<170x1xf32> to vector<170x170xf32>
    %sub3A_1339 = arith.subf %mul3A_1334, %sub3A_1338 : vector<170x170xf32>
    %exp3A_1340 = math.exp %sub3A_1339 : vector<170x170xf32>
    %reduce_sum3A_1341 = arith.constant dense<0.000000e+00> : vector<170xf32>
    %reduce_sum3A_1342 = vector.multi_reduction <add>, %exp3A_1340, %reduce_sum3A_1341 [1] : vector<170x170xf32> to vector<170xf32>
    %broadcast_in_dim3A_1343 = vector.shape_cast %reduce_sum3A_1342 : vector<170xf32> to vector<170x1xf32>
    %div3A_1344 = vector.broadcast %broadcast_in_dim3A_1343 : vector<170x1xf32> to vector<170x170xf32>
    %div3A_1345 = arith.divf %exp3A_1340, %div3A_1344 : vector<170x170xf32>
    %convert_element_type3A_1346 = arith.truncf %div3A_1345 : vector<170x170xf32> to vector<170x170xbf16>
    %convert_element_type3A_1347 = arith.truncf %slice3A_1327 : vector<170x64xf32> to vector<170x64xbf16>
    %dot_general3A_1348 = arith.constant dense<0.000000e+00> : vector<170x64xf32>
    %dot_general3A_1349 = tpu.matmul %convert_element_type3A_1346, %convert_element_type3A_1347, %dot_general3A_1348 {dimension_numbers = #tpu.dot_dimension_numbers<[1], [0], [0], [1], [0, 0, 1, 1], [], []>, transpose_lhs_hint = false} : vector<170x170xbf16>, vector<170x64xbf16>, vector<170x64xf32> -> vector<170x64xf32>
    %slice3A_1350 = vector.extract_strided_slice %add3A_23 {offsets = [1020, 320], sizes = [170, 64], strides = [1, 1]} : vector<1360x1536xf32> to vector<170x64xf32>
    %slice3A_1351 = vector.extract_strided_slice %add3A_23 {offsets = [1020, 832], sizes = [170, 64], strides = [1, 1]} : vector<1360x1536xf32> to vector<170x64xf32>
    %slice3A_1352 = vector.extract_strided_slice %add3A_23 {offsets = [1020, 1344], sizes = [170, 64], strides = [1, 1]} : vector<1360x1536xf32> to vector<170x64xf32>
    %convert_element_type3A_1353 = arith.truncf %slice3A_1350 : vector<170x64xf32> to vector<170x64xbf16>
    %convert_element_type3A_1354 = arith.truncf %slice3A_1351 : vector<170x64xf32> to vector<170x64xbf16>
    %dot_general3A_1355 = arith.constant dense<0.000000e+00> : vector<170x170xf32>
    %dot_general3A_1356 = tpu.matmul %convert_element_type3A_1353, %convert_element_type3A_1354, %dot_general3A_1355 {dimension_numbers = #tpu.dot_dimension_numbers<[1], [1], [0], [0], [0, 0, 1, 0], [], []>, transpose_lhs_hint = false} : vector<170x64xbf16>, vector<170x64xbf16>, vector<170x170xf32> -> vector<170x170xf32>
    %mul3A_1357 = arith.constant 1.250000e-01 : f32
    %mul3A_1358 = vector.broadcast %mul3A_1357 : f32 to vector<170x170xf32>
    %mul3A_1359 = arith.mulf %dot_general3A_1356, %mul3A_1358 : vector<170x170xf32>
    %reduce_max3A_1360 = arith.constant dense<0xFF800000> : vector<170xf32>
    %reduce_max3A_1361 = vector.multi_reduction <maximumf>, %mul3A_1359, %reduce_max3A_1360 [1] : vector<170x170xf32> to vector<170xf32>
    %broadcast_in_dim3A_1362 = vector.shape_cast %reduce_max3A_1361 : vector<170xf32> to vector<170x1xf32>
    %sub3A_1363 = vector.broadcast %broadcast_in_dim3A_1362 : vector<170x1xf32> to vector<170x170xf32>
    %sub3A_1364 = arith.subf %mul3A_1359, %sub3A_1363 : vector<170x170xf32>
    %exp3A_1365 = math.exp %sub3A_1364 : vector<170x170xf32>
    %reduce_sum3A_1366 = arith.constant dense<0.000000e+00> : vector<170xf32>
    %reduce_sum3A_1367 = vector.multi_reduction <add>, %exp3A_1365, %reduce_sum3A_1366 [1] : vector<170x170xf32> to vector<170xf32>
    %broadcast_in_dim3A_1368 = vector.shape_cast %reduce_sum3A_1367 : vector<170xf32> to vector<170x1xf32>
    %div3A_1369 = vector.broadcast %broadcast_in_dim3A_1368 : vector<170x1xf32> to vector<170x170xf32>
    %div3A_1370 = arith.divf %exp3A_1365, %div3A_1369 : vector<170x170xf32>
    %convert_element_type3A_1371 = arith.truncf %div3A_1370 : vector<170x170xf32> to vector<170x170xbf16>
    %convert_element_type3A_1372 = arith.truncf %slice3A_1352 : vector<170x64xf32> to vector<170x64xbf16>
    %dot_general3A_1373 = arith.constant dense<0.000000e+00> : vector<170x64xf32>
    %dot_general3A_1374 = tpu.matmul %convert_element_type3A_1371, %convert_element_type3A_1372, %dot_general3A_1373 {dimension_numbers = #tpu.dot_dimension_numbers<[1], [0], [0], [1], [0, 0, 1, 1], [], []>, transpose_lhs_hint = false} : vector<170x170xbf16>, vector<170x64xbf16>, vector<170x64xf32> -> vector<170x64xf32>
    %slice3A_1375 = vector.extract_strided_slice %add3A_23 {offsets = [1020, 384], sizes = [170, 64], strides = [1, 1]} : vector<1360x1536xf32> to vector<170x64xf32>
    %slice3A_1376 = vector.extract_strided_slice %add3A_23 {offsets = [1020, 896], sizes = [170, 64], strides = [1, 1]} : vector<1360x1536xf32> to vector<170x64xf32>
    %slice3A_1377 = vector.extract_strided_slice %add3A_23 {offsets = [1020, 1408], sizes = [170, 64], strides = [1, 1]} : vector<1360x1536xf32> to vector<170x64xf32>
    %convert_element_type3A_1378 = arith.truncf %slice3A_1375 : vector<170x64xf32> to vector<170x64xbf16>
    %convert_element_type3A_1379 = arith.truncf %slice3A_1376 : vector<170x64xf32> to vector<170x64xbf16>
    %dot_general3A_1380 = arith.constant dense<0.000000e+00> : vector<170x170xf32>
    %dot_general3A_1381 = tpu.matmul %convert_element_type3A_1378, %convert_element_type3A_1379, %dot_general3A_1380 {dimension_numbers = #tpu.dot_dimension_numbers<[1], [1], [0], [0], [0, 0, 1, 0], [], []>, transpose_lhs_hint = false} : vector<170x64xbf16>, vector<170x64xbf16>, vector<170x170xf32> -> vector<170x170xf32>
    %mul3A_1382 = arith.constant 1.250000e-01 : f32
    %mul3A_1383 = vector.broadcast %mul3A_1382 : f32 to vector<170x170xf32>
    %mul3A_1384 = arith.mulf %dot_general3A_1381, %mul3A_1383 : vector<170x170xf32>
    %reduce_max3A_1385 = arith.constant dense<0xFF800000> : vector<170xf32>
    %reduce_max3A_1386 = vector.multi_reduction <maximumf>, %mul3A_1384, %reduce_max3A_1385 [1] : vector<170x170xf32> to vector<170xf32>
    %broadcast_in_dim3A_1387 = vector.shape_cast %reduce_max3A_1386 : vector<170xf32> to vector<170x1xf32>
    %sub3A_1388 = vector.broadcast %broadcast_in_dim3A_1387 : vector<170x1xf32> to vector<170x170xf32>
    %sub3A_1389 = arith.subf %mul3A_1384, %sub3A_1388 : vector<170x170xf32>
    %exp3A_1390 = math.exp %sub3A_1389 : vector<170x170xf32>
    %reduce_sum3A_1391 = arith.constant dense<0.000000e+00> : vector<170xf32>
    %reduce_sum3A_1392 = vector.multi_reduction <add>, %exp3A_1390, %reduce_sum3A_1391 [1] : vector<170x170xf32> to vector<170xf32>
    %broadcast_in_dim3A_1393 = vector.shape_cast %reduce_sum3A_1392 : vector<170xf32> to vector<170x1xf32>
    %div3A_1394 = vector.broadcast %broadcast_in_dim3A_1393 : vector<170x1xf32> to vector<170x170xf32>
    %div3A_1395 = arith.divf %exp3A_1390, %div3A_1394 : vector<170x170xf32>
    %convert_element_type3A_1396 = arith.truncf %div3A_1395 : vector<170x170xf32> to vector<170x170xbf16>
    %convert_element_type3A_1397 = arith.truncf %slice3A_1377 : vector<170x64xf32> to vector<170x64xbf16>
    %dot_general3A_1398 = arith.constant dense<0.000000e+00> : vector<170x64xf32>
    %dot_general3A_1399 = tpu.matmul %convert_element_type3A_1396, %convert_element_type3A_1397, %dot_general3A_1398 {dimension_numbers = #tpu.dot_dimension_numbers<[1], [0], [0], [1], [0, 0, 1, 1], [], []>, transpose_lhs_hint = false} : vector<170x170xbf16>, vector<170x64xbf16>, vector<170x64xf32> -> vector<170x64xf32>
    %slice3A_1400 = vector.extract_strided_slice %add3A_23 {offsets = [1020, 448], sizes = [170, 64], strides = [1, 1]} : vector<1360x1536xf32> to vector<170x64xf32>
    %slice3A_1401 = vector.extract_strided_slice %add3A_23 {offsets = [1020, 960], sizes = [170, 64], strides = [1, 1]} : vector<1360x1536xf32> to vector<170x64xf32>
    %slice3A_1402 = vector.extract_strided_slice %add3A_23 {offsets = [1020, 1472], sizes = [170, 64], strides = [1, 1]} : vector<1360x1536xf32> to vector<170x64xf32>
    %convert_element_type3A_1403 = arith.truncf %slice3A_1400 : vector<170x64xf32> to vector<170x64xbf16>
    %convert_element_type3A_1404 = arith.truncf %slice3A_1401 : vector<170x64xf32> to vector<170x64xbf16>
    %dot_general3A_1405 = arith.constant dense<0.000000e+00> : vector<170x170xf32>
    %dot_general3A_1406 = tpu.matmul %convert_element_type3A_1403, %convert_element_type3A_1404, %dot_general3A_1405 {dimension_numbers = #tpu.dot_dimension_numbers<[1], [1], [0], [0], [0, 0, 1, 0], [], []>, transpose_lhs_hint = false} : vector<170x64xbf16>, vector<170x64xbf16>, vector<170x170xf32> -> vector<170x170xf32>
    %mul3A_1407 = arith.constant 1.250000e-01 : f32
    %mul3A_1408 = vector.broadcast %mul3A_1407 : f32 to vector<170x170xf32>
    %mul3A_1409 = arith.mulf %dot_general3A_1406, %mul3A_1408 : vector<170x170xf32>
    %reduce_max3A_1410 = arith.constant dense<0xFF800000> : vector<170xf32>
    %reduce_max3A_1411 = vector.multi_reduction <maximumf>, %mul3A_1409, %reduce_max3A_1410 [1] : vector<170x170xf32> to vector<170xf32>
    %broadcast_in_dim3A_1412 = vector.shape_cast %reduce_max3A_1411 : vector<170xf32> to vector<170x1xf32>
    %sub3A_1413 = vector.broadcast %broadcast_in_dim3A_1412 : vector<170x1xf32> to vector<170x170xf32>
    %sub3A_1414 = arith.subf %mul3A_1409, %sub3A_1413 : vector<170x170xf32>
    %exp3A_1415 = math.exp %sub3A_1414 : vector<170x170xf32>
    %reduce_sum3A_1416 = arith.constant dense<0.000000e+00> : vector<170xf32>
    %reduce_sum3A_1417 = vector.multi_reduction <add>, %exp3A_1415, %reduce_sum3A_1416 [1] : vector<170x170xf32> to vector<170xf32>
    %broadcast_in_dim3A_1418 = vector.shape_cast %reduce_sum3A_1417 : vector<170xf32> to vector<170x1xf32>
    %div3A_1419 = vector.broadcast %broadcast_in_dim3A_1418 : vector<170x1xf32> to vector<170x170xf32>
    %div3A_1420 = arith.divf %exp3A_1415, %div3A_1419 : vector<170x170xf32>
    %convert_element_type3A_1421 = arith.truncf %div3A_1420 : vector<170x170xf32> to vector<170x170xbf16>
    %convert_element_type3A_1422 = arith.truncf %slice3A_1402 : vector<170x64xf32> to vector<170x64xbf16>
    %dot_general3A_1423 = arith.constant dense<0.000000e+00> : vector<170x64xf32>
    %dot_general3A_1424 = tpu.matmul %convert_element_type3A_1421, %convert_element_type3A_1422, %dot_general3A_1423 {dimension_numbers = #tpu.dot_dimension_numbers<[1], [0], [0], [1], [0, 0, 1, 1], [], []>, transpose_lhs_hint = false} : vector<170x170xbf16>, vector<170x64xbf16>, vector<170x64xf32> -> vector<170x64xf32>
    %concatenate3A_1425 = tpu.concatenate %dot_general3A_1249, %dot_general3A_1274, %dot_general3A_1299, %dot_general3A_1324, %dot_general3A_1349, %dot_general3A_1374, %dot_general3A_1399, %dot_general3A_1424 in 1 : vector<170x64xf32>, vector<170x64xf32>, vector<170x64xf32>, vector<170x64xf32>, vector<170x64xf32>, vector<170x64xf32>, vector<170x64xf32>, vector<170x64xf32> -> vector<170x512xf32>
    %slice3A_1426 = vector.extract_strided_slice %add3A_23 {offsets = [1190, 0], sizes = [170, 64], strides = [1, 1]} : vector<1360x1536xf32> to vector<170x64xf32>
    %slice3A_1427 = vector.extract_strided_slice %add3A_23 {offsets = [1190, 512], sizes = [170, 64], strides = [1, 1]} : vector<1360x1536xf32> to vector<170x64xf32>
    %slice3A_1428 = vector.extract_strided_slice %add3A_23 {offsets = [1190, 1024], sizes = [170, 64], strides = [1, 1]} : vector<1360x1536xf32> to vector<170x64xf32>
    %convert_element_type3A_1429 = arith.truncf %slice3A_1426 : vector<170x64xf32> to vector<170x64xbf16>
    %convert_element_type3A_1430 = arith.truncf %slice3A_1427 : vector<170x64xf32> to vector<170x64xbf16>
    %dot_general3A_1431 = arith.constant dense<0.000000e+00> : vector<170x170xf32>
    %dot_general3A_1432 = tpu.matmul %convert_element_type3A_1429, %convert_element_type3A_1430, %dot_general3A_1431 {dimension_numbers = #tpu.dot_dimension_numbers<[1], [1], [0], [0], [0, 0, 1, 0], [], []>, transpose_lhs_hint = false} : vector<170x64xbf16>, vector<170x64xbf16>, vector<170x170xf32> -> vector<170x170xf32>
    %mul3A_1433 = arith.constant 1.250000e-01 : f32
    %mul3A_1434 = vector.broadcast %mul3A_1433 : f32 to vector<170x170xf32>
    %mul3A_1435 = arith.mulf %dot_general3A_1432, %mul3A_1434 : vector<170x170xf32>
    %reduce_max3A_1436 = arith.constant dense<0xFF800000> : vector<170xf32>
    %reduce_max3A_1437 = vector.multi_reduction <maximumf>, %mul3A_1435, %reduce_max3A_1436 [1] : vector<170x170xf32> to vector<170xf32>
    %broadcast_in_dim3A_1438 = vector.shape_cast %reduce_max3A_1437 : vector<170xf32> to vector<170x1xf32>
    %sub3A_1439 = vector.broadcast %broadcast_in_dim3A_1438 : vector<170x1xf32> to vector<170x170xf32>
    %sub3A_1440 = arith.subf %mul3A_1435, %sub3A_1439 : vector<170x170xf32>
    %exp3A_1441 = math.exp %sub3A_1440 : vector<170x170xf32>
    %reduce_sum3A_1442 = arith.constant dense<0.000000e+00> : vector<170xf32>
    %reduce_sum3A_1443 = vector.multi_reduction <add>, %exp3A_1441, %reduce_sum3A_1442 [1] : vector<170x170xf32> to vector<170xf32>
    %broadcast_in_dim3A_1444 = vector.shape_cast %reduce_sum3A_1443 : vector<170xf32> to vector<170x1xf32>
    %div3A_1445 = vector.broadcast %broadcast_in_dim3A_1444 : vector<170x1xf32> to vector<170x170xf32>
    %div3A_1446 = arith.divf %exp3A_1441, %div3A_1445 : vector<170x170xf32>
    %convert_element_type3A_1447 = arith.truncf %div3A_1446 : vector<170x170xf32> to vector<170x170xbf16>
    %convert_element_type3A_1448 = arith.truncf %slice3A_1428 : vector<170x64xf32> to vector<170x64xbf16>
    %dot_general3A_1449 = arith.constant dense<0.000000e+00> : vector<170x64xf32>
    %dot_general3A_1450 = tpu.matmul %convert_element_type3A_1447, %convert_element_type3A_1448, %dot_general3A_1449 {dimension_numbers = #tpu.dot_dimension_numbers<[1], [0], [0], [1], [0, 0, 1, 1], [], []>, transpose_lhs_hint = false} : vector<170x170xbf16>, vector<170x64xbf16>, vector<170x64xf32> -> vector<170x64xf32>
    %slice3A_1451 = vector.extract_strided_slice %add3A_23 {offsets = [1190, 64], sizes = [170, 64], strides = [1, 1]} : vector<1360x1536xf32> to vector<170x64xf32>
    %slice3A_1452 = vector.extract_strided_slice %add3A_23 {offsets = [1190, 576], sizes = [170, 64], strides = [1, 1]} : vector<1360x1536xf32> to vector<170x64xf32>
    %slice3A_1453 = vector.extract_strided_slice %add3A_23 {offsets = [1190, 1088], sizes = [170, 64], strides = [1, 1]} : vector<1360x1536xf32> to vector<170x64xf32>
    %convert_element_type3A_1454 = arith.truncf %slice3A_1451 : vector<170x64xf32> to vector<170x64xbf16>
    %convert_element_type3A_1455 = arith.truncf %slice3A_1452 : vector<170x64xf32> to vector<170x64xbf16>
    %dot_general3A_1456 = arith.constant dense<0.000000e+00> : vector<170x170xf32>
    %dot_general3A_1457 = tpu.matmul %convert_element_type3A_1454, %convert_element_type3A_1455, %dot_general3A_1456 {dimension_numbers = #tpu.dot_dimension_numbers<[1], [1], [0], [0], [0, 0, 1, 0], [], []>, transpose_lhs_hint = false} : vector<170x64xbf16>, vector<170x64xbf16>, vector<170x170xf32> -> vector<170x170xf32>
    %mul3A_1458 = arith.constant 1.250000e-01 : f32
    %mul3A_1459 = vector.broadcast %mul3A_1458 : f32 to vector<170x170xf32>
    %mul3A_1460 = arith.mulf %dot_general3A_1457, %mul3A_1459 : vector<170x170xf32>
    %reduce_max3A_1461 = arith.constant dense<0xFF800000> : vector<170xf32>
    %reduce_max3A_1462 = vector.multi_reduction <maximumf>, %mul3A_1460, %reduce_max3A_1461 [1] : vector<170x170xf32> to vector<170xf32>
    %broadcast_in_dim3A_1463 = vector.shape_cast %reduce_max3A_1462 : vector<170xf32> to vector<170x1xf32>
    %sub3A_1464 = vector.broadcast %broadcast_in_dim3A_1463 : vector<170x1xf32> to vector<170x170xf32>
    %sub3A_1465 = arith.subf %mul3A_1460, %sub3A_1464 : vector<170x170xf32>
    %exp3A_1466 = math.exp %sub3A_1465 : vector<170x170xf32>
    %reduce_sum3A_1467 = arith.constant dense<0.000000e+00> : vector<170xf32>
    %reduce_sum3A_1468 = vector.multi_reduction <add>, %exp3A_1466, %reduce_sum3A_1467 [1] : vector<170x170xf32> to vector<170xf32>
    %broadcast_in_dim3A_1469 = vector.shape_cast %reduce_sum3A_1468 : vector<170xf32> to vector<170x1xf32>
    %div3A_1470 = vector.broadcast %broadcast_in_dim3A_1469 : vector<170x1xf32> to vector<170x170xf32>
    %div3A_1471 = arith.divf %exp3A_1466, %div3A_1470 : vector<170x170xf32>
    %convert_element_type3A_1472 = arith.truncf %div3A_1471 : vector<170x170xf32> to vector<170x170xbf16>
    %convert_element_type3A_1473 = arith.truncf %slice3A_1453 : vector<170x64xf32> to vector<170x64xbf16>
    %dot_general3A_1474 = arith.constant dense<0.000000e+00> : vector<170x64xf32>
    %dot_general3A_1475 = tpu.matmul %convert_element_type3A_1472, %convert_element_type3A_1473, %dot_general3A_1474 {dimension_numbers = #tpu.dot_dimension_numbers<[1], [0], [0], [1], [0, 0, 1, 1], [], []>, transpose_lhs_hint = false} : vector<170x170xbf16>, vector<170x64xbf16>, vector<170x64xf32> -> vector<170x64xf32>
    %slice3A_1476 = vector.extract_strided_slice %add3A_23 {offsets = [1190, 128], sizes = [170, 64], strides = [1, 1]} : vector<1360x1536xf32> to vector<170x64xf32>
    %slice3A_1477 = vector.extract_strided_slice %add3A_23 {offsets = [1190, 640], sizes = [170, 64], strides = [1, 1]} : vector<1360x1536xf32> to vector<170x64xf32>
    %slice3A_1478 = vector.extract_strided_slice %add3A_23 {offsets = [1190, 1152], sizes = [170, 64], strides = [1, 1]} : vector<1360x1536xf32> to vector<170x64xf32>
    %convert_element_type3A_1479 = arith.truncf %slice3A_1476 : vector<170x64xf32> to vector<170x64xbf16>
    %convert_element_type3A_1480 = arith.truncf %slice3A_1477 : vector<170x64xf32> to vector<170x64xbf16>
    %dot_general3A_1481 = arith.constant dense<0.000000e+00> : vector<170x170xf32>
    %dot_general3A_1482 = tpu.matmul %convert_element_type3A_1479, %convert_element_type3A_1480, %dot_general3A_1481 {dimension_numbers = #tpu.dot_dimension_numbers<[1], [1], [0], [0], [0, 0, 1, 0], [], []>, transpose_lhs_hint = false} : vector<170x64xbf16>, vector<170x64xbf16>, vector<170x170xf32> -> vector<170x170xf32>
    %mul3A_1483 = arith.constant 1.250000e-01 : f32
    %mul3A_1484 = vector.broadcast %mul3A_1483 : f32 to vector<170x170xf32>
    %mul3A_1485 = arith.mulf %dot_general3A_1482, %mul3A_1484 : vector<170x170xf32>
    %reduce_max3A_1486 = arith.constant dense<0xFF800000> : vector<170xf32>
    %reduce_max3A_1487 = vector.multi_reduction <maximumf>, %mul3A_1485, %reduce_max3A_1486 [1] : vector<170x170xf32> to vector<170xf32>
    %broadcast_in_dim3A_1488 = vector.shape_cast %reduce_max3A_1487 : vector<170xf32> to vector<170x1xf32>
    %sub3A_1489 = vector.broadcast %broadcast_in_dim3A_1488 : vector<170x1xf32> to vector<170x170xf32>
    %sub3A_1490 = arith.subf %mul3A_1485, %sub3A_1489 : vector<170x170xf32>
    %exp3A_1491 = math.exp %sub3A_1490 : vector<170x170xf32>
    %reduce_sum3A_1492 = arith.constant dense<0.000000e+00> : vector<170xf32>
    %reduce_sum3A_1493 = vector.multi_reduction <add>, %exp3A_1491, %reduce_sum3A_1492 [1] : vector<170x170xf32> to vector<170xf32>
    %broadcast_in_dim3A_1494 = vector.shape_cast %reduce_sum3A_1493 : vector<170xf32> to vector<170x1xf32>
    %div3A_1495 = vector.broadcast %broadcast_in_dim3A_1494 : vector<170x1xf32> to vector<170x170xf32>
    %div3A_1496 = arith.divf %exp3A_1491, %div3A_1495 : vector<170x170xf32>
    %convert_element_type3A_1497 = arith.truncf %div3A_1496 : vector<170x170xf32> to vector<170x170xbf16>
    %convert_element_type3A_1498 = arith.truncf %slice3A_1478 : vector<170x64xf32> to vector<170x64xbf16>
    %dot_general3A_1499 = arith.constant dense<0.000000e+00> : vector<170x64xf32>
    %dot_general3A_1500 = tpu.matmul %convert_element_type3A_1497, %convert_element_type3A_1498, %dot_general3A_1499 {dimension_numbers = #tpu.dot_dimension_numbers<[1], [0], [0], [1], [0, 0, 1, 1], [], []>, transpose_lhs_hint = false} : vector<170x170xbf16>, vector<170x64xbf16>, vector<170x64xf32> -> vector<170x64xf32>
    %slice3A_1501 = vector.extract_strided_slice %add3A_23 {offsets = [1190, 192], sizes = [170, 64], strides = [1, 1]} : vector<1360x1536xf32> to vector<170x64xf32>
    %slice3A_1502 = vector.extract_strided_slice %add3A_23 {offsets = [1190, 704], sizes = [170, 64], strides = [1, 1]} : vector<1360x1536xf32> to vector<170x64xf32>
    %slice3A_1503 = vector.extract_strided_slice %add3A_23 {offsets = [1190, 1216], sizes = [170, 64], strides = [1, 1]} : vector<1360x1536xf32> to vector<170x64xf32>
    %convert_element_type3A_1504 = arith.truncf %slice3A_1501 : vector<170x64xf32> to vector<170x64xbf16>
    %convert_element_type3A_1505 = arith.truncf %slice3A_1502 : vector<170x64xf32> to vector<170x64xbf16>
    %dot_general3A_1506 = arith.constant dense<0.000000e+00> : vector<170x170xf32>
    %dot_general3A_1507 = tpu.matmul %convert_element_type3A_1504, %convert_element_type3A_1505, %dot_general3A_1506 {dimension_numbers = #tpu.dot_dimension_numbers<[1], [1], [0], [0], [0, 0, 1, 0], [], []>, transpose_lhs_hint = false} : vector<170x64xbf16>, vector<170x64xbf16>, vector<170x170xf32> -> vector<170x170xf32>
    %mul3A_1508 = arith.constant 1.250000e-01 : f32
    %mul3A_1509 = vector.broadcast %mul3A_1508 : f32 to vector<170x170xf32>
    %mul3A_1510 = arith.mulf %dot_general3A_1507, %mul3A_1509 : vector<170x170xf32>
    %reduce_max3A_1511 = arith.constant dense<0xFF800000> : vector<170xf32>
    %reduce_max3A_1512 = vector.multi_reduction <maximumf>, %mul3A_1510, %reduce_max3A_1511 [1] : vector<170x170xf32> to vector<170xf32>
    %broadcast_in_dim3A_1513 = vector.shape_cast %reduce_max3A_1512 : vector<170xf32> to vector<170x1xf32>
    %sub3A_1514 = vector.broadcast %broadcast_in_dim3A_1513 : vector<170x1xf32> to vector<170x170xf32>
    %sub3A_1515 = arith.subf %mul3A_1510, %sub3A_1514 : vector<170x170xf32>
    %exp3A_1516 = math.exp %sub3A_1515 : vector<170x170xf32>
    %reduce_sum3A_1517 = arith.constant dense<0.000000e+00> : vector<170xf32>
    %reduce_sum3A_1518 = vector.multi_reduction <add>, %exp3A_1516, %reduce_sum3A_1517 [1] : vector<170x170xf32> to vector<170xf32>
    %broadcast_in_dim3A_1519 = vector.shape_cast %reduce_sum3A_1518 : vector<170xf32> to vector<170x1xf32>
    %div3A_1520 = vector.broadcast %broadcast_in_dim3A_1519 : vector<170x1xf32> to vector<170x170xf32>
    %div3A_1521 = arith.divf %exp3A_1516, %div3A_1520 : vector<170x170xf32>
    %convert_element_type3A_1522 = arith.truncf %div3A_1521 : vector<170x170xf32> to vector<170x170xbf16>
    %convert_element_type3A_1523 = arith.truncf %slice3A_1503 : vector<170x64xf32> to vector<170x64xbf16>
    %dot_general3A_1524 = arith.constant dense<0.000000e+00> : vector<170x64xf32>
    %dot_general3A_1525 = tpu.matmul %convert_element_type3A_1522, %convert_element_type3A_1523, %dot_general3A_1524 {dimension_numbers = #tpu.dot_dimension_numbers<[1], [0], [0], [1], [0, 0, 1, 1], [], []>, transpose_lhs_hint = false} : vector<170x170xbf16>, vector<170x64xbf16>, vector<170x64xf32> -> vector<170x64xf32>
    %slice3A_1526 = vector.extract_strided_slice %add3A_23 {offsets = [1190, 256], sizes = [170, 64], strides = [1, 1]} : vector<1360x1536xf32> to vector<170x64xf32>
    %slice3A_1527 = vector.extract_strided_slice %add3A_23 {offsets = [1190, 768], sizes = [170, 64], strides = [1, 1]} : vector<1360x1536xf32> to vector<170x64xf32>
    %slice3A_1528 = vector.extract_strided_slice %add3A_23 {offsets = [1190, 1280], sizes = [170, 64], strides = [1, 1]} : vector<1360x1536xf32> to vector<170x64xf32>
    %convert_element_type3A_1529 = arith.truncf %slice3A_1526 : vector<170x64xf32> to vector<170x64xbf16>
    %convert_element_type3A_1530 = arith.truncf %slice3A_1527 : vector<170x64xf32> to vector<170x64xbf16>
    %dot_general3A_1531 = arith.constant dense<0.000000e+00> : vector<170x170xf32>
    %dot_general3A_1532 = tpu.matmul %convert_element_type3A_1529, %convert_element_type3A_1530, %dot_general3A_1531 {dimension_numbers = #tpu.dot_dimension_numbers<[1], [1], [0], [0], [0, 0, 1, 0], [], []>, transpose_lhs_hint = false} : vector<170x64xbf16>, vector<170x64xbf16>, vector<170x170xf32> -> vector<170x170xf32>
    %mul3A_1533 = arith.constant 1.250000e-01 : f32
    %mul3A_1534 = vector.broadcast %mul3A_1533 : f32 to vector<170x170xf32>
    %mul3A_1535 = arith.mulf %dot_general3A_1532, %mul3A_1534 : vector<170x170xf32>
    %reduce_max3A_1536 = arith.constant dense<0xFF800000> : vector<170xf32>
    %reduce_max3A_1537 = vector.multi_reduction <maximumf>, %mul3A_1535, %reduce_max3A_1536 [1] : vector<170x170xf32> to vector<170xf32>
    %broadcast_in_dim3A_1538 = vector.shape_cast %reduce_max3A_1537 : vector<170xf32> to vector<170x1xf32>
    %sub3A_1539 = vector.broadcast %broadcast_in_dim3A_1538 : vector<170x1xf32> to vector<170x170xf32>
    %sub3A_1540 = arith.subf %mul3A_1535, %sub3A_1539 : vector<170x170xf32>
    %exp3A_1541 = math.exp %sub3A_1540 : vector<170x170xf32>
    %reduce_sum3A_1542 = arith.constant dense<0.000000e+00> : vector<170xf32>
    %reduce_sum3A_1543 = vector.multi_reduction <add>, %exp3A_1541, %reduce_sum3A_1542 [1] : vector<170x170xf32> to vector<170xf32>
    %broadcast_in_dim3A_1544 = vector.shape_cast %reduce_sum3A_1543 : vector<170xf32> to vector<170x1xf32>
    %div3A_1545 = vector.broadcast %broadcast_in_dim3A_1544 : vector<170x1xf32> to vector<170x170xf32>
    %div3A_1546 = arith.divf %exp3A_1541, %div3A_1545 : vector<170x170xf32>
    %convert_element_type3A_1547 = arith.truncf %div3A_1546 : vector<170x170xf32> to vector<170x170xbf16>
    %convert_element_type3A_1548 = arith.truncf %slice3A_1528 : vector<170x64xf32> to vector<170x64xbf16>
    %dot_general3A_1549 = arith.constant dense<0.000000e+00> : vector<170x64xf32>
    %dot_general3A_1550 = tpu.matmul %convert_element_type3A_1547, %convert_element_type3A_1548, %dot_general3A_1549 {dimension_numbers = #tpu.dot_dimension_numbers<[1], [0], [0], [1], [0, 0, 1, 1], [], []>, transpose_lhs_hint = false} : vector<170x170xbf16>, vector<170x64xbf16>, vector<170x64xf32> -> vector<170x64xf32>
    %slice3A_1551 = vector.extract_strided_slice %add3A_23 {offsets = [1190, 320], sizes = [170, 64], strides = [1, 1]} : vector<1360x1536xf32> to vector<170x64xf32>
    %slice3A_1552 = vector.extract_strided_slice %add3A_23 {offsets = [1190, 832], sizes = [170, 64], strides = [1, 1]} : vector<1360x1536xf32> to vector<170x64xf32>
    %slice3A_1553 = vector.extract_strided_slice %add3A_23 {offsets = [1190, 1344], sizes = [170, 64], strides = [1, 1]} : vector<1360x1536xf32> to vector<170x64xf32>
    %convert_element_type3A_1554 = arith.truncf %slice3A_1551 : vector<170x64xf32> to vector<170x64xbf16>
    %convert_element_type3A_1555 = arith.truncf %slice3A_1552 : vector<170x64xf32> to vector<170x64xbf16>
    %dot_general3A_1556 = arith.constant dense<0.000000e+00> : vector<170x170xf32>
    %dot_general3A_1557 = tpu.matmul %convert_element_type3A_1554, %convert_element_type3A_1555, %dot_general3A_1556 {dimension_numbers = #tpu.dot_dimension_numbers<[1], [1], [0], [0], [0, 0, 1, 0], [], []>, transpose_lhs_hint = false} : vector<170x64xbf16>, vector<170x64xbf16>, vector<170x170xf32> -> vector<170x170xf32>
    %mul3A_1558 = arith.constant 1.250000e-01 : f32
    %mul3A_1559 = vector.broadcast %mul3A_1558 : f32 to vector<170x170xf32>
    %mul3A_1560 = arith.mulf %dot_general3A_1557, %mul3A_1559 : vector<170x170xf32>
    %reduce_max3A_1561 = arith.constant dense<0xFF800000> : vector<170xf32>
    %reduce_max3A_1562 = vector.multi_reduction <maximumf>, %mul3A_1560, %reduce_max3A_1561 [1] : vector<170x170xf32> to vector<170xf32>
    %broadcast_in_dim3A_1563 = vector.shape_cast %reduce_max3A_1562 : vector<170xf32> to vector<170x1xf32>
    %sub3A_1564 = vector.broadcast %broadcast_in_dim3A_1563 : vector<170x1xf32> to vector<170x170xf32>
    %sub3A_1565 = arith.subf %mul3A_1560, %sub3A_1564 : vector<170x170xf32>
    %exp3A_1566 = math.exp %sub3A_1565 : vector<170x170xf32>
    %reduce_sum3A_1567 = arith.constant dense<0.000000e+00> : vector<170xf32>
    %reduce_sum3A_1568 = vector.multi_reduction <add>, %exp3A_1566, %reduce_sum3A_1567 [1] : vector<170x170xf32> to vector<170xf32>
    %broadcast_in_dim3A_1569 = vector.shape_cast %reduce_sum3A_1568 : vector<170xf32> to vector<170x1xf32>
    %div3A_1570 = vector.broadcast %broadcast_in_dim3A_1569 : vector<170x1xf32> to vector<170x170xf32>
    %div3A_1571 = arith.divf %exp3A_1566, %div3A_1570 : vector<170x170xf32>
    %convert_element_type3A_1572 = arith.truncf %div3A_1571 : vector<170x170xf32> to vector<170x170xbf16>
    %convert_element_type3A_1573 = arith.truncf %slice3A_1553 : vector<170x64xf32> to vector<170x64xbf16>
    %dot_general3A_1574 = arith.constant dense<0.000000e+00> : vector<170x64xf32>
    %dot_general3A_1575 = tpu.matmul %convert_element_type3A_1572, %convert_element_type3A_1573, %dot_general3A_1574 {dimension_numbers = #tpu.dot_dimension_numbers<[1], [0], [0], [1], [0, 0, 1, 1], [], []>, transpose_lhs_hint = false} : vector<170x170xbf16>, vector<170x64xbf16>, vector<170x64xf32> -> vector<170x64xf32>
    %slice3A_1576 = vector.extract_strided_slice %add3A_23 {offsets = [1190, 384], sizes = [170, 64], strides = [1, 1]} : vector<1360x1536xf32> to vector<170x64xf32>
    %slice3A_1577 = vector.extract_strided_slice %add3A_23 {offsets = [1190, 896], sizes = [170, 64], strides = [1, 1]} : vector<1360x1536xf32> to vector<170x64xf32>
    %slice3A_1578 = vector.extract_strided_slice %add3A_23 {offsets = [1190, 1408], sizes = [170, 64], strides = [1, 1]} : vector<1360x1536xf32> to vector<170x64xf32>
    %convert_element_type3A_1579 = arith.truncf %slice3A_1576 : vector<170x64xf32> to vector<170x64xbf16>
    %convert_element_type3A_1580 = arith.truncf %slice3A_1577 : vector<170x64xf32> to vector<170x64xbf16>
    %dot_general3A_1581 = arith.constant dense<0.000000e+00> : vector<170x170xf32>
    %dot_general3A_1582 = tpu.matmul %convert_element_type3A_1579, %convert_element_type3A_1580, %dot_general3A_1581 {dimension_numbers = #tpu.dot_dimension_numbers<[1], [1], [0], [0], [0, 0, 1, 0], [], []>, transpose_lhs_hint = false} : vector<170x64xbf16>, vector<170x64xbf16>, vector<170x170xf32> -> vector<170x170xf32>
    %mul3A_1583 = arith.constant 1.250000e-01 : f32
    %mul3A_1584 = vector.broadcast %mul3A_1583 : f32 to vector<170x170xf32>
    %mul3A_1585 = arith.mulf %dot_general3A_1582, %mul3A_1584 : vector<170x170xf32>
    %reduce_max3A_1586 = arith.constant dense<0xFF800000> : vector<170xf32>
    %reduce_max3A_1587 = vector.multi_reduction <maximumf>, %mul3A_1585, %reduce_max3A_1586 [1] : vector<170x170xf32> to vector<170xf32>
    %broadcast_in_dim3A_1588 = vector.shape_cast %reduce_max3A_1587 : vector<170xf32> to vector<170x1xf32>
    %sub3A_1589 = vector.broadcast %broadcast_in_dim3A_1588 : vector<170x1xf32> to vector<170x170xf32>
    %sub3A_1590 = arith.subf %mul3A_1585, %sub3A_1589 : vector<170x170xf32>
    %exp3A_1591 = math.exp %sub3A_1590 : vector<170x170xf32>
    %reduce_sum3A_1592 = arith.constant dense<0.000000e+00> : vector<170xf32>
    %reduce_sum3A_1593 = vector.multi_reduction <add>, %exp3A_1591, %reduce_sum3A_1592 [1] : vector<170x170xf32> to vector<170xf32>
    %broadcast_in_dim3A_1594 = vector.shape_cast %reduce_sum3A_1593 : vector<170xf32> to vector<170x1xf32>
    %div3A_1595 = vector.broadcast %broadcast_in_dim3A_1594 : vector<170x1xf32> to vector<170x170xf32>
    %div3A_1596 = arith.divf %exp3A_1591, %div3A_1595 : vector<170x170xf32>
    %convert_element_type3A_1597 = arith.truncf %div3A_1596 : vector<170x170xf32> to vector<170x170xbf16>
    %convert_element_type3A_1598 = arith.truncf %slice3A_1578 : vector<170x64xf32> to vector<170x64xbf16>
    %dot_general3A_1599 = arith.constant dense<0.000000e+00> : vector<170x64xf32>
    %dot_general3A_1600 = tpu.matmul %convert_element_type3A_1597, %convert_element_type3A_1598, %dot_general3A_1599 {dimension_numbers = #tpu.dot_dimension_numbers<[1], [0], [0], [1], [0, 0, 1, 1], [], []>, transpose_lhs_hint = false} : vector<170x170xbf16>, vector<170x64xbf16>, vector<170x64xf32> -> vector<170x64xf32>
    %slice3A_1601 = vector.extract_strided_slice %add3A_23 {offsets = [1190, 448], sizes = [170, 64], strides = [1, 1]} : vector<1360x1536xf32> to vector<170x64xf32>
    %slice3A_1602 = vector.extract_strided_slice %add3A_23 {offsets = [1190, 960], sizes = [170, 64], strides = [1, 1]} : vector<1360x1536xf32> to vector<170x64xf32>
    %slice3A_1603 = vector.extract_strided_slice %add3A_23 {offsets = [1190, 1472], sizes = [170, 64], strides = [1, 1]} : vector<1360x1536xf32> to vector<170x64xf32>
    %convert_element_type3A_1604 = arith.truncf %slice3A_1601 : vector<170x64xf32> to vector<170x64xbf16>
    %convert_element_type3A_1605 = arith.truncf %slice3A_1602 : vector<170x64xf32> to vector<170x64xbf16>
    %dot_general3A_1606 = arith.constant dense<0.000000e+00> : vector<170x170xf32>
    %dot_general3A_1607 = tpu.matmul %convert_element_type3A_1604, %convert_element_type3A_1605, %dot_general3A_1606 {dimension_numbers = #tpu.dot_dimension_numbers<[1], [1], [0], [0], [0, 0, 1, 0], [], []>, transpose_lhs_hint = false} : vector<170x64xbf16>, vector<170x64xbf16>, vector<170x170xf32> -> vector<170x170xf32>
    %mul3A_1608 = arith.constant 1.250000e-01 : f32
    %mul3A_1609 = vector.broadcast %mul3A_1608 : f32 to vector<170x170xf32>
    %mul3A_1610 = arith.mulf %dot_general3A_1607, %mul3A_1609 : vector<170x170xf32>
    %reduce_max3A_1611 = arith.constant dense<0xFF800000> : vector<170xf32>
    %reduce_max3A_1612 = vector.multi_reduction <maximumf>, %mul3A_1610, %reduce_max3A_1611 [1] : vector<170x170xf32> to vector<170xf32>
    %broadcast_in_dim3A_1613 = vector.shape_cast %reduce_max3A_1612 : vector<170xf32> to vector<170x1xf32>
    %sub3A_1614 = vector.broadcast %broadcast_in_dim3A_1613 : vector<170x1xf32> to vector<170x170xf32>
    %sub3A_1615 = arith.subf %mul3A_1610, %sub3A_1614 : vector<170x170xf32>
    %exp3A_1616 = math.exp %sub3A_1615 : vector<170x170xf32>
    %reduce_sum3A_1617 = arith.constant dense<0.000000e+00> : vector<170xf32>
    %reduce_sum3A_1618 = vector.multi_reduction <add>, %exp3A_1616, %reduce_sum3A_1617 [1] : vector<170x170xf32> to vector<170xf32>
    %broadcast_in_dim3A_1619 = vector.shape_cast %reduce_sum3A_1618 : vector<170xf32> to vector<170x1xf32>
    %div3A_1620 = vector.broadcast %broadcast_in_dim3A_1619 : vector<170x1xf32> to vector<170x170xf32>
    %div3A_1621 = arith.divf %exp3A_1616, %div3A_1620 : vector<170x170xf32>
    %convert_element_type3A_1622 = arith.truncf %div3A_1621 : vector<170x170xf32> to vector<170x170xbf16>
    %convert_element_type3A_1623 = arith.truncf %slice3A_1603 : vector<170x64xf32> to vector<170x64xbf16>
    %dot_general3A_1624 = arith.constant dense<0.000000e+00> : vector<170x64xf32>
    %dot_general3A_1625 = tpu.matmul %convert_element_type3A_1622, %convert_element_type3A_1623, %dot_general3A_1624 {dimension_numbers = #tpu.dot_dimension_numbers<[1], [0], [0], [1], [0, 0, 1, 1], [], []>, transpose_lhs_hint = false} : vector<170x170xbf16>, vector<170x64xbf16>, vector<170x64xf32> -> vector<170x64xf32>
    %concatenate3A_1626 = tpu.concatenate %dot_general3A_1450, %dot_general3A_1475, %dot_general3A_1500, %dot_general3A_1525, %dot_general3A_1550, %dot_general3A_1575, %dot_general3A_1600, %dot_general3A_1625 in 1 : vector<170x64xf32>, vector<170x64xf32>, vector<170x64xf32>, vector<170x64xf32>, vector<170x64xf32>, vector<170x64xf32>, vector<170x64xf32>, vector<170x64xf32> -> vector<170x512xf32>
    %concatenate3A_1627 = tpu.concatenate %concatenate3A, %concatenate3A_420, %concatenate3A_621, %concatenate3A_822, %concatenate3A_1023, %concatenate3A_1224, %concatenate3A_1425, %concatenate3A_1626 in 0 : vector<170x512xf32>, vector<170x512xf32>, vector<170x512xf32>, vector<170x512xf32>, vector<170x512xf32>, vector<170x512xf32>, vector<170x512xf32>, vector<170x512xf32> -> vector<1360x512xf32>
    %get3A_1628 = arith.constant 0 : index
    %get3A_1629 = arith.constant 0 : index
    %get3A_1630 = vector.load %arg4[%get3A_1628, %get3A_1629] : memref<512x512xf32, #tpu.memory_space<vmem>>, vector<512x512xf32>
    %convert_element_type3A_1631 = arith.truncf %concatenate3A_1627 : vector<1360x512xf32> to vector<1360x512xbf16>
    %convert_element_type3A_1632 = arith.truncf %get3A_1630 : vector<512x512xf32> to vector<512x512xbf16>
    %dot_general3A_1633 = arith.constant dense<0.000000e+00> : vector<1360x512xf32>
    %dot_general3A_1634 = tpu.matmul %convert_element_type3A_1631, %convert_element_type3A_1632, %dot_general3A_1633 {dimension_numbers = #tpu.dot_dimension_numbers<[1], [0], [0], [1], [0, 0, 1, 1], [], []>, transpose_lhs_hint = false} : vector<1360x512xbf16>, vector<512x512xbf16>, vector<1360x512xf32> -> vector<1360x512xf32>
    %add3A_1635 = arith.addf %get3A_1, %dot_general3A_1634 : vector<1360x512xf32>
    %get3A_1636 = arith.constant 0 : index
    %get3A_1637 = arith.constant 0 : index
    %get3A_1638 = vector.load %arg5[%get3A_1636, %get3A_1637] : memref<1x512xf32, #tpu.memory_space<vmem>>, vector<1x512xf32>
    %add3A_1639 = vector.broadcast %get3A_1638 : vector<1x512xf32> to vector<1360x512xf32>
    %add3A_1640 = arith.addf %add3A_1635, %add3A_1639 : vector<1360x512xf32>
    %swap3A = arith.constant 0 : index
    %swap3A_1641 = arith.constant 0 : index
    %swap3A_1642 = vector.load %arg9[%swap3A, %swap3A_1641] : memref<1360x512xf32, #tpu.memory_space<vmem>>, vector<1360x512xf32>
    tpu.vector_store %arg9[%swap3A, %swap3A_1641], %add3A_1640 {strides = array<i32>} : memref<1360x512xf32, #tpu.memory_space<vmem>>, vector<1360x512xf32>,
    %get3A_1643 = arith.constant 0 : index
    %get3A_1644 = arith.constant 0 : index
    %get3A_1645 = vector.load %arg6[%get3A_1643, %get3A_1644] : memref<1x512xf32, #tpu.memory_space<vmem>>, vector<1x512xf32>
    %mul3A_1646 = arith.mulf %add3A_1640, %add3A_1640 : vector<1360x512xf32>
    %reduce_sum3A_1647 = arith.constant dense<0.000000e+00> : vector<1360xf32>
    %reduce_sum3A_1648 = vector.multi_reduction <add>, %mul3A_1646, %reduce_sum3A_1647 [1] : vector<1360x512xf32> to vector<1360xf32>
    %broadcast_in_dim3A_1649 = vector.shape_cast %reduce_sum3A_1648 : vector<1360xf32> to vector<1360x1xf32>
    %div3A_1650 = arith.constant 5.120000e+02 : f32
    %div3A_1651 = vector.broadcast %div3A_1650 : f32 to vector<1360x1xf32>
    %div3A_1652 = arith.divf %broadcast_in_dim3A_1649, %div3A_1651 : vector<1360x1xf32>
    %add3A_1653 = arith.constant 9.99999997E-7 : f32
    %add3A_1654 = vector.broadcast %add3A_1653 : f32 to vector<1360x1xf32>
    %add3A_1655 = arith.addf %div3A_1652, %add3A_1654 : vector<1360x1xf32>
    %rsqrt3A_1656 = math.rsqrt %add3A_1655 : vector<1360x1xf32>
    %mul3A_1657 = vector.broadcast %rsqrt3A_1656 : vector<1360x1xf32> to vector<1360x512xf32>
    %mul3A_1658 = arith.mulf %add3A_1640, %mul3A_1657 : vector<1360x512xf32>
    %mul3A_1659 = vector.broadcast %get3A_1645 : vector<1x512xf32> to vector<1360x512xf32>
    %mul3A_1660 = arith.mulf %mul3A_1658, %mul3A_1659 : vector<1360x512xf32>
    %swap3A_1661 = arith.constant 0 : index
    %swap3A_1662 = arith.constant 0 : index
    %swap3A_1663 = vector.load %arg10[%swap3A_1661, %swap3A_1662] : memref<1360x512xf32, #tpu.memory_space<vmem>>, vector<1360x512xf32>
    tpu.vector_store %arg10[%swap3A_1661, %swap3A_1662], %mul3A_1660 {strides = array<i32>} : memref<1360x512xf32, #tpu.memory_space<vmem>>, vector<1360x512xf32>,
    %get3A_1664 = arith.constant 0 : index
    %get3A_1665 = arith.constant 0 : index
    %get3A_1666 = vector.load %arg7[%get3A_1664, %get3A_1665] : memref<512x8xf32, #tpu.memory_space<vmem>>, vector<512x8xf32>
    %convert_element_type3A_1667 = arith.truncf %mul3A_1660 : vector<1360x512xf32> to vector<1360x512xbf16>
    %convert_element_type3A_1668 = arith.truncf %get3A_1666 : vector<512x8xf32> to vector<512x8xbf16>
    %dot_general3A_1669 = arith.constant dense<0.000000e+00> : vector<1360x8xf32>
    %dot_general3A_1670 = tpu.matmul %convert_element_type3A_1667, %convert_element_type3A_1668, %dot_general3A_1669 {dimension_numbers = #tpu.dot_dimension_numbers<[1], [0], [0], [1], [0, 0, 1, 1], [], []>, transpose_lhs_hint = false} : vector<1360x512xbf16>, vector<512x8xbf16>, vector<1360x8xf32> -> vector<1360x8xf32>
    %get3A_1671 = arith.constant 0 : index
    %get3A_1672 = arith.constant 0 : index
    %get3A_1673 = vector.load %arg8[%get3A_1671, %get3A_1672] : memref<1x8xf32, #tpu.memory_space<vmem>>, vector<1x8xf32>
    %add3A_1674 = vector.broadcast %get3A_1673 : vector<1x8xf32> to vector<1360x8xf32>
    %add3A_1675 = arith.addf %dot_general3A_1670, %add3A_1674 : vector<1360x8xf32>
    %iota3A = tpu.iota {dimensions = array<i32: 1>} : vector<1360x8xi32>
    %reduce_max3A_1676 = arith.constant dense<0xFF800000> : vector<1360xf32>
    %reduce_max3A_1677 = vector.multi_reduction <maximumf>, %add3A_1675, %reduce_max3A_1676 [1] : vector<1360x8xf32> to vector<1360xf32>
    %broadcast_in_dim3A_1678 = vector.shape_cast %reduce_max3A_1677 : vector<1360xf32> to vector<1360x1xf32>
    %eq3A = vector.broadcast %broadcast_in_dim3A_1678 : vector<1360x1xf32> to vector<1360x8xf32>
    %eq3A_1679 = arith.cmpf oeq, %add3A_1675, %eq3A : vector<1360x8xf32>
    %jit3A = arith.constant 8 : i32
    %broadcast_in_dim3A_1680 = vector.broadcast %jit3A : i32 to vector<1360x8xi32>
    %select_n3A = arith.select %eq3A_1679, %iota3A, %broadcast_in_dim3A_1680 : vector<1360x8xi1>, vector<1360x8xi32>
    %reduce_min3A = arith.constant dense<2147483647> : vector<1360xi32>
    %reduce_min3A_1681 = vector.multi_reduction <minsi>, %select_n3A, %reduce_min3A [1] : vector<1360x8xi32> to vector<1360xi32>
    %broadcast_in_dim3A_1682 = vector.shape_cast %reduce_min3A_1681 : vector<1360xi32> to vector<1360x1xi32>
    %eq3A_1683 = vector.broadcast %broadcast_in_dim3A_1682 : vector<1360x1xi32> to vector<1360x8xi32>
    %eq3A_1684 = arith.cmpi eq, %iota3A, %eq3A_1683 : vector<1360x8xi32>
    %jit3A_1685 = arith.constant -1.000000e+30 : f32
    %broadcast_in_dim3A_1686 = vector.broadcast %jit3A_1685 : f32 to vector<1360x8xf32>
    %select_n3A_1687 = arith.select %eq3A_1684, %broadcast_in_dim3A_1686, %add3A_1675 : vector<1360x8xi1>, vector<1360x8xf32>
    %reduce_max3A_1688 = arith.constant dense<0xFF800000> : vector<1360xf32>
    %reduce_max3A_1689 = vector.multi_reduction <maximumf>, %select_n3A_1687, %reduce_max3A_1688 [1] : vector<1360x8xf32> to vector<1360xf32>
    %broadcast_in_dim3A_1690 = vector.shape_cast %reduce_max3A_1689 : vector<1360xf32> to vector<1360x1xf32>
    %eq3A_1691 = vector.broadcast %broadcast_in_dim3A_1690 : vector<1360x1xf32> to vector<1360x8xf32>
    %eq3A_1692 = arith.cmpf oeq, %select_n3A_1687, %eq3A_1691 : vector<1360x8xf32>
    %jit3A_1693 = arith.constant 8 : i32
    %broadcast_in_dim3A_1694 = vector.broadcast %jit3A_1693 : i32 to vector<1360x8xi32>
    %select_n3A_1695 = arith.select %eq3A_1692, %iota3A, %broadcast_in_dim3A_1694 : vector<1360x8xi1>, vector<1360x8xi32>
    %reduce_min3A_1696 = arith.constant dense<2147483647> : vector<1360xi32>
    %reduce_min3A_1697 = vector.multi_reduction <minsi>, %select_n3A_1695, %reduce_min3A_1696 [1] : vector<1360x8xi32> to vector<1360xi32>
    %broadcast_in_dim3A_1698 = vector.shape_cast %reduce_min3A_1697 : vector<1360xi32> to vector<1360x1xi32>
    %sub3A_1699 = arith.subf %broadcast_in_dim3A_1690, %broadcast_in_dim3A_1678 : vector<1360x1xf32>
    %exp3A_1700 = math.exp %sub3A_1699 : vector<1360x1xf32>
    %add3A_1701 = arith.constant 1.000000e+00 : f32
    %add3A_1702 = vector.broadcast %add3A_1701 : f32 to vector<1360x1xf32>
    %add3A_1703 = arith.addf %add3A_1702, %exp3A_1700 : vector<1360x1xf32>
    %div3A_1704 = arith.constant 1.000000e+00 : f32
    %div3A_1705 = vector.broadcast %div3A_1704 : f32 to vector<1360x1xf32>
    %div3A_1706 = arith.divf %div3A_1705, %add3A_1703 : vector<1360x1xf32>
    %sub3A_1707 = arith.constant 1.000000e+00 : f32
    %sub3A_1708 = vector.broadcast %sub3A_1707 : f32 to vector<1360x1xf32>
    %sub3A_1709 = arith.subf %sub3A_1708, %div3A_1706 : vector<1360x1xf32>
    %concatenate3A_1710 = tpu.concatenate %div3A_1706, %sub3A_1709 in 1 : vector<1360x1xf32>, vector<1360x1xf32> -> vector<1360x2xf32>
    %swap3A_1711 = arith.constant 0 : index
    %swap3A_1712 = arith.constant 0 : index
    %swap3A_1713 = vector.load %arg11[%swap3A_1711, %swap3A_1712] : memref<1360x2xf32, #tpu.memory_space<vmem>>, vector<1360x2xf32>
    tpu.vector_store %arg11[%swap3A_1711, %swap3A_1712], %concatenate3A_1710 {strides = array<i32>} : memref<1360x2xf32, #tpu.memory_space<vmem>>, vector<1360x2xf32>,
    %concatenate3A_1714 = tpu.concatenate %broadcast_in_dim3A_1682, %broadcast_in_dim3A_1698 in 1 : vector<1360x1xi32>, vector<1360x1xi32> -> vector<1360x2xi32>
    %swap3A_1715 = arith.constant 0 : index
    %swap3A_1716 = arith.constant 0 : index
    %swap3A_1717 = vector.load %arg12[%swap3A_1715, %swap3A_1716] : memref<1360x2xi32, #tpu.memory_space<vmem>>, vector<1360x2xi32>
    tpu.vector_store %arg12[%swap3A_1715, %swap3A_1716], %concatenate3A_1714 {strides = array<i32>} : memref<1360x2xi32, #tpu.memory_space<vmem>>, vector<1360x2xi32>,
    %eq3A_1718 = vector.broadcast %broadcast_in_dim3A_1682 : vector<1360x1xi32> to vector<1360x8xi32>
    %eq3A_1719 = arith.cmpi eq, %iota3A, %eq3A_1718 : vector<1360x8xi32>
    %convert_element_type3A_1720 = arith.extui %eq3A_1719 : vector<1360x8xi1> to vector<1360x8xi32>
    %convert_element_type3A_1721 = arith.sitofp %convert_element_type3A_1720 : vector<1360x8xi32> to vector<1360x8xf32>
    %eq3A_1722 = vector.broadcast %broadcast_in_dim3A_1698 : vector<1360x1xi32> to vector<1360x8xi32>
    %eq3A_1723 = arith.cmpi eq, %iota3A, %eq3A_1722 : vector<1360x8xi32>
    %convert_element_type3A_1724 = arith.extui %eq3A_1723 : vector<1360x8xi1> to vector<1360x8xi32>
    %convert_element_type3A_1725 = arith.sitofp %convert_element_type3A_1724 : vector<1360x8xi32> to vector<1360x8xf32>
    %iota3A_1726 = tpu.iota {dimensions = array<i32: 0>} : vector<1360x1360xi32>
    %iota3A_1727 = tpu.iota {dimensions = array<i32: 1>} : vector<1360x1360xi32>
    %gt3A = arith.cmpi sgt, %iota3A_1726, %iota3A_1727 : vector<1360x1360xi32>
    %convert_element_type3A_1728 = arith.extui %gt3A : vector<1360x1360xi1> to vector<1360x1360xi32>
    %convert_element_type3A_1729 = arith.sitofp %convert_element_type3A_1728 : vector<1360x1360xi32> to vector<1360x1360xf32>
    %add3A_1730 = arith.addf %convert_element_type3A_1721, %convert_element_type3A_1725 : vector<1360x8xf32>
    %convert_element_type3A_1731 = arith.truncf %convert_element_type3A_1729 : vector<1360x1360xf32> to vector<1360x1360xbf16>
    %convert_element_type3A_1732 = arith.truncf %add3A_1730 : vector<1360x8xf32> to vector<1360x8xbf16>
    %dot_general3A_1733 = arith.constant dense<0.000000e+00> : vector<1360x8xf32>
    %dot_general3A_1734 = tpu.matmul %convert_element_type3A_1731, %convert_element_type3A_1732, %dot_general3A_1733 {dimension_numbers = #tpu.dot_dimension_numbers<[1], [0], [0], [1], [0, 0, 1, 1], [], []>, transpose_lhs_hint = false} : vector<1360x1360xbf16>, vector<1360x8xbf16>, vector<1360x8xf32> -> vector<1360x8xf32>
    %mul3A_1735 = arith.mulf %dot_general3A_1734, %convert_element_type3A_1721 : vector<1360x8xf32>
    %reduce_sum3A_1736 = arith.constant dense<0.000000e+00> : vector<1360xf32>
    %reduce_sum3A_1737 = vector.multi_reduction <add>, %mul3A_1735, %reduce_sum3A_1736 [1] : vector<1360x8xf32> to vector<1360xf32>
    %broadcast_in_dim3A_1738 = vector.shape_cast %reduce_sum3A_1737 : vector<1360xf32> to vector<1360x1xf32>
    %mul3A_1739 = arith.mulf %dot_general3A_1734, %convert_element_type3A_1725 : vector<1360x8xf32>
    %reduce_sum3A_1740 = arith.constant dense<0.000000e+00> : vector<1360xf32>
    %reduce_sum3A_1741 = vector.multi_reduction <add>, %mul3A_1739, %reduce_sum3A_1740 [1] : vector<1360x8xf32> to vector<1360xf32>
    %broadcast_in_dim3A_1742 = vector.shape_cast %reduce_sum3A_1741 : vector<1360xf32> to vector<1360x1xf32>
    %add3A_1743 = arith.addf %convert_element_type3A_1721, %convert_element_type3A_1725 : vector<1360x8xf32>
    %reduce_sum3A_1744 = arith.constant dense<0.000000e+00> : vector<8xf32>
    %reduce_sum3A_1745 = vector.multi_reduction <add>, %add3A_1743, %reduce_sum3A_1744 [0] : vector<1360x8xf32> to vector<8xf32>
    %broadcast_in_dim3A_1746 = vector.shape_cast %reduce_sum3A_1745 : vector<8xf32> to vector<1x8xf32>
    %convert_element_type3A_1747 = arith.fptosi %broadcast_in_dim3A_1746 : vector<1x8xf32> to vector<1x8xi32>
    %add3A_1748 = arith.constant 511 : i32
    %add3A_1749 = vector.broadcast %add3A_1748 : i32 to vector<1x8xi32>
    %add3A_1750 = arith.addi %convert_element_type3A_1747, %add3A_1749 : vector<1x8xi32>
    %shift_right_arithmetic3A = arith.constant 9 : i32
    %shift_right_arithmetic3A_1751 = vector.broadcast %shift_right_arithmetic3A : i32 to vector<1x8xi32>
    %shift_right_arithmetic3A_1752 = arith.shrsi %add3A_1750, %shift_right_arithmetic3A_1751 : vector<1x8xi32>
    %iota3A_1753 = tpu.iota {dimensions = array<i32: 0>} : vector<8x8xi32>
    %iota3A_1754 = tpu.iota {dimensions = array<i32: 1>} : vector<8x8xi32>
    %le3A = arith.cmpi sle, %iota3A_1753, %iota3A_1754 : vector<8x8xi32>
    %convert_element_type3A_1755 = arith.extui %le3A : vector<8x8xi1> to vector<8x8xi32>
    %convert_element_type3A_1756 = arith.sitofp %convert_element_type3A_1755 : vector<8x8xi32> to vector<8x8xf32>
    %convert_element_type3A_1757 = arith.sitofp %shift_right_arithmetic3A_1752 : vector<1x8xi32> to vector<1x8xf32>
    %convert_element_type3A_1758 = arith.truncf %convert_element_type3A_1757 : vector<1x8xf32> to vector<1x8xbf16>
    %convert_element_type3A_1759 = arith.truncf %convert_element_type3A_1756 : vector<8x8xf32> to vector<8x8xbf16>
    %dot_general3A_1760 = arith.constant dense<0.000000e+00> : vector<1x8xf32>
    %dot_general3A_1761 = tpu.matmul %convert_element_type3A_1758, %convert_element_type3A_1759, %dot_general3A_1760 {dimension_numbers = #tpu.dot_dimension_numbers<[1], [0], [0], [1], [0, 0, 1, 1], [], []>, transpose_lhs_hint = false} : vector<1x8xbf16>, vector<8x8xbf16>, vector<1x8xf32> -> vector<1x8xf32>
    %convert_element_type3A_1762 = arith.sitofp %shift_right_arithmetic3A_1752 : vector<1x8xi32> to vector<1x8xf32>
    %sub3A_1763 = arith.subf %dot_general3A_1761, %convert_element_type3A_1762 : vector<1x8xf32>
    %mul3A_1764 = arith.constant 5.120000e+02 : f32
    %mul3A_1765 = vector.broadcast %mul3A_1764 : f32 to vector<1x8xf32>
    %mul3A_1766 = arith.mulf %sub3A_1763, %mul3A_1765 : vector<1x8xf32>
    %mul3A_1767 = vector.broadcast %mul3A_1766 : vector<1x8xf32> to vector<1360x8xf32>
    %mul3A_1768 = arith.mulf %mul3A_1767, %convert_element_type3A_1721 : vector<1360x8xf32>
    %reduce_sum3A_1769 = arith.constant dense<0.000000e+00> : vector<1360xf32>
    %reduce_sum3A_1770 = vector.multi_reduction <add>, %mul3A_1768, %reduce_sum3A_1769 [1] : vector<1360x8xf32> to vector<1360xf32>
    %broadcast_in_dim3A_1771 = vector.shape_cast %reduce_sum3A_1770 : vector<1360xf32> to vector<1360x1xf32>
    %add3A_1772 = arith.addf %broadcast_in_dim3A_1738, %broadcast_in_dim3A_1771 : vector<1360x1xf32>
    %mul3A_1773 = vector.broadcast %mul3A_1766 : vector<1x8xf32> to vector<1360x8xf32>
    %mul3A_1774 = arith.mulf %mul3A_1773, %convert_element_type3A_1725 : vector<1360x8xf32>
    %reduce_sum3A_1775 = arith.constant dense<0.000000e+00> : vector<1360xf32>
    %reduce_sum3A_1776 = vector.multi_reduction <add>, %mul3A_1774, %reduce_sum3A_1775 [1] : vector<1360x8xf32> to vector<1360xf32>
    %broadcast_in_dim3A_1777 = vector.shape_cast %reduce_sum3A_1776 : vector<1360xf32> to vector<1360x1xf32>
    %add3A_1778 = arith.addf %broadcast_in_dim3A_1742, %broadcast_in_dim3A_1777 : vector<1360x1xf32>
    %concatenate3A_1779 = tpu.concatenate %add3A_1772, %add3A_1778 in 1 : vector<1360x1xf32>, vector<1360x1xf32> -> vector<1360x2xf32>
    %convert_element_type3A_1780 = arith.fptosi %concatenate3A_1779 : vector<1360x2xf32> to vector<1360x2xi32>
    %swap3A_1781 = arith.constant 0 : index
    %swap3A_1782 = arith.constant 0 : index
    %swap3A_1783 = vector.load %arg13[%swap3A_1781, %swap3A_1782] : memref<1360x2xi32, #tpu.memory_space<vmem>>, vector<1360x2xi32>
    tpu.vector_store %arg13[%swap3A_1781, %swap3A_1782], %convert_element_type3A_1780 {strides = array<i32>} : memref<1360x2xi32, #tpu.memory_space<vmem>>, vector<1360x2xi32>,
    %iota3A_1784 = tpu.iota {dimensions = array<i32: 1>} : vector<1x13xi32>
    %convert_element_type3A_1785 = arith.fptosi %dot_general3A_1761 : vector<1x8xf32> to vector<1x8xi32>
    %broadcast_in_dim3A_1786 = arith.constant 0 : i32
    %broadcast_in_dim3A_1787 = vector.broadcast %broadcast_in_dim3A_1786 : i32 to vector<1x13xi32>
    %slice3A_1788 = vector.extract_strided_slice %convert_element_type3A_1785 {offsets = [0, 0], sizes = [1, 1], strides = [1, 1]} : vector<1x8xi32> to vector<1x1xi32>
    %ge3A = vector.broadcast %slice3A_1788 : vector<1x1xi32> to vector<1x13xi32>
    %ge3A_1789 = arith.cmpi sge, %iota3A_1784, %ge3A : vector<1x13xi32>
    %convert_element_type3A_1790 = arith.extui %ge3A_1789 : vector<1x13xi1> to vector<1x13xi32>
    %add3A_1791 = arith.addi %broadcast_in_dim3A_1787, %convert_element_type3A_1790 : vector<1x13xi32>
    %slice3A_1792 = vector.extract_strided_slice %convert_element_type3A_1785 {offsets = [0, 1], sizes = [1, 1], strides = [1, 1]} : vector<1x8xi32> to vector<1x1xi32>
    %ge3A_1793 = vector.broadcast %slice3A_1792 : vector<1x1xi32> to vector<1x13xi32>
    %ge3A_1794 = arith.cmpi sge, %iota3A_1784, %ge3A_1793 : vector<1x13xi32>
    %convert_element_type3A_1795 = arith.extui %ge3A_1794 : vector<1x13xi1> to vector<1x13xi32>
    %add3A_1796 = arith.addi %add3A_1791, %convert_element_type3A_1795 : vector<1x13xi32>
    %slice3A_1797 = vector.extract_strided_slice %convert_element_type3A_1785 {offsets = [0, 2], sizes = [1, 1], strides = [1, 1]} : vector<1x8xi32> to vector<1x1xi32>
    %ge3A_1798 = vector.broadcast %slice3A_1797 : vector<1x1xi32> to vector<1x13xi32>
    %ge3A_1799 = arith.cmpi sge, %iota3A_1784, %ge3A_1798 : vector<1x13xi32>
    %convert_element_type3A_1800 = arith.extui %ge3A_1799 : vector<1x13xi1> to vector<1x13xi32>
    %add3A_1801 = arith.addi %add3A_1796, %convert_element_type3A_1800 : vector<1x13xi32>
    %slice3A_1802 = vector.extract_strided_slice %convert_element_type3A_1785 {offsets = [0, 3], sizes = [1, 1], strides = [1, 1]} : vector<1x8xi32> to vector<1x1xi32>
    %ge3A_1803 = vector.broadcast %slice3A_1802 : vector<1x1xi32> to vector<1x13xi32>
    %ge3A_1804 = arith.cmpi sge, %iota3A_1784, %ge3A_1803 : vector<1x13xi32>
    %convert_element_type3A_1805 = arith.extui %ge3A_1804 : vector<1x13xi1> to vector<1x13xi32>
    %add3A_1806 = arith.addi %add3A_1801, %convert_element_type3A_1805 : vector<1x13xi32>
    %slice3A_1807 = vector.extract_strided_slice %convert_element_type3A_1785 {offsets = [0, 4], sizes = [1, 1], strides = [1, 1]} : vector<1x8xi32> to vector<1x1xi32>
    %ge3A_1808 = vector.broadcast %slice3A_1807 : vector<1x1xi32> to vector<1x13xi32>
    %ge3A_1809 = arith.cmpi sge, %iota3A_1784, %ge3A_1808 : vector<1x13xi32>
    %convert_element_type3A_1810 = arith.extui %ge3A_1809 : vector<1x13xi1> to vector<1x13xi32>
    %add3A_1811 = arith.addi %add3A_1806, %convert_element_type3A_1810 : vector<1x13xi32>
    %slice3A_1812 = vector.extract_strided_slice %convert_element_type3A_1785 {offsets = [0, 5], sizes = [1, 1], strides = [1, 1]} : vector<1x8xi32> to vector<1x1xi32>
    %ge3A_1813 = vector.broadcast %slice3A_1812 : vector<1x1xi32> to vector<1x13xi32>
    %ge3A_1814 = arith.cmpi sge, %iota3A_1784, %ge3A_1813 : vector<1x13xi32>
    %convert_element_type3A_1815 = arith.extui %ge3A_1814 : vector<1x13xi1> to vector<1x13xi32>
    %add3A_1816 = arith.addi %add3A_1811, %convert_element_type3A_1815 : vector<1x13xi32>
    %slice3A_1817 = vector.extract_strided_slice %convert_element_type3A_1785 {offsets = [0, 6], sizes = [1, 1], strides = [1, 1]} : vector<1x8xi32> to vector<1x1xi32>
    %ge3A_1818 = vector.broadcast %slice3A_1817 : vector<1x1xi32> to vector<1x13xi32>
    %ge3A_1819 = arith.cmpi sge, %iota3A_1784, %ge3A_1818 : vector<1x13xi32>
    %convert_element_type3A_1820 = arith.extui %ge3A_1819 : vector<1x13xi1> to vector<1x13xi32>
    %add3A_1821 = arith.addi %add3A_1816, %convert_element_type3A_1820 : vector<1x13xi32>
    %slice3A_1822 = vector.extract_strided_slice %convert_element_type3A_1785 {offsets = [0, 7], sizes = [1, 1], strides = [1, 1]} : vector<1x8xi32> to vector<1x1xi32>
    %ge3A_1823 = vector.broadcast %slice3A_1822 : vector<1x1xi32> to vector<1x13xi32>
    %ge3A_1824 = arith.cmpi sge, %iota3A_1784, %ge3A_1823 : vector<1x13xi32>
    %convert_element_type3A_1825 = arith.extui %ge3A_1824 : vector<1x13xi1> to vector<1x13xi32>
    %add3A_1826 = arith.addi %add3A_1821, %convert_element_type3A_1825 : vector<1x13xi32>
    %min3A = arith.constant 7 : i32
    %min3A_1827 = vector.broadcast %min3A : i32 to vector<1x13xi32>
    %min3A_1828 = arith.minsi %add3A_1826, %min3A_1827 : vector<1x13xi32>
    %slice3A_1829 = vector.extract_strided_slice %convert_element_type3A_1785 {offsets = [0, 7], sizes = [1, 1], strides = [1, 1]} : vector<1x8xi32> to vector<1x1xi32>
    %lt3A = vector.broadcast %slice3A_1829 : vector<1x1xi32> to vector<1x13xi32>
    %lt3A_1830 = arith.cmpi slt, %iota3A_1784, %lt3A : vector<1x13xi32>
    %convert_element_type3A_1831 = arith.extui %lt3A_1830 : vector<1x13xi1> to vector<1x13xi32>
    %concatenate3A_1832 = tpu.concatenate %min3A_1828, %convert_element_type3A_1831 in 0 : vector<1x13xi32>, vector<1x13xi32> -> vector<2x13xi32>
    %swap3A_1833 = arith.constant 0 : index
    %swap3A_1834 = arith.constant 0 : index
    %swap3A_1835 = vector.load %arg14[%swap3A_1833, %swap3A_1834] : memref<2x13xi32, #tpu.memory_space<vmem>>, vector<2x13xi32>
    tpu.vector_store %arg14[%swap3A_1833, %swap3A_1834], %concatenate3A_1832 {strides = array<i32>} : memref<2x13xi32, #tpu.memory_space<vmem>>, vector<2x13xi32>,
    return
  }
}

module attributes {stable_mosaic.version = 14 : i64} {
  func.func @_moe_body(%arg0: i32, %arg1: memref<2x13xi32, #tpu.memory_space<smem>>, %arg2: memref<512x512xf32, #tpu.memory_space<vmem>>, %arg3: memref<1x512x2048xf32, #tpu.memory_space<vmem>>, %arg4: memref<1x1x2048xf32, #tpu.memory_space<vmem>>, %arg5: memref<1x2048x512xf32, #tpu.memory_space<vmem>>, %arg6: memref<1x1x512xf32, #tpu.memory_space<vmem>>, %arg7: memref<512x512xf32, #tpu.memory_space<vmem>>) attributes {dimension_semantics = [#tpu.dimension_semantics<arbitrary>], iteration_bounds = array<i64: 13>, scalar_prefetch = 1 : i64, scratch_operands = 0 : i64, tpu.core_type = #tpu.core_type<tc>, window_params = [{transform_indices = @transform_0, window_bounds = array<i64: 512, 512>}, {transform_indices = @transform_1, window_bounds = array<i64: 1, 512, 2048>}, {transform_indices = @transform_2, window_bounds = array<i64: 1, 1, 2048>}, {transform_indices = @transform_3, window_bounds = array<i64: 1, 2048, 512>}, {transform_indices = @transform_4, window_bounds = array<i64: 1, 1, 512>}, {transform_indices = @transform_5, window_bounds = array<i64: 512, 512>}]} {
    %get3A = arith.constant 1 : index
    %get3A_0 = arith.index_cast %arg0 : i32 to index
    %get3A_1 = memref.load %arg1[%get3A, %get3A_0] : memref<2x13xi32, #tpu.memory_space<smem>>
    %eq3A = arith.constant 1 : i32
    %eq3A_2 = arith.cmpi eq, %get3A_1, %eq3A : i32
    %convert_element_type3A = arith.extui %eq3A_2 : i1 to i32
    %cond3A = arith.constant 0 : i32
    %cond3A_3 = arith.cmpi ne, %convert_element_type3A, %cond3A : i32
    scf.if %cond3A_3 {
      %get3A_4 = arith.constant 0 : index
      %get3A_5 = arith.constant 0 : index
      %get3A_6 = vector.load %arg2[%get3A_4, %get3A_5] : memref<512x512xf32, #tpu.memory_space<vmem>>, vector<512x512xf32>
      %get3A_7 = arith.constant 0 : index
      %get3A_8 = arith.constant 0 : index
      %get3A_9 = arith.constant 0 : index
      %get3A_10 = vector.load %arg3[%get3A_7, %get3A_8, %get3A_9] : memref<1x512x2048xf32, #tpu.memory_space<vmem>>, vector<1x512x2048xf32>
      %get3A_11 = vector.shape_cast %get3A_10 : vector<1x512x2048xf32> to vector<512x2048xf32>
      %convert_element_type3A_12 = arith.truncf %get3A_6 : vector<512x512xf32> to vector<512x512xbf16>
      %convert_element_type3A_13 = arith.truncf %get3A_11 : vector<512x2048xf32> to vector<512x2048xbf16>
      %dot_general3A = arith.constant dense<0.000000e+00> : vector<512x2048xf32>
      %dot_general3A_14 = tpu.matmul %convert_element_type3A_12, %convert_element_type3A_13, %dot_general3A {dimension_numbers = #tpu.dot_dimension_numbers<[1], [0], [0], [1], [0, 0, 1, 1], [], []>, transpose_lhs_hint = false} : vector<512x512xbf16>, vector<512x2048xbf16>, vector<512x2048xf32> -> vector<512x2048xf32>
      %get3A_15 = arith.constant 0 : index
      %get3A_16 = arith.constant 0 : index
      %get3A_17 = arith.constant 0 : index
      %get3A_18 = vector.load %arg4[%get3A_15, %get3A_16, %get3A_17] : memref<1x1x2048xf32, #tpu.memory_space<vmem>>, vector<1x1x2048xf32>
      %get3A_19 = vector.shape_cast %get3A_18 : vector<1x1x2048xf32> to vector<1x2048xf32>
      %add3A = vector.broadcast %get3A_19 : vector<1x2048xf32> to vector<512x2048xf32>
      %add3A_20 = arith.addf %dot_general3A_14, %add3A : vector<512x2048xf32>
      %mul3A = arith.constant 5.000000e-01 : f32
      %mul3A_21 = vector.broadcast %mul3A : f32 to vector<512x2048xf32>
      %mul3A_22 = arith.mulf %mul3A_21, %add3A_20 : vector<512x2048xf32>
      %mul3A_23 = arith.constant 0.707106769 : f32
      %mul3A_24 = vector.broadcast %mul3A_23 : f32 to vector<512x2048xf32>
      %mul3A_25 = arith.mulf %add3A_20, %mul3A_24 : vector<512x2048xf32>
      %erf3A = math.erf %mul3A_25 : vector<512x2048xf32>
      %add3A_26 = arith.constant 1.000000e+00 : f32
      %add3A_27 = vector.broadcast %add3A_26 : f32 to vector<512x2048xf32>
      %add3A_28 = arith.addf %add3A_27, %erf3A : vector<512x2048xf32>
      %mul3A_29 = arith.mulf %mul3A_22, %add3A_28 : vector<512x2048xf32>
      %get3A_30 = arith.constant 0 : index
      %get3A_31 = arith.constant 0 : index
      %get3A_32 = arith.constant 0 : index
      %get3A_33 = vector.load %arg5[%get3A_30, %get3A_31, %get3A_32] : memref<1x2048x512xf32, #tpu.memory_space<vmem>>, vector<1x2048x512xf32>
      %get3A_34 = vector.shape_cast %get3A_33 : vector<1x2048x512xf32> to vector<2048x512xf32>
      %convert_element_type3A_35 = arith.truncf %mul3A_29 : vector<512x2048xf32> to vector<512x2048xbf16>
      %convert_element_type3A_36 = arith.truncf %get3A_34 : vector<2048x512xf32> to vector<2048x512xbf16>
      %dot_general3A_37 = arith.constant dense<0.000000e+00> : vector<512x512xf32>
      %dot_general3A_38 = tpu.matmul %convert_element_type3A_35, %convert_element_type3A_36, %dot_general3A_37 {dimension_numbers = #tpu.dot_dimension_numbers<[1], [0], [0], [1], [0, 0, 1, 1], [], []>, transpose_lhs_hint = false} : vector<512x2048xbf16>, vector<2048x512xbf16>, vector<512x512xf32> -> vector<512x512xf32>
      %get3A_39 = arith.constant 0 : index
      %get3A_40 = arith.constant 0 : index
      %get3A_41 = arith.constant 0 : index
      %get3A_42 = vector.load %arg6[%get3A_39, %get3A_40, %get3A_41] : memref<1x1x512xf32, #tpu.memory_space<vmem>>, vector<1x1x512xf32>
      %get3A_43 = vector.shape_cast %get3A_42 : vector<1x1x512xf32> to vector<1x512xf32>
      %add3A_44 = vector.broadcast %get3A_43 : vector<1x512xf32> to vector<512x512xf32>
      %add3A_45 = arith.addf %dot_general3A_38, %add3A_44 : vector<512x512xf32>
      %swap3A = arith.constant 0 : index
      %swap3A_46 = arith.constant 0 : index
      %swap3A_47 = vector.load %arg7[%swap3A, %swap3A_46] : memref<512x512xf32, #tpu.memory_space<vmem>>, vector<512x512xf32>
      tpu.vector_store %arg7[%swap3A, %swap3A_46], %add3A_45 {strides = array<i32>} : memref<512x512xf32, #tpu.memory_space<vmem>>, vector<512x512xf32>,
    } else {
    }
    return
  }
  func.func @transform_0(%arg0: i32, %arg1: memref<2x13xi32, #tpu.memory_space<smem>>) -> (i32, i32) {
    %c0_i32 = arith.constant 0 : i32
    %c0_i32_0 = arith.constant 0 : i32
    return %arg0, %c0_i32 : i32, i32
  }
  func.func @transform_1(%arg0: i32, %arg1: memref<2x13xi32, #tpu.memory_space<smem>>) -> (i32, i32, i32) {
    %get3A = arith.constant 0 : index
    %get3A_0 = arith.index_cast %arg0 : i32 to index
    %get3A_1 = memref.load %arg1[%get3A, %get3A_0] : memref<2x13xi32, #tpu.memory_space<smem>>
    %c0_i32 = arith.constant 0 : i32
    %c0_i32_2 = arith.constant 0 : i32
    %c0_i32_3 = arith.constant 0 : i32
    return %get3A_1, %c0_i32, %c0_i32_2 : i32, i32, i32
  }
  func.func @transform_2(%arg0: i32, %arg1: memref<2x13xi32, #tpu.memory_space<smem>>) -> (i32, i32, i32) {
    %get3A = arith.constant 0 : index
    %get3A_0 = arith.index_cast %arg0 : i32 to index
    %get3A_1 = memref.load %arg1[%get3A, %get3A_0] : memref<2x13xi32, #tpu.memory_space<smem>>
    %c0_i32 = arith.constant 0 : i32
    %c0_i32_2 = arith.constant 0 : i32
    %c0_i32_3 = arith.constant 0 : i32
    return %get3A_1, %c0_i32, %c0_i32_2 : i32, i32, i32
  }
  func.func @transform_3(%arg0: i32, %arg1: memref<2x13xi32, #tpu.memory_space<smem>>) -> (i32, i32, i32) {
    %get3A = arith.constant 0 : index
    %get3A_0 = arith.index_cast %arg0 : i32 to index
    %get3A_1 = memref.load %arg1[%get3A, %get3A_0] : memref<2x13xi32, #tpu.memory_space<smem>>
    %c0_i32 = arith.constant 0 : i32
    %c0_i32_2 = arith.constant 0 : i32
    %c0_i32_3 = arith.constant 0 : i32
    return %get3A_1, %c0_i32, %c0_i32_2 : i32, i32, i32
  }
  func.func @transform_4(%arg0: i32, %arg1: memref<2x13xi32, #tpu.memory_space<smem>>) -> (i32, i32, i32) {
    %get3A = arith.constant 0 : index
    %get3A_0 = arith.index_cast %arg0 : i32 to index
    %get3A_1 = memref.load %arg1[%get3A, %get3A_0] : memref<2x13xi32, #tpu.memory_space<smem>>
    %c0_i32 = arith.constant 0 : i32
    %c0_i32_2 = arith.constant 0 : i32
    %c0_i32_3 = arith.constant 0 : i32
    return %get3A_1, %c0_i32, %c0_i32_2 : i32, i32, i32
  }
  func.func @transform_5(%arg0: i32, %arg1: memref<2x13xi32, #tpu.memory_space<smem>>) -> (i32, i32) {
    %c0_i32 = arith.constant 0 : i32
    %c0_i32_0 = arith.constant 0 : i32
    return %arg0, %c0_i32 : i32, i32
  }
}

module attributes {stable_mosaic.version = 14 : i64} {
  func.func @_head_body(%arg0: memref<8x512xf32, #tpu.memory_space<vmem>>, %arg1: memref<1x512xf32, #tpu.memory_space<vmem>>, %arg2: memref<512x100xf32, #tpu.memory_space<vmem>>, %arg3: memref<1x100xf32, #tpu.memory_space<vmem>>, %arg4: memref<8x100xf32, #tpu.memory_space<vmem>>) attributes {dimension_semantics = [], scalar_prefetch = 0 : i64, scratch_operands = 0 : i64, tpu.core_type = #tpu.core_type<tc>} {
    %get3A = arith.constant 0 : index
    %get3A_0 = arith.constant 0 : index
    %get3A_1 = vector.load %arg0[%get3A, %get3A_0] : memref<8x512xf32, #tpu.memory_space<vmem>>, vector<8x512xf32>
    %get3A_2 = arith.constant 0 : index
    %get3A_3 = arith.constant 0 : index
    %get3A_4 = vector.load %arg1[%get3A_2, %get3A_3] : memref<1x512xf32, #tpu.memory_space<vmem>>, vector<1x512xf32>
    %mul3A = arith.mulf %get3A_1, %get3A_1 : vector<8x512xf32>
    %reduce_sum3A = arith.constant dense<0.000000e+00> : vector<8xf32>
    %reduce_sum3A_5 = vector.multi_reduction <add>, %mul3A, %reduce_sum3A [1] : vector<8x512xf32> to vector<8xf32>
    %broadcast_in_dim3A = vector.shape_cast %reduce_sum3A_5 : vector<8xf32> to vector<8x1xf32>
    %div3A = arith.constant 5.120000e+02 : f32
    %div3A_6 = vector.broadcast %div3A : f32 to vector<8x1xf32>
    %div3A_7 = arith.divf %broadcast_in_dim3A, %div3A_6 : vector<8x1xf32>
    %add3A = arith.constant 9.99999997E-7 : f32
    %add3A_8 = vector.broadcast %add3A : f32 to vector<8x1xf32>
    %add3A_9 = arith.addf %div3A_7, %add3A_8 : vector<8x1xf32>
    %rsqrt3A = math.rsqrt %add3A_9 : vector<8x1xf32>
    %mul3A_10 = vector.broadcast %rsqrt3A : vector<8x1xf32> to vector<8x512xf32>
    %mul3A_11 = arith.mulf %get3A_1, %mul3A_10 : vector<8x512xf32>
    %mul3A_12 = vector.broadcast %get3A_4 : vector<1x512xf32> to vector<8x512xf32>
    %mul3A_13 = arith.mulf %mul3A_11, %mul3A_12 : vector<8x512xf32>
    %get3A_14 = arith.constant 0 : index
    %get3A_15 = arith.constant 0 : index
    %get3A_16 = vector.load %arg2[%get3A_14, %get3A_15] : memref<512x100xf32, #tpu.memory_space<vmem>>, vector<512x100xf32>
    %convert_element_type3A = arith.truncf %mul3A_13 : vector<8x512xf32> to vector<8x512xbf16>
    %convert_element_type3A_17 = arith.truncf %get3A_16 : vector<512x100xf32> to vector<512x100xbf16>
    %dot_general3A = arith.constant dense<0.000000e+00> : vector<8x100xf32>
    %dot_general3A_18 = tpu.matmul %convert_element_type3A, %convert_element_type3A_17, %dot_general3A {dimension_numbers = #tpu.dot_dimension_numbers<[1], [0], [0], [1], [0, 0, 1, 1], [], []>, transpose_lhs_hint = false} : vector<8x512xbf16>, vector<512x100xbf16>, vector<8x100xf32> -> vector<8x100xf32>
    %get3A_19 = arith.constant 0 : index
    %get3A_20 = arith.constant 0 : index
    %get3A_21 = vector.load %arg3[%get3A_19, %get3A_20] : memref<1x100xf32, #tpu.memory_space<vmem>>, vector<1x100xf32>
    %add3A_22 = vector.broadcast %get3A_21 : vector<1x100xf32> to vector<8x100xf32>
    %add3A_23 = arith.addf %dot_general3A_18, %add3A_22 : vector<8x100xf32>
    %swap3A = arith.constant 0 : index
    %swap3A_24 = arith.constant 0 : index
    %swap3A_25 = vector.load %arg4[%swap3A, %swap3A_24] : memref<8x100xf32, #tpu.memory_space<vmem>>, vector<8x100xf32>
    tpu.vector_store %arg4[%swap3A, %swap3A_24], %add3A_23 {strides = array<i32>} : memref<8x100xf32, #tpu.memory_space<vmem>>, vector<8x100xf32>,
    return
  }
}

</mosaic_0001>

<sc_bundles>
// kernel: gather_offload_async_start.1
scs
__scs_entry_jumppad:
0x0: {  	(pc) =	sbr.rel $0x88, $3  }
0x1: {  	(tag) =	ssettag $0x0;
	lr =	simm.s32 $0x1  }
0x2: {  	[smem:$0x3F8C] =	sst lr;
	_ =	strace $0xD0000000  }
0x3: {  	_ = 	snop  }
0x4: {  	_ = 	snop  }
0x5: {  	_ = 	snop  }
0x6: {  	_ = 	snop  }
0x7: {  	_ = 	snop  }
__scs_overlays_trampoline_lowered:
0x8: {  	[smem:$0x3F9B] =	sst s0  }
0x9: {  	[smem:$0x3F9C] =	sst s1  }
0xa: {  	[smem:$0x3F9D] =	sst s2  }
0xb: {  	[smem:$0x3F9E] =	sst s3  }
0xc: {  	[smem:$0x3F9F] =	sst s4  }
0xd: {  	[smem:$0x3FA0] =	sst s5  }
0xe: {  	[smem:$0x3FA1] =	sst s6  }
0xf: {  	[smem:$0x3FA2] =	sst s7  }
0x10: {  	[smem:$0x3FA3] =	sst s8  }
0x11: {  	[smem:$0x3FA4] =	sst s9;
	s0 =	simm.s32 @!p0 $0x0  }
0x12: {  	s1 =	sld [smem:$0x3F8A];
	s0 =	simm.s32 @p0 $0x1  }
0x13: {  	[smem:$0x3FA5] =	sst s0;
	s0 =	simm.s32 @!p1 $0x0  }
0x14: {  	s2 =	sld [smem:$0x3F89];
	s0 =	simm.s32 @p1 $0x1  }
0x15: {  	[smem:$0x3FA6] =	sst s0;
	s0 =	simm.s32 @!p2 $0x0  }
0x16: {  	s3 =	sld [smem:$0x3FDB];
	s0 =	simm.s32 @p2 $0x1  }
0x17: {  	s4 =	simm.s32 $0x1BF5;
	[smem:$0x3FA8] =	sst s0  }
0x18: {  	s0 =	sld [smem:$0x3F8B];
	_ =	swait.ge [sflag:s4], $0x0  }
0x19: {  	s7 =	sld [smem:$0x3F8C]  }
0x1a: {  	s8 =	sadd.s32 $0xFFFFE003, lr  }
0x1b: {  	s9 =	sadd.s32 $0xFFFFFEF7, lr;
	s5 =	simm.s32 $0xFFFFFFFF;
	p2 =	slt.u32 s8, $0xFFFFF086  }
0x1c: {  	p1 =	slt.u32 s9, $0xF7A;
	s5 =	simm.s32 @!p2 $0x0  }
0x1d: {  	s5 =	simm.s32 @p1 $0x1;
	p0 =	seq.s32 s7, s2  }
0x1e: {  	s7 =	smul.u32 @!p0 $0xF7A, s2;
	p2 =	seq.s32 @!p0 s5, $0x0  }
0x1f: {  	s9 =	smul.u32 $0xF7A, s1;
	s8 =	simm.s32 @!p0 $0x1BF5;
	p2 =	por !p2, p0  }
0x20: {  	[sflag:s8] =	ssyncset.s32 @!p0 $0xFFFFF086;
	s6 =	sadd.s32 @!p0 s3, s7;
	s7 =	simm.s32 @!p0 $0x108  }
0x21: {  	s3 =	sadd.s32 s3, s9;
	s6 =	sadd.s32 @!p0 $0x88, s6;
	s7 =	simm.s32 @p2 $0x1082  }
0x22: {  	[simem:s7], [sflag:s8] =	dma.local @!p0 [hbm:s6], $0xF7A  }
0x23: {  	s9 =	sor.u32 $0xD0000000, s2;
	s6 =	simm.s32 $0x108;
	_ =	swait.ge @!p0 [sflag:s8], $0x0  }
0x24: {  	s3 =	sadd.s32 $0x88, s3;
	s6 =	simm.s32 @!p1 $0x1082;
	[sflag:s4] =	ssyncset.s32 $0xFFFFF086  }
0x25: {  	[simem:s6], [sflag:s4] =	dma.local [hbm:s3], $0xF7A  }
0x26: {  	[smem:$0x3F8C] =	sst s1;
	(tag) =	ssettag s2;
	_ =	strace s9  }
0x27: {  	s1 =	sld [smem:$0x3F9C]  }
0x28: {  	s2 =	sld [smem:$0x3F9D]  }
0x29: {  	s4 =	sld [smem:$0x3F9F]  }
0x2a: {  	p0 =	seq.s32 s5, $0x0;
	s5 =	sld [smem:$0x3FA0]  }
0x2b: {  	s6 =	sld [smem:$0x3FA1]  }
0x2c: {  	s7 =	sld [smem:$0x3FA2]  }
0x2d: {  	s3 =	simm.s32 $0x108;
	s8 =	sld [smem:$0x3FA3]  }
0x2e: {  	s3 =	simm.s32 @!p0 $0x1082;
	s9 =	sld [smem:$0x3FA4]  }
0x2f: {  	lr =	sadd.s32 s0, s3;
	s0 =	sld [smem:$0x3F9B]  }
0x30: {  	s3 =	sld [smem:$0x3F9E]  }
0x31: {  	[smem:$0x3FA7] =	sst s10  }
0x32: {  	s10 =	sld [smem:$0x3FA5];
	_ =	sdelay $0x3  }
0x33: {  	p0 =	seq.s32 s10, $0x1;
	s10 =	sld [smem:$0x3FA7];
	_ =	sdelay $0x3  }
0x34: {  	[smem:$0x3FA7] =	sst s10  }
0x35: {  	s10 =	sld [smem:$0x3FA6];
	_ =	sdelay $0x3  }
0x36: {  	p1 =	seq.s32 s10, $0x1;
	s10 =	sld [smem:$0x3FA7];
	_ =	sdelay $0x3  }
0x37: {  	[smem:$0x3FA7] =	sst s10  }
0x38: {  	s10 =	sld [smem:$0x3FA8]  }
0x39: {  	_ = 	snop;
	(pc) =	sbr.ind lr, $3  }
0x3a: {  	_ = 	snop  }
0x3b: {  	_ = 	snop  }
0x3c: {  	p2 =	seq.s32 s10, $0x1;
	s10 =	sld [smem:$0x3FA7]  }
0x3d: {  	_ =	shalt  }
0x3e: {  	_ =	shalt  }
0x3f: {  	_ =	shalt  }
0x40: {  	_ =	shalt  }
0x41: {  	_ =	shalt  }
0x42: {  	_ =	shalt  }
0x43: {  	_ =	shalt  }
0x44: {  	_ =	shalt  }
0x45: {  	_ =	shalt  }
0x46: {  	_ =	shalt  }
0x47: {  	_ =	shalt  }
0x48: {  	_ =	shalt  }
0x49: {  	_ =	shalt  }
0x4a: {  	_ =	shalt  }
0x4b: {  	_ =	shalt  }
0x4c: {  	_ =	shalt  }
0x4d: {  	_ =	shalt  }
0x4e: {  	_ =	shalt  }
0x4f: {  	_ =	shalt  }
0x50: {  	_ =	shalt  }
0x51: {  	_ =	shalt  }
0x52: {  	_ =	shalt  }
0x53: {  	_ =	shalt  }
0x54: {  	_ =	shalt  }
0x55: {  	_ =	shalt  }
0x56: {  	_ =	shalt  }
0x57: {  	_ =	shalt  }
0x58: {  	_ =	shalt  }
0x59: {  	_ =	shalt  }
0x5a: {  	_ =	shalt  }
0x5b: {  	_ =	shalt  }
0x5c: {  	_ =	shalt  }
0x5d: {  	_ =	shalt  }
0x5e: {  	_ =	shalt  }
0x5f: {  	_ =	shalt  }
0x60: {  	_ =	shalt  }
0x61: {  	_ =	shalt  }
0x62: {  	_ =	shalt  }
0x63: {  	_ =	shalt  }
0x64: {  	_ =	shalt  }
0x65: {  	_ =	shalt  }
0x66: {  	_ =	shalt  }
0x67: {  	_ =	shalt  }
0x68: {  	_ =	shalt  }
0x69: {  	_ =	shalt  }
0x6a: {  	_ =	shalt  }
0x6b: {  	_ =	shalt  }
0x6c: {  	_ =	shalt  }
0x6d: {  	_ =	shalt  }
0x6e: {  	_ =	shalt  }
0x6f: {  	_ =	shalt  }
0x70: {  	_ =	shalt  }
0x71: {  	_ =	shalt  }
0x72: {  	_ =	shalt  }
0x73: {  	_ =	shalt  }
0x74: {  	_ =	shalt  }
0x75: {  	_ =	shalt  }
0x76: {  	_ =	shalt  }
0x77: {  	_ =	shalt  }
0x78: {  	_ =	shalt  }
0x79: {  	_ =	shalt  }
0x7a: {  	_ =	shalt  }
0x7b: {  	_ =	shalt  }
0x7c: {  	_ =	shalt  }
0x7d: {  	_ =	shalt  }
0x7e: {  	_ =	shalt  }
0x7f: {  	_ =	shalt  }
0x80: {  	_ =	shalt  }
0x81: {  	_ =	shalt  }
0x82: {  	_ =	shalt  }
0x83: {  	_ =	shalt  }
0x84: {  	_ =	shalt  }
0x85: {  	_ =	shalt  }
0x86: {  	_ =	shalt  }
0x87: {  	_ =	shalt  }
.Lfunc_end0:
.L_simem_size_0:
called_computation.1_lowered:
.L_overlay_start_0:
0x88: {  	s0 =	sld [smem:$0x3FD9]  }
0x89: {  	s1 =	sld [smem:$0x3FFE];
	_ =	sdelay $0x3  }
0x8a: {  	s0 =	sadd.s32 s1, s0  }
0x8b: {  	[smem:$0x3FB3] =	sst s0  }
0x8c: {  	_ = 	snop  }
0x8d: {  	(tm) =	ssettm $0x1  }
0x8e: {  	s15 =	sld [smem:$0x3FFB];
	_ =	sdelay $0x3  }
0x8f: {  	_ =	strace s15  }
0x90: {  	s0 =	sld [smem:$0x3FFC];
	_ =	sdelay $0x3  }
0x91: {  	_ =	strace s0  }
0x92: {  	s0 =	sld [smem:$0x3FFD];
	_ =	sdelay $0x3  }
0x93: {  	_ =	strace s0  }
0x94: {  	_ =	strace $0x8FFFFFFF  }
0x95: {  	s16 =	sld [smem:$0x3FDB];
	_ =	sdelay $0x1  }
0x96: {  	s17 =	simm.s32 $_scs_section_size  }
0x97: {  	s2 =	simm.s32 $_size__tile_overlayer_lowered;
	s3 =	simm.s32 $_tile_overlayer_lowered  }
0x98: {  	s20 =	simm.s32 $0x1BFF;
	s19 =	sshll.u32 s3, $0x1;
	s0 =	sadd.s32 s17, s16  }
0x99: {  	s4 =	simm.s32 $0x0;
	s18 =	sshll.u32 s2, $0x1;
	s2 =	sadd.s32 s19, s0  }
0x9a: {  	[timem:s4], [sflag:s20] =	dma.local [hbm:s2], s18  }
0x9b: {  	_ =	swait.ge [sflag:s20], s18  }
0x9c: {  	s1 =	ssub.s32 $0x0, s18;
	[sflag:s20] =	ssyncset.done $0x0  }
0x9d: {  	[sflag:s20] =	ssyncadd.s32 s1;
	_ =	sdelay $0x1  }
0x9e: {  	s21 =	simm.s32 $0x1B8B  }
0x9f: {  	_ =	swait.ge [sflag:s21], $0x1  }
0xa0: {  	[sflag:s21] =	ssyncset.done $0x0  }
0xa1: {  	s23 =	simm.s32 $0x1B8E;
	s22 =	sld [smem:$0x3FFE];
	[sflag:s21] =	ssyncadd.s32 $0xFFFFFFFF  }
0xa2: {  	s24 =	simm.s32 $execute0_lowered;
	[smem:$0x3FD2] =	sst s23  }
0xa3: {  	s2 =	sshll.u32 s24, $0x1;
	_ =	strace $0x80000046;
	[dreg:$0x1] =	wrdreg $0xFFFFFFFF  }
0xa4: {  	s25 =	simm.s32 $_size_execute0_lowered;
	s0 =	sadd.s32 s0, s2;
	[dreg:$0x0] =	wrdreg $0x0  }
0xa5: {  	s2 =	sshll.u32 s25, $0x1;
	[dreg:$0x2] =	wrdreg s0  }
0xa6: {  	[dreg:$0x3] =	wrdreg s2  }
0xa7: {  	[dreg:$0x4] =	wrdreg $0xC0  }
0xa8: {  	_ =	task [dreg:s4], $0x5FFFF  }
0xa9: {  	[dreg:$0x1] =	wrdreg $0xFFFFFFFF  }
0xaa: {  	[dreg:$0x0] =	wrdreg $0x60  }
0xab: {  	[dreg:$0x2] =	wrdreg s22  }
0xac: {  	[dreg:$0x3] =	wrdreg $0xA  }
0xad: {  	_ =	task.clear_ibuf [dreg:s4], $0x4FFFF;
	_ =	strace $0x90000046  }
0xae: {  	s26 =	simm.s32 $0xA;
	_ =	strace $0x80000048  }
0xaf: {  	_ =	swait.ge [sflag:s26], $0x1  }
0xb0: {  	[sflag:s26] =	ssyncadd.s32 $0xFFFFFFFF  }
0xb1: {  	_ =	strace $0x90000048  }
0xb2: {  	_ =	sfence  }
0xb3: {  	s28 =	sld [smem:$0x0];
	_ =	sdelay $0x1  }
0xb4: {  	s29 =	srdreg.scid  }
0xb5: {  	s30 =	sshll.u32 s29, $0xD;
	s31 =	sshrl.u32 s29, $0x2  }
0xb6: {  	s1 =	sand.u32 $0x1, s29;
	s2 =	sand.u32 $0x4000, s30;
	s0 =	sadd.s32 s31, s28  }
0xb7: {  	s1 =	sor.u32 s2, s1;
	s0 =	sshll.u32 s0, $0x11  }
0xb8: {  	s0 =	sor.u32 s0, s1  }
0xb9: {  	s0 =	sadd.s32 $0x8F2B, s0  }
0xba: {  	[sflag:s0] =	ssyncadd.remote.s32 $0x1  }
0xbb: {  	_ =	sfence.sel $0xFFFF  }
0xbc: {  	[dreg:$0x0] =	wrdreg $0xFFFFFFFF;
	(pc) =	sbr.abs _section_cstart, $3  }
0xbd: {  	[dreg:$0x1] =	wrdreg $0xFFFFFFFF  }
0xbe: {  	_ =	task.clear_ibuf [dreg:s4], $0x2FFFF;
	_ =	strace $0x9FFFFFFF  }
0xbf: {  	(tm) =	ssettm $0x7FFFFFFF  }
tec
execute0_lowered:
.L_overlay_start_1:
0x0: {  	(tag) =	ssettag $0x1  }
0x1: {  	s0 =	stileid.u32  }
0x2: {  	s1 =	simm.s32 $0x1;
	p0 =	sne.s32 s0, $0x0  }
0x3: {  	s1 =	simm.s32 @!p0 $0x0  }
0x4: {  	s1 =	sadd.s32 s1, s0  }
0x5: {  	p1 =	seq.s32 s0, $0x0;
	s0 =	simm.s32 $0xA0;
	s1 =	smul.u32 $0x50, s1  }
0x6: {  	s0 =	simm.s32 @!p1 $0x50  }
0x7: {  	s0 =	sadd.s32 s0, s1  }
0x8: {  	s2 =	smin.u32 s0, $0x550  }
0x9: {  	s6 =	ssub.s32 s2, s1  }
0xa: {  	p1 =	sgt.s32 s6, $0x0  }
0xb: {  	s6 =	simm.s32 @!p1 $0x0  }
0xc: {  	s3 =	smul.u32 $0xCCCD, s6  }
0xd: {  	s8 =	rddreg [dreg:$0x0];
	s5 =	simm.s32 $0x1;
	s10 =	simm.s32 $0x3  }
0xe: {  	s12 =	simm.s32 $0x0;
	s11 =	simm.s32 $0x0;
	s7 =	sshrl.u32 s3, $0x16  }
0xf: {  	s0 =	rddreg [dreg:$0x1];
	_ =	strace $0x80000047;
	s9 =	smul.u32 $0x50, s7  }
.Ltmp0:
0x10: {  	s4 =	sadd.s32 $0x9A800, s8;
	[sflag:s5] =	ssyncpa.u1 $0x0;
	(pc) =	sbr.rel .LBB2_1-.Ltmp0, $4  }
0x11: {  	s3 =	sadd.s32 $0x49AE00, s8;
	p1 =	sne.s32 s6, s9;
	s9 =	simm.s32 $0x1  }
0x12: {  	s8 =	sadd.s32 $0x67E00, s8;
	s6 =	simm.s32 $0x2;
	s9 =	simm.s32 @!p1 $0x0  }
0x13: {  	[sflag:s6] =	ssyncpa.u1 $0x0;
	p1 =	por $0x0, $0x0;
	s7 =	sadd.s32 s7, s9  }
0x14: {  	vm0 =	vmmov $0xff;
	vm1 =	vcmask $0x3F20;
	[sflag:s10] =	ssyncpa.u1 $0x0;
	s10 =	smov.u32 s1;
	s9 =	sadd.s32 $0x1, s7  }
.LBB2_9:
0x15: {  	s12 =	sadd.s32 $0x50, s10  }
0x16: {  	s14 =	smov.u32 s1;
	p3 =	slt.s32 s12, s2  }
0x17: {  	s14 =	smov.u32 @p3 s12;
	p3 =	sne.s32 s11, s9  }
.Ltmp1:
0x18: {  	p2 =	slt.u32 s11, $0x2;
	(pc) =	sbr.rel @!p3 .LBB2_10-.Ltmp1, $4  }
0x19: {  	s13 =	simm.s32 @!p2 $0x3  }
0x1a: {  	s15 =	sadd.s32 $0x1, s11;
	_ =	swait.ge @!p2 [sflag:s13], $0xA000  }
0x1b: {  	p1 =	por !p1, !p1;
	s12 =	smov.u32 s10;
	[sflag:s13] =	ssyncset.done @!p2 $0x0  }
0x1c: {  	s11 =	smov.u32 s15;
	s10 =	smov.u32 s14;
	[sflag:s13] =	ssyncadd.s32 @!p2 $0xFFFF6000  }
.LBB2_1:
0x1d: {  	p2 =	sge.u32 s11, s7  }
0x1e: {  	s13 =	sxor.u32 @!p2 $0xFFFFFFFF, s11  }
0x1f: {  	s13 =	sand.u32 @!p2 $0x1, s13  }
0x20: {  	s13 =	smul.u32 @!p2 $0x140, s13  }
0x21: {  	s31 =	sadd.s32 $0xFFFFFFFF, s11;
	s14 =	sshrl.u32 @!p2 s10, $0x3  }
0x22: {  	s15 =	sand.u32 @!p2 $0x7, s10;
	s14 =	sadd.s32 @!p2 s4, s14;
	s13 =	sshrl.u32 @!p2 s13, $0x2  }
0x23: {  	[tilespmem:s13], [sflag:$0x2] =	stream.linear.gather @!p2 [hbm4b:s14+s15], $0x50, $0x38;
	[tilespmem:$0x140A0] =	vst v63  }
0x24: {  	p2 =	sge.u32 s31, s7  }
.Ltmp2:
0x25: {  	_ = 	snop;
	(pc) =	sbr.rel @p2 .LBB2_9-.Ltmp2, $1  }
0x26: {  	_ =	sdelay $0x3  }
0x27: {  	s13 =	simm.s32 $0x1  }
0x28: {  	s13 =	simm.s32 @!p1 $0x0  }
0x29: {  	s13 =	smul.u32 $0x28000, s13  }
0x2a: {  	s14 =	sand.u32 $0x1, s11  }
0x2b: {  	_ =	swait.ge [sflag:s6], $0x50;
	s14 =	smul.u32 $0x140, s14;
	s13 =	sshrl.u32 s13, $0x2  }
0x2c: {  	s15 =	simm.s32 $0x0;
	[sflag:s6] =	ssyncset.done $0x0;
	s13 =	sor.u32 $0xA0, s13  }
0x2d: {  	[sflag:s6] =	ssyncadd.s32 $0xFFFFFFB0;
	s14 =	sshrl.u32 s14, $0x2;
	s16 =	smov.u32 s13  }
.LBB2_3:
0x2e: {  	s17 =	sshll.u32 s15, $0x4  }
0x2f: {  	s17 =	sand.u32 $0x3FFFFFF0, s17  }
0x30: {  	s17 =	sadd.s32 s17, s14  }
0x31: {  	v0 =	vld.msk [tilespmem:s17+$0x0 ss:$0x1], $0xffff;
	_ =	sdelay $0x4  }
0x32: {  	vm2 =	vgt.s32 v0, $0x0  }
0x33: {  	v0 =	vnsel vm2, $0x0, v0  }
0x34: {  	v0 =	vmin.u32 v0, $0x19FF  }
0x35: {  	v1 =	vshll.u32 v0, $0x6;
	v0 =	vshll.u32 v0, $0x4  }
0x36: {  	v1 =	vand.u32 $0x7FE00, v1;
	v0 =	vand.u32 $0x70, v0  }
0x37: {  	v0 =	vor.u32 v0, v1;
	_ =	sdelay $0x3  }
0x38: {  	s18 =	sadd.s32 $0x0, s16  }
0x39: {  	[tilespmem:s18], [sflag:$0x1] =	stream.indirect_vreg.gather [hbm:s3], $0x80, v0, vm0, $0x38;
	[tilespmem:$0x140A0] =	vst v63  }
0x3a: {  	s17 =	simm.s32 $0x1000;
	v1 =	vadd.s32 $0x80, v0;
	s18 =	sadd.s32 $0x1000, s18  }
.LBB2_4:
0x3b: {  	[tilespmem:s18], [sflag:$0x1] =	stream.indirect_vreg.gather [hbm:s3], $0x80, v0, vm1, $0x38;
	[tilespmem:$0x140A0] =	vst v63  }
0x3c: {  	v0 =	vmov v1;
	s18 =	smov.u32 s17;
	p2 =	sne.s32 s17, $0x3000  }
.Ltmp3:
0x3d: {  	s17 =	sadd.s32 $0x1000, s17;
	(pc) =	sbr.rel @p2 .LBB2_4-.Ltmp3, $4  }
0x3e: {  	s18 =	sshra.s32 s18, $0x2  }
0x3f: {  	s18 =	sadd.s32 s18, s16  }
0x40: {  	[tilespmem:s18], [sflag:$0x1] =	stream.indirect_vreg.gather [hbm:s3], $0x80, v1, vm0, $0x38;
	[tilespmem:$0x140A0] =	vst v63  }
0x41: {  	s18 =	sadd.s32 $0x1000, s18;
	v1 =	vadd.s32 $0x80, v1  }
0x42: {  	s15 =	sadd.s32 $0x1, s15  }
0x43: {  	p2 =	sne.s32 s15, $0x5  }
.Ltmp4:
0x44: {  	_ = 	snop;
	(pc) =	sbr.rel @p2 .LBB2_3-.Ltmp4, $3  }
0x45: {  	_ =	sdelay $0x1  }
0x46: {  	[tilespmem:s18], [sflag:$0x1] =	stream.indirect_vreg.gather [hbm:s3], $0x80, v0, vm1, $0x38;
	[tilespmem:$0x140A0] =	vst v63  }
0x47: {  	s16 =	sadd.s32 $0x2000, s16  }
0x48: {  	s14 =	sshll.u32 s12, $0x6  }
0x49: {  	s31 =	sshll.u32 s12, $0x4;
	s14 =	sand.u32 $0xFFFFFE00, s14  }
0x4a: {  	_ =	swait.ge [sflag:s5], $0xA000;
	s12 =	sand.u32 $0x70, s31;
	s14 =	sadd.s32 s14, s8  }
0x4b: {  	s15 =	sadd.s32 $0x1000, s13;
	[sflag:s5] =	ssyncset.done $0x0;
	s12 =	sadd.s32 s12, s14  }
0x4c: {  	[sflag:s5] =	ssyncadd.s32 $0xFFFF6000;
	s14 =	simm.s32 $0x200;
	s16 =	sadd.s32 $0x0, s12  }
.LBB2_7:
0x4d: {  	[hbm:s16] =	stream.linear.scatter [tilespmem:s13], [sflag:$0x3], $0x1000, $0x38;
	[tilespmem:$0x140A0] =	vst v63  }
0x4e: {  	s16 =	smov.u32 s14;
	s13 =	smov.u32 s15;
	p2 =	sne.s32 s14, $0x1200  }
.Ltmp5:
0x4f: {  	s14 =	sadd.s32 $0x200, s14;
	(pc) =	sbr.rel @p2 .LBB2_7-.Ltmp5, $2  }
0x50: {  	_ =	sdelay $0x2  }
0x51: {  	s15 =	sadd.s32 $0x1000, s15;
	s16 =	sadd.s32 s16, s12  }
.Ltmp6:
0x52: {  	(pc) =	sbr.rel .LBB2_9-.Ltmp6, $2  }
0x53: {  	_ =	sdelay $0x2  }
0x54: {  	[hbm:s16] =	stream.linear.scatter [tilespmem:s13], [sflag:$0x3], $0x1000, $0x38;
	[tilespmem:$0x140A0] =	vst v63  }
.LBB2_10:
0x55: {  	_ =	sfence.sel $0x180000  }
0x56: {  	s1 =	simm.s32 $0x2;
	[bflag:$0x0] =	sbarrier.arrive $0xFFFF  }
0x57: {  	s30 =	simm.s32 $0x3;
	[sflag:s1] =	ssyncpa.u1 $0x1  }
0x58: {  	s31 =	simm.s32 $0x1;
	[sflag:s30] =	ssyncpa.u1 $0x1  }
0x59: {  	[sflag:s31] =	ssyncpa.u1 $0x1  }
0x5a: {  	_ =	strace $0x90000047  }
0x5b: {  	s0 =	sadd.s32 @!p0 $0x100000, s0;
	[bflag:$0x2] =	sbarrier.arrive $0xFFFF  }
0x5c: {  	[sflag:s0] =	ssyncadd.tile.s32 @!p0 $0x1;
	_ =	shalt  }
.Lfunc_end2:
_tile_overlayer_lowered:
.L_overlay_start_2:
0x5d: {  	(tag) =	ssettag $0x2  }
0x5e: {  	s0 =	rddreg [dreg:$0x0];
	s2 =	stileid.u32  }
0x5f: {  	s1 =	rddreg [dreg:$0x1];
	p0 =	sne.s32 s2, $0x0  }
0x60: {  	s3 =	rddreg [dreg:$0x2];
	[bflag:$0x3] =	sbarrier.arrive $0xFFFF;
	s2 =	simm.s32 @!p0 $0x1C01  }
0x61: {  	[timem:s3], [sflag:s2] =	dma.local @!p0 [hbm:s0], s1  }
0x62: {  	s0 =	simm.s32 @!p0 $0x1  }
0x63: {  	_ =	swait.ge @!p0 [sflag:s0], s1  }
0x64: {  	s1 =	ssub.s32 @!p0 $0x0, s1;
	[sflag:s0] =	ssyncset.done @!p0 $0x0  }
0x65: {  	[sflag:s0] =	ssyncadd.s32 @!p0 s1  }
0x66: {  	[bflag:$0x3] =	sbarrier.arrive $0xFFFF  }
0x67: {  	_ =	shalt  }

// kernel: gather_offload_async_start.2
scs
__scs_entry_jumppad:
0x0: {  	(pc) =	sbr.rel $0x88, $3  }
0x1: {  	(tag) =	ssettag $0x0;
	lr =	simm.s32 $0x1  }
0x2: {  	[smem:$0x3F8C] =	sst lr;
	_ =	strace $0xD0000000  }
0x3: {  	_ = 	snop  }
0x4: {  	_ = 	snop  }
0x5: {  	_ = 	snop  }
0x6: {  	_ = 	snop  }
0x7: {  	_ = 	snop  }
__scs_overlays_trampoline_lowered:
0x8: {  	[smem:$0x3F9B] =	sst s0  }
0x9: {  	[smem:$0x3F9C] =	sst s1  }
0xa: {  	[smem:$0x3F9D] =	sst s2  }
0xb: {  	[smem:$0x3F9E] =	sst s3  }
0xc: {  	[smem:$0x3F9F] =	sst s4  }
0xd: {  	[smem:$0x3FA0] =	sst s5  }
0xe: {  	[smem:$0x3FA1] =	sst s6  }
0xf: {  	[smem:$0x3FA2] =	sst s7  }
0x10: {  	[smem:$0x3FA3] =	sst s8  }
0x11: {  	[smem:$0x3FA4] =	sst s9;
	s0 =	simm.s32 @!p0 $0x0  }
0x12: {  	s1 =	sld [smem:$0x3F8A];
	s0 =	simm.s32 @p0 $0x1  }
0x13: {  	[smem:$0x3FA5] =	sst s0;
	s0 =	simm.s32 @!p1 $0x0  }
0x14: {  	s2 =	sld [smem:$0x3F89];
	s0 =	simm.s32 @p1 $0x1  }
0x15: {  	[smem:$0x3FA6] =	sst s0;
	s0 =	simm.s32 @!p2 $0x0  }
0x16: {  	s3 =	sld [smem:$0x3FDB];
	s0 =	simm.s32 @p2 $0x1  }
0x17: {  	s4 =	simm.s32 $0x1BF5;
	[smem:$0x3FA8] =	sst s0  }
0x18: {  	s0 =	sld [smem:$0x3F8B];
	_ =	swait.ge [sflag:s4], $0x0  }
0x19: {  	s7 =	sld [smem:$0x3F8C]  }
0x1a: {  	s8 =	sadd.s32 $0xFFFFE003, lr  }
0x1b: {  	s9 =	sadd.s32 $0xFFFFFEF7, lr;
	s5 =	simm.s32 $0xFFFFFFFF;
	p2 =	slt.u32 s8, $0xFFFFF086  }
0x1c: {  	p1 =	slt.u32 s9, $0xF7A;
	s5 =	simm.s32 @!p2 $0x0  }
0x1d: {  	s5 =	simm.s32 @p1 $0x1;
	p0 =	seq.s32 s7, s2  }
0x1e: {  	s7 =	smul.u32 @!p0 $0xF7A, s2;
	p2 =	seq.s32 @!p0 s5, $0x0  }
0x1f: {  	s9 =	smul.u32 $0xF7A, s1;
	s8 =	simm.s32 @!p0 $0x1BF5;
	p2 =	por !p2, p0  }
0x20: {  	[sflag:s8] =	ssyncset.s32 @!p0 $0xFFFFF086;
	s6 =	sadd.s32 @!p0 s3, s7;
	s7 =	simm.s32 @!p0 $0x108  }
0x21: {  	s3 =	sadd.s32 s3, s9;
	s6 =	sadd.s32 @!p0 $0x88, s6;
	s7 =	simm.s32 @p2 $0x1082  }
0x22: {  	[simem:s7], [sflag:s8] =	dma.local @!p0 [hbm:s6], $0xF7A  }
0x23: {  	s9 =	sor.u32 $0xD0000000, s2;
	s6 =	simm.s32 $0x108;
	_ =	swait.ge @!p0 [sflag:s8], $0x0  }
0x24: {  	s3 =	sadd.s32 $0x88, s3;
	s6 =	simm.s32 @!p1 $0x1082;
	[sflag:s4] =	ssyncset.s32 $0xFFFFF086  }
0x25: {  	[simem:s6], [sflag:s4] =	dma.local [hbm:s3], $0xF7A  }
0x26: {  	[smem:$0x3F8C] =	sst s1;
	(tag) =	ssettag s2;
	_ =	strace s9  }
0x27: {  	s1 =	sld [smem:$0x3F9C]  }
0x28: {  	s2 =	sld [smem:$0x3F9D]  }
0x29: {  	s4 =	sld [smem:$0x3F9F]  }
0x2a: {  	p0 =	seq.s32 s5, $0x0;
	s5 =	sld [smem:$0x3FA0]  }
0x2b: {  	s6 =	sld [smem:$0x3FA1]  }
0x2c: {  	s7 =	sld [smem:$0x3FA2]  }
0x2d: {  	s3 =	simm.s32 $0x108;
	s8 =	sld [smem:$0x3FA3]  }
0x2e: {  	s3 =	simm.s32 @!p0 $0x1082;
	s9 =	sld [smem:$0x3FA4]  }
0x2f: {  	lr =	sadd.s32 s0, s3;
	s0 =	sld [smem:$0x3F9B]  }
0x30: {  	s3 =	sld [smem:$0x3F9E]  }
0x31: {  	[smem:$0x3FA7] =	sst s10  }
0x32: {  	s10 =	sld [smem:$0x3FA5];
	_ =	sdelay $0x3  }
0x33: {  	p0 =	seq.s32 s10, $0x1;
	s10 =	sld [smem:$0x3FA7];
	_ =	sdelay $0x3  }
0x34: {  	[smem:$0x3FA7] =	sst s10  }
0x35: {  	s10 =	sld [smem:$0x3FA6];
	_ =	sdelay $0x3  }
0x36: {  	p1 =	seq.s32 s10, $0x1;
	s10 =	sld [smem:$0x3FA7];
	_ =	sdelay $0x3  }
0x37: {  	[smem:$0x3FA7] =	sst s10  }
0x38: {  	s10 =	sld [smem:$0x3FA8]  }
0x39: {  	_ = 	snop;
	(pc) =	sbr.ind lr, $3  }
0x3a: {  	_ = 	snop  }
0x3b: {  	_ = 	snop  }
0x3c: {  	p2 =	seq.s32 s10, $0x1;
	s10 =	sld [smem:$0x3FA7]  }
0x3d: {  	_ =	shalt  }
0x3e: {  	_ =	shalt  }
0x3f: {  	_ =	shalt  }
0x40: {  	_ =	shalt  }
0x41: {  	_ =	shalt  }
0x42: {  	_ =	shalt  }
0x43: {  	_ =	shalt  }
0x44: {  	_ =	shalt  }
0x45: {  	_ =	shalt  }
0x46: {  	_ =	shalt  }
0x47: {  	_ =	shalt  }
0x48: {  	_ =	shalt  }
0x49: {  	_ =	shalt  }
0x4a: {  	_ =	shalt  }
0x4b: {  	_ =	shalt  }
0x4c: {  	_ =	shalt  }
0x4d: {  	_ =	shalt  }
0x4e: {  	_ =	shalt  }
0x4f: {  	_ =	shalt  }
0x50: {  	_ =	shalt  }
0x51: {  	_ =	shalt  }
0x52: {  	_ =	shalt  }
0x53: {  	_ =	shalt  }
0x54: {  	_ =	shalt  }
0x55: {  	_ =	shalt  }
0x56: {  	_ =	shalt  }
0x57: {  	_ =	shalt  }
0x58: {  	_ =	shalt  }
0x59: {  	_ =	shalt  }
0x5a: {  	_ =	shalt  }
0x5b: {  	_ =	shalt  }
0x5c: {  	_ =	shalt  }
0x5d: {  	_ =	shalt  }
0x5e: {  	_ =	shalt  }
0x5f: {  	_ =	shalt  }
0x60: {  	_ =	shalt  }
0x61: {  	_ =	shalt  }
0x62: {  	_ =	shalt  }
0x63: {  	_ =	shalt  }
0x64: {  	_ =	shalt  }
0x65: {  	_ =	shalt  }
0x66: {  	_ =	shalt  }
0x67: {  	_ =	shalt  }
0x68: {  	_ =	shalt  }
0x69: {  	_ =	shalt  }
0x6a: {  	_ =	shalt  }
0x6b: {  	_ =	shalt  }
0x6c: {  	_ =	shalt  }
0x6d: {  	_ =	shalt  }
0x6e: {  	_ =	shalt  }
0x6f: {  	_ =	shalt  }
0x70: {  	_ =	shalt  }
0x71: {  	_ =	shalt  }
0x72: {  	_ =	shalt  }
0x73: {  	_ =	shalt  }
0x74: {  	_ =	shalt  }
0x75: {  	_ =	shalt  }
0x76: {  	_ =	shalt  }
0x77: {  	_ =	shalt  }
0x78: {  	_ =	shalt  }
0x79: {  	_ =	shalt  }
0x7a: {  	_ =	shalt  }
0x7b: {  	_ =	shalt  }
0x7c: {  	_ =	shalt  }
0x7d: {  	_ =	shalt  }
0x7e: {  	_ =	shalt  }
0x7f: {  	_ =	shalt  }
0x80: {  	_ =	shalt  }
0x81: {  	_ =	shalt  }
0x82: {  	_ =	shalt  }
0x83: {  	_ =	shalt  }
0x84: {  	_ =	shalt  }
0x85: {  	_ =	shalt  }
0x86: {  	_ =	shalt  }
0x87: {  	_ =	shalt  }
.Lfunc_end0:
.L_simem_size_0:
called_computation.2_lowered:
.L_overlay_start_0:
0x88: {  	s0 =	sld [smem:$0x3FD9]  }
0x89: {  	s1 =	sld [smem:$0x3FFE];
	_ =	sdelay $0x3  }
0x8a: {  	s0 =	sadd.s32 s1, s0  }
0x8b: {  	[smem:$0x3FB3] =	sst s0  }
0x8c: {  	_ = 	snop  }
0x8d: {  	(tm) =	ssettm $0x1  }
0x8e: {  	s15 =	sld [smem:$0x3FFB];
	_ =	sdelay $0x3  }
0x8f: {  	_ =	strace s15  }
0x90: {  	s0 =	sld [smem:$0x3FFC];
	_ =	sdelay $0x3  }
0x91: {  	_ =	strace s0  }
0x92: {  	s0 =	sld [smem:$0x3FFD];
	_ =	sdelay $0x3  }
0x93: {  	_ =	strace s0  }
0x94: {  	_ =	strace $0x8FFFFFFF  }
0x95: {  	s16 =	sld [smem:$0x3FDB];
	_ =	sdelay $0x1  }
0x96: {  	s17 =	simm.s32 $_scs_section_size  }
0x97: {  	s2 =	simm.s32 $_size__tile_overlayer_lowered;
	s3 =	simm.s32 $_tile_overlayer_lowered  }
0x98: {  	s20 =	simm.s32 $0x1BFF;
	s19 =	sshll.u32 s3, $0x1;
	s0 =	sadd.s32 s17, s16  }
0x99: {  	s4 =	simm.s32 $0x0;
	s18 =	sshll.u32 s2, $0x1;
	s2 =	sadd.s32 s19, s0  }
0x9a: {  	[timem:s4], [sflag:s20] =	dma.local [hbm:s2], s18  }
0x9b: {  	_ =	swait.ge [sflag:s20], s18  }
0x9c: {  	s1 =	ssub.s32 $0x0, s18;
	[sflag:s20] =	ssyncset.done $0x0  }
0x9d: {  	[sflag:s20] =	ssyncadd.s32 s1;
	_ =	sdelay $0x1  }
0x9e: {  	s21 =	simm.s32 $0x1B8B  }
0x9f: {  	_ =	swait.ge [sflag:s21], $0x1  }
0xa0: {  	[sflag:s21] =	ssyncset.done $0x0  }
0xa1: {  	s23 =	simm.s32 $0x1B8E;
	s22 =	sld [smem:$0x3FFE];
	[sflag:s21] =	ssyncadd.s32 $0xFFFFFFFF  }
0xa2: {  	s24 =	simm.s32 $execute0_lowered;
	[smem:$0x3FD2] =	sst s23  }
0xa3: {  	s2 =	sshll.u32 s24, $0x1;
	_ =	strace $0x8000004F;
	[dreg:$0x1] =	wrdreg $0xFFFFFFFF  }
0xa4: {  	s25 =	simm.s32 $_size_execute0_lowered;
	s0 =	sadd.s32 s0, s2;
	[dreg:$0x0] =	wrdreg $0x0  }
0xa5: {  	s2 =	sshll.u32 s25, $0x1;
	[dreg:$0x2] =	wrdreg s0  }
0xa6: {  	[dreg:$0x3] =	wrdreg s2  }
0xa7: {  	[dreg:$0x4] =	wrdreg $0xC0  }
0xa8: {  	_ =	task [dreg:s4], $0x5FFFF  }
0xa9: {  	[dreg:$0x1] =	wrdreg $0xFFFFFFFF  }
0xaa: {  	[dreg:$0x0] =	wrdreg $0x60  }
0xab: {  	[dreg:$0x2] =	wrdreg s22  }
0xac: {  	[dreg:$0x3] =	wrdreg $0x9  }
0xad: {  	_ =	task.clear_ibuf [dreg:s4], $0x4FFFF;
	_ =	strace $0x9000004F  }
0xae: {  	s26 =	simm.s32 $0x9;
	_ =	strace $0x80000051  }
0xaf: {  	_ =	swait.ge [sflag:s26], $0x1  }
0xb0: {  	[sflag:s26] =	ssyncadd.s32 $0xFFFFFFFF  }
0xb1: {  	_ =	strace $0x90000051  }
0xb2: {  	_ =	sfence  }
0xb3: {  	s28 =	sld [smem:$0x0];
	_ =	sdelay $0x1  }
0xb4: {  	s29 =	srdreg.scid  }
0xb5: {  	s30 =	sshll.u32 s29, $0xD;
	s31 =	sshrl.u32 s29, $0x2  }
0xb6: {  	s1 =	sand.u32 $0x1, s29;
	s2 =	sand.u32 $0x4000, s30;
	s0 =	sadd.s32 s31, s28  }
0xb7: {  	s1 =	sor.u32 s2, s1;
	s0 =	sshll.u32 s0, $0x11  }
0xb8: {  	s0 =	sor.u32 s0, s1  }
0xb9: {  	s0 =	sadd.s32 $0x8F2B, s0  }
0xba: {  	[sflag:s0] =	ssyncadd.remote.s32 $0x1  }
0xbb: {  	_ =	sfence.sel $0xFFFF  }
0xbc: {  	[dreg:$0x0] =	wrdreg $0xFFFFFFFF;
	(pc) =	sbr.abs _section_cstart, $3  }
0xbd: {  	[dreg:$0x1] =	wrdreg $0xFFFFFFFF  }
0xbe: {  	_ =	task.clear_ibuf [dreg:s4], $0x2FFFF;
	_ =	strace $0x9FFFFFFF  }
0xbf: {  	(tm) =	ssettm $0x7FFFFFFF  }
tec
execute0_lowered:
.L_overlay_start_1:
0x0: {  	(tag) =	ssettag $0x1  }
0x1: {  	s0 =	stileid.u32  }
0x2: {  	s1 =	simm.s32 $0x1;
	p0 =	sne.s32 s0, $0x0  }
0x3: {  	s1 =	simm.s32 @!p0 $0x0  }
0x4: {  	s1 =	sadd.s32 s1, s0  }
0x5: {  	p1 =	seq.s32 s0, $0x0;
	s0 =	simm.s32 $0xA0;
	s1 =	smul.u32 $0x50, s1  }
0x6: {  	s0 =	simm.s32 @!p1 $0x50  }
0x7: {  	s0 =	sadd.s32 s0, s1  }
0x8: {  	s2 =	smin.u32 s0, $0x550  }
0x9: {  	s6 =	ssub.s32 s2, s1  }
0xa: {  	p1 =	sgt.s32 s6, $0x0  }
0xb: {  	s6 =	simm.s32 @!p1 $0x0  }
0xc: {  	s3 =	smul.u32 $0xCCCD, s6  }
0xd: {  	s8 =	rddreg [dreg:$0x0];
	s5 =	simm.s32 $0x1;
	s10 =	simm.s32 $0x3  }
0xe: {  	s12 =	simm.s32 $0x0;
	s11 =	simm.s32 $0x0;
	s7 =	sshrl.u32 s3, $0x16  }
0xf: {  	s0 =	rddreg [dreg:$0x1];
	_ =	strace $0x80000050;
	s9 =	smul.u32 $0x50, s7  }
.Ltmp0:
0x10: {  	s4 =	sadd.s32 $0x6E00, s8;
	[sflag:s5] =	ssyncpa.u1 $0x0;
	(pc) =	sbr.rel .LBB2_1-.Ltmp0, $4  }
0x11: {  	s3 =	sadd.s32 $0x49AE00, s8;
	p1 =	sne.s32 s6, s9;
	s9 =	simm.s32 $0x1  }
0x12: {  	s8 =	sadd.s32 $0x67E00, s8;
	s6 =	simm.s32 $0x2;
	s9 =	simm.s32 @!p1 $0x0  }
0x13: {  	[sflag:s6] =	ssyncpa.u1 $0x0;
	p1 =	por $0x0, $0x0;
	s7 =	sadd.s32 s7, s9  }
0x14: {  	vm0 =	vmmov $0xff;
	vm1 =	vcmask $0x3F20;
	[sflag:s10] =	ssyncpa.u1 $0x0;
	s10 =	smov.u32 s1;
	s9 =	sadd.s32 $0x1, s7  }
.LBB2_9:
0x15: {  	s12 =	sadd.s32 $0x50, s10  }
0x16: {  	s14 =	smov.u32 s1;
	p3 =	slt.s32 s12, s2  }
0x17: {  	s14 =	smov.u32 @p3 s12;
	p3 =	sne.s32 s11, s9  }
.Ltmp1:
0x18: {  	p2 =	slt.u32 s11, $0x2;
	(pc) =	sbr.rel @!p3 .LBB2_10-.Ltmp1, $4  }
0x19: {  	s13 =	simm.s32 @!p2 $0x3  }
0x1a: {  	s15 =	sadd.s32 $0x1, s11;
	_ =	swait.ge @!p2 [sflag:s13], $0xA000  }
0x1b: {  	p1 =	por !p1, !p1;
	s12 =	smov.u32 s10;
	[sflag:s13] =	ssyncset.done @!p2 $0x0  }
0x1c: {  	s11 =	smov.u32 s15;
	s10 =	smov.u32 s14;
	[sflag:s13] =	ssyncadd.s32 @!p2 $0xFFFF6000  }
.LBB2_1:
0x1d: {  	p2 =	sge.u32 s11, s7  }
0x1e: {  	s13 =	sxor.u32 @!p2 $0xFFFFFFFF, s11  }
0x1f: {  	s13 =	sand.u32 @!p2 $0x1, s13  }
0x20: {  	s13 =	smul.u32 @!p2 $0x140, s13  }
0x21: {  	s31 =	sadd.s32 $0xFFFFFFFF, s11;
	s14 =	sshrl.u32 @!p2 s10, $0x3  }
0x22: {  	s15 =	sand.u32 @!p2 $0x7, s10;
	s14 =	sadd.s32 @!p2 s4, s14;
	s13 =	sshrl.u32 @!p2 s13, $0x2  }
0x23: {  	[tilespmem:s13], [sflag:$0x2] =	stream.linear.gather @!p2 [hbm4b:s14+s15], $0x50, $0x38;
	[tilespmem:$0x140A0] =	vst v63  }
0x24: {  	p2 =	sge.u32 s31, s7  }
.Ltmp2:
0x25: {  	_ = 	snop;
	(pc) =	sbr.rel @p2 .LBB2_9-.Ltmp2, $1  }
0x26: {  	_ =	sdelay $0x3  }
0x27: {  	s13 =	simm.s32 $0x1  }
0x28: {  	s13 =	simm.s32 @!p1 $0x0  }
0x29: {  	s13 =	smul.u32 $0x28000, s13  }
0x2a: {  	s14 =	sand.u32 $0x1, s11  }
0x2b: {  	_ =	swait.ge [sflag:s6], $0x50;
	s14 =	smul.u32 $0x140, s14;
	s13 =	sshrl.u32 s13, $0x2  }
0x2c: {  	s15 =	simm.s32 $0x0;
	[sflag:s6] =	ssyncset.done $0x0;
	s13 =	sor.u32 $0xA0, s13  }
0x2d: {  	[sflag:s6] =	ssyncadd.s32 $0xFFFFFFB0;
	s14 =	sshrl.u32 s14, $0x2;
	s16 =	smov.u32 s13  }
.LBB2_3:
0x2e: {  	s17 =	sshll.u32 s15, $0x4  }
0x2f: {  	s17 =	sand.u32 $0x3FFFFFF0, s17  }
0x30: {  	s17 =	sadd.s32 s17, s14  }
0x31: {  	v0 =	vld.msk [tilespmem:s17+$0x0 ss:$0x1], $0xffff;
	_ =	sdelay $0x4  }
0x32: {  	vm2 =	vgt.s32 v0, $0x0  }
0x33: {  	v0 =	vnsel vm2, $0x0, v0  }
0x34: {  	v0 =	vmin.u32 v0, $0x19FF  }
0x35: {  	v1 =	vshll.u32 v0, $0x6;
	v0 =	vshll.u32 v0, $0x4  }
0x36: {  	v1 =	vand.u32 $0x7FE00, v1;
	v0 =	vand.u32 $0x70, v0  }
0x37: {  	v0 =	vor.u32 v0, v1;
	_ =	sdelay $0x3  }
0x38: {  	s18 =	sadd.s32 $0x0, s16  }
0x39: {  	[tilespmem:s18], [sflag:$0x1] =	stream.indirect_vreg.gather [hbm:s3], $0x80, v0, vm0, $0x38;
	[tilespmem:$0x140A0] =	vst v63  }
0x3a: {  	s17 =	simm.s32 $0x1000;
	v1 =	vadd.s32 $0x80, v0;
	s18 =	sadd.s32 $0x1000, s18  }
.LBB2_4:
0x3b: {  	[tilespmem:s18], [sflag:$0x1] =	stream.indirect_vreg.gather [hbm:s3], $0x80, v0, vm1, $0x38;
	[tilespmem:$0x140A0] =	vst v63  }
0x3c: {  	v0 =	vmov v1;
	s18 =	smov.u32 s17;
	p2 =	sne.s32 s17, $0x3000  }
.Ltmp3:
0x3d: {  	s17 =	sadd.s32 $0x1000, s17;
	(pc) =	sbr.rel @p2 .LBB2_4-.Ltmp3, $4  }
0x3e: {  	s18 =	sshra.s32 s18, $0x2  }
0x3f: {  	s18 =	sadd.s32 s18, s16  }
0x40: {  	[tilespmem:s18], [sflag:$0x1] =	stream.indirect_vreg.gather [hbm:s3], $0x80, v1, vm0, $0x38;
	[tilespmem:$0x140A0] =	vst v63  }
0x41: {  	s18 =	sadd.s32 $0x1000, s18;
	v1 =	vadd.s32 $0x80, v1  }
0x42: {  	s15 =	sadd.s32 $0x1, s15  }
0x43: {  	p2 =	sne.s32 s15, $0x5  }
.Ltmp4:
0x44: {  	_ = 	snop;
	(pc) =	sbr.rel @p2 .LBB2_3-.Ltmp4, $3  }
0x45: {  	_ =	sdelay $0x1  }
0x46: {  	[tilespmem:s18], [sflag:$0x1] =	stream.indirect_vreg.gather [hbm:s3], $0x80, v0, vm1, $0x38;
	[tilespmem:$0x140A0] =	vst v63  }
0x47: {  	s16 =	sadd.s32 $0x2000, s16  }
0x48: {  	s14 =	sshll.u32 s12, $0x6  }
0x49: {  	s31 =	sshll.u32 s12, $0x4;
	s14 =	sand.u32 $0xFFFFFE00, s14  }
0x4a: {  	_ =	swait.ge [sflag:s5], $0xA000;
	s12 =	sand.u32 $0x70, s31;
	s14 =	sadd.s32 s14, s8  }
0x4b: {  	s15 =	sadd.s32 $0x1000, s13;
	[sflag:s5] =	ssyncset.done $0x0;
	s12 =	sadd.s32 s12, s14  }
0x4c: {  	[sflag:s5] =	ssyncadd.s32 $0xFFFF6000;
	s14 =	simm.s32 $0x200;
	s16 =	sadd.s32 $0x0, s12  }
.LBB2_7:
0x4d: {  	[hbm:s16] =	stream.linear.scatter [tilespmem:s13], [sflag:$0x3], $0x1000, $0x38;
	[tilespmem:$0x140A0] =	vst v63  }
0x4e: {  	s16 =	smov.u32 s14;
	s13 =	smov.u32 s15;
	p2 =	sne.s32 s14, $0x1200  }
.Ltmp5:
0x4f: {  	s14 =	sadd.s32 $0x200, s14;
	(pc) =	sbr.rel @p2 .LBB2_7-.Ltmp5, $2  }
0x50: {  	_ =	sdelay $0x2  }
0x51: {  	s15 =	sadd.s32 $0x1000, s15;
	s16 =	sadd.s32 s16, s12  }
.Ltmp6:
0x52: {  	(pc) =	sbr.rel .LBB2_9-.Ltmp6, $2  }
0x53: {  	_ =	sdelay $0x2  }
0x54: {  	[hbm:s16] =	stream.linear.scatter [tilespmem:s13], [sflag:$0x3], $0x1000, $0x38;
	[tilespmem:$0x140A0] =	vst v63  }
.LBB2_10:
0x55: {  	_ =	sfence.sel $0x180000  }
0x56: {  	s1 =	simm.s32 $0x2;
	[bflag:$0x0] =	sbarrier.arrive $0xFFFF  }
0x57: {  	s30 =	simm.s32 $0x3;
	[sflag:s1] =	ssyncpa.u1 $0x1  }
0x58: {  	s31 =	simm.s32 $0x1;
	[sflag:s30] =	ssyncpa.u1 $0x1  }
0x59: {  	[sflag:s31] =	ssyncpa.u1 $0x1  }
0x5a: {  	_ =	strace $0x90000050  }
0x5b: {  	s0 =	sadd.s32 @!p0 $0x100000, s0;
	[bflag:$0x2] =	sbarrier.arrive $0xFFFF  }
0x5c: {  	[sflag:s0] =	ssyncadd.tile.s32 @!p0 $0x1;
	_ =	shalt  }
.Lfunc_end2:
_tile_overlayer_lowered:
.L_overlay_start_2:
0x5d: {  	(tag) =	ssettag $0x2  }
0x5e: {  	s0 =	rddreg [dreg:$0x0];
	s2 =	stileid.u32  }
0x5f: {  	s1 =	rddreg [dreg:$0x1];
	p0 =	sne.s32 s2, $0x0  }
0x60: {  	s3 =	rddreg [dreg:$0x2];
	[bflag:$0x3] =	sbarrier.arrive $0xFFFF;
	s2 =	simm.s32 @!p0 $0x1C01  }
0x61: {  	[timem:s3], [sflag:s2] =	dma.local @!p0 [hbm:s0], s1  }
0x62: {  	s0 =	simm.s32 @!p0 $0x1  }
0x63: {  	_ =	swait.ge @!p0 [sflag:s0], s1  }
0x64: {  	s1 =	ssub.s32 @!p0 $0x0, s1;
	[sflag:s0] =	ssyncset.done @!p0 $0x0  }
0x65: {  	[sflag:s0] =	ssyncadd.s32 @!p0 s1  }
0x66: {  	[bflag:$0x3] =	sbarrier.arrive $0xFFFF  }
0x67: {  	_ =	shalt  }

// kernel: gather_offload_async_start.3
scs
__scs_entry_jumppad:
0x0: {  	(pc) =	sbr.rel $0x88, $3  }
0x1: {  	(tag) =	ssettag $0x0;
	lr =	simm.s32 $0x1  }
0x2: {  	[smem:$0x3F8C] =	sst lr;
	_ =	strace $0xD0000000  }
0x3: {  	_ = 	snop  }
0x4: {  	_ = 	snop  }
0x5: {  	_ = 	snop  }
0x6: {  	_ = 	snop  }
0x7: {  	_ = 	snop  }
__scs_overlays_trampoline_lowered:
0x8: {  	[smem:$0x3F9B] =	sst s0  }
0x9: {  	[smem:$0x3F9C] =	sst s1  }
0xa: {  	[smem:$0x3F9D] =	sst s2  }
0xb: {  	[smem:$0x3F9E] =	sst s3  }
0xc: {  	[smem:$0x3F9F] =	sst s4  }
0xd: {  	[smem:$0x3FA0] =	sst s5  }
0xe: {  	[smem:$0x3FA1] =	sst s6  }
0xf: {  	[smem:$0x3FA2] =	sst s7  }
0x10: {  	[smem:$0x3FA3] =	sst s8  }
0x11: {  	[smem:$0x3FA4] =	sst s9;
	s0 =	simm.s32 @!p0 $0x0  }
0x12: {  	s1 =	sld [smem:$0x3F8A];
	s0 =	simm.s32 @p0 $0x1  }
0x13: {  	[smem:$0x3FA5] =	sst s0;
	s0 =	simm.s32 @!p1 $0x0  }
0x14: {  	s2 =	sld [smem:$0x3F89];
	s0 =	simm.s32 @p1 $0x1  }
0x15: {  	[smem:$0x3FA6] =	sst s0;
	s0 =	simm.s32 @!p2 $0x0  }
0x16: {  	s3 =	sld [smem:$0x3FDB];
	s0 =	simm.s32 @p2 $0x1  }
0x17: {  	s4 =	simm.s32 $0x1BF5;
	[smem:$0x3FA8] =	sst s0  }
0x18: {  	s0 =	sld [smem:$0x3F8B];
	_ =	swait.ge [sflag:s4], $0x0  }
0x19: {  	s7 =	sld [smem:$0x3F8C]  }
0x1a: {  	s8 =	sadd.s32 $0xFFFFE003, lr  }
0x1b: {  	s9 =	sadd.s32 $0xFFFFFEF7, lr;
	s5 =	simm.s32 $0xFFFFFFFF;
	p2 =	slt.u32 s8, $0xFFFFF086  }
0x1c: {  	p1 =	slt.u32 s9, $0xF7A;
	s5 =	simm.s32 @!p2 $0x0  }
0x1d: {  	s5 =	simm.s32 @p1 $0x1;
	p0 =	seq.s32 s7, s2  }
0x1e: {  	s7 =	smul.u32 @!p0 $0xF7A, s2;
	p2 =	seq.s32 @!p0 s5, $0x0  }
0x1f: {  	s9 =	smul.u32 $0xF7A, s1;
	s8 =	simm.s32 @!p0 $0x1BF5;
	p2 =	por !p2, p0  }
0x20: {  	[sflag:s8] =	ssyncset.s32 @!p0 $0xFFFFF086;
	s6 =	sadd.s32 @!p0 s3, s7;
	s7 =	simm.s32 @!p0 $0x108  }
0x21: {  	s3 =	sadd.s32 s3, s9;
	s6 =	sadd.s32 @!p0 $0x88, s6;
	s7 =	simm.s32 @p2 $0x1082  }
0x22: {  	[simem:s7], [sflag:s8] =	dma.local @!p0 [hbm:s6], $0xF7A  }
0x23: {  	s9 =	sor.u32 $0xD0000000, s2;
	s6 =	simm.s32 $0x108;
	_ =	swait.ge @!p0 [sflag:s8], $0x0  }
0x24: {  	s3 =	sadd.s32 $0x88, s3;
	s6 =	simm.s32 @!p1 $0x1082;
	[sflag:s4] =	ssyncset.s32 $0xFFFFF086  }
0x25: {  	[simem:s6], [sflag:s4] =	dma.local [hbm:s3], $0xF7A  }
0x26: {  	[smem:$0x3F8C] =	sst s1;
	(tag) =	ssettag s2;
	_ =	strace s9  }
0x27: {  	s1 =	sld [smem:$0x3F9C]  }
0x28: {  	s2 =	sld [smem:$0x3F9D]  }
0x29: {  	s4 =	sld [smem:$0x3F9F]  }
0x2a: {  	p0 =	seq.s32 s5, $0x0;
	s5 =	sld [smem:$0x3FA0]  }
0x2b: {  	s6 =	sld [smem:$0x3FA1]  }
0x2c: {  	s7 =	sld [smem:$0x3FA2]  }
0x2d: {  	s3 =	simm.s32 $0x108;
	s8 =	sld [smem:$0x3FA3]  }
0x2e: {  	s3 =	simm.s32 @!p0 $0x1082;
	s9 =	sld [smem:$0x3FA4]  }
0x2f: {  	lr =	sadd.s32 s0, s3;
	s0 =	sld [smem:$0x3F9B]  }
0x30: {  	s3 =	sld [smem:$0x3F9E]  }
0x31: {  	[smem:$0x3FA7] =	sst s10  }
0x32: {  	s10 =	sld [smem:$0x3FA5];
	_ =	sdelay $0x3  }
0x33: {  	p0 =	seq.s32 s10, $0x1;
	s10 =	sld [smem:$0x3FA7];
	_ =	sdelay $0x3  }
0x34: {  	[smem:$0x3FA7] =	sst s10  }
0x35: {  	s10 =	sld [smem:$0x3FA6];
	_ =	sdelay $0x3  }
0x36: {  	p1 =	seq.s32 s10, $0x1;
	s10 =	sld [smem:$0x3FA7];
	_ =	sdelay $0x3  }
0x37: {  	[smem:$0x3FA7] =	sst s10  }
0x38: {  	s10 =	sld [smem:$0x3FA8]  }
0x39: {  	_ = 	snop;
	(pc) =	sbr.ind lr, $3  }
0x3a: {  	_ = 	snop  }
0x3b: {  	_ = 	snop  }
0x3c: {  	p2 =	seq.s32 s10, $0x1;
	s10 =	sld [smem:$0x3FA7]  }
0x3d: {  	_ =	shalt  }
0x3e: {  	_ =	shalt  }
0x3f: {  	_ =	shalt  }
0x40: {  	_ =	shalt  }
0x41: {  	_ =	shalt  }
0x42: {  	_ =	shalt  }
0x43: {  	_ =	shalt  }
0x44: {  	_ =	shalt  }
0x45: {  	_ =	shalt  }
0x46: {  	_ =	shalt  }
0x47: {  	_ =	shalt  }
0x48: {  	_ =	shalt  }
0x49: {  	_ =	shalt  }
0x4a: {  	_ =	shalt  }
0x4b: {  	_ =	shalt  }
0x4c: {  	_ =	shalt  }
0x4d: {  	_ =	shalt  }
0x4e: {  	_ =	shalt  }
0x4f: {  	_ =	shalt  }
0x50: {  	_ =	shalt  }
0x51: {  	_ =	shalt  }
0x52: {  	_ =	shalt  }
0x53: {  	_ =	shalt  }
0x54: {  	_ =	shalt  }
0x55: {  	_ =	shalt  }
0x56: {  	_ =	shalt  }
0x57: {  	_ =	shalt  }
0x58: {  	_ =	shalt  }
0x59: {  	_ =	shalt  }
0x5a: {  	_ =	shalt  }
0x5b: {  	_ =	shalt  }
0x5c: {  	_ =	shalt  }
0x5d: {  	_ =	shalt  }
0x5e: {  	_ =	shalt  }
0x5f: {  	_ =	shalt  }
0x60: {  	_ =	shalt  }
0x61: {  	_ =	shalt  }
0x62: {  	_ =	shalt  }
0x63: {  	_ =	shalt  }
0x64: {  	_ =	shalt  }
0x65: {  	_ =	shalt  }
0x66: {  	_ =	shalt  }
0x67: {  	_ =	shalt  }
0x68: {  	_ =	shalt  }
0x69: {  	_ =	shalt  }
0x6a: {  	_ =	shalt  }
0x6b: {  	_ =	shalt  }
0x6c: {  	_ =	shalt  }
0x6d: {  	_ =	shalt  }
0x6e: {  	_ =	shalt  }
0x6f: {  	_ =	shalt  }
0x70: {  	_ =	shalt  }
0x71: {  	_ =	shalt  }
0x72: {  	_ =	shalt  }
0x73: {  	_ =	shalt  }
0x74: {  	_ =	shalt  }
0x75: {  	_ =	shalt  }
0x76: {  	_ =	shalt  }
0x77: {  	_ =	shalt  }
0x78: {  	_ =	shalt  }
0x79: {  	_ =	shalt  }
0x7a: {  	_ =	shalt  }
0x7b: {  	_ =	shalt  }
0x7c: {  	_ =	shalt  }
0x7d: {  	_ =	shalt  }
0x7e: {  	_ =	shalt  }
0x7f: {  	_ =	shalt  }
0x80: {  	_ =	shalt  }
0x81: {  	_ =	shalt  }
0x82: {  	_ =	shalt  }
0x83: {  	_ =	shalt  }
0x84: {  	_ =	shalt  }
0x85: {  	_ =	shalt  }
0x86: {  	_ =	shalt  }
0x87: {  	_ =	shalt  }
.Lfunc_end0:
.L_simem_size_0:
called_computation.3_lowered:
.L_overlay_start_0:
0x88: {  	s0 =	sld [smem:$0x3FD9]  }
0x89: {  	s1 =	sld [smem:$0x3FFE];
	_ =	sdelay $0x3  }
0x8a: {  	s0 =	sadd.s32 s1, s0  }
0x8b: {  	[smem:$0x3FB3] =	sst s0  }
0x8c: {  	_ = 	snop  }
0x8d: {  	(tm) =	ssettm $0x1  }
0x8e: {  	s15 =	sld [smem:$0x3FFB];
	_ =	sdelay $0x3  }
0x8f: {  	_ =	strace s15  }
0x90: {  	s0 =	sld [smem:$0x3FFC];
	_ =	sdelay $0x3  }
0x91: {  	_ =	strace s0  }
0x92: {  	s0 =	sld [smem:$0x3FFD];
	_ =	sdelay $0x3  }
0x93: {  	_ =	strace s0  }
0x94: {  	_ =	strace $0x8FFFFFFF  }
0x95: {  	s16 =	sld [smem:$0x3FDB];
	_ =	sdelay $0x1  }
0x96: {  	s17 =	simm.s32 $_scs_section_size  }
0x97: {  	s2 =	simm.s32 $_size__tile_overlayer_lowered;
	s3 =	simm.s32 $_tile_overlayer_lowered  }
0x98: {  	s20 =	simm.s32 $0x1BFF;
	s19 =	sshll.u32 s3, $0x1;
	s0 =	sadd.s32 s17, s16  }
0x99: {  	s4 =	simm.s32 $0x0;
	s18 =	sshll.u32 s2, $0x1;
	s2 =	sadd.s32 s19, s0  }
0x9a: {  	[timem:s4], [sflag:s20] =	dma.local [hbm:s2], s18  }
0x9b: {  	_ =	swait.ge [sflag:s20], s18  }
0x9c: {  	s1 =	ssub.s32 $0x0, s18;
	[sflag:s20] =	ssyncset.done $0x0  }
0x9d: {  	[sflag:s20] =	ssyncadd.s32 s1;
	_ =	sdelay $0x1  }
0x9e: {  	s21 =	simm.s32 $0x1B8B  }
0x9f: {  	_ =	swait.ge [sflag:s21], $0x1  }
0xa0: {  	[sflag:s21] =	ssyncset.done $0x0  }
0xa1: {  	s23 =	simm.s32 $0x1B8E;
	s22 =	sld [smem:$0x3FFE];
	[sflag:s21] =	ssyncadd.s32 $0xFFFFFFFF  }
0xa2: {  	s24 =	simm.s32 $execute0_lowered;
	[smem:$0x3FD2] =	sst s23  }
0xa3: {  	s2 =	sshll.u32 s24, $0x1;
	_ =	strace $0x8000004C;
	[dreg:$0x1] =	wrdreg $0xFFFFFFFF  }
0xa4: {  	s25 =	simm.s32 $_size_execute0_lowered;
	s0 =	sadd.s32 s0, s2;
	[dreg:$0x0] =	wrdreg $0x0  }
0xa5: {  	s2 =	sshll.u32 s25, $0x1;
	[dreg:$0x2] =	wrdreg s0  }
0xa6: {  	[dreg:$0x3] =	wrdreg s2  }
0xa7: {  	[dreg:$0x4] =	wrdreg $0xC0  }
0xa8: {  	_ =	task [dreg:s4], $0x5FFFF  }
0xa9: {  	[dreg:$0x1] =	wrdreg $0xFFFFFFFF  }
0xaa: {  	[dreg:$0x0] =	wrdreg $0x60  }
0xab: {  	[dreg:$0x2] =	wrdreg s22  }
0xac: {  	[dreg:$0x3] =	wrdreg $0xA  }
0xad: {  	_ =	task.clear_ibuf [dreg:s4], $0x4FFFF;
	_ =	strace $0x9000004C  }
0xae: {  	s26 =	simm.s32 $0xA;
	_ =	strace $0x8000004E  }
0xaf: {  	_ =	swait.ge [sflag:s26], $0x1  }
0xb0: {  	[sflag:s26] =	ssyncadd.s32 $0xFFFFFFFF  }
0xb1: {  	_ =	strace $0x9000004E  }
0xb2: {  	_ =	sfence  }
0xb3: {  	s28 =	sld [smem:$0x0];
	_ =	sdelay $0x1  }
0xb4: {  	s29 =	srdreg.scid  }
0xb5: {  	s30 =	sshll.u32 s29, $0xD;
	s31 =	sshrl.u32 s29, $0x2  }
0xb6: {  	s1 =	sand.u32 $0x1, s29;
	s2 =	sand.u32 $0x4000, s30;
	s0 =	sadd.s32 s31, s28  }
0xb7: {  	s1 =	sor.u32 s2, s1;
	s0 =	sshll.u32 s0, $0x11  }
0xb8: {  	s0 =	sor.u32 s0, s1  }
0xb9: {  	s0 =	sadd.s32 $0x8F2B, s0  }
0xba: {  	[sflag:s0] =	ssyncadd.remote.s32 $0x1  }
0xbb: {  	_ =	sfence.sel $0xFFFF  }
0xbc: {  	[dreg:$0x0] =	wrdreg $0xFFFFFFFF;
	(pc) =	sbr.abs _section_cstart, $3  }
0xbd: {  	[dreg:$0x1] =	wrdreg $0xFFFFFFFF  }
0xbe: {  	_ =	task.clear_ibuf [dreg:s4], $0x2FFFF;
	_ =	strace $0x9FFFFFFF  }
0xbf: {  	(tm) =	ssettm $0x7FFFFFFF  }
tec
execute0_lowered:
.L_overlay_start_1:
0x0: {  	(tag) =	ssettag $0x1  }
0x1: {  	s0 =	stileid.u32  }
0x2: {  	s1 =	simm.s32 $0x1;
	p0 =	sne.s32 s0, $0x0  }
0x3: {  	s1 =	simm.s32 @!p0 $0x0  }
0x4: {  	s1 =	sadd.s32 s1, s0  }
0x5: {  	p1 =	seq.s32 s0, $0x0;
	s0 =	simm.s32 $0xA0;
	s1 =	smul.u32 $0x50, s1  }
0x6: {  	s0 =	simm.s32 @!p1 $0x50  }
0x7: {  	s0 =	sadd.s32 s0, s1  }
0x8: {  	s2 =	smin.u32 s0, $0x550  }
0x9: {  	s6 =	ssub.s32 s2, s1  }
0xa: {  	p1 =	sgt.s32 s6, $0x0  }
0xb: {  	s6 =	simm.s32 @!p1 $0x0  }
0xc: {  	s3 =	smul.u32 $0xCCCD, s6  }
0xd: {  	s8 =	rddreg [dreg:$0x0];
	s5 =	simm.s32 $0x1;
	s10 =	simm.s32 $0x3  }
0xe: {  	s12 =	simm.s32 $0x0;
	s11 =	simm.s32 $0x0;
	s7 =	sshrl.u32 s3, $0x16  }
0xf: {  	s0 =	rddreg [dreg:$0x1];
	_ =	strace $0x8000004D;
	s9 =	smul.u32 $0x50, s7  }
.Ltmp0:
0x10: {  	s4 =	sadd.s32 $0x6C00, s8;
	[sflag:s5] =	ssyncpa.u1 $0x0;
	(pc) =	sbr.rel .LBB2_1-.Ltmp0, $4  }
0x11: {  	s3 =	sadd.s32 $0x49AE00, s8;
	p1 =	sne.s32 s6, s9;
	s9 =	simm.s32 $0x1  }
0x12: {  	s8 =	sadd.s32 $0x1F200, s8;
	s6 =	simm.s32 $0x2;
	s9 =	simm.s32 @!p1 $0x0  }
0x13: {  	[sflag:s6] =	ssyncpa.u1 $0x0;
	p1 =	por $0x0, $0x0;
	s7 =	sadd.s32 s7, s9  }
0x14: {  	vm0 =	vmmov $0xff;
	vm1 =	vcmask $0x3F20;
	[sflag:s10] =	ssyncpa.u1 $0x0;
	s10 =	smov.u32 s1;
	s9 =	sadd.s32 $0x1, s7  }
.LBB2_9:
0x15: {  	s12 =	sadd.s32 $0x50, s10  }
0x16: {  	s14 =	smov.u32 s1;
	p3 =	slt.s32 s12, s2  }
0x17: {  	s14 =	smov.u32 @p3 s12;
	p3 =	sne.s32 s11, s9  }
.Ltmp1:
0x18: {  	p2 =	slt.u32 s11, $0x2;
	(pc) =	sbr.rel @!p3 .LBB2_10-.Ltmp1, $4  }
0x19: {  	s13 =	simm.s32 @!p2 $0x3  }
0x1a: {  	s15 =	sadd.s32 $0x1, s11;
	_ =	swait.ge @!p2 [sflag:s13], $0xA000  }
0x1b: {  	p1 =	por !p1, !p1;
	s12 =	smov.u32 s10;
	[sflag:s13] =	ssyncset.done @!p2 $0x0  }
0x1c: {  	s11 =	smov.u32 s15;
	s10 =	smov.u32 s14;
	[sflag:s13] =	ssyncadd.s32 @!p2 $0xFFFF6000  }
.LBB2_1:
0x1d: {  	p2 =	sge.u32 s11, s7  }
0x1e: {  	s13 =	sxor.u32 @!p2 $0xFFFFFFFF, s11  }
0x1f: {  	s13 =	sand.u32 @!p2 $0x1, s13  }
0x20: {  	s13 =	smul.u32 @!p2 $0x140, s13  }
0x21: {  	s31 =	sadd.s32 $0xFFFFFFFF, s11;
	s14 =	sshrl.u32 @!p2 s10, $0x3  }
0x22: {  	s15 =	sand.u32 @!p2 $0x7, s10;
	s14 =	sadd.s32 @!p2 s4, s14;
	s13 =	sshrl.u32 @!p2 s13, $0x2  }
0x23: {  	[tilespmem:s13], [sflag:$0x2] =	stream.linear.gather @!p2 [hbm4b:s14+s15], $0x50, $0x38;
	[tilespmem:$0x140A0] =	vst v63  }
0x24: {  	p2 =	sge.u32 s31, s7  }
.Ltmp2:
0x25: {  	_ = 	snop;
	(pc) =	sbr.rel @p2 .LBB2_9-.Ltmp2, $1  }
0x26: {  	_ =	sdelay $0x3  }
0x27: {  	s13 =	simm.s32 $0x1  }
0x28: {  	s13 =	simm.s32 @!p1 $0x0  }
0x29: {  	s13 =	smul.u32 $0x28000, s13  }
0x2a: {  	s14 =	sand.u32 $0x1, s11  }
0x2b: {  	_ =	swait.ge [sflag:s6], $0x50;
	s14 =	smul.u32 $0x140, s14;
	s13 =	sshrl.u32 s13, $0x2  }
0x2c: {  	s15 =	simm.s32 $0x0;
	[sflag:s6] =	ssyncset.done $0x0;
	s13 =	sor.u32 $0xA0, s13  }
0x2d: {  	[sflag:s6] =	ssyncadd.s32 $0xFFFFFFB0;
	s14 =	sshrl.u32 s14, $0x2;
	s16 =	smov.u32 s13  }
.LBB2_3:
0x2e: {  	s17 =	sshll.u32 s15, $0x4  }
0x2f: {  	s17 =	sand.u32 $0x3FFFFFF0, s17  }
0x30: {  	s17 =	sadd.s32 s17, s14  }
0x31: {  	v0 =	vld.msk [tilespmem:s17+$0x0 ss:$0x1], $0xffff;
	_ =	sdelay $0x4  }
0x32: {  	vm2 =	vgt.s32 v0, $0x0  }
0x33: {  	v0 =	vnsel vm2, $0x0, v0  }
0x34: {  	v0 =	vmin.u32 v0, $0x19FF  }
0x35: {  	v1 =	vshll.u32 v0, $0x6;
	v0 =	vshll.u32 v0, $0x4  }
0x36: {  	v1 =	vand.u32 $0x7FE00, v1;
	v0 =	vand.u32 $0x70, v0  }
0x37: {  	v0 =	vor.u32 v0, v1;
	_ =	sdelay $0x3  }
0x38: {  	s18 =	sadd.s32 $0x0, s16  }
0x39: {  	[tilespmem:s18], [sflag:$0x1] =	stream.indirect_vreg.gather [hbm:s3], $0x80, v0, vm0, $0x38;
	[tilespmem:$0x140A0] =	vst v63  }
0x3a: {  	s17 =	simm.s32 $0x1000;
	v1 =	vadd.s32 $0x80, v0;
	s18 =	sadd.s32 $0x1000, s18  }
.LBB2_4:
0x3b: {  	[tilespmem:s18], [sflag:$0x1] =	stream.indirect_vreg.gather [hbm:s3], $0x80, v0, vm1, $0x38;
	[tilespmem:$0x140A0] =	vst v63  }
0x3c: {  	v0 =	vmov v1;
	s18 =	smov.u32 s17;
	p2 =	sne.s32 s17, $0x3000  }
.Ltmp3:
0x3d: {  	s17 =	sadd.s32 $0x1000, s17;
	(pc) =	sbr.rel @p2 .LBB2_4-.Ltmp3, $4  }
0x3e: {  	s18 =	sshra.s32 s18, $0x2  }
0x3f: {  	s18 =	sadd.s32 s18, s16  }
0x40: {  	[tilespmem:s18], [sflag:$0x1] =	stream.indirect_vreg.gather [hbm:s3], $0x80, v1, vm0, $0x38;
	[tilespmem:$0x140A0] =	vst v63  }
0x41: {  	s18 =	sadd.s32 $0x1000, s18;
	v1 =	vadd.s32 $0x80, v1  }
0x42: {  	s15 =	sadd.s32 $0x1, s15  }
0x43: {  	p2 =	sne.s32 s15, $0x5  }
.Ltmp4:
0x44: {  	_ = 	snop;
	(pc) =	sbr.rel @p2 .LBB2_3-.Ltmp4, $3  }
0x45: {  	_ =	sdelay $0x1  }
0x46: {  	[tilespmem:s18], [sflag:$0x1] =	stream.indirect_vreg.gather [hbm:s3], $0x80, v0, vm1, $0x38;
	[tilespmem:$0x140A0] =	vst v63  }
0x47: {  	s16 =	sadd.s32 $0x2000, s16  }
0x48: {  	s14 =	sshll.u32 s12, $0x6  }
0x49: {  	s31 =	sshll.u32 s12, $0x4;
	s14 =	sand.u32 $0xFFFFFE00, s14  }
0x4a: {  	_ =	swait.ge [sflag:s5], $0xA000;
	s12 =	sand.u32 $0x70, s31;
	s14 =	sadd.s32 s14, s8  }
0x4b: {  	s15 =	sadd.s32 $0x1000, s13;
	[sflag:s5] =	ssyncset.done $0x0;
	s12 =	sadd.s32 s12, s14  }
0x4c: {  	[sflag:s5] =	ssyncadd.s32 $0xFFFF6000;
	s14 =	simm.s32 $0x200;
	s16 =	sadd.s32 $0x0, s12  }
.LBB2_7:
0x4d: {  	[hbm:s16] =	stream.linear.scatter [tilespmem:s13], [sflag:$0x3], $0x1000, $0x38;
	[tilespmem:$0x140A0] =	vst v63  }
0x4e: {  	s16 =	smov.u32 s14;
	s13 =	smov.u32 s15;
	p2 =	sne.s32 s14, $0x1200  }
.Ltmp5:
0x4f: {  	s14 =	sadd.s32 $0x200, s14;
	(pc) =	sbr.rel @p2 .LBB2_7-.Ltmp5, $2  }
0x50: {  	_ =	sdelay $0x2  }
0x51: {  	s15 =	sadd.s32 $0x1000, s15;
	s16 =	sadd.s32 s16, s12  }
.Ltmp6:
0x52: {  	(pc) =	sbr.rel .LBB2_9-.Ltmp6, $2  }
0x53: {  	_ =	sdelay $0x2  }
0x54: {  	[hbm:s16] =	stream.linear.scatter [tilespmem:s13], [sflag:$0x3], $0x1000, $0x38;
	[tilespmem:$0x140A0] =	vst v63  }
.LBB2_10:
0x55: {  	_ =	sfence.sel $0x180000  }
0x56: {  	s1 =	simm.s32 $0x2;
	[bflag:$0x0] =	sbarrier.arrive $0xFFFF  }
0x57: {  	s30 =	simm.s32 $0x3;
	[sflag:s1] =	ssyncpa.u1 $0x1  }
0x58: {  	s31 =	simm.s32 $0x1;
	[sflag:s30] =	ssyncpa.u1 $0x1  }
0x59: {  	[sflag:s31] =	ssyncpa.u1 $0x1  }
0x5a: {  	_ =	strace $0x9000004D  }
0x5b: {  	s0 =	sadd.s32 @!p0 $0x100000, s0;
	[bflag:$0x2] =	sbarrier.arrive $0xFFFF  }
0x5c: {  	[sflag:s0] =	ssyncadd.tile.s32 @!p0 $0x1;
	_ =	shalt  }
.Lfunc_end2:
_tile_overlayer_lowered:
.L_overlay_start_2:
0x5d: {  	(tag) =	ssettag $0x2  }
0x5e: {  	s0 =	rddreg [dreg:$0x0];
	s2 =	stileid.u32  }
0x5f: {  	s1 =	rddreg [dreg:$0x1];
	p0 =	sne.s32 s2, $0x0  }
0x60: {  	s3 =	rddreg [dreg:$0x2];
	[bflag:$0x3] =	sbarrier.arrive $0xFFFF;
	s2 =	simm.s32 @!p0 $0x1C01  }
0x61: {  	[timem:s3], [sflag:s2] =	dma.local @!p0 [hbm:s0], s1  }
0x62: {  	s0 =	simm.s32 @!p0 $0x1  }
0x63: {  	_ =	swait.ge @!p0 [sflag:s0], s1  }
0x64: {  	s1 =	ssub.s32 @!p0 $0x0, s1;
	[sflag:s0] =	ssyncset.done @!p0 $0x0  }
0x65: {  	[sflag:s0] =	ssyncadd.s32 @!p0 s1  }
0x66: {  	[bflag:$0x3] =	sbarrier.arrive $0xFFFF  }
0x67: {  	_ =	shalt  }

// kernel: gather_offload_async_start.4
scs
__scs_entry_jumppad:
0x0: {  	(pc) =	sbr.rel $0x88, $3  }
0x1: {  	(tag) =	ssettag $0x0;
	lr =	simm.s32 $0x1  }
0x2: {  	[smem:$0x3F8C] =	sst lr;
	_ =	strace $0xD0000000  }
0x3: {  	_ = 	snop  }
0x4: {  	_ = 	snop  }
0x5: {  	_ = 	snop  }
0x6: {  	_ = 	snop  }
0x7: {  	_ = 	snop  }
__scs_overlays_trampoline_lowered:
0x8: {  	[smem:$0x3F9B] =	sst s0  }
0x9: {  	[smem:$0x3F9C] =	sst s1  }
0xa: {  	[smem:$0x3F9D] =	sst s2  }
0xb: {  	[smem:$0x3F9E] =	sst s3  }
0xc: {  	[smem:$0x3F9F] =	sst s4  }
0xd: {  	[smem:$0x3FA0] =	sst s5  }
0xe: {  	[smem:$0x3FA1] =	sst s6  }
0xf: {  	[smem:$0x3FA2] =	sst s7  }
0x10: {  	[smem:$0x3FA3] =	sst s8  }
0x11: {  	[smem:$0x3FA4] =	sst s9;
	s0 =	simm.s32 @!p0 $0x0  }
0x12: {  	s1 =	sld [smem:$0x3F8A];
	s0 =	simm.s32 @p0 $0x1  }
0x13: {  	[smem:$0x3FA5] =	sst s0;
	s0 =	simm.s32 @!p1 $0x0  }
0x14: {  	s2 =	sld [smem:$0x3F89];
	s0 =	simm.s32 @p1 $0x1  }
0x15: {  	[smem:$0x3FA6] =	sst s0;
	s0 =	simm.s32 @!p2 $0x0  }
0x16: {  	s3 =	sld [smem:$0x3FDB];
	s0 =	simm.s32 @p2 $0x1  }
0x17: {  	s4 =	simm.s32 $0x1BF5;
	[smem:$0x3FA8] =	sst s0  }
0x18: {  	s0 =	sld [smem:$0x3F8B];
	_ =	swait.ge [sflag:s4], $0x0  }
0x19: {  	s7 =	sld [smem:$0x3F8C]  }
0x1a: {  	s8 =	sadd.s32 $0xFFFFE003, lr  }
0x1b: {  	s9 =	sadd.s32 $0xFFFFFEF7, lr;
	s5 =	simm.s32 $0xFFFFFFFF;
	p2 =	slt.u32 s8, $0xFFFFF086  }
0x1c: {  	p1 =	slt.u32 s9, $0xF7A;
	s5 =	simm.s32 @!p2 $0x0  }
0x1d: {  	s5 =	simm.s32 @p1 $0x1;
	p0 =	seq.s32 s7, s2  }
0x1e: {  	s7 =	smul.u32 @!p0 $0xF7A, s2;
	p2 =	seq.s32 @!p0 s5, $0x0  }
0x1f: {  	s9 =	smul.u32 $0xF7A, s1;
	s8 =	simm.s32 @!p0 $0x1BF5;
	p2 =	por !p2, p0  }
0x20: {  	[sflag:s8] =	ssyncset.s32 @!p0 $0xFFFFF086;
	s6 =	sadd.s32 @!p0 s3, s7;
	s7 =	simm.s32 @!p0 $0x108  }
0x21: {  	s3 =	sadd.s32 s3, s9;
	s6 =	sadd.s32 @!p0 $0x88, s6;
	s7 =	simm.s32 @p2 $0x1082  }
0x22: {  	[simem:s7], [sflag:s8] =	dma.local @!p0 [hbm:s6], $0xF7A  }
0x23: {  	s9 =	sor.u32 $0xD0000000, s2;
	s6 =	simm.s32 $0x108;
	_ =	swait.ge @!p0 [sflag:s8], $0x0  }
0x24: {  	s3 =	sadd.s32 $0x88, s3;
	s6 =	simm.s32 @!p1 $0x1082;
	[sflag:s4] =	ssyncset.s32 $0xFFFFF086  }
0x25: {  	[simem:s6], [sflag:s4] =	dma.local [hbm:s3], $0xF7A  }
0x26: {  	[smem:$0x3F8C] =	sst s1;
	(tag) =	ssettag s2;
	_ =	strace s9  }
0x27: {  	s1 =	sld [smem:$0x3F9C]  }
0x28: {  	s2 =	sld [smem:$0x3F9D]  }
0x29: {  	s4 =	sld [smem:$0x3F9F]  }
0x2a: {  	p0 =	seq.s32 s5, $0x0;
	s5 =	sld [smem:$0x3FA0]  }
0x2b: {  	s6 =	sld [smem:$0x3FA1]  }
0x2c: {  	s7 =	sld [smem:$0x3FA2]  }
0x2d: {  	s3 =	simm.s32 $0x108;
	s8 =	sld [smem:$0x3FA3]  }
0x2e: {  	s3 =	simm.s32 @!p0 $0x1082;
	s9 =	sld [smem:$0x3FA4]  }
0x2f: {  	lr =	sadd.s32 s0, s3;
	s0 =	sld [smem:$0x3F9B]  }
0x30: {  	s3 =	sld [smem:$0x3F9E]  }
0x31: {  	[smem:$0x3FA7] =	sst s10  }
0x32: {  	s10 =	sld [smem:$0x3FA5];
	_ =	sdelay $0x3  }
0x33: {  	p0 =	seq.s32 s10, $0x1;
	s10 =	sld [smem:$0x3FA7];
	_ =	sdelay $0x3  }
0x34: {  	[smem:$0x3FA7] =	sst s10  }
0x35: {  	s10 =	sld [smem:$0x3FA6];
	_ =	sdelay $0x3  }
0x36: {  	p1 =	seq.s32 s10, $0x1;
	s10 =	sld [smem:$0x3FA7];
	_ =	sdelay $0x3  }
0x37: {  	[smem:$0x3FA7] =	sst s10  }
0x38: {  	s10 =	sld [smem:$0x3FA8]  }
0x39: {  	_ = 	snop;
	(pc) =	sbr.ind lr, $3  }
0x3a: {  	_ = 	snop  }
0x3b: {  	_ = 	snop  }
0x3c: {  	p2 =	seq.s32 s10, $0x1;
	s10 =	sld [smem:$0x3FA7]  }
0x3d: {  	_ =	shalt  }
0x3e: {  	_ =	shalt  }
0x3f: {  	_ =	shalt  }
0x40: {  	_ =	shalt  }
0x41: {  	_ =	shalt  }
0x42: {  	_ =	shalt  }
0x43: {  	_ =	shalt  }
0x44: {  	_ =	shalt  }
0x45: {  	_ =	shalt  }
0x46: {  	_ =	shalt  }
0x47: {  	_ =	shalt  }
0x48: {  	_ =	shalt  }
0x49: {  	_ =	shalt  }
0x4a: {  	_ =	shalt  }
0x4b: {  	_ =	shalt  }
0x4c: {  	_ =	shalt  }
0x4d: {  	_ =	shalt  }
0x4e: {  	_ =	shalt  }
0x4f: {  	_ =	shalt  }
0x50: {  	_ =	shalt  }
0x51: {  	_ =	shalt  }
0x52: {  	_ =	shalt  }
0x53: {  	_ =	shalt  }
0x54: {  	_ =	shalt  }
0x55: {  	_ =	shalt  }
0x56: {  	_ =	shalt  }
0x57: {  	_ =	shalt  }
0x58: {  	_ =	shalt  }
0x59: {  	_ =	shalt  }
0x5a: {  	_ =	shalt  }
0x5b: {  	_ =	shalt  }
0x5c: {  	_ =	shalt  }
0x5d: {  	_ =	shalt  }
0x5e: {  	_ =	shalt  }
0x5f: {  	_ =	shalt  }
0x60: {  	_ =	shalt  }
0x61: {  	_ =	shalt  }
0x62: {  	_ =	shalt  }
0x63: {  	_ =	shalt  }
0x64: {  	_ =	shalt  }
0x65: {  	_ =	shalt  }
0x66: {  	_ =	shalt  }
0x67: {  	_ =	shalt  }
0x68: {  	_ =	shalt  }
0x69: {  	_ =	shalt  }
0x6a: {  	_ =	shalt  }
0x6b: {  	_ =	shalt  }
0x6c: {  	_ =	shalt  }
0x6d: {  	_ =	shalt  }
0x6e: {  	_ =	shalt  }
0x6f: {  	_ =	shalt  }
0x70: {  	_ =	shalt  }
0x71: {  	_ =	shalt  }
0x72: {  	_ =	shalt  }
0x73: {  	_ =	shalt  }
0x74: {  	_ =	shalt  }
0x75: {  	_ =	shalt  }
0x76: {  	_ =	shalt  }
0x77: {  	_ =	shalt  }
0x78: {  	_ =	shalt  }
0x79: {  	_ =	shalt  }
0x7a: {  	_ =	shalt  }
0x7b: {  	_ =	shalt  }
0x7c: {  	_ =	shalt  }
0x7d: {  	_ =	shalt  }
0x7e: {  	_ =	shalt  }
0x7f: {  	_ =	shalt  }
0x80: {  	_ =	shalt  }
0x81: {  	_ =	shalt  }
0x82: {  	_ =	shalt  }
0x83: {  	_ =	shalt  }
0x84: {  	_ =	shalt  }
0x85: {  	_ =	shalt  }
0x86: {  	_ =	shalt  }
0x87: {  	_ =	shalt  }
.Lfunc_end0:
.L_simem_size_0:
called_computation.4_lowered:
.L_overlay_start_0:
0x88: {  	s0 =	sld [smem:$0x3FD9]  }
0x89: {  	s1 =	sld [smem:$0x3FFE];
	_ =	sdelay $0x3  }
0x8a: {  	s0 =	sadd.s32 s1, s0  }
0x8b: {  	[smem:$0x3FB3] =	sst s0  }
0x8c: {  	_ = 	snop  }
0x8d: {  	(tm) =	ssettm $0x1  }
0x8e: {  	s15 =	sld [smem:$0x3FFB];
	_ =	sdelay $0x3  }
0x8f: {  	_ =	strace s15  }
0x90: {  	s0 =	sld [smem:$0x3FFC];
	_ =	sdelay $0x3  }
0x91: {  	_ =	strace s0  }
0x92: {  	s0 =	sld [smem:$0x3FFD];
	_ =	sdelay $0x3  }
0x93: {  	_ =	strace s0  }
0x94: {  	_ =	strace $0x8FFFFFFF  }
0x95: {  	s16 =	sld [smem:$0x3FDB];
	_ =	sdelay $0x1  }
0x96: {  	s17 =	simm.s32 $_scs_section_size  }
0x97: {  	s2 =	simm.s32 $_size__tile_overlayer_lowered;
	s3 =	simm.s32 $_tile_overlayer_lowered  }
0x98: {  	s20 =	simm.s32 $0x1BFF;
	s19 =	sshll.u32 s3, $0x1;
	s0 =	sadd.s32 s17, s16  }
0x99: {  	s4 =	simm.s32 $0x0;
	s18 =	sshll.u32 s2, $0x1;
	s2 =	sadd.s32 s19, s0  }
0x9a: {  	[timem:s4], [sflag:s20] =	dma.local [hbm:s2], s18  }
0x9b: {  	_ =	swait.ge [sflag:s20], s18  }
0x9c: {  	s1 =	ssub.s32 $0x0, s18;
	[sflag:s20] =	ssyncset.done $0x0  }
0x9d: {  	[sflag:s20] =	ssyncadd.s32 s1;
	_ =	sdelay $0x1  }
0x9e: {  	s21 =	simm.s32 $0x1B8B  }
0x9f: {  	_ =	swait.ge [sflag:s21], $0x1  }
0xa0: {  	[sflag:s21] =	ssyncset.done $0x0  }
0xa1: {  	s23 =	simm.s32 $0x1B8E;
	s22 =	sld [smem:$0x3FFE];
	[sflag:s21] =	ssyncadd.s32 $0xFFFFFFFF  }
0xa2: {  	s24 =	simm.s32 $execute0_lowered;
	[smem:$0x3FD2] =	sst s23  }
0xa3: {  	s2 =	sshll.u32 s24, $0x1;
	_ =	strace $0x80000055;
	[dreg:$0x1] =	wrdreg $0xFFFFFFFF  }
0xa4: {  	s25 =	simm.s32 $_size_execute0_lowered;
	s0 =	sadd.s32 s0, s2;
	[dreg:$0x0] =	wrdreg $0x0  }
0xa5: {  	s2 =	sshll.u32 s25, $0x1;
	[dreg:$0x2] =	wrdreg s0  }
0xa6: {  	[dreg:$0x3] =	wrdreg s2  }
0xa7: {  	[dreg:$0x4] =	wrdreg $0xC0  }
0xa8: {  	_ =	task [dreg:s4], $0x5FFFF  }
0xa9: {  	[dreg:$0x1] =	wrdreg $0xFFFFFFFF  }
0xaa: {  	[dreg:$0x0] =	wrdreg $0x60  }
0xab: {  	[dreg:$0x2] =	wrdreg s22  }
0xac: {  	[dreg:$0x3] =	wrdreg $0x9  }
0xad: {  	_ =	task.clear_ibuf [dreg:s4], $0x4FFFF;
	_ =	strace $0x90000055  }
0xae: {  	s26 =	simm.s32 $0x9;
	_ =	strace $0x80000057  }
0xaf: {  	_ =	swait.ge [sflag:s26], $0x1  }
0xb0: {  	[sflag:s26] =	ssyncadd.s32 $0xFFFFFFFF  }
0xb1: {  	_ =	strace $0x90000057  }
0xb2: {  	_ =	sfence  }
0xb3: {  	s28 =	sld [smem:$0x0];
	_ =	sdelay $0x1  }
0xb4: {  	s29 =	srdreg.scid  }
0xb5: {  	s30 =	sshll.u32 s29, $0xD;
	s31 =	sshrl.u32 s29, $0x2  }
0xb6: {  	s1 =	sand.u32 $0x1, s29;
	s2 =	sand.u32 $0x4000, s30;
	s0 =	sadd.s32 s31, s28  }
0xb7: {  	s1 =	sor.u32 s2, s1;
	s0 =	sshll.u32 s0, $0x11  }
0xb8: {  	s0 =	sor.u32 s0, s1  }
0xb9: {  	s0 =	sadd.s32 $0x8F2B, s0  }
0xba: {  	[sflag:s0] =	ssyncadd.remote.s32 $0x1  }
0xbb: {  	_ =	sfence.sel $0xFFFF  }
0xbc: {  	[dreg:$0x0] =	wrdreg $0xFFFFFFFF;
	(pc) =	sbr.abs _section_cstart, $3  }
0xbd: {  	[dreg:$0x1] =	wrdreg $0xFFFFFFFF  }
0xbe: {  	_ =	task.clear_ibuf [dreg:s4], $0x2FFFF;
	_ =	strace $0x9FFFFFFF  }
0xbf: {  	(tm) =	ssettm $0x7FFFFFFF  }
tec
execute0_lowered:
.L_overlay_start_1:
0x0: {  	(tag) =	ssettag $0x1  }
0x1: {  	s0 =	stileid.u32  }
0x2: {  	s1 =	simm.s32 $0x1;
	p0 =	sne.s32 s0, $0x0  }
0x3: {  	s1 =	simm.s32 @!p0 $0x0  }
0x4: {  	s1 =	sadd.s32 s1, s0  }
0x5: {  	p1 =	seq.s32 s0, $0x0;
	s0 =	simm.s32 $0xA0;
	s1 =	smul.u32 $0x50, s1  }
0x6: {  	s0 =	simm.s32 @!p1 $0x50  }
0x7: {  	s0 =	sadd.s32 s0, s1  }
0x8: {  	s2 =	smin.u32 s0, $0x550  }
0x9: {  	s6 =	ssub.s32 s2, s1  }
0xa: {  	p1 =	sgt.s32 s6, $0x0  }
0xb: {  	s6 =	simm.s32 @!p1 $0x0  }
0xc: {  	s3 =	smul.u32 $0xCCCD, s6  }
0xd: {  	s8 =	rddreg [dreg:$0x0];
	s5 =	simm.s32 $0x1;
	s10 =	simm.s32 $0x3  }
0xe: {  	s12 =	simm.s32 $0x0;
	s11 =	simm.s32 $0x0;
	s7 =	sshrl.u32 s3, $0x16  }
0xf: {  	s0 =	rddreg [dreg:$0x1];
	_ =	strace $0x80000056;
	s9 =	smul.u32 $0x50, s7  }
.Ltmp0:
0x10: {  	s4 =	sadd.s32 $0x6C00, s8;
	[sflag:s5] =	ssyncpa.u1 $0x0;
	(pc) =	sbr.rel .LBB2_1-.Ltmp0, $4  }
0x11: {  	s3 =	sadd.s32 $0x49AE00, s8;
	p1 =	sne.s32 s6, s9;
	s9 =	simm.s32 $0x1  }
0x12: {  	s8 =	sadd.s32 $0x34E00, s8;
	s6 =	simm.s32 $0x2;
	s9 =	simm.s32 @!p1 $0x0  }
0x13: {  	[sflag:s6] =	ssyncpa.u1 $0x0;
	p1 =	por $0x0, $0x0;
	s7 =	sadd.s32 s7, s9  }
0x14: {  	vm0 =	vmmov $0xff;
	vm1 =	vcmask $0x3F20;
	[sflag:s10] =	ssyncpa.u1 $0x0;
	s10 =	smov.u32 s1;
	s9 =	sadd.s32 $0x1, s7  }
.LBB2_9:
0x15: {  	s12 =	sadd.s32 $0x50, s10  }
0x16: {  	s14 =	smov.u32 s1;
	p3 =	slt.s32 s12, s2  }
0x17: {  	s14 =	smov.u32 @p3 s12;
	p3 =	sne.s32 s11, s9  }
.Ltmp1:
0x18: {  	p2 =	slt.u32 s11, $0x2;
	(pc) =	sbr.rel @!p3 .LBB2_10-.Ltmp1, $4  }
0x19: {  	s13 =	simm.s32 @!p2 $0x3  }
0x1a: {  	s15 =	sadd.s32 $0x1, s11;
	_ =	swait.ge @!p2 [sflag:s13], $0xA000  }
0x1b: {  	p1 =	por !p1, !p1;
	s12 =	smov.u32 s10;
	[sflag:s13] =	ssyncset.done @!p2 $0x0  }
0x1c: {  	s11 =	smov.u32 s15;
	s10 =	smov.u32 s14;
	[sflag:s13] =	ssyncadd.s32 @!p2 $0xFFFF6000  }
.LBB2_1:
0x1d: {  	p2 =	sge.u32 s11, s7  }
0x1e: {  	s13 =	sxor.u32 @!p2 $0xFFFFFFFF, s11  }
0x1f: {  	s13 =	sand.u32 @!p2 $0x1, s13  }
0x20: {  	s13 =	smul.u32 @!p2 $0x140, s13  }
0x21: {  	s31 =	sadd.s32 $0xFFFFFFFF, s11;
	s14 =	sshrl.u32 @!p2 s10, $0x3  }
0x22: {  	s15 =	sand.u32 @!p2 $0x7, s10;
	s14 =	sadd.s32 @!p2 s4, s14;
	s13 =	sshrl.u32 @!p2 s13, $0x2  }
0x23: {  	[tilespmem:s13], [sflag:$0x2] =	stream.linear.gather @!p2 [hbm4b:s14+s15], $0x50, $0x38;
	[tilespmem:$0x140A0] =	vst v63  }
0x24: {  	p2 =	sge.u32 s31, s7  }
.Ltmp2:
0x25: {  	_ = 	snop;
	(pc) =	sbr.rel @p2 .LBB2_9-.Ltmp2, $1  }
0x26: {  	_ =	sdelay $0x3  }
0x27: {  	s13 =	simm.s32 $0x1  }
0x28: {  	s13 =	simm.s32 @!p1 $0x0  }
0x29: {  	s13 =	smul.u32 $0x28000, s13  }
0x2a: {  	s14 =	sand.u32 $0x1, s11  }
0x2b: {  	_ =	swait.ge [sflag:s6], $0x50;
	s14 =	smul.u32 $0x140, s14;
	s13 =	sshrl.u32 s13, $0x2  }
0x2c: {  	s15 =	simm.s32 $0x0;
	[sflag:s6] =	ssyncset.done $0x0;
	s13 =	sor.u32 $0xA0, s13  }
0x2d: {  	[sflag:s6] =	ssyncadd.s32 $0xFFFFFFB0;
	s14 =	sshrl.u32 s14, $0x2;
	s16 =	smov.u32 s13  }
.LBB2_3:
0x2e: {  	s17 =	sshll.u32 s15, $0x4  }
0x2f: {  	s17 =	sand.u32 $0x3FFFFFF0, s17  }
0x30: {  	s17 =	sadd.s32 s17, s14  }
0x31: {  	v0 =	vld.msk [tilespmem:s17+$0x0 ss:$0x1], $0xffff;
	_ =	sdelay $0x4  }
0x32: {  	vm2 =	vgt.s32 v0, $0x0  }
0x33: {  	v0 =	vnsel vm2, $0x0, v0  }
0x34: {  	v0 =	vmin.u32 v0, $0x19FF  }
0x35: {  	v1 =	vshll.u32 v0, $0x6;
	v0 =	vshll.u32 v0, $0x4  }
0x36: {  	v1 =	vand.u32 $0x7FE00, v1;
	v0 =	vand.u32 $0x70, v0  }
0x37: {  	v0 =	vor.u32 v0, v1;
	_ =	sdelay $0x3  }
0x38: {  	s18 =	sadd.s32 $0x0, s16  }
0x39: {  	[tilespmem:s18], [sflag:$0x1] =	stream.indirect_vreg.gather [hbm:s3], $0x80, v0, vm0, $0x38;
	[tilespmem:$0x140A0] =	vst v63  }
0x3a: {  	s17 =	simm.s32 $0x1000;
	v1 =	vadd.s32 $0x80, v0;
	s18 =	sadd.s32 $0x1000, s18  }
.LBB2_4:
0x3b: {  	[tilespmem:s18], [sflag:$0x1] =	stream.indirect_vreg.gather [hbm:s3], $0x80, v0, vm1, $0x38;
	[tilespmem:$0x140A0] =	vst v63  }
0x3c: {  	v0 =	vmov v1;
	s18 =	smov.u32 s17;
	p2 =	sne.s32 s17, $0x3000  }
.Ltmp3:
0x3d: {  	s17 =	sadd.s32 $0x1000, s17;
	(pc) =	sbr.rel @p2 .LBB2_4-.Ltmp3, $4  }
0x3e: {  	s18 =	sshra.s32 s18, $0x2  }
0x3f: {  	s18 =	sadd.s32 s18, s16  }
0x40: {  	[tilespmem:s18], [sflag:$0x1] =	stream.indirect_vreg.gather [hbm:s3], $0x80, v1, vm0, $0x38;
	[tilespmem:$0x140A0] =	vst v63  }
0x41: {  	s18 =	sadd.s32 $0x1000, s18;
	v1 =	vadd.s32 $0x80, v1  }
0x42: {  	s15 =	sadd.s32 $0x1, s15  }
0x43: {  	p2 =	sne.s32 s15, $0x5  }
.Ltmp4:
0x44: {  	_ = 	snop;
	(pc) =	sbr.rel @p2 .LBB2_3-.Ltmp4, $3  }
0x45: {  	_ =	sdelay $0x1  }
0x46: {  	[tilespmem:s18], [sflag:$0x1] =	stream.indirect_vreg.gather [hbm:s3], $0x80, v0, vm1, $0x38;
	[tilespmem:$0x140A0] =	vst v63  }
0x47: {  	s16 =	sadd.s32 $0x2000, s16  }
0x48: {  	s14 =	sshll.u32 s12, $0x6  }
0x49: {  	s31 =	sshll.u32 s12, $0x4;
	s14 =	sand.u32 $0xFFFFFE00, s14  }
0x4a: {  	_ =	swait.ge [sflag:s5], $0xA000;
	s12 =	sand.u32 $0x70, s31;
	s14 =	sadd.s32 s14, s8  }
0x4b: {  	s15 =	sadd.s32 $0x1000, s13;
	[sflag:s5] =	ssyncset.done $0x0;
	s12 =	sadd.s32 s12, s14  }
0x4c: {  	[sflag:s5] =	ssyncadd.s32 $0xFFFF6000;
	s14 =	simm.s32 $0x200;
	s16 =	sadd.s32 $0x0, s12  }
.LBB2_7:
0x4d: {  	[hbm:s16] =	stream.linear.scatter [tilespmem:s13], [sflag:$0x3], $0x1000, $0x38;
	[tilespmem:$0x140A0] =	vst v63  }
0x4e: {  	s16 =	smov.u32 s14;
	s13 =	smov.u32 s15;
	p2 =	sne.s32 s14, $0x1200  }
.Ltmp5:
0x4f: {  	s14 =	sadd.s32 $0x200, s14;
	(pc) =	sbr.rel @p2 .LBB2_7-.Ltmp5, $2  }
0x50: {  	_ =	sdelay $0x2  }
0x51: {  	s15 =	sadd.s32 $0x1000, s15;
	s16 =	sadd.s32 s16, s12  }
.Ltmp6:
0x52: {  	(pc) =	sbr.rel .LBB2_9-.Ltmp6, $2  }
0x53: {  	_ =	sdelay $0x2  }
0x54: {  	[hbm:s16] =	stream.linear.scatter [tilespmem:s13], [sflag:$0x3], $0x1000, $0x38;
	[tilespmem:$0x140A0] =	vst v63  }
.LBB2_10:
0x55: {  	_ =	sfence.sel $0x180000  }
0x56: {  	s1 =	simm.s32 $0x2;
	[bflag:$0x0] =	sbarrier.arrive $0xFFFF  }
0x57: {  	s30 =	simm.s32 $0x3;
	[sflag:s1] =	ssyncpa.u1 $0x1  }
0x58: {  	s31 =	simm.s32 $0x1;
	[sflag:s30] =	ssyncpa.u1 $0x1  }
0x59: {  	[sflag:s31] =	ssyncpa.u1 $0x1  }
0x5a: {  	_ =	strace $0x90000056  }
0x5b: {  	s0 =	sadd.s32 @!p0 $0x100000, s0;
	[bflag:$0x2] =	sbarrier.arrive $0xFFFF  }
0x5c: {  	[sflag:s0] =	ssyncadd.tile.s32 @!p0 $0x1;
	_ =	shalt  }
.Lfunc_end2:
_tile_overlayer_lowered:
.L_overlay_start_2:
0x5d: {  	(tag) =	ssettag $0x2  }
0x5e: {  	s0 =	rddreg [dreg:$0x0];
	s2 =	stileid.u32  }
0x5f: {  	s1 =	rddreg [dreg:$0x1];
	p0 =	sne.s32 s2, $0x0  }
0x60: {  	s3 =	rddreg [dreg:$0x2];
	[bflag:$0x3] =	sbarrier.arrive $0xFFFF;
	s2 =	simm.s32 @!p0 $0x1C01  }
0x61: {  	[timem:s3], [sflag:s2] =	dma.local @!p0 [hbm:s0], s1  }
0x62: {  	s0 =	simm.s32 @!p0 $0x1  }
0x63: {  	_ =	swait.ge @!p0 [sflag:s0], s1  }
0x64: {  	s1 =	ssub.s32 @!p0 $0x0, s1;
	[sflag:s0] =	ssyncset.done @!p0 $0x0  }
0x65: {  	[sflag:s0] =	ssyncadd.s32 @!p0 s1  }
0x66: {  	[bflag:$0x3] =	sbarrier.arrive $0xFFFF  }
0x67: {  	_ =	shalt  }

// kernel: gather_offload_async_start.5
scs
__scs_entry_jumppad:
0x0: {  	(pc) =	sbr.rel $0x88, $3  }
0x1: {  	(tag) =	ssettag $0x0;
	lr =	simm.s32 $0x1  }
0x2: {  	[smem:$0x3F8C] =	sst lr;
	_ =	strace $0xD0000000  }
0x3: {  	_ = 	snop  }
0x4: {  	_ = 	snop  }
0x5: {  	_ = 	snop  }
0x6: {  	_ = 	snop  }
0x7: {  	_ = 	snop  }
__scs_overlays_trampoline_lowered:
0x8: {  	[smem:$0x3F9B] =	sst s0  }
0x9: {  	[smem:$0x3F9C] =	sst s1  }
0xa: {  	[smem:$0x3F9D] =	sst s2  }
0xb: {  	[smem:$0x3F9E] =	sst s3  }
0xc: {  	[smem:$0x3F9F] =	sst s4  }
0xd: {  	[smem:$0x3FA0] =	sst s5  }
0xe: {  	[smem:$0x3FA1] =	sst s6  }
0xf: {  	[smem:$0x3FA2] =	sst s7  }
0x10: {  	[smem:$0x3FA3] =	sst s8  }
0x11: {  	[smem:$0x3FA4] =	sst s9;
	s0 =	simm.s32 @!p0 $0x0  }
0x12: {  	s1 =	sld [smem:$0x3F8A];
	s0 =	simm.s32 @p0 $0x1  }
0x13: {  	[smem:$0x3FA5] =	sst s0;
	s0 =	simm.s32 @!p1 $0x0  }
0x14: {  	s2 =	sld [smem:$0x3F89];
	s0 =	simm.s32 @p1 $0x1  }
0x15: {  	[smem:$0x3FA6] =	sst s0;
	s0 =	simm.s32 @!p2 $0x0  }
0x16: {  	s3 =	sld [smem:$0x3FDB];
	s0 =	simm.s32 @p2 $0x1  }
0x17: {  	s4 =	simm.s32 $0x1BF5;
	[smem:$0x3FA8] =	sst s0  }
0x18: {  	s0 =	sld [smem:$0x3F8B];
	_ =	swait.ge [sflag:s4], $0x0  }
0x19: {  	s7 =	sld [smem:$0x3F8C]  }
0x1a: {  	s8 =	sadd.s32 $0xFFFFE003, lr  }
0x1b: {  	s9 =	sadd.s32 $0xFFFFFEF7, lr;
	s5 =	simm.s32 $0xFFFFFFFF;
	p2 =	slt.u32 s8, $0xFFFFF086  }
0x1c: {  	p1 =	slt.u32 s9, $0xF7A;
	s5 =	simm.s32 @!p2 $0x0  }
0x1d: {  	s5 =	simm.s32 @p1 $0x1;
	p0 =	seq.s32 s7, s2  }
0x1e: {  	s7 =	smul.u32 @!p0 $0xF7A, s2;
	p2 =	seq.s32 @!p0 s5, $0x0  }
0x1f: {  	s9 =	smul.u32 $0xF7A, s1;
	s8 =	simm.s32 @!p0 $0x1BF5;
	p2 =	por !p2, p0  }
0x20: {  	[sflag:s8] =	ssyncset.s32 @!p0 $0xFFFFF086;
	s6 =	sadd.s32 @!p0 s3, s7;
	s7 =	simm.s32 @!p0 $0x108  }
0x21: {  	s3 =	sadd.s32 s3, s9;
	s6 =	sadd.s32 @!p0 $0x88, s6;
	s7 =	simm.s32 @p2 $0x1082  }
0x22: {  	[simem:s7], [sflag:s8] =	dma.local @!p0 [hbm:s6], $0xF7A  }
0x23: {  	s9 =	sor.u32 $0xD0000000, s2;
	s6 =	simm.s32 $0x108;
	_ =	swait.ge @!p0 [sflag:s8], $0x0  }
0x24: {  	s3 =	sadd.s32 $0x88, s3;
	s6 =	simm.s32 @!p1 $0x1082;
	[sflag:s4] =	ssyncset.s32 $0xFFFFF086  }
0x25: {  	[simem:s6], [sflag:s4] =	dma.local [hbm:s3], $0xF7A  }
0x26: {  	[smem:$0x3F8C] =	sst s1;
	(tag) =	ssettag s2;
	_ =	strace s9  }
0x27: {  	s1 =	sld [smem:$0x3F9C]  }
0x28: {  	s2 =	sld [smem:$0x3F9D]  }
0x29: {  	s4 =	sld [smem:$0x3F9F]  }
0x2a: {  	p0 =	seq.s32 s5, $0x0;
	s5 =	sld [smem:$0x3FA0]  }
0x2b: {  	s6 =	sld [smem:$0x3FA1]  }
0x2c: {  	s7 =	sld [smem:$0x3FA2]  }
0x2d: {  	s3 =	simm.s32 $0x108;
	s8 =	sld [smem:$0x3FA3]  }
0x2e: {  	s3 =	simm.s32 @!p0 $0x1082;
	s9 =	sld [smem:$0x3FA4]  }
0x2f: {  	lr =	sadd.s32 s0, s3;
	s0 =	sld [smem:$0x3F9B]  }
0x30: {  	s3 =	sld [smem:$0x3F9E]  }
0x31: {  	[smem:$0x3FA7] =	sst s10  }
0x32: {  	s10 =	sld [smem:$0x3FA5];
	_ =	sdelay $0x3  }
0x33: {  	p0 =	seq.s32 s10, $0x1;
	s10 =	sld [smem:$0x3FA7];
	_ =	sdelay $0x3  }
0x34: {  	[smem:$0x3FA7] =	sst s10  }
0x35: {  	s10 =	sld [smem:$0x3FA6];
	_ =	sdelay $0x3  }
0x36: {  	p1 =	seq.s32 s10, $0x1;
	s10 =	sld [smem:$0x3FA7];
	_ =	sdelay $0x3  }
0x37: {  	[smem:$0x3FA7] =	sst s10  }
0x38: {  	s10 =	sld [smem:$0x3FA8]  }
0x39: {  	_ = 	snop;
	(pc) =	sbr.ind lr, $3  }
0x3a: {  	_ = 	snop  }
0x3b: {  	_ = 	snop  }
0x3c: {  	p2 =	seq.s32 s10, $0x1;
	s10 =	sld [smem:$0x3FA7]  }
0x3d: {  	_ =	shalt  }
0x3e: {  	_ =	shalt  }
0x3f: {  	_ =	shalt  }
0x40: {  	_ =	shalt  }
0x41: {  	_ =	shalt  }
0x42: {  	_ =	shalt  }
0x43: {  	_ =	shalt  }
0x44: {  	_ =	shalt  }
0x45: {  	_ =	shalt  }
0x46: {  	_ =	shalt  }
0x47: {  	_ =	shalt  }
0x48: {  	_ =	shalt  }
0x49: {  	_ =	shalt  }
0x4a: {  	_ =	shalt  }
0x4b: {  	_ =	shalt  }
0x4c: {  	_ =	shalt  }
0x4d: {  	_ =	shalt  }
0x4e: {  	_ =	shalt  }
0x4f: {  	_ =	shalt  }
0x50: {  	_ =	shalt  }
0x51: {  	_ =	shalt  }
0x52: {  	_ =	shalt  }
0x53: {  	_ =	shalt  }
0x54: {  	_ =	shalt  }
0x55: {  	_ =	shalt  }
0x56: {  	_ =	shalt  }
0x57: {  	_ =	shalt  }
0x58: {  	_ =	shalt  }
0x59: {  	_ =	shalt  }
0x5a: {  	_ =	shalt  }
0x5b: {  	_ =	shalt  }
0x5c: {  	_ =	shalt  }
0x5d: {  	_ =	shalt  }
0x5e: {  	_ =	shalt  }
0x5f: {  	_ =	shalt  }
0x60: {  	_ =	shalt  }
0x61: {  	_ =	shalt  }
0x62: {  	_ =	shalt  }
0x63: {  	_ =	shalt  }
0x64: {  	_ =	shalt  }
0x65: {  	_ =	shalt  }
0x66: {  	_ =	shalt  }
0x67: {  	_ =	shalt  }
0x68: {  	_ =	shalt  }
0x69: {  	_ =	shalt  }
0x6a: {  	_ =	shalt  }
0x6b: {  	_ =	shalt  }
0x6c: {  	_ =	shalt  }
0x6d: {  	_ =	shalt  }
0x6e: {  	_ =	shalt  }
0x6f: {  	_ =	shalt  }
0x70: {  	_ =	shalt  }
0x71: {  	_ =	shalt  }
0x72: {  	_ =	shalt  }
0x73: {  	_ =	shalt  }
0x74: {  	_ =	shalt  }
0x75: {  	_ =	shalt  }
0x76: {  	_ =	shalt  }
0x77: {  	_ =	shalt  }
0x78: {  	_ =	shalt  }
0x79: {  	_ =	shalt  }
0x7a: {  	_ =	shalt  }
0x7b: {  	_ =	shalt  }
0x7c: {  	_ =	shalt  }
0x7d: {  	_ =	shalt  }
0x7e: {  	_ =	shalt  }
0x7f: {  	_ =	shalt  }
0x80: {  	_ =	shalt  }
0x81: {  	_ =	shalt  }
0x82: {  	_ =	shalt  }
0x83: {  	_ =	shalt  }
0x84: {  	_ =	shalt  }
0x85: {  	_ =	shalt  }
0x86: {  	_ =	shalt  }
0x87: {  	_ =	shalt  }
.Lfunc_end0:
.L_simem_size_0:
called_computation.5_lowered:
.L_overlay_start_0:
0x88: {  	s0 =	sld [smem:$0x3FD9]  }
0x89: {  	s1 =	sld [smem:$0x3FFE];
	_ =	sdelay $0x3  }
0x8a: {  	s0 =	sadd.s32 s1, s0  }
0x8b: {  	[smem:$0x3FB3] =	sst s0  }
0x8c: {  	_ = 	snop  }
0x8d: {  	(tm) =	ssettm $0x1  }
0x8e: {  	s15 =	sld [smem:$0x3FFB];
	_ =	sdelay $0x3  }
0x8f: {  	_ =	strace s15  }
0x90: {  	s0 =	sld [smem:$0x3FFC];
	_ =	sdelay $0x3  }
0x91: {  	_ =	strace s0  }
0x92: {  	s0 =	sld [smem:$0x3FFD];
	_ =	sdelay $0x3  }
0x93: {  	_ =	strace s0  }
0x94: {  	_ =	strace $0x8FFFFFFF  }
0x95: {  	s16 =	sld [smem:$0x3FDB];
	_ =	sdelay $0x1  }
0x96: {  	s17 =	simm.s32 $_scs_section_size  }
0x97: {  	s2 =	simm.s32 $_size__tile_overlayer_lowered;
	s3 =	simm.s32 $_tile_overlayer_lowered  }
0x98: {  	s20 =	simm.s32 $0x1BFF;
	s19 =	sshll.u32 s3, $0x1;
	s0 =	sadd.s32 s17, s16  }
0x99: {  	s4 =	simm.s32 $0x0;
	s18 =	sshll.u32 s2, $0x1;
	s2 =	sadd.s32 s19, s0  }
0x9a: {  	[timem:s4], [sflag:s20] =	dma.local [hbm:s2], s18  }
0x9b: {  	_ =	swait.ge [sflag:s20], s18  }
0x9c: {  	s1 =	ssub.s32 $0x0, s18;
	[sflag:s20] =	ssyncset.done $0x0  }
0x9d: {  	[sflag:s20] =	ssyncadd.s32 s1;
	_ =	sdelay $0x1  }
0x9e: {  	s21 =	simm.s32 $0x1B8B  }
0x9f: {  	_ =	swait.ge [sflag:s21], $0x1  }
0xa0: {  	[sflag:s21] =	ssyncset.done $0x0  }
0xa1: {  	s23 =	simm.s32 $0x1B8E;
	s22 =	sld [smem:$0x3FFE];
	[sflag:s21] =	ssyncadd.s32 $0xFFFFFFFF  }
0xa2: {  	s24 =	simm.s32 $execute0_lowered;
	[smem:$0x3FD2] =	sst s23  }
0xa3: {  	s2 =	sshll.u32 s24, $0x1;
	_ =	strace $0x80000052;
	[dreg:$0x1] =	wrdreg $0xFFFFFFFF  }
0xa4: {  	s25 =	simm.s32 $_size_execute0_lowered;
	s0 =	sadd.s32 s0, s2;
	[dreg:$0x0] =	wrdreg $0x0  }
0xa5: {  	s2 =	sshll.u32 s25, $0x1;
	[dreg:$0x2] =	wrdreg s0  }
0xa6: {  	[dreg:$0x3] =	wrdreg s2  }
0xa7: {  	[dreg:$0x4] =	wrdreg $0xC0  }
0xa8: {  	_ =	task [dreg:s4], $0x5FFFF  }
0xa9: {  	[dreg:$0x1] =	wrdreg $0xFFFFFFFF  }
0xaa: {  	[dreg:$0x0] =	wrdreg $0x60  }
0xab: {  	[dreg:$0x2] =	wrdreg s22  }
0xac: {  	[dreg:$0x3] =	wrdreg $0xA  }
0xad: {  	_ =	task.clear_ibuf [dreg:s4], $0x4FFFF;
	_ =	strace $0x90000052  }
0xae: {  	s26 =	simm.s32 $0xA;
	_ =	strace $0x80000054  }
0xaf: {  	_ =	swait.ge [sflag:s26], $0x1  }
0xb0: {  	[sflag:s26] =	ssyncadd.s32 $0xFFFFFFFF  }
0xb1: {  	_ =	strace $0x90000054  }
0xb2: {  	_ =	sfence  }
0xb3: {  	s28 =	sld [smem:$0x0];
	_ =	sdelay $0x1  }
0xb4: {  	s29 =	srdreg.scid  }
0xb5: {  	s30 =	sshll.u32 s29, $0xD;
	s31 =	sshrl.u32 s29, $0x2  }
0xb6: {  	s1 =	sand.u32 $0x1, s29;
	s2 =	sand.u32 $0x4000, s30;
	s0 =	sadd.s32 s31, s28  }
0xb7: {  	s1 =	sor.u32 s2, s1;
	s0 =	sshll.u32 s0, $0x11  }
0xb8: {  	s0 =	sor.u32 s0, s1  }
0xb9: {  	s0 =	sadd.s32 $0x8F2B, s0  }
0xba: {  	[sflag:s0] =	ssyncadd.remote.s32 $0x1  }
0xbb: {  	_ =	sfence.sel $0xFFFF  }
0xbc: {  	[dreg:$0x0] =	wrdreg $0xFFFFFFFF;
	(pc) =	sbr.abs _section_cstart, $3  }
0xbd: {  	[dreg:$0x1] =	wrdreg $0xFFFFFFFF  }
0xbe: {  	_ =	task.clear_ibuf [dreg:s4], $0x2FFFF;
	_ =	strace $0x9FFFFFFF  }
0xbf: {  	(tm) =	ssettm $0x7FFFFFFF  }
tec
execute0_lowered:
.L_overlay_start_1:
0x0: {  	(tag) =	ssettag $0x1  }
0x1: {  	s0 =	stileid.u32  }
0x2: {  	s1 =	simm.s32 $0x1;
	p0 =	sne.s32 s0, $0x0  }
0x3: {  	s1 =	simm.s32 @!p0 $0x0  }
0x4: {  	s1 =	sadd.s32 s1, s0  }
0x5: {  	p1 =	seq.s32 s0, $0x0;
	s0 =	simm.s32 $0xA0;
	s1 =	smul.u32 $0x50, s1  }
0x6: {  	s0 =	simm.s32 @!p1 $0x50  }
0x7: {  	s0 =	sadd.s32 s0, s1  }
0x8: {  	s2 =	smin.u32 s0, $0x550  }
0x9: {  	s6 =	ssub.s32 s2, s1  }
0xa: {  	p1 =	sgt.s32 s6, $0x0  }
0xb: {  	s6 =	simm.s32 @!p1 $0x0  }
0xc: {  	s3 =	smul.u32 $0xCCCD, s6  }
0xd: {  	s8 =	rddreg [dreg:$0x0];
	s5 =	simm.s32 $0x1;
	s10 =	simm.s32 $0x3  }
0xe: {  	s12 =	simm.s32 $0x0;
	s11 =	simm.s32 $0x0;
	s7 =	sshrl.u32 s3, $0x16  }
0xf: {  	s0 =	rddreg [dreg:$0x1];
	_ =	strace $0x80000053;
	s9 =	smul.u32 $0x50, s7  }
.Ltmp0:
0x10: {  	s4 =	sadd.s32 $0x5C00, s8;
	[sflag:s5] =	ssyncpa.u1 $0x0;
	(pc) =	sbr.rel .LBB2_1-.Ltmp0, $4  }
0x11: {  	s3 =	sadd.s32 $0x49AE00, s8;
	p1 =	sne.s32 s6, s9;
	s9 =	simm.s32 $0x1  }
0x12: {  	s8 =	sadd.s32 $0x1F200, s8;
	s6 =	simm.s32 $0x2;
	s9 =	simm.s32 @!p1 $0x0  }
0x13: {  	[sflag:s6] =	ssyncpa.u1 $0x0;
	p1 =	por $0x0, $0x0;
	s7 =	sadd.s32 s7, s9  }
0x14: {  	vm0 =	vmmov $0xff;
	vm1 =	vcmask $0x3F20;
	[sflag:s10] =	ssyncpa.u1 $0x0;
	s10 =	smov.u32 s1;
	s9 =	sadd.s32 $0x1, s7  }
.LBB2_9:
0x15: {  	s12 =	sadd.s32 $0x50, s10  }
0x16: {  	s14 =	smov.u32 s1;
	p3 =	slt.s32 s12, s2  }
0x17: {  	s14 =	smov.u32 @p3 s12;
	p3 =	sne.s32 s11, s9  }
.Ltmp1:
0x18: {  	p2 =	slt.u32 s11, $0x2;
	(pc) =	sbr.rel @!p3 .LBB2_10-.Ltmp1, $4  }
0x19: {  	s13 =	simm.s32 @!p2 $0x3  }
0x1a: {  	s15 =	sadd.s32 $0x1, s11;
	_ =	swait.ge @!p2 [sflag:s13], $0xA000  }
0x1b: {  	p1 =	por !p1, !p1;
	s12 =	smov.u32 s10;
	[sflag:s13] =	ssyncset.done @!p2 $0x0  }
0x1c: {  	s11 =	smov.u32 s15;
	s10 =	smov.u32 s14;
	[sflag:s13] =	ssyncadd.s32 @!p2 $0xFFFF6000  }
.LBB2_1:
0x1d: {  	p2 =	sge.u32 s11, s7  }
0x1e: {  	s13 =	sxor.u32 @!p2 $0xFFFFFFFF, s11  }
0x1f: {  	s13 =	sand.u32 @!p2 $0x1, s13  }
0x20: {  	s13 =	smul.u32 @!p2 $0x140, s13  }
0x21: {  	s31 =	sadd.s32 $0xFFFFFFFF, s11;
	s14 =	sshrl.u32 @!p2 s10, $0x3  }
0x22: {  	s15 =	sand.u32 @!p2 $0x7, s10;
	s14 =	sadd.s32 @!p2 s4, s14;
	s13 =	sshrl.u32 @!p2 s13, $0x2  }
0x23: {  	[tilespmem:s13], [sflag:$0x2] =	stream.linear.gather @!p2 [hbm4b:s14+s15], $0x50, $0x38;
	[tilespmem:$0x140A0] =	vst v63  }
0x24: {  	p2 =	sge.u32 s31, s7  }
.Ltmp2:
0x25: {  	_ = 	snop;
	(pc) =	sbr.rel @p2 .LBB2_9-.Ltmp2, $1  }
0x26: {  	_ =	sdelay $0x3  }
0x27: {  	s13 =	simm.s32 $0x1  }
0x28: {  	s13 =	simm.s32 @!p1 $0x0  }
0x29: {  	s13 =	smul.u32 $0x28000, s13  }
0x2a: {  	s14 =	sand.u32 $0x1, s11  }
0x2b: {  	_ =	swait.ge [sflag:s6], $0x50;
	s14 =	smul.u32 $0x140, s14;
	s13 =	sshrl.u32 s13, $0x2  }
0x2c: {  	s15 =	simm.s32 $0x0;
	[sflag:s6] =	ssyncset.done $0x0;
	s13 =	sor.u32 $0xA0, s13  }
0x2d: {  	[sflag:s6] =	ssyncadd.s32 $0xFFFFFFB0;
	s14 =	sshrl.u32 s14, $0x2;
	s16 =	smov.u32 s13  }
.LBB2_3:
0x2e: {  	s17 =	sshll.u32 s15, $0x4  }
0x2f: {  	s17 =	sand.u32 $0x3FFFFFF0, s17  }
0x30: {  	s17 =	sadd.s32 s17, s14  }
0x31: {  	v0 =	vld.msk [tilespmem:s17+$0x0 ss:$0x1], $0xffff;
	_ =	sdelay $0x4  }
0x32: {  	vm2 =	vgt.s32 v0, $0x0  }
0x33: {  	v0 =	vnsel vm2, $0x0, v0  }
0x34: {  	v0 =	vmin.u32 v0, $0x19FF  }
0x35: {  	v1 =	vshll.u32 v0, $0x6;
	v0 =	vshll.u32 v0, $0x4  }
0x36: {  	v1 =	vand.u32 $0x7FE00, v1;
	v0 =	vand.u32 $0x70, v0  }
0x37: {  	v0 =	vor.u32 v0, v1;
	_ =	sdelay $0x3  }
0x38: {  	s18 =	sadd.s32 $0x0, s16  }
0x39: {  	[tilespmem:s18], [sflag:$0x1] =	stream.indirect_vreg.gather [hbm:s3], $0x80, v0, vm0, $0x38;
	[tilespmem:$0x140A0] =	vst v63  }
0x3a: {  	s17 =	simm.s32 $0x1000;
	v1 =	vadd.s32 $0x80, v0;
	s18 =	sadd.s32 $0x1000, s18  }
.LBB2_4:
0x3b: {  	[tilespmem:s18], [sflag:$0x1] =	stream.indirect_vreg.gather [hbm:s3], $0x80, v0, vm1, $0x38;
	[tilespmem:$0x140A0] =	vst v63  }
0x3c: {  	v0 =	vmov v1;
	s18 =	smov.u32 s17;
	p2 =	sne.s32 s17, $0x3000  }
.Ltmp3:
0x3d: {  	s17 =	sadd.s32 $0x1000, s17;
	(pc) =	sbr.rel @p2 .LBB2_4-.Ltmp3, $4  }
0x3e: {  	s18 =	sshra.s32 s18, $0x2  }
0x3f: {  	s18 =	sadd.s32 s18, s16  }
0x40: {  	[tilespmem:s18], [sflag:$0x1] =	stream.indirect_vreg.gather [hbm:s3], $0x80, v1, vm0, $0x38;
	[tilespmem:$0x140A0] =	vst v63  }
0x41: {  	s18 =	sadd.s32 $0x1000, s18;
	v1 =	vadd.s32 $0x80, v1  }
0x42: {  	s15 =	sadd.s32 $0x1, s15  }
0x43: {  	p2 =	sne.s32 s15, $0x5  }
.Ltmp4:
0x44: {  	_ = 	snop;
	(pc) =	sbr.rel @p2 .LBB2_3-.Ltmp4, $3  }
0x45: {  	_ =	sdelay $0x1  }
0x46: {  	[tilespmem:s18], [sflag:$0x1] =	stream.indirect_vreg.gather [hbm:s3], $0x80, v0, vm1, $0x38;
	[tilespmem:$0x140A0] =	vst v63  }
0x47: {  	s16 =	sadd.s32 $0x2000, s16  }
0x48: {  	s14 =	sshll.u32 s12, $0x6  }
0x49: {  	s31 =	sshll.u32 s12, $0x4;
	s14 =	sand.u32 $0xFFFFFE00, s14  }
0x4a: {  	_ =	swait.ge [sflag:s5], $0xA000;
	s12 =	sand.u32 $0x70, s31;
	s14 =	sadd.s32 s14, s8  }
0x4b: {  	s15 =	sadd.s32 $0x1000, s13;
	[sflag:s5] =	ssyncset.done $0x0;
	s12 =	sadd.s32 s12, s14  }
0x4c: {  	[sflag:s5] =	ssyncadd.s32 $0xFFFF6000;
	s14 =	simm.s32 $0x200;
	s16 =	sadd.s32 $0x0, s12  }
.LBB2_7:
0x4d: {  	[hbm:s16] =	stream.linear.scatter [tilespmem:s13], [sflag:$0x3], $0x1000, $0x38;
	[tilespmem:$0x140A0] =	vst v63  }
0x4e: {  	s16 =	smov.u32 s14;
	s13 =	smov.u32 s15;
	p2 =	sne.s32 s14, $0x1200  }
.Ltmp5:
0x4f: {  	s14 =	sadd.s32 $0x200, s14;
	(pc) =	sbr.rel @p2 .LBB2_7-.Ltmp5, $2  }
0x50: {  	_ =	sdelay $0x2  }
0x51: {  	s15 =	sadd.s32 $0x1000, s15;
	s16 =	sadd.s32 s16, s12  }
.Ltmp6:
0x52: {  	(pc) =	sbr.rel .LBB2_9-.Ltmp6, $2  }
0x53: {  	_ =	sdelay $0x2  }
0x54: {  	[hbm:s16] =	stream.linear.scatter [tilespmem:s13], [sflag:$0x3], $0x1000, $0x38;
	[tilespmem:$0x140A0] =	vst v63  }
.LBB2_10:
0x55: {  	_ =	sfence.sel $0x180000  }
0x56: {  	s1 =	simm.s32 $0x2;
	[bflag:$0x0] =	sbarrier.arrive $0xFFFF  }
0x57: {  	s30 =	simm.s32 $0x3;
	[sflag:s1] =	ssyncpa.u1 $0x1  }
0x58: {  	s31 =	simm.s32 $0x1;
	[sflag:s30] =	ssyncpa.u1 $0x1  }
0x59: {  	[sflag:s31] =	ssyncpa.u1 $0x1  }
0x5a: {  	_ =	strace $0x90000053  }
0x5b: {  	s0 =	sadd.s32 @!p0 $0x100000, s0;
	[bflag:$0x2] =	sbarrier.arrive $0xFFFF  }
0x5c: {  	[sflag:s0] =	ssyncadd.tile.s32 @!p0 $0x1;
	_ =	shalt  }
.Lfunc_end2:
_tile_overlayer_lowered:
.L_overlay_start_2:
0x5d: {  	(tag) =	ssettag $0x2  }
0x5e: {  	s0 =	rddreg [dreg:$0x0];
	s2 =	stileid.u32  }
0x5f: {  	s1 =	rddreg [dreg:$0x1];
	p0 =	sne.s32 s2, $0x0  }
0x60: {  	s3 =	rddreg [dreg:$0x2];
	[bflag:$0x3] =	sbarrier.arrive $0xFFFF;
	s2 =	simm.s32 @!p0 $0x1C01  }
0x61: {  	[timem:s3], [sflag:s2] =	dma.local @!p0 [hbm:s0], s1  }
0x62: {  	s0 =	simm.s32 @!p0 $0x1  }
0x63: {  	_ =	swait.ge @!p0 [sflag:s0], s1  }
0x64: {  	s1 =	ssub.s32 @!p0 $0x0, s1;
	[sflag:s0] =	ssyncset.done @!p0 $0x0  }
0x65: {  	[sflag:s0] =	ssyncadd.s32 @!p0 s1  }
0x66: {  	[bflag:$0x3] =	sbarrier.arrive $0xFFFF  }
0x67: {  	_ =	shalt  }

// kernel: gather_offload_async_start.6
scs
__scs_entry_jumppad:
0x0: {  	(pc) =	sbr.rel $0x88, $3  }
0x1: {  	(tag) =	ssettag $0x0;
	lr =	simm.s32 $0x1  }
0x2: {  	[smem:$0x3F8C] =	sst lr;
	_ =	strace $0xD0000000  }
0x3: {  	_ = 	snop  }
0x4: {  	_ = 	snop  }
0x5: {  	_ = 	snop  }
0x6: {  	_ = 	snop  }
0x7: {  	_ = 	snop  }
__scs_overlays_trampoline_lowered:
0x8: {  	[smem:$0x3F9B] =	sst s0  }
0x9: {  	[smem:$0x3F9C] =	sst s1  }
0xa: {  	[smem:$0x3F9D] =	sst s2  }
0xb: {  	[smem:$0x3F9E] =	sst s3  }
0xc: {  	[smem:$0x3F9F] =	sst s4  }
0xd: {  	[smem:$0x3FA0] =	sst s5  }
0xe: {  	[smem:$0x3FA1] =	sst s6  }
0xf: {  	[smem:$0x3FA2] =	sst s7  }
0x10: {  	[smem:$0x3FA3] =	sst s8  }
0x11: {  	[smem:$0x3FA4] =	sst s9;
	s0 =	simm.s32 @!p0 $0x0  }
0x12: {  	s1 =	sld [smem:$0x3F8A];
	s0 =	simm.s32 @p0 $0x1  }
0x13: {  	[smem:$0x3FA5] =	sst s0;
	s0 =	simm.s32 @!p1 $0x0  }
0x14: {  	s2 =	sld [smem:$0x3F89];
	s0 =	simm.s32 @p1 $0x1  }
0x15: {  	[smem:$0x3FA6] =	sst s0;
	s0 =	simm.s32 @!p2 $0x0  }
0x16: {  	s3 =	sld [smem:$0x3FDB];
	s0 =	simm.s32 @p2 $0x1  }
0x17: {  	s4 =	simm.s32 $0x1BF5;
	[smem:$0x3FA8] =	sst s0  }
0x18: {  	s0 =	sld [smem:$0x3F8B];
	_ =	swait.ge [sflag:s4], $0x0  }
0x19: {  	s7 =	sld [smem:$0x3F8C]  }
0x1a: {  	s8 =	sadd.s32 $0xFFFFE003, lr  }
0x1b: {  	s9 =	sadd.s32 $0xFFFFFEF7, lr;
	s5 =	simm.s32 $0xFFFFFFFF;
	p2 =	slt.u32 s8, $0xFFFFF086  }
0x1c: {  	p1 =	slt.u32 s9, $0xF7A;
	s5 =	simm.s32 @!p2 $0x0  }
0x1d: {  	s5 =	simm.s32 @p1 $0x1;
	p0 =	seq.s32 s7, s2  }
0x1e: {  	s7 =	smul.u32 @!p0 $0xF7A, s2;
	p2 =	seq.s32 @!p0 s5, $0x0  }
0x1f: {  	s9 =	smul.u32 $0xF7A, s1;
	s8 =	simm.s32 @!p0 $0x1BF5;
	p2 =	por !p2, p0  }
0x20: {  	[sflag:s8] =	ssyncset.s32 @!p0 $0xFFFFF086;
	s6 =	sadd.s32 @!p0 s3, s7;
	s7 =	simm.s32 @!p0 $0x108  }
0x21: {  	s3 =	sadd.s32 s3, s9;
	s6 =	sadd.s32 @!p0 $0x88, s6;
	s7 =	simm.s32 @p2 $0x1082  }
0x22: {  	[simem:s7], [sflag:s8] =	dma.local @!p0 [hbm:s6], $0xF7A  }
0x23: {  	s9 =	sor.u32 $0xD0000000, s2;
	s6 =	simm.s32 $0x108;
	_ =	swait.ge @!p0 [sflag:s8], $0x0  }
0x24: {  	s3 =	sadd.s32 $0x88, s3;
	s6 =	simm.s32 @!p1 $0x1082;
	[sflag:s4] =	ssyncset.s32 $0xFFFFF086  }
0x25: {  	[simem:s6], [sflag:s4] =	dma.local [hbm:s3], $0xF7A  }
0x26: {  	[smem:$0x3F8C] =	sst s1;
	(tag) =	ssettag s2;
	_ =	strace s9  }
0x27: {  	s1 =	sld [smem:$0x3F9C]  }
0x28: {  	s2 =	sld [smem:$0x3F9D]  }
0x29: {  	s4 =	sld [smem:$0x3F9F]  }
0x2a: {  	p0 =	seq.s32 s5, $0x0;
	s5 =	sld [smem:$0x3FA0]  }
0x2b: {  	s6 =	sld [smem:$0x3FA1]  }
0x2c: {  	s7 =	sld [smem:$0x3FA2]  }
0x2d: {  	s3 =	simm.s32 $0x108;
	s8 =	sld [smem:$0x3FA3]  }
0x2e: {  	s3 =	simm.s32 @!p0 $0x1082;
	s9 =	sld [smem:$0x3FA4]  }
0x2f: {  	lr =	sadd.s32 s0, s3;
	s0 =	sld [smem:$0x3F9B]  }
0x30: {  	s3 =	sld [smem:$0x3F9E]  }
0x31: {  	[smem:$0x3FA7] =	sst s10  }
0x32: {  	s10 =	sld [smem:$0x3FA5];
	_ =	sdelay $0x3  }
0x33: {  	p0 =	seq.s32 s10, $0x1;
	s10 =	sld [smem:$0x3FA7];
	_ =	sdelay $0x3  }
0x34: {  	[smem:$0x3FA7] =	sst s10  }
0x35: {  	s10 =	sld [smem:$0x3FA6];
	_ =	sdelay $0x3  }
0x36: {  	p1 =	seq.s32 s10, $0x1;
	s10 =	sld [smem:$0x3FA7];
	_ =	sdelay $0x3  }
0x37: {  	[smem:$0x3FA7] =	sst s10  }
0x38: {  	s10 =	sld [smem:$0x3FA8]  }
0x39: {  	_ = 	snop;
	(pc) =	sbr.ind lr, $3  }
0x3a: {  	_ = 	snop  }
0x3b: {  	_ = 	snop  }
0x3c: {  	p2 =	seq.s32 s10, $0x1;
	s10 =	sld [smem:$0x3FA7]  }
0x3d: {  	_ =	shalt  }
0x3e: {  	_ =	shalt  }
0x3f: {  	_ =	shalt  }
0x40: {  	_ =	shalt  }
0x41: {  	_ =	shalt  }
0x42: {  	_ =	shalt  }
0x43: {  	_ =	shalt  }
0x44: {  	_ =	shalt  }
0x45: {  	_ =	shalt  }
0x46: {  	_ =	shalt  }
0x47: {  	_ =	shalt  }
0x48: {  	_ =	shalt  }
0x49: {  	_ =	shalt  }
0x4a: {  	_ =	shalt  }
0x4b: {  	_ =	shalt  }
0x4c: {  	_ =	shalt  }
0x4d: {  	_ =	shalt  }
0x4e: {  	_ =	shalt  }
0x4f: {  	_ =	shalt  }
0x50: {  	_ =	shalt  }
0x51: {  	_ =	shalt  }
0x52: {  	_ =	shalt  }
0x53: {  	_ =	shalt  }
0x54: {  	_ =	shalt  }
0x55: {  	_ =	shalt  }
0x56: {  	_ =	shalt  }
0x57: {  	_ =	shalt  }
0x58: {  	_ =	shalt  }
0x59: {  	_ =	shalt  }
0x5a: {  	_ =	shalt  }
0x5b: {  	_ =	shalt  }
0x5c: {  	_ =	shalt  }
0x5d: {  	_ =	shalt  }
0x5e: {  	_ =	shalt  }
0x5f: {  	_ =	shalt  }
0x60: {  	_ =	shalt  }
0x61: {  	_ =	shalt  }
0x62: {  	_ =	shalt  }
0x63: {  	_ =	shalt  }
0x64: {  	_ =	shalt  }
0x65: {  	_ =	shalt  }
0x66: {  	_ =	shalt  }
0x67: {  	_ =	shalt  }
0x68: {  	_ =	shalt  }
0x69: {  	_ =	shalt  }
0x6a: {  	_ =	shalt  }
0x6b: {  	_ =	shalt  }
0x6c: {  	_ =	shalt  }
0x6d: {  	_ =	shalt  }
0x6e: {  	_ =	shalt  }
0x6f: {  	_ =	shalt  }
0x70: {  	_ =	shalt  }
0x71: {  	_ =	shalt  }
0x72: {  	_ =	shalt  }
0x73: {  	_ =	shalt  }
0x74: {  	_ =	shalt  }
0x75: {  	_ =	shalt  }
0x76: {  	_ =	shalt  }
0x77: {  	_ =	shalt  }
0x78: {  	_ =	shalt  }
0x79: {  	_ =	shalt  }
0x7a: {  	_ =	shalt  }
0x7b: {  	_ =	shalt  }
0x7c: {  	_ =	shalt  }
0x7d: {  	_ =	shalt  }
0x7e: {  	_ =	shalt  }
0x7f: {  	_ =	shalt  }
0x80: {  	_ =	shalt  }
0x81: {  	_ =	shalt  }
0x82: {  	_ =	shalt  }
0x83: {  	_ =	shalt  }
0x84: {  	_ =	shalt  }
0x85: {  	_ =	shalt  }
0x86: {  	_ =	shalt  }
0x87: {  	_ =	shalt  }
.Lfunc_end0:
.L_simem_size_0:
called_computation.6_lowered:
.L_overlay_start_0:
0x88: {  	s0 =	sld [smem:$0x3FD9]  }
0x89: {  	s1 =	sld [smem:$0x3FFE];
	_ =	sdelay $0x3  }
0x8a: {  	s0 =	sadd.s32 s1, s0  }
0x8b: {  	[smem:$0x3FB3] =	sst s0  }
0x8c: {  	_ = 	snop  }
0x8d: {  	(tm) =	ssettm $0x1  }
0x8e: {  	s15 =	sld [smem:$0x3FFB];
	_ =	sdelay $0x3  }
0x8f: {  	_ =	strace s15  }
0x90: {  	s0 =	sld [smem:$0x3FFC];
	_ =	sdelay $0x3  }
0x91: {  	_ =	strace s0  }
0x92: {  	s0 =	sld [smem:$0x3FFD];
	_ =	sdelay $0x3  }
0x93: {  	_ =	strace s0  }
0x94: {  	_ =	strace $0x8FFFFFFF  }
0x95: {  	s16 =	sld [smem:$0x3FDB];
	_ =	sdelay $0x1  }
0x96: {  	s17 =	simm.s32 $_scs_section_size  }
0x97: {  	s2 =	simm.s32 $_size__tile_overlayer_lowered;
	s3 =	simm.s32 $_tile_overlayer_lowered  }
0x98: {  	s20 =	simm.s32 $0x1BFF;
	s19 =	sshll.u32 s3, $0x1;
	s0 =	sadd.s32 s17, s16  }
0x99: {  	s4 =	simm.s32 $0x0;
	s18 =	sshll.u32 s2, $0x1;
	s2 =	sadd.s32 s19, s0  }
0x9a: {  	[timem:s4], [sflag:s20] =	dma.local [hbm:s2], s18  }
0x9b: {  	_ =	swait.ge [sflag:s20], s18  }
0x9c: {  	s1 =	ssub.s32 $0x0, s18;
	[sflag:s20] =	ssyncset.done $0x0  }
0x9d: {  	[sflag:s20] =	ssyncadd.s32 s1;
	_ =	sdelay $0x1  }
0x9e: {  	s21 =	simm.s32 $0x1B8B  }
0x9f: {  	_ =	swait.ge [sflag:s21], $0x1  }
0xa0: {  	[sflag:s21] =	ssyncset.done $0x0  }
0xa1: {  	s23 =	simm.s32 $0x1B8E;
	s22 =	sld [smem:$0x3FFE];
	[sflag:s21] =	ssyncadd.s32 $0xFFFFFFFF  }
0xa2: {  	s24 =	simm.s32 $execute0_lowered;
	[smem:$0x3FD2] =	sst s23  }
0xa3: {  	s2 =	sshll.u32 s24, $0x1;
	_ =	strace $0x8000005B;
	[dreg:$0x1] =	wrdreg $0xFFFFFFFF  }
0xa4: {  	s25 =	simm.s32 $_size_execute0_lowered;
	s0 =	sadd.s32 s0, s2;
	[dreg:$0x0] =	wrdreg $0x0  }
0xa5: {  	s2 =	sshll.u32 s25, $0x1;
	[dreg:$0x2] =	wrdreg s0  }
0xa6: {  	[dreg:$0x3] =	wrdreg s2  }
0xa7: {  	[dreg:$0x4] =	wrdreg $0xC0  }
0xa8: {  	_ =	task [dreg:s4], $0x5FFFF  }
0xa9: {  	[dreg:$0x1] =	wrdreg $0xFFFFFFFF  }
0xaa: {  	[dreg:$0x0] =	wrdreg $0x60  }
0xab: {  	[dreg:$0x2] =	wrdreg s22  }
0xac: {  	[dreg:$0x3] =	wrdreg $0x9  }
0xad: {  	_ =	task.clear_ibuf [dreg:s4], $0x4FFFF;
	_ =	strace $0x9000005B  }
0xae: {  	s26 =	simm.s32 $0x9;
	_ =	strace $0x8000005D  }
0xaf: {  	_ =	swait.ge [sflag:s26], $0x1  }
0xb0: {  	[sflag:s26] =	ssyncadd.s32 $0xFFFFFFFF  }
0xb1: {  	_ =	strace $0x9000005D  }
0xb2: {  	_ =	sfence  }
0xb3: {  	s28 =	sld [smem:$0x0];
	_ =	sdelay $0x1  }
0xb4: {  	s29 =	srdreg.scid  }
0xb5: {  	s30 =	sshll.u32 s29, $0xD;
	s31 =	sshrl.u32 s29, $0x2  }
0xb6: {  	s1 =	sand.u32 $0x1, s29;
	s2 =	sand.u32 $0x4000, s30;
	s0 =	sadd.s32 s31, s28  }
0xb7: {  	s1 =	sor.u32 s2, s1;
	s0 =	sshll.u32 s0, $0x11  }
0xb8: {  	s0 =	sor.u32 s0, s1  }
0xb9: {  	s0 =	sadd.s32 $0x8F2B, s0  }
0xba: {  	[sflag:s0] =	ssyncadd.remote.s32 $0x1  }
0xbb: {  	_ =	sfence.sel $0xFFFF  }
0xbc: {  	[dreg:$0x0] =	wrdreg $0xFFFFFFFF;
	(pc) =	sbr.abs _section_cstart, $3  }
0xbd: {  	[dreg:$0x1] =	wrdreg $0xFFFFFFFF  }
0xbe: {  	_ =	task.clear_ibuf [dreg:s4], $0x2FFFF;
	_ =	strace $0x9FFFFFFF  }
0xbf: {  	(tm) =	ssettm $0x7FFFFFFF  }
tec
execute0_lowered:
.L_overlay_start_1:
0x0: {  	(tag) =	ssettag $0x1  }
0x1: {  	s1 =	stileid.u32  }
0x2: {  	s0 =	simm.s32 $0x1;
	p0 =	sne.s32 s1, $0x0  }
0x3: {  	s0 =	simm.s32 @!p0 $0x0  }
0x4: {  	s0 =	sadd.s32 s0, s1  }
0x5: {  	p1 =	seq.s32 s1, $0x0;
	s1 =	simm.s32 $0xA0;
	s0 =	smul.u32 $0x50, s0  }
0x6: {  	s1 =	simm.s32 @!p1 $0x50  }
0x7: {  	s1 =	sadd.s32 s1, s0  }
0x8: {  	s2 =	smin.u32 s1, $0x550  }
0x9: {  	s6 =	ssub.s32 s2, s0  }
0xa: {  	p1 =	sgt.s32 s6, $0x0  }
0xb: {  	s6 =	simm.s32 @!p1 $0x0  }
0xc: {  	s31 =	smul.u32 $0xCCCD, s6  }
0xd: {  	s8 =	rddreg [dreg:$0x0];
	s5 =	simm.s32 $0x1;
	s10 =	simm.s32 $0x3  }
0xe: {  	s12 =	simm.s32 $0x0;
	s11 =	simm.s32 $0x0;
	s7 =	sshrl.u32 s31, $0x16  }
0xf: {  	s3 =	sadd.s32 $0x5C00, s8;
	s4 =	sadd.s32 $0x83000, s8;
	s9 =	smul.u32 $0x50, s7  }
.Ltmp0:
0x10: {  	s8 =	sadd.s32 $0x83200, s8;
	s1 =	rddreg [dreg:$0x1];
	(pc) =	sbr.rel .LBB2_1-.Ltmp0, $4  }
0x11: {  	_ =	strace $0x8000005C;
	p1 =	sne.s32 s6, s9;
	s9 =	simm.s32 $0x1  }
0x12: {  	[sflag:s5] =	ssyncpa.u1 $0x0;
	s6 =	simm.s32 $0x2;
	s9 =	simm.s32 @!p1 $0x0  }
0x13: {  	[sflag:s6] =	ssyncpa.u1 $0x0;
	p1 =	por $0x0, $0x0;
	s7 =	sadd.s32 s7, s9  }
0x14: {  	vm0 =	vmmov $0xff;
	vm1 =	vcmask $0x3F20;
	[sflag:s10] =	ssyncpa.u1 $0x0;
	s10 =	smov.u32 s0;
	s9 =	sadd.s32 $0x1, s7  }
.LBB2_9:
0x15: {  	s12 =	sadd.s32 $0x50, s10  }
0x16: {  	s14 =	smov.u32 s0;
	p3 =	slt.s32 s12, s2  }
0x17: {  	s14 =	smov.u32 @p3 s12;
	p3 =	sne.s32 s11, s9  }
.Ltmp1:
0x18: {  	p2 =	slt.u32 s11, $0x2;
	(pc) =	sbr.rel @!p3 .LBB2_10-.Ltmp1, $4  }
0x19: {  	s13 =	simm.s32 @!p2 $0x3  }
0x1a: {  	s15 =	sadd.s32 $0x1, s11;
	_ =	swait.ge @!p2 [sflag:s13], $0xA000  }
0x1b: {  	p1 =	por !p1, !p1;
	s12 =	smov.u32 s10;
	[sflag:s13] =	ssyncset.done @!p2 $0x0  }
0x1c: {  	s11 =	smov.u32 s15;
	s10 =	smov.u32 s14;
	[sflag:s13] =	ssyncadd.s32 @!p2 $0xFFFF6000  }
.LBB2_1:
0x1d: {  	p2 =	sge.u32 s11, s7  }
0x1e: {  	s13 =	sxor.u32 @!p2 $0xFFFFFFFF, s11  }
0x1f: {  	s13 =	sand.u32 @!p2 $0x1, s13  }
0x20: {  	s13 =	smul.u32 @!p2 $0x140, s13  }
0x21: {  	s31 =	sadd.s32 $0xFFFFFFFF, s11;
	s14 =	sshrl.u32 @!p2 s10, $0x3  }
0x22: {  	s15 =	sand.u32 @!p2 $0x7, s10;
	s14 =	sadd.s32 @!p2 s4, s14;
	s13 =	sshrl.u32 @!p2 s13, $0x2  }
0x23: {  	[tilespmem:s13], [sflag:$0x2] =	stream.linear.gather @!p2 [hbm4b:s14+s15], $0x50, $0x38;
	[tilespmem:$0x140A0] =	vst v63  }
0x24: {  	p2 =	sge.u32 s31, s7  }
.Ltmp2:
0x25: {  	_ = 	snop;
	(pc) =	sbr.rel @p2 .LBB2_9-.Ltmp2, $1  }
0x26: {  	_ =	sdelay $0x3  }
0x27: {  	s13 =	simm.s32 $0x1  }
0x28: {  	s13 =	simm.s32 @!p1 $0x0  }
0x29: {  	s13 =	smul.u32 $0x28000, s13  }
0x2a: {  	s14 =	sand.u32 $0x1, s11  }
0x2b: {  	_ =	swait.ge [sflag:s6], $0x50;
	s14 =	smul.u32 $0x140, s14;
	s13 =	sshrl.u32 s13, $0x2  }
0x2c: {  	s15 =	simm.s32 $0x0;
	[sflag:s6] =	ssyncset.done $0x0;
	s13 =	sor.u32 $0xA0, s13  }
0x2d: {  	[sflag:s6] =	ssyncadd.s32 $0xFFFFFFB0;
	s14 =	sshrl.u32 s14, $0x2;
	s16 =	smov.u32 s13  }
.LBB2_3:
0x2e: {  	s17 =	sshll.u32 s15, $0x4  }
0x2f: {  	s17 =	sand.u32 $0x3FFFFFF0, s17  }
0x30: {  	s17 =	sadd.s32 s17, s14  }
0x31: {  	v0 =	vld.msk [tilespmem:s17+$0x0 ss:$0x1], $0xffff;
	_ =	sdelay $0x4  }
0x32: {  	vm2 =	vgt.s32 v0, $0x0  }
0x33: {  	v0 =	vnsel vm2, $0x0, v0  }
0x34: {  	v0 =	vmin.u32 v0, $0x19FF  }
0x35: {  	v1 =	vshll.u32 v0, $0x6;
	v0 =	vshll.u32 v0, $0x4  }
0x36: {  	v1 =	vand.u32 $0x7FE00, v1;
	v0 =	vand.u32 $0x70, v0  }
0x37: {  	v0 =	vor.u32 v0, v1;
	_ =	sdelay $0x3  }
0x38: {  	s18 =	sadd.s32 $0x0, s16  }
0x39: {  	[tilespmem:s18], [sflag:$0x1] =	stream.indirect_vreg.gather [hbm:s3], $0x80, v0, vm0, $0x38;
	[tilespmem:$0x140A0] =	vst v63  }
0x3a: {  	s17 =	simm.s32 $0x1000;
	v1 =	vadd.s32 $0x80, v0;
	s18 =	sadd.s32 $0x1000, s18  }
.LBB2_4:
0x3b: {  	[tilespmem:s18], [sflag:$0x1] =	stream.indirect_vreg.gather [hbm:s3], $0x80, v0, vm1, $0x38;
	[tilespmem:$0x140A0] =	vst v63  }
0x3c: {  	v0 =	vmov v1;
	s18 =	smov.u32 s17;
	p2 =	sne.s32 s17, $0x3000  }
.Ltmp3:
0x3d: {  	s17 =	sadd.s32 $0x1000, s17;
	(pc) =	sbr.rel @p2 .LBB2_4-.Ltmp3, $4  }
0x3e: {  	s18 =	sshra.s32 s18, $0x2  }
0x3f: {  	s18 =	sadd.s32 s18, s16  }
0x40: {  	[tilespmem:s18], [sflag:$0x1] =	stream.indirect_vreg.gather [hbm:s3], $0x80, v1, vm0, $0x38;
	[tilespmem:$0x140A0] =	vst v63  }
0x41: {  	s18 =	sadd.s32 $0x1000, s18;
	v1 =	vadd.s32 $0x80, v1  }
0x42: {  	s15 =	sadd.s32 $0x1, s15  }
0x43: {  	p2 =	sne.s32 s15, $0x5  }
.Ltmp4:
0x44: {  	_ = 	snop;
	(pc) =	sbr.rel @p2 .LBB2_3-.Ltmp4, $3  }
0x45: {  	_ =	sdelay $0x1  }
0x46: {  	[tilespmem:s18], [sflag:$0x1] =	stream.indirect_vreg.gather [hbm:s3], $0x80, v0, vm1, $0x38;
	[tilespmem:$0x140A0] =	vst v63  }
0x47: {  	s16 =	sadd.s32 $0x2000, s16  }
0x48: {  	s14 =	sshll.u32 s12, $0x6  }
0x49: {  	s31 =	sshll.u32 s12, $0x4;
	s14 =	sand.u32 $0xFFFFFE00, s14  }
0x4a: {  	_ =	swait.ge [sflag:s5], $0xA000;
	s12 =	sand.u32 $0x70, s31;
	s14 =	sadd.s32 s14, s8  }
0x4b: {  	s15 =	sadd.s32 $0x1000, s13;
	[sflag:s5] =	ssyncset.done $0x0;
	s12 =	sadd.s32 s12, s14  }
0x4c: {  	[sflag:s5] =	ssyncadd.s32 $0xFFFF6000;
	s14 =	simm.s32 $0x200;
	s16 =	sadd.s32 $0x0, s12  }
.LBB2_7:
0x4d: {  	[hbm:s16] =	stream.linear.scatter [tilespmem:s13], [sflag:$0x3], $0x1000, $0x38;
	[tilespmem:$0x140A0] =	vst v63  }
0x4e: {  	s16 =	smov.u32 s14;
	s13 =	smov.u32 s15;
	p2 =	sne.s32 s14, $0x1200  }
.Ltmp5:
0x4f: {  	s14 =	sadd.s32 $0x200, s14;
	(pc) =	sbr.rel @p2 .LBB2_7-.Ltmp5, $2  }
0x50: {  	_ =	sdelay $0x2  }
0x51: {  	s15 =	sadd.s32 $0x1000, s15;
	s16 =	sadd.s32 s16, s12  }
.Ltmp6:
0x52: {  	(pc) =	sbr.rel .LBB2_9-.Ltmp6, $2  }
0x53: {  	_ =	sdelay $0x2  }
0x54: {  	[hbm:s16] =	stream.linear.scatter [tilespmem:s13], [sflag:$0x3], $0x1000, $0x38;
	[tilespmem:$0x140A0] =	vst v63  }
.LBB2_10:
0x55: {  	_ =	sfence.sel $0x180000  }
0x56: {  	s0 =	simm.s32 $0x2;
	[bflag:$0x0] =	sbarrier.arrive $0xFFFF  }
0x57: {  	s30 =	simm.s32 $0x3;
	[sflag:s0] =	ssyncpa.u1 $0x1  }
0x58: {  	s31 =	simm.s32 $0x1;
	[sflag:s30] =	ssyncpa.u1 $0x1  }
0x59: {  	[sflag:s31] =	ssyncpa.u1 $0x1  }
0x5a: {  	_ =	strace $0x9000005C  }
0x5b: {  	s0 =	sadd.s32 @!p0 $0x100000, s1;
	[bflag:$0x2] =	sbarrier.arrive $0xFFFF  }
0x5c: {  	[sflag:s0] =	ssyncadd.tile.s32 @!p0 $0x1;
	_ =	shalt  }
.Lfunc_end2:
_tile_overlayer_lowered:
.L_overlay_start_2:
0x5d: {  	(tag) =	ssettag $0x2  }
0x5e: {  	s0 =	rddreg [dreg:$0x0];
	s2 =	stileid.u32  }
0x5f: {  	s1 =	rddreg [dreg:$0x1];
	p0 =	sne.s32 s2, $0x0  }
0x60: {  	s3 =	rddreg [dreg:$0x2];
	[bflag:$0x3] =	sbarrier.arrive $0xFFFF;
	s2 =	simm.s32 @!p0 $0x1C01  }
0x61: {  	[timem:s3], [sflag:s2] =	dma.local @!p0 [hbm:s0], s1  }
0x62: {  	s0 =	simm.s32 @!p0 $0x1  }
0x63: {  	_ =	swait.ge @!p0 [sflag:s0], s1  }
0x64: {  	s1 =	ssub.s32 @!p0 $0x0, s1;
	[sflag:s0] =	ssyncset.done @!p0 $0x0  }
0x65: {  	[sflag:s0] =	ssyncadd.s32 @!p0 s1  }
0x66: {  	[bflag:$0x3] =	sbarrier.arrive $0xFFFF  }
0x67: {  	_ =	shalt  }

// kernel: gather_offload_async_start.7
scs
__scs_entry_jumppad:
0x0: {  	(pc) =	sbr.rel $0x88, $3  }
0x1: {  	(tag) =	ssettag $0x0;
	lr =	simm.s32 $0x1  }
0x2: {  	[smem:$0x3F8C] =	sst lr;
	_ =	strace $0xD0000000  }
0x3: {  	_ = 	snop  }
0x4: {  	_ = 	snop  }
0x5: {  	_ = 	snop  }
0x6: {  	_ = 	snop  }
0x7: {  	_ = 	snop  }
__scs_overlays_trampoline_lowered:
0x8: {  	[smem:$0x3F9B] =	sst s0  }
0x9: {  	[smem:$0x3F9C] =	sst s1  }
0xa: {  	[smem:$0x3F9D] =	sst s2  }
0xb: {  	[smem:$0x3F9E] =	sst s3  }
0xc: {  	[smem:$0x3F9F] =	sst s4  }
0xd: {  	[smem:$0x3FA0] =	sst s5  }
0xe: {  	[smem:$0x3FA1] =	sst s6  }
0xf: {  	[smem:$0x3FA2] =	sst s7  }
0x10: {  	[smem:$0x3FA3] =	sst s8  }
0x11: {  	[smem:$0x3FA4] =	sst s9;
	s0 =	simm.s32 @!p0 $0x0  }
0x12: {  	s1 =	sld [smem:$0x3F8A];
	s0 =	simm.s32 @p0 $0x1  }
0x13: {  	[smem:$0x3FA5] =	sst s0;
	s0 =	simm.s32 @!p1 $0x0  }
0x14: {  	s2 =	sld [smem:$0x3F89];
	s0 =	simm.s32 @p1 $0x1  }
0x15: {  	[smem:$0x3FA6] =	sst s0;
	s0 =	simm.s32 @!p2 $0x0  }
0x16: {  	s3 =	sld [smem:$0x3FDB];
	s0 =	simm.s32 @p2 $0x1  }
0x17: {  	s4 =	simm.s32 $0x1BF5;
	[smem:$0x3FA8] =	sst s0  }
0x18: {  	s0 =	sld [smem:$0x3F8B];
	_ =	swait.ge [sflag:s4], $0x0  }
0x19: {  	s7 =	sld [smem:$0x3F8C]  }
0x1a: {  	s8 =	sadd.s32 $0xFFFFE003, lr  }
0x1b: {  	s9 =	sadd.s32 $0xFFFFFEF7, lr;
	s5 =	simm.s32 $0xFFFFFFFF;
	p2 =	slt.u32 s8, $0xFFFFF086  }
0x1c: {  	p1 =	slt.u32 s9, $0xF7A;
	s5 =	simm.s32 @!p2 $0x0  }
0x1d: {  	s5 =	simm.s32 @p1 $0x1;
	p0 =	seq.s32 s7, s2  }
0x1e: {  	s7 =	smul.u32 @!p0 $0xF7A, s2;
	p2 =	seq.s32 @!p0 s5, $0x0  }
0x1f: {  	s9 =	smul.u32 $0xF7A, s1;
	s8 =	simm.s32 @!p0 $0x1BF5;
	p2 =	por !p2, p0  }
0x20: {  	[sflag:s8] =	ssyncset.s32 @!p0 $0xFFFFF086;
	s6 =	sadd.s32 @!p0 s3, s7;
	s7 =	simm.s32 @!p0 $0x108  }
0x21: {  	s3 =	sadd.s32 s3, s9;
	s6 =	sadd.s32 @!p0 $0x88, s6;
	s7 =	simm.s32 @p2 $0x1082  }
0x22: {  	[simem:s7], [sflag:s8] =	dma.local @!p0 [hbm:s6], $0xF7A  }
0x23: {  	s9 =	sor.u32 $0xD0000000, s2;
	s6 =	simm.s32 $0x108;
	_ =	swait.ge @!p0 [sflag:s8], $0x0  }
0x24: {  	s3 =	sadd.s32 $0x88, s3;
	s6 =	simm.s32 @!p1 $0x1082;
	[sflag:s4] =	ssyncset.s32 $0xFFFFF086  }
0x25: {  	[simem:s6], [sflag:s4] =	dma.local [hbm:s3], $0xF7A  }
0x26: {  	[smem:$0x3F8C] =	sst s1;
	(tag) =	ssettag s2;
	_ =	strace s9  }
0x27: {  	s1 =	sld [smem:$0x3F9C]  }
0x28: {  	s2 =	sld [smem:$0x3F9D]  }
0x29: {  	s4 =	sld [smem:$0x3F9F]  }
0x2a: {  	p0 =	seq.s32 s5, $0x0;
	s5 =	sld [smem:$0x3FA0]  }
0x2b: {  	s6 =	sld [smem:$0x3FA1]  }
0x2c: {  	s7 =	sld [smem:$0x3FA2]  }
0x2d: {  	s3 =	simm.s32 $0x108;
	s8 =	sld [smem:$0x3FA3]  }
0x2e: {  	s3 =	simm.s32 @!p0 $0x1082;
	s9 =	sld [smem:$0x3FA4]  }
0x2f: {  	lr =	sadd.s32 s0, s3;
	s0 =	sld [smem:$0x3F9B]  }
0x30: {  	s3 =	sld [smem:$0x3F9E]  }
0x31: {  	[smem:$0x3FA7] =	sst s10  }
0x32: {  	s10 =	sld [smem:$0x3FA5];
	_ =	sdelay $0x3  }
0x33: {  	p0 =	seq.s32 s10, $0x1;
	s10 =	sld [smem:$0x3FA7];
	_ =	sdelay $0x3  }
0x34: {  	[smem:$0x3FA7] =	sst s10  }
0x35: {  	s10 =	sld [smem:$0x3FA6];
	_ =	sdelay $0x3  }
0x36: {  	p1 =	seq.s32 s10, $0x1;
	s10 =	sld [smem:$0x3FA7];
	_ =	sdelay $0x3  }
0x37: {  	[smem:$0x3FA7] =	sst s10  }
0x38: {  	s10 =	sld [smem:$0x3FA8]  }
0x39: {  	_ = 	snop;
	(pc) =	sbr.ind lr, $3  }
0x3a: {  	_ = 	snop  }
0x3b: {  	_ = 	snop  }
0x3c: {  	p2 =	seq.s32 s10, $0x1;
	s10 =	sld [smem:$0x3FA7]  }
0x3d: {  	_ =	shalt  }
0x3e: {  	_ =	shalt  }
0x3f: {  	_ =	shalt  }
0x40: {  	_ =	shalt  }
0x41: {  	_ =	shalt  }
0x42: {  	_ =	shalt  }
0x43: {  	_ =	shalt  }
0x44: {  	_ =	shalt  }
0x45: {  	_ =	shalt  }
0x46: {  	_ =	shalt  }
0x47: {  	_ =	shalt  }
0x48: {  	_ =	shalt  }
0x49: {  	_ =	shalt  }
0x4a: {  	_ =	shalt  }
0x4b: {  	_ =	shalt  }
0x4c: {  	_ =	shalt  }
0x4d: {  	_ =	shalt  }
0x4e: {  	_ =	shalt  }
0x4f: {  	_ =	shalt  }
0x50: {  	_ =	shalt  }
0x51: {  	_ =	shalt  }
0x52: {  	_ =	shalt  }
0x53: {  	_ =	shalt  }
0x54: {  	_ =	shalt  }
0x55: {  	_ =	shalt  }
0x56: {  	_ =	shalt  }
0x57: {  	_ =	shalt  }
0x58: {  	_ =	shalt  }
0x59: {  	_ =	shalt  }
0x5a: {  	_ =	shalt  }
0x5b: {  	_ =	shalt  }
0x5c: {  	_ =	shalt  }
0x5d: {  	_ =	shalt  }
0x5e: {  	_ =	shalt  }
0x5f: {  	_ =	shalt  }
0x60: {  	_ =	shalt  }
0x61: {  	_ =	shalt  }
0x62: {  	_ =	shalt  }
0x63: {  	_ =	shalt  }
0x64: {  	_ =	shalt  }
0x65: {  	_ =	shalt  }
0x66: {  	_ =	shalt  }
0x67: {  	_ =	shalt  }
0x68: {  	_ =	shalt  }
0x69: {  	_ =	shalt  }
0x6a: {  	_ =	shalt  }
0x6b: {  	_ =	shalt  }
0x6c: {  	_ =	shalt  }
0x6d: {  	_ =	shalt  }
0x6e: {  	_ =	shalt  }
0x6f: {  	_ =	shalt  }
0x70: {  	_ =	shalt  }
0x71: {  	_ =	shalt  }
0x72: {  	_ =	shalt  }
0x73: {  	_ =	shalt  }
0x74: {  	_ =	shalt  }
0x75: {  	_ =	shalt  }
0x76: {  	_ =	shalt  }
0x77: {  	_ =	shalt  }
0x78: {  	_ =	shalt  }
0x79: {  	_ =	shalt  }
0x7a: {  	_ =	shalt  }
0x7b: {  	_ =	shalt  }
0x7c: {  	_ =	shalt  }
0x7d: {  	_ =	shalt  }
0x7e: {  	_ =	shalt  }
0x7f: {  	_ =	shalt  }
0x80: {  	_ =	shalt  }
0x81: {  	_ =	shalt  }
0x82: {  	_ =	shalt  }
0x83: {  	_ =	shalt  }
0x84: {  	_ =	shalt  }
0x85: {  	_ =	shalt  }
0x86: {  	_ =	shalt  }
0x87: {  	_ =	shalt  }
.Lfunc_end0:
.L_simem_size_0:
called_computation.7_lowered:
.L_overlay_start_0:
0x88: {  	s0 =	sld [smem:$0x3FD9]  }
0x89: {  	s1 =	sld [smem:$0x3FFE];
	_ =	sdelay $0x3  }
0x8a: {  	s0 =	sadd.s32 s1, s0  }
0x8b: {  	[smem:$0x3FB3] =	sst s0  }
0x8c: {  	_ = 	snop  }
0x8d: {  	(tm) =	ssettm $0x1  }
0x8e: {  	s15 =	sld [smem:$0x3FFB];
	_ =	sdelay $0x3  }
0x8f: {  	_ =	strace s15  }
0x90: {  	s0 =	sld [smem:$0x3FFC];
	_ =	sdelay $0x3  }
0x91: {  	_ =	strace s0  }
0x92: {  	s0 =	sld [smem:$0x3FFD];
	_ =	sdelay $0x3  }
0x93: {  	_ =	strace s0  }
0x94: {  	_ =	strace $0x8FFFFFFF  }
0x95: {  	s16 =	sld [smem:$0x3FDB];
	_ =	sdelay $0x1  }
0x96: {  	s17 =	simm.s32 $_scs_section_size  }
0x97: {  	s2 =	simm.s32 $_size__tile_overlayer_lowered;
	s3 =	simm.s32 $_tile_overlayer_lowered  }
0x98: {  	s20 =	simm.s32 $0x1BFF;
	s19 =	sshll.u32 s3, $0x1;
	s0 =	sadd.s32 s17, s16  }
0x99: {  	s4 =	simm.s32 $0x0;
	s18 =	sshll.u32 s2, $0x1;
	s2 =	sadd.s32 s19, s0  }
0x9a: {  	[timem:s4], [sflag:s20] =	dma.local [hbm:s2], s18  }
0x9b: {  	_ =	swait.ge [sflag:s20], s18  }
0x9c: {  	s1 =	ssub.s32 $0x0, s18;
	[sflag:s20] =	ssyncset.done $0x0  }
0x9d: {  	[sflag:s20] =	ssyncadd.s32 s1;
	_ =	sdelay $0x1  }
0x9e: {  	s21 =	simm.s32 $0x1B8B  }
0x9f: {  	_ =	swait.ge [sflag:s21], $0x1  }
0xa0: {  	[sflag:s21] =	ssyncset.done $0x0  }
0xa1: {  	s23 =	simm.s32 $0x1B8E;
	s22 =	sld [smem:$0x3FFE];
	[sflag:s21] =	ssyncadd.s32 $0xFFFFFFFF  }
0xa2: {  	s24 =	simm.s32 $execute0_lowered;
	[smem:$0x3FD2] =	sst s23  }
0xa3: {  	s2 =	sshll.u32 s24, $0x1;
	_ =	strace $0x80000058;
	[dreg:$0x1] =	wrdreg $0xFFFFFFFF  }
0xa4: {  	s25 =	simm.s32 $_size_execute0_lowered;
	s0 =	sadd.s32 s0, s2;
	[dreg:$0x0] =	wrdreg $0x0  }
0xa5: {  	s2 =	sshll.u32 s25, $0x1;
	[dreg:$0x2] =	wrdreg s0  }
0xa6: {  	[dreg:$0x3] =	wrdreg s2  }
0xa7: {  	[dreg:$0x4] =	wrdreg $0xC0  }
0xa8: {  	_ =	task [dreg:s4], $0x5FFFF  }
0xa9: {  	[dreg:$0x1] =	wrdreg $0xFFFFFFFF  }
0xaa: {  	[dreg:$0x0] =	wrdreg $0x60  }
0xab: {  	[dreg:$0x2] =	wrdreg s22  }
0xac: {  	[dreg:$0x3] =	wrdreg $0xA  }
0xad: {  	_ =	task.clear_ibuf [dreg:s4], $0x4FFFF;
	_ =	strace $0x90000058  }
0xae: {  	s26 =	simm.s32 $0xA;
	_ =	strace $0x8000005A  }
0xaf: {  	_ =	swait.ge [sflag:s26], $0x1  }
0xb0: {  	[sflag:s26] =	ssyncadd.s32 $0xFFFFFFFF  }
0xb1: {  	_ =	strace $0x9000005A  }
0xb2: {  	_ =	sfence  }
0xb3: {  	s28 =	sld [smem:$0x0];
	_ =	sdelay $0x1  }
0xb4: {  	s29 =	srdreg.scid  }
0xb5: {  	s30 =	sshll.u32 s29, $0xD;
	s31 =	sshrl.u32 s29, $0x2  }
0xb6: {  	s1 =	sand.u32 $0x1, s29;
	s2 =	sand.u32 $0x4000, s30;
	s0 =	sadd.s32 s31, s28  }
0xb7: {  	s1 =	sor.u32 s2, s1;
	s0 =	sshll.u32 s0, $0x11  }
0xb8: {  	s0 =	sor.u32 s0, s1  }
0xb9: {  	s0 =	sadd.s32 $0x8F2B, s0  }
0xba: {  	[sflag:s0] =	ssyncadd.remote.s32 $0x1  }
0xbb: {  	_ =	sfence.sel $0xFFFF  }
0xbc: {  	[dreg:$0x0] =	wrdreg $0xFFFFFFFF;
	(pc) =	sbr.abs _section_cstart, $3  }
0xbd: {  	[dreg:$0x1] =	wrdreg $0xFFFFFFFF  }
0xbe: {  	_ =	task.clear_ibuf [dreg:s4], $0x2FFFF;
	_ =	strace $0x9FFFFFFF  }
0xbf: {  	(tm) =	ssettm $0x7FFFFFFF  }
tec
execute0_lowered:
.L_overlay_start_1:
0x0: {  	(tag) =	ssettag $0x1  }
0x1: {  	s1 =	stileid.u32  }
0x2: {  	s0 =	simm.s32 $0x1;
	p0 =	sne.s32 s1, $0x0  }
0x3: {  	s0 =	simm.s32 @!p0 $0x0  }
0x4: {  	s0 =	sadd.s32 s0, s1  }
0x5: {  	p1 =	seq.s32 s1, $0x0;
	s1 =	simm.s32 $0xA0;
	s0 =	smul.u32 $0x50, s0  }
0x6: {  	s1 =	simm.s32 @!p1 $0x50  }
0x7: {  	s1 =	sadd.s32 s1, s0  }
0x8: {  	s2 =	smin.u32 s1, $0x550  }
0x9: {  	s6 =	ssub.s32 s2, s0  }
0xa: {  	p1 =	sgt.s32 s6, $0x0  }
0xb: {  	s6 =	simm.s32 @!p1 $0x0  }
0xc: {  	s31 =	smul.u32 $0xCCCD, s6  }
0xd: {  	s8 =	rddreg [dreg:$0x0];
	s5 =	simm.s32 $0x1;
	s10 =	simm.s32 $0x3  }
0xe: {  	s12 =	simm.s32 $0x0;
	s11 =	simm.s32 $0x0;
	s7 =	sshrl.u32 s31, $0x16  }
0xf: {  	s3 =	sadd.s32 $0x5C00, s8;
	s4 =	sadd.s32 $0x5A00, s8;
	s9 =	smul.u32 $0x50, s7  }
.Ltmp0:
0x10: {  	s8 =	sadd.s32 $0x6DC00, s8;
	s1 =	rddreg [dreg:$0x1];
	(pc) =	sbr.rel .LBB2_1-.Ltmp0, $4  }
0x11: {  	_ =	strace $0x80000059;
	p1 =	sne.s32 s6, s9;
	s9 =	simm.s32 $0x1  }
0x12: {  	[sflag:s5] =	ssyncpa.u1 $0x0;
	s6 =	simm.s32 $0x2;
	s9 =	simm.s32 @!p1 $0x0  }
0x13: {  	[sflag:s6] =	ssyncpa.u1 $0x0;
	p1 =	por $0x0, $0x0;
	s7 =	sadd.s32 s7, s9  }
0x14: {  	vm0 =	vmmov $0xff;
	vm1 =	vcmask $0x3F20;
	[sflag:s10] =	ssyncpa.u1 $0x0;
	s10 =	smov.u32 s0;
	s9 =	sadd.s32 $0x1, s7  }
.LBB2_9:
0x15: {  	s12 =	sadd.s32 $0x50, s10  }
0x16: {  	s14 =	smov.u32 s0;
	p3 =	slt.s32 s12, s2  }
0x17: {  	s14 =	smov.u32 @p3 s12;
	p3 =	sne.s32 s11, s9  }
.Ltmp1:
0x18: {  	p2 =	slt.u32 s11, $0x2;
	(pc) =	sbr.rel @!p3 .LBB2_10-.Ltmp1, $4  }
0x19: {  	s13 =	simm.s32 @!p2 $0x3  }
0x1a: {  	s15 =	sadd.s32 $0x1, s11;
	_ =	swait.ge @!p2 [sflag:s13], $0xA000  }
0x1b: {  	p1 =	por !p1, !p1;
	s12 =	smov.u32 s10;
	[sflag:s13] =	ssyncset.done @!p2 $0x0  }
0x1c: {  	s11 =	smov.u32 s15;
	s10 =	smov.u32 s14;
	[sflag:s13] =	ssyncadd.s32 @!p2 $0xFFFF6000  }
.LBB2_1:
0x1d: {  	p2 =	sge.u32 s11, s7  }
0x1e: {  	s13 =	sxor.u32 @!p2 $0xFFFFFFFF, s11  }
0x1f: {  	s13 =	sand.u32 @!p2 $0x1, s13  }
0x20: {  	s13 =	smul.u32 @!p2 $0x140, s13  }
0x21: {  	s31 =	sadd.s32 $0xFFFFFFFF, s11;
	s14 =	sshrl.u32 @!p2 s10, $0x3  }
0x22: {  	s15 =	sand.u32 @!p2 $0x7, s10;
	s14 =	sadd.s32 @!p2 s4, s14;
	s13 =	sshrl.u32 @!p2 s13, $0x2  }
0x23: {  	[tilespmem:s13], [sflag:$0x2] =	stream.linear.gather @!p2 [hbm4b:s14+s15], $0x50, $0x38;
	[tilespmem:$0x140A0] =	vst v63  }
0x24: {  	p2 =	sge.u32 s31, s7  }
.Ltmp2:
0x25: {  	_ = 	snop;
	(pc) =	sbr.rel @p2 .LBB2_9-.Ltmp2, $1  }
0x26: {  	_ =	sdelay $0x3  }
0x27: {  	s13 =	simm.s32 $0x1  }
0x28: {  	s13 =	simm.s32 @!p1 $0x0  }
0x29: {  	s13 =	smul.u32 $0x28000, s13  }
0x2a: {  	s14 =	sand.u32 $0x1, s11  }
0x2b: {  	_ =	swait.ge [sflag:s6], $0x50;
	s14 =	smul.u32 $0x140, s14;
	s13 =	sshrl.u32 s13, $0x2  }
0x2c: {  	s15 =	simm.s32 $0x0;
	[sflag:s6] =	ssyncset.done $0x0;
	s13 =	sor.u32 $0xA0, s13  }
0x2d: {  	[sflag:s6] =	ssyncadd.s32 $0xFFFFFFB0;
	s14 =	sshrl.u32 s14, $0x2;
	s16 =	smov.u32 s13  }
.LBB2_3:
0x2e: {  	s17 =	sshll.u32 s15, $0x4  }
0x2f: {  	s17 =	sand.u32 $0x3FFFFFF0, s17  }
0x30: {  	s17 =	sadd.s32 s17, s14  }
0x31: {  	v0 =	vld.msk [tilespmem:s17+$0x0 ss:$0x1], $0xffff;
	_ =	sdelay $0x4  }
0x32: {  	vm2 =	vgt.s32 v0, $0x0  }
0x33: {  	v0 =	vnsel vm2, $0x0, v0  }
0x34: {  	v0 =	vmin.u32 v0, $0x19FF  }
0x35: {  	v1 =	vshll.u32 v0, $0x6;
	v0 =	vshll.u32 v0, $0x4  }
0x36: {  	v1 =	vand.u32 $0x7FE00, v1;
	v0 =	vand.u32 $0x70, v0  }
0x37: {  	v0 =	vor.u32 v0, v1;
	_ =	sdelay $0x3  }
0x38: {  	s18 =	sadd.s32 $0x0, s16  }
0x39: {  	[tilespmem:s18], [sflag:$0x1] =	stream.indirect_vreg.gather [hbm:s3], $0x80, v0, vm0, $0x38;
	[tilespmem:$0x140A0] =	vst v63  }
0x3a: {  	s17 =	simm.s32 $0x1000;
	v1 =	vadd.s32 $0x80, v0;
	s18 =	sadd.s32 $0x1000, s18  }
.LBB2_4:
0x3b: {  	[tilespmem:s18], [sflag:$0x1] =	stream.indirect_vreg.gather [hbm:s3], $0x80, v0, vm1, $0x38;
	[tilespmem:$0x140A0] =	vst v63  }
0x3c: {  	v0 =	vmov v1;
	s18 =	smov.u32 s17;
	p2 =	sne.s32 s17, $0x3000  }
.Ltmp3:
0x3d: {  	s17 =	sadd.s32 $0x1000, s17;
	(pc) =	sbr.rel @p2 .LBB2_4-.Ltmp3, $4  }
0x3e: {  	s18 =	sshra.s32 s18, $0x2  }
0x3f: {  	s18 =	sadd.s32 s18, s16  }
0x40: {  	[tilespmem:s18], [sflag:$0x1] =	stream.indirect_vreg.gather [hbm:s3], $0x80, v1, vm0, $0x38;
	[tilespmem:$0x140A0] =	vst v63  }
0x41: {  	s18 =	sadd.s32 $0x1000, s18;
	v1 =	vadd.s32 $0x80, v1  }
0x42: {  	s15 =	sadd.s32 $0x1, s15  }
0x43: {  	p2 =	sne.s32 s15, $0x5  }
.Ltmp4:
0x44: {  	_ = 	snop;
	(pc) =	sbr.rel @p2 .LBB2_3-.Ltmp4, $3  }
0x45: {  	_ =	sdelay $0x1  }
0x46: {  	[tilespmem:s18], [sflag:$0x1] =	stream.indirect_vreg.gather [hbm:s3], $0x80, v0, vm1, $0x38;
	[tilespmem:$0x140A0] =	vst v63  }
0x47: {  	s16 =	sadd.s32 $0x2000, s16  }
0x48: {  	s14 =	sshll.u32 s12, $0x6  }
0x49: {  	s31 =	sshll.u32 s12, $0x4;
	s14 =	sand.u32 $0xFFFFFE00, s14  }
0x4a: {  	_ =	swait.ge [sflag:s5], $0xA000;
	s12 =	sand.u32 $0x70, s31;
	s14 =	sadd.s32 s14, s8  }
0x4b: {  	s15 =	sadd.s32 $0x1000, s13;
	[sflag:s5] =	ssyncset.done $0x0;
	s12 =	sadd.s32 s12, s14  }
0x4c: {  	[sflag:s5] =	ssyncadd.s32 $0xFFFF6000;
	s14 =	simm.s32 $0x200;
	s16 =	sadd.s32 $0x0, s12  }
.LBB2_7:
0x4d: {  	[hbm:s16] =	stream.linear.scatter [tilespmem:s13], [sflag:$0x3], $0x1000, $0x38;
	[tilespmem:$0x140A0] =	vst v63  }
0x4e: {  	s16 =	smov.u32 s14;
	s13 =	smov.u32 s15;
	p2 =	sne.s32 s14, $0x1200  }
.Ltmp5:
0x4f: {  	s14 =	sadd.s32 $0x200, s14;
	(pc) =	sbr.rel @p2 .LBB2_7-.Ltmp5, $2  }
0x50: {  	_ =	sdelay $0x2  }
0x51: {  	s15 =	sadd.s32 $0x1000, s15;
	s16 =	sadd.s32 s16, s12  }
.Ltmp6:
0x52: {  	(pc) =	sbr.rel .LBB2_9-.Ltmp6, $2  }
0x53: {  	_ =	sdelay $0x2  }
0x54: {  	[hbm:s16] =	stream.linear.scatter [tilespmem:s13], [sflag:$0x3], $0x1000, $0x38;
	[tilespmem:$0x140A0] =	vst v63  }
.LBB2_10:
0x55: {  	_ =	sfence.sel $0x180000  }
0x56: {  	s0 =	simm.s32 $0x2;
	[bflag:$0x0] =	sbarrier.arrive $0xFFFF  }
0x57: {  	s30 =	simm.s32 $0x3;
	[sflag:s0] =	ssyncpa.u1 $0x1  }
0x58: {  	s31 =	simm.s32 $0x1;
	[sflag:s30] =	ssyncpa.u1 $0x1  }
0x59: {  	[sflag:s31] =	ssyncpa.u1 $0x1  }
0x5a: {  	_ =	strace $0x90000059  }
0x5b: {  	s0 =	sadd.s32 @!p0 $0x100000, s1;
	[bflag:$0x2] =	sbarrier.arrive $0xFFFF  }
0x5c: {  	[sflag:s0] =	ssyncadd.tile.s32 @!p0 $0x1;
	_ =	shalt  }
.Lfunc_end2:
_tile_overlayer_lowered:
.L_overlay_start_2:
0x5d: {  	(tag) =	ssettag $0x2  }
0x5e: {  	s0 =	rddreg [dreg:$0x0];
	s2 =	stileid.u32  }
0x5f: {  	s1 =	rddreg [dreg:$0x1];
	p0 =	sne.s32 s2, $0x0  }
0x60: {  	s3 =	rddreg [dreg:$0x2];
	[bflag:$0x3] =	sbarrier.arrive $0xFFFF;
	s2 =	simm.s32 @!p0 $0x1C01  }
0x61: {  	[timem:s3], [sflag:s2] =	dma.local @!p0 [hbm:s0], s1  }
0x62: {  	s0 =	simm.s32 @!p0 $0x1  }
0x63: {  	_ =	swait.ge @!p0 [sflag:s0], s1  }
0x64: {  	s1 =	ssub.s32 @!p0 $0x0, s1;
	[sflag:s0] =	ssyncset.done @!p0 $0x0  }
0x65: {  	[sflag:s0] =	ssyncadd.s32 @!p0 s1  }
0x66: {  	[bflag:$0x3] =	sbarrier.arrive $0xFFFF  }
0x67: {  	_ =	shalt  }

// kernel: gather_offload_async_start
scs
__scs_entry_jumppad:
0x0: {  	(pc) =	sbr.rel $0x88, $3  }
0x1: {  	(tag) =	ssettag $0x0;
	lr =	simm.s32 $0x1  }
0x2: {  	[smem:$0x3F8C] =	sst lr;
	_ =	strace $0xD0000000  }
0x3: {  	_ = 	snop  }
0x4: {  	_ = 	snop  }
0x5: {  	_ = 	snop  }
0x6: {  	_ = 	snop  }
0x7: {  	_ = 	snop  }
__scs_overlays_trampoline_lowered:
0x8: {  	[smem:$0x3F9B] =	sst s0  }
0x9: {  	[smem:$0x3F9C] =	sst s1  }
0xa: {  	[smem:$0x3F9D] =	sst s2  }
0xb: {  	[smem:$0x3F9E] =	sst s3  }
0xc: {  	[smem:$0x3F9F] =	sst s4  }
0xd: {  	[smem:$0x3FA0] =	sst s5  }
0xe: {  	[smem:$0x3FA1] =	sst s6  }
0xf: {  	[smem:$0x3FA2] =	sst s7  }
0x10: {  	[smem:$0x3FA3] =	sst s8  }
0x11: {  	[smem:$0x3FA4] =	sst s9;
	s0 =	simm.s32 @!p0 $0x0  }
0x12: {  	s1 =	sld [smem:$0x3F8A];
	s0 =	simm.s32 @p0 $0x1  }
0x13: {  	[smem:$0x3FA5] =	sst s0;
	s0 =	simm.s32 @!p1 $0x0  }
0x14: {  	s2 =	sld [smem:$0x3F89];
	s0 =	simm.s32 @p1 $0x1  }
0x15: {  	[smem:$0x3FA6] =	sst s0;
	s0 =	simm.s32 @!p2 $0x0  }
0x16: {  	s3 =	sld [smem:$0x3FDB];
	s0 =	simm.s32 @p2 $0x1  }
0x17: {  	s4 =	simm.s32 $0x1BF5;
	[smem:$0x3FA8] =	sst s0  }
0x18: {  	s0 =	sld [smem:$0x3F8B];
	_ =	swait.ge [sflag:s4], $0x0  }
0x19: {  	s7 =	sld [smem:$0x3F8C]  }
0x1a: {  	s8 =	sadd.s32 $0xFFFFE003, lr  }
0x1b: {  	s9 =	sadd.s32 $0xFFFFFEF7, lr;
	s5 =	simm.s32 $0xFFFFFFFF;
	p2 =	slt.u32 s8, $0xFFFFF086  }
0x1c: {  	p1 =	slt.u32 s9, $0xF7A;
	s5 =	simm.s32 @!p2 $0x0  }
0x1d: {  	s5 =	simm.s32 @p1 $0x1;
	p0 =	seq.s32 s7, s2  }
0x1e: {  	s7 =	smul.u32 @!p0 $0xF7A, s2;
	p2 =	seq.s32 @!p0 s5, $0x0  }
0x1f: {  	s9 =	smul.u32 $0xF7A, s1;
	s8 =	simm.s32 @!p0 $0x1BF5;
	p2 =	por !p2, p0  }
0x20: {  	[sflag:s8] =	ssyncset.s32 @!p0 $0xFFFFF086;
	s6 =	sadd.s32 @!p0 s3, s7;
	s7 =	simm.s32 @!p0 $0x108  }
0x21: {  	s3 =	sadd.s32 s3, s9;
	s6 =	sadd.s32 @!p0 $0x88, s6;
	s7 =	simm.s32 @p2 $0x1082  }
0x22: {  	[simem:s7], [sflag:s8] =	dma.local @!p0 [hbm:s6], $0xF7A  }
0x23: {  	s9 =	sor.u32 $0xD0000000, s2;
	s6 =	simm.s32 $0x108;
	_ =	swait.ge @!p0 [sflag:s8], $0x0  }
0x24: {  	s3 =	sadd.s32 $0x88, s3;
	s6 =	simm.s32 @!p1 $0x1082;
	[sflag:s4] =	ssyncset.s32 $0xFFFFF086  }
0x25: {  	[simem:s6], [sflag:s4] =	dma.local [hbm:s3], $0xF7A  }
0x26: {  	[smem:$0x3F8C] =	sst s1;
	(tag) =	ssettag s2;
	_ =	strace s9  }
0x27: {  	s1 =	sld [smem:$0x3F9C]  }
0x28: {  	s2 =	sld [smem:$0x3F9D]  }
0x29: {  	s4 =	sld [smem:$0x3F9F]  }
0x2a: {  	p0 =	seq.s32 s5, $0x0;
	s5 =	sld [smem:$0x3FA0]  }
0x2b: {  	s6 =	sld [smem:$0x3FA1]  }
0x2c: {  	s7 =	sld [smem:$0x3FA2]  }
0x2d: {  	s3 =	simm.s32 $0x108;
	s8 =	sld [smem:$0x3FA3]  }
0x2e: {  	s3 =	simm.s32 @!p0 $0x1082;
	s9 =	sld [smem:$0x3FA4]  }
0x2f: {  	lr =	sadd.s32 s0, s3;
	s0 =	sld [smem:$0x3F9B]  }
0x30: {  	s3 =	sld [smem:$0x3F9E]  }
0x31: {  	[smem:$0x3FA7] =	sst s10  }
0x32: {  	s10 =	sld [smem:$0x3FA5];
	_ =	sdelay $0x3  }
0x33: {  	p0 =	seq.s32 s10, $0x1;
	s10 =	sld [smem:$0x3FA7];
	_ =	sdelay $0x3  }
0x34: {  	[smem:$0x3FA7] =	sst s10  }
0x35: {  	s10 =	sld [smem:$0x3FA6];
	_ =	sdelay $0x3  }
0x36: {  	p1 =	seq.s32 s10, $0x1;
	s10 =	sld [smem:$0x3FA7];
	_ =	sdelay $0x3  }
0x37: {  	[smem:$0x3FA7] =	sst s10  }
0x38: {  	s10 =	sld [smem:$0x3FA8]  }
0x39: {  	_ = 	snop;
	(pc) =	sbr.ind lr, $3  }
0x3a: {  	_ = 	snop  }
0x3b: {  	_ = 	snop  }
0x3c: {  	p2 =	seq.s32 s10, $0x1;
	s10 =	sld [smem:$0x3FA7]  }
0x3d: {  	_ =	shalt  }
0x3e: {  	_ =	shalt  }
0x3f: {  	_ =	shalt  }
0x40: {  	_ =	shalt  }
0x41: {  	_ =	shalt  }
0x42: {  	_ =	shalt  }
0x43: {  	_ =	shalt  }
0x44: {  	_ =	shalt  }
0x45: {  	_ =	shalt  }
0x46: {  	_ =	shalt  }
0x47: {  	_ =	shalt  }
0x48: {  	_ =	shalt  }
0x49: {  	_ =	shalt  }
0x4a: {  	_ =	shalt  }
0x4b: {  	_ =	shalt  }
0x4c: {  	_ =	shalt  }
0x4d: {  	_ =	shalt  }
0x4e: {  	_ =	shalt  }
0x4f: {  	_ =	shalt  }
0x50: {  	_ =	shalt  }
0x51: {  	_ =	shalt  }
0x52: {  	_ =	shalt  }
0x53: {  	_ =	shalt  }
0x54: {  	_ =	shalt  }
0x55: {  	_ =	shalt  }
0x56: {  	_ =	shalt  }
0x57: {  	_ =	shalt  }
0x58: {  	_ =	shalt  }
0x59: {  	_ =	shalt  }
0x5a: {  	_ =	shalt  }
0x5b: {  	_ =	shalt  }
0x5c: {  	_ =	shalt  }
0x5d: {  	_ =	shalt  }
0x5e: {  	_ =	shalt  }
0x5f: {  	_ =	shalt  }
0x60: {  	_ =	shalt  }
0x61: {  	_ =	shalt  }
0x62: {  	_ =	shalt  }
0x63: {  	_ =	shalt  }
0x64: {  	_ =	shalt  }
0x65: {  	_ =	shalt  }
0x66: {  	_ =	shalt  }
0x67: {  	_ =	shalt  }
0x68: {  	_ =	shalt  }
0x69: {  	_ =	shalt  }
0x6a: {  	_ =	shalt  }
0x6b: {  	_ =	shalt  }
0x6c: {  	_ =	shalt  }
0x6d: {  	_ =	shalt  }
0x6e: {  	_ =	shalt  }
0x6f: {  	_ =	shalt  }
0x70: {  	_ =	shalt  }
0x71: {  	_ =	shalt  }
0x72: {  	_ =	shalt  }
0x73: {  	_ =	shalt  }
0x74: {  	_ =	shalt  }
0x75: {  	_ =	shalt  }
0x76: {  	_ =	shalt  }
0x77: {  	_ =	shalt  }
0x78: {  	_ =	shalt  }
0x79: {  	_ =	shalt  }
0x7a: {  	_ =	shalt  }
0x7b: {  	_ =	shalt  }
0x7c: {  	_ =	shalt  }
0x7d: {  	_ =	shalt  }
0x7e: {  	_ =	shalt  }
0x7f: {  	_ =	shalt  }
0x80: {  	_ =	shalt  }
0x81: {  	_ =	shalt  }
0x82: {  	_ =	shalt  }
0x83: {  	_ =	shalt  }
0x84: {  	_ =	shalt  }
0x85: {  	_ =	shalt  }
0x86: {  	_ =	shalt  }
0x87: {  	_ =	shalt  }
.Lfunc_end0:
.L_simem_size_0:
called_computation_lowered:
.L_overlay_start_0:
0x88: {  	s0 =	sld [smem:$0x3FD9]  }
0x89: {  	s1 =	sld [smem:$0x3FFE];
	_ =	sdelay $0x3  }
0x8a: {  	s0 =	sadd.s32 s1, s0  }
0x8b: {  	[smem:$0x3FB3] =	sst s0  }
0x8c: {  	_ = 	snop  }
0x8d: {  	(tm) =	ssettm $0x1  }
0x8e: {  	s15 =	sld [smem:$0x3FFB];
	_ =	sdelay $0x3  }
0x8f: {  	_ =	strace s15  }
0x90: {  	s0 =	sld [smem:$0x3FFC];
	_ =	sdelay $0x3  }
0x91: {  	_ =	strace s0  }
0x92: {  	s0 =	sld [smem:$0x3FFD];
	_ =	sdelay $0x3  }
0x93: {  	_ =	strace s0  }
0x94: {  	_ =	strace $0x8FFFFFFF  }
0x95: {  	s16 =	sld [smem:$0x3FDB];
	_ =	sdelay $0x1  }
0x96: {  	s17 =	simm.s32 $_scs_section_size  }
0x97: {  	s2 =	simm.s32 $_size__tile_overlayer_lowered;
	s3 =	simm.s32 $_tile_overlayer_lowered  }
0x98: {  	s20 =	simm.s32 $0x1BFF;
	s19 =	sshll.u32 s3, $0x1;
	s0 =	sadd.s32 s17, s16  }
0x99: {  	s4 =	simm.s32 $0x0;
	s18 =	sshll.u32 s2, $0x1;
	s2 =	sadd.s32 s19, s0  }
0x9a: {  	[timem:s4], [sflag:s20] =	dma.local [hbm:s2], s18  }
0x9b: {  	_ =	swait.ge [sflag:s20], s18  }
0x9c: {  	s1 =	ssub.s32 $0x0, s18;
	[sflag:s20] =	ssyncset.done $0x0  }
0x9d: {  	[sflag:s20] =	ssyncadd.s32 s1;
	_ =	sdelay $0x1  }
0x9e: {  	s21 =	simm.s32 $0x1B8B  }
0x9f: {  	_ =	swait.ge [sflag:s21], $0x1  }
0xa0: {  	[sflag:s21] =	ssyncset.done $0x0  }
0xa1: {  	s23 =	simm.s32 $0x1B8E;
	s22 =	sld [smem:$0x3FFE];
	[sflag:s21] =	ssyncadd.s32 $0xFFFFFFFF  }
0xa2: {  	s24 =	simm.s32 $execute0_lowered;
	[smem:$0x3FD2] =	sst s23  }
0xa3: {  	s2 =	sshll.u32 s24, $0x1;
	_ =	strace $0x80000049;
	[dreg:$0x1] =	wrdreg $0xFFFFFFFF  }
0xa4: {  	s25 =	simm.s32 $_size_execute0_lowered;
	s0 =	sadd.s32 s0, s2;
	[dreg:$0x0] =	wrdreg $0x0  }
0xa5: {  	s2 =	sshll.u32 s25, $0x1;
	[dreg:$0x2] =	wrdreg s0  }
0xa6: {  	[dreg:$0x3] =	wrdreg s2  }
0xa7: {  	[dreg:$0x4] =	wrdreg $0xC0  }
0xa8: {  	_ =	task [dreg:s4], $0x5FFFF  }
0xa9: {  	[dreg:$0x1] =	wrdreg $0xFFFFFFFF  }
0xaa: {  	[dreg:$0x0] =	wrdreg $0x60  }
0xab: {  	[dreg:$0x2] =	wrdreg s22  }
0xac: {  	[dreg:$0x3] =	wrdreg $0x9  }
0xad: {  	_ =	task.clear_ibuf [dreg:s4], $0x4FFFF;
	_ =	strace $0x90000049  }
0xae: {  	s26 =	simm.s32 $0x9;
	_ =	strace $0x8000004B  }
0xaf: {  	_ =	swait.ge [sflag:s26], $0x1  }
0xb0: {  	[sflag:s26] =	ssyncadd.s32 $0xFFFFFFFF  }
0xb1: {  	_ =	strace $0x9000004B  }
0xb2: {  	_ =	sfence  }
0xb3: {  	s28 =	sld [smem:$0x0];
	_ =	sdelay $0x1  }
0xb4: {  	s29 =	srdreg.scid  }
0xb5: {  	s30 =	sshll.u32 s29, $0xD;
	s31 =	sshrl.u32 s29, $0x2  }
0xb6: {  	s1 =	sand.u32 $0x1, s29;
	s2 =	sand.u32 $0x4000, s30;
	s0 =	sadd.s32 s31, s28  }
0xb7: {  	s1 =	sor.u32 s2, s1;
	s0 =	sshll.u32 s0, $0x11  }
0xb8: {  	s0 =	sor.u32 s0, s1  }
0xb9: {  	s0 =	sadd.s32 $0x8F2B, s0  }
0xba: {  	[sflag:s0] =	ssyncadd.remote.s32 $0x1  }
0xbb: {  	_ =	sfence.sel $0xFFFF  }
0xbc: {  	[dreg:$0x0] =	wrdreg $0xFFFFFFFF;
	(pc) =	sbr.abs _section_cstart, $3  }
0xbd: {  	[dreg:$0x1] =	wrdreg $0xFFFFFFFF  }
0xbe: {  	_ =	task.clear_ibuf [dreg:s4], $0x2FFFF;
	_ =	strace $0x9FFFFFFF  }
0xbf: {  	(tm) =	ssettm $0x7FFFFFFF  }
tec
execute0_lowered:
.L_overlay_start_1:
0x0: {  	(tag) =	ssettag $0x1  }
0x1: {  	s0 =	stileid.u32  }
0x2: {  	s1 =	simm.s32 $0x1;
	p0 =	sne.s32 s0, $0x0  }
0x3: {  	s1 =	simm.s32 @!p0 $0x0  }
0x4: {  	s1 =	sadd.s32 s1, s0  }
0x5: {  	p1 =	seq.s32 s0, $0x0;
	s0 =	simm.s32 $0xA0;
	s1 =	smul.u32 $0x50, s1  }
0x6: {  	s0 =	simm.s32 @!p1 $0x50  }
0x7: {  	s0 =	sadd.s32 s0, s1  }
0x8: {  	s2 =	smin.u32 s0, $0x550  }
0x9: {  	s6 =	ssub.s32 s2, s1  }
0xa: {  	p1 =	sgt.s32 s6, $0x0  }
0xb: {  	s6 =	simm.s32 @!p1 $0x0  }
0xc: {  	s3 =	smul.u32 $0xCCCD, s6  }
0xd: {  	s8 =	rddreg [dreg:$0x0];
	s5 =	simm.s32 $0x1;
	s10 =	simm.s32 $0x3  }
0xe: {  	s12 =	simm.s32 $0x0;
	s11 =	simm.s32 $0x0;
	s7 =	sshrl.u32 s3, $0x16  }
0xf: {  	s0 =	rddreg [dreg:$0x1];
	_ =	strace $0x8000004A;
	s9 =	smul.u32 $0x50, s7  }
.Ltmp0:
0x10: {  	s4 =	sadd.s32 $0x97C00, s8;
	[sflag:s5] =	ssyncpa.u1 $0x0;
	(pc) =	sbr.rel .LBB2_1-.Ltmp0, $4  }
0x11: {  	s3 =	sadd.s32 $0x49AE00, s8;
	p1 =	sne.s32 s6, s9;
	s9 =	simm.s32 $0x1  }
0x12: {  	s8 =	sadd.s32 $0x502E00, s8;
	s6 =	simm.s32 $0x2;
	s9 =	simm.s32 @!p1 $0x0  }
0x13: {  	[sflag:s6] =	ssyncpa.u1 $0x0;
	p1 =	por $0x0, $0x0;
	s7 =	sadd.s32 s7, s9  }
0x14: {  	vm0 =	vmmov $0xff;
	vm1 =	vcmask $0x3F20;
	[sflag:s10] =	ssyncpa.u1 $0x0;
	s10 =	smov.u32 s1;
	s9 =	sadd.s32 $0x1, s7  }
.LBB2_9:
0x15: {  	s12 =	sadd.s32 $0x50, s10  }
0x16: {  	s14 =	smov.u32 s1;
	p3 =	slt.s32 s12, s2  }
0x17: {  	s14 =	smov.u32 @p3 s12;
	p3 =	sne.s32 s11, s9  }
.Ltmp1:
0x18: {  	p2 =	slt.u32 s11, $0x2;
	(pc) =	sbr.rel @!p3 .LBB2_10-.Ltmp1, $4  }
0x19: {  	s13 =	simm.s32 @!p2 $0x3  }
0x1a: {  	s15 =	sadd.s32 $0x1, s11;
	_ =	swait.ge @!p2 [sflag:s13], $0xA000  }
0x1b: {  	p1 =	por !p1, !p1;
	s12 =	smov.u32 s10;
	[sflag:s13] =	ssyncset.done @!p2 $0x0  }
0x1c: {  	s11 =	smov.u32 s15;
	s10 =	smov.u32 s14;
	[sflag:s13] =	ssyncadd.s32 @!p2 $0xFFFF6000  }
.LBB2_1:
0x1d: {  	p2 =	sge.u32 s11, s7  }
0x1e: {  	s13 =	sxor.u32 @!p2 $0xFFFFFFFF, s11  }
0x1f: {  	s13 =	sand.u32 @!p2 $0x1, s13  }
0x20: {  	s13 =	smul.u32 @!p2 $0x140, s13  }
0x21: {  	s31 =	sadd.s32 $0xFFFFFFFF, s11;
	s14 =	sshrl.u32 @!p2 s10, $0x3  }
0x22: {  	s15 =	sand.u32 @!p2 $0x7, s10;
	s14 =	sadd.s32 @!p2 s4, s14;
	s13 =	sshrl.u32 @!p2 s13, $0x2  }
0x23: {  	[tilespmem:s13], [sflag:$0x2] =	stream.linear.gather @!p2 [hbm4b:s14+s15], $0x50, $0x38;
	[tilespmem:$0x140A0] =	vst v63  }
0x24: {  	p2 =	sge.u32 s31, s7  }
.Ltmp2:
0x25: {  	_ = 	snop;
	(pc) =	sbr.rel @p2 .LBB2_9-.Ltmp2, $1  }
0x26: {  	_ =	sdelay $0x3  }
0x27: {  	s13 =	simm.s32 $0x1  }
0x28: {  	s13 =	simm.s32 @!p1 $0x0  }
0x29: {  	s13 =	smul.u32 $0x28000, s13  }
0x2a: {  	s14 =	sand.u32 $0x1, s11  }
0x2b: {  	_ =	swait.ge [sflag:s6], $0x50;
	s14 =	smul.u32 $0x140, s14;
	s13 =	sshrl.u32 s13, $0x2  }
0x2c: {  	s15 =	simm.s32 $0x0;
	[sflag:s6] =	ssyncset.done $0x0;
	s13 =	sor.u32 $0xA0, s13  }
0x2d: {  	[sflag:s6] =	ssyncadd.s32 $0xFFFFFFB0;
	s14 =	sshrl.u32 s14, $0x2;
	s16 =	smov.u32 s13  }
.LBB2_3:
0x2e: {  	s17 =	sshll.u32 s15, $0x4  }
0x2f: {  	s17 =	sand.u32 $0x3FFFFFF0, s17  }
0x30: {  	s17 =	sadd.s32 s17, s14  }
0x31: {  	v0 =	vld.msk [tilespmem:s17+$0x0 ss:$0x1], $0xffff;
	_ =	sdelay $0x4  }
0x32: {  	vm2 =	vgt.s32 v0, $0x0  }
0x33: {  	v0 =	vnsel vm2, $0x0, v0  }
0x34: {  	v0 =	vmin.u32 v0, $0x19FF  }
0x35: {  	v1 =	vshll.u32 v0, $0x6;
	v0 =	vshll.u32 v0, $0x4  }
0x36: {  	v1 =	vand.u32 $0x7FE00, v1;
	v0 =	vand.u32 $0x70, v0  }
0x37: {  	v0 =	vor.u32 v0, v1;
	_ =	sdelay $0x3  }
0x38: {  	s18 =	sadd.s32 $0x0, s16  }
0x39: {  	[tilespmem:s18], [sflag:$0x1] =	stream.indirect_vreg.gather [hbm:s3], $0x80, v0, vm0, $0x38;
	[tilespmem:$0x140A0] =	vst v63  }
0x3a: {  	s17 =	simm.s32 $0x1000;
	v1 =	vadd.s32 $0x80, v0;
	s18 =	sadd.s32 $0x1000, s18  }
.LBB2_4:
0x3b: {  	[tilespmem:s18], [sflag:$0x1] =	stream.indirect_vreg.gather [hbm:s3], $0x80, v0, vm1, $0x38;
	[tilespmem:$0x140A0] =	vst v63  }
0x3c: {  	v0 =	vmov v1;
	s18 =	smov.u32 s17;
	p2 =	sne.s32 s17, $0x3000  }
.Ltmp3:
0x3d: {  	s17 =	sadd.s32 $0x1000, s17;
	(pc) =	sbr.rel @p2 .LBB2_4-.Ltmp3, $4  }
0x3e: {  	s18 =	sshra.s32 s18, $0x2  }
0x3f: {  	s18 =	sadd.s32 s18, s16  }
0x40: {  	[tilespmem:s18], [sflag:$0x1] =	stream.indirect_vreg.gather [hbm:s3], $0x80, v1, vm0, $0x38;
	[tilespmem:$0x140A0] =	vst v63  }
0x41: {  	s18 =	sadd.s32 $0x1000, s18;
	v1 =	vadd.s32 $0x80, v1  }
0x42: {  	s15 =	sadd.s32 $0x1, s15  }
0x43: {  	p2 =	sne.s32 s15, $0x5  }
.Ltmp4:
0x44: {  	_ = 	snop;
	(pc) =	sbr.rel @p2 .LBB2_3-.Ltmp4, $3  }
0x45: {  	_ =	sdelay $0x1  }
0x46: {  	[tilespmem:s18], [sflag:$0x1] =	stream.indirect_vreg.gather [hbm:s3], $0x80, v0, vm1, $0x38;
	[tilespmem:$0x140A0] =	vst v63  }
0x47: {  	s16 =	sadd.s32 $0x2000, s16  }
0x48: {  	s14 =	sshll.u32 s12, $0x6  }
0x49: {  	s31 =	sshll.u32 s12, $0x4;
	s14 =	sand.u32 $0xFFFFFE00, s14  }
0x4a: {  	_ =	swait.ge [sflag:s5], $0xA000;
	s12 =	sand.u32 $0x70, s31;
	s14 =	sadd.s32 s14, s8  }
0x4b: {  	s15 =	sadd.s32 $0x1000, s13;
	[sflag:s5] =	ssyncset.done $0x0;
	s12 =	sadd.s32 s12, s14  }
0x4c: {  	[sflag:s5] =	ssyncadd.s32 $0xFFFF6000;
	s14 =	simm.s32 $0x200;
	s16 =	sadd.s32 $0x0, s12  }
.LBB2_7:
0x4d: {  	[hbm:s16] =	stream.linear.scatter [tilespmem:s13], [sflag:$0x3], $0x1000, $0x38;
	[tilespmem:$0x140A0] =	vst v63  }
0x4e: {  	s16 =	smov.u32 s14;
	s13 =	smov.u32 s15;
	p2 =	sne.s32 s14, $0x1200  }
.Ltmp5:
0x4f: {  	s14 =	sadd.s32 $0x200, s14;
	(pc) =	sbr.rel @p2 .LBB2_7-.Ltmp5, $2  }
0x50: {  	_ =	sdelay $0x2  }
0x51: {  	s15 =	sadd.s32 $0x1000, s15;
	s16 =	sadd.s32 s16, s12  }
.Ltmp6:
0x52: {  	(pc) =	sbr.rel .LBB2_9-.Ltmp6, $2  }
0x53: {  	_ =	sdelay $0x2  }
0x54: {  	[hbm:s16] =	stream.linear.scatter [tilespmem:s13], [sflag:$0x3], $0x1000, $0x38;
	[tilespmem:$0x140A0] =	vst v63  }
.LBB2_10:
0x55: {  	_ =	sfence.sel $0x180000  }
0x56: {  	s1 =	simm.s32 $0x2;
	[bflag:$0x0] =	sbarrier.arrive $0xFFFF  }
0x57: {  	s30 =	simm.s32 $0x3;
	[sflag:s1] =	ssyncpa.u1 $0x1  }
0x58: {  	s31 =	simm.s32 $0x1;
	[sflag:s30] =	ssyncpa.u1 $0x1  }
0x59: {  	[sflag:s31] =	ssyncpa.u1 $0x1  }
0x5a: {  	_ =	strace $0x9000004A  }
0x5b: {  	s0 =	sadd.s32 @!p0 $0x100000, s0;
	[bflag:$0x2] =	sbarrier.arrive $0xFFFF  }
0x5c: {  	[sflag:s0] =	ssyncadd.tile.s32 @!p0 $0x1;
	_ =	shalt  }
.Lfunc_end2:
_tile_overlayer_lowered:
.L_overlay_start_2:
0x5d: {  	(tag) =	ssettag $0x2  }
0x5e: {  	s0 =	rddreg [dreg:$0x0];
	s2 =	stileid.u32  }
0x5f: {  	s1 =	rddreg [dreg:$0x1];
	p0 =	sne.s32 s2, $0x0  }
0x60: {  	s3 =	rddreg [dreg:$0x2];
	[bflag:$0x3] =	sbarrier.arrive $0xFFFF;
	s2 =	simm.s32 @!p0 $0x1C01  }
0x61: {  	[timem:s3], [sflag:s2] =	dma.local @!p0 [hbm:s0], s1  }
0x62: {  	s0 =	simm.s32 @!p0 $0x1  }
0x63: {  	_ =	swait.ge @!p0 [sflag:s0], s1  }
0x64: {  	s1 =	ssub.s32 @!p0 $0x0, s1;
	[sflag:s0] =	ssyncset.done @!p0 $0x0  }
0x65: {  	[sflag:s0] =	ssyncadd.s32 @!p0 s1  }
0x66: {  	[bflag:$0x3] =	sbarrier.arrive $0xFFFF  }
0x67: {  	_ =	shalt  }

</sc_bundles>
